<compile_context>
chip_gen: v7x
topology: tpu7x:2x2x1
jax: 0.10.2.dev20260603
libtpu: 0.0.44.dev20260713+nightly
codegen_flags: <defaults>
</compile_context>

<pallas_src>
import functools

import jax
import jax.numpy as jnp
from jax import lax
from jax.experimental import pallas as pl
from jax.experimental.pallas import tpu as pltpu
from jax.experimental.pallas import tpu_sc as plsc

N = 100000
E = 1600000
CH = 128
TPC = 784
EP = 16 * TPC * CH
PAD = EP - E
NROW = EP // CH
STG = 16
NB = TPC // STG
NBUF = 8
DEPTH = 4
DTPW = NROW // 32
DSTG = 8
DNB = DTPW // DSTG
RN = 100096
RPS = RN // 16
ZB = 368

BLK = 4000
GRID = N // BLK


def _mesh():
    return plsc.VectorSubcoreMesh(
        core_axis_name="c", subcore_axis_name="s", num_cores=2, num_subcores=16
    )


def _zero_init(zb_v, acc_sh, s):
    zero = jnp.zeros((16,), jnp.float32)

    def fill_zero(i, carry):
        zb_v[i, :] = zero
        return carry

    lax.fori_loop(0, ZB, fill_zero, 0)

    def zcopy(k, carry):
        pltpu.sync_copy(
            zb_v, acc_sh.at[pl.ds(pl.multiple_of(s * RPS + k * ZB, 8), ZB), :]
        )
        return carry

    lax.fori_loop(0, 17, zcopy, 0)


def _writeback(acc_sh, out_hbm, c, s):
    pltpu.sync_copy(
        acc_sh.at[pl.ds(pl.multiple_of(s * RPS, 8), RPS), :],
        out_hbm.at[pl.ds(pl.multiple_of(c * RN + s * RPS, 8), RPS), :],
    )


def _sc_degree(dm):

    @functools.partial(
        pl.kernel,
        out_type=jax.ShapeDtypeStruct((2 * RN, 16), jnp.float32),
        mesh=_mesh(),
        compiler_params=pltpu.CompilerParams(use_tc_tiling_on_sc=False),
        scratch_types=[
            pltpu.VMEM((DSTG, CH), jnp.int32),
            pltpu.VMEM((CH, 16), jnp.float32),
            pltpu.VMEM((ZB, 16), jnp.float32),
            pltpu.VMEM_SHARED((RN, 16), jnp.float32),
        ],
    )
    def body(dm_hbm, out_hbm, idx_v, ones_v, zb_v, acc_sh):
        c = lax.axis_index("c")
        s = lax.axis_index("s")
        one = jnp.ones((16,), jnp.float32)

        def fill_ones(i, carry):
            ones_v[i, :] = one
            return carry

        lax.fori_loop(0, CH, fill_ones, 0)
        _zero_init(zb_v, acc_sh, s)
        plsc.subcore_barrier()

        w = c * 16 + s

        def stage(b, carry):
            row0 = pl.multiple_of(w * DTPW + b * DSTG, 8)
            pltpu.sync_copy(dm_hbm.at[pl.ds(row0, DSTG), :], idx_v)
            for j in range(DSTG):
                pltpu.sync_copy(ones_v, acc_sh.at[idx_v.at[j]], add=True)
            return carry

        lax.fori_loop(0, DNB, stage, 0)
        plsc.subcore_barrier()
        _writeback(acc_sh, out_hbm, c, s)

    return body(dm)


def _sc_scatter(sm, dm, g2n):

    @functools.partial(
        pl.kernel,
        out_type=jax.ShapeDtypeStruct((2 * RN, 16), jnp.float32),
        mesh=_mesh(),
        compiler_params=pltpu.CompilerParams(use_tc_tiling_on_sc=False),
        scratch_types=[
            pltpu.VMEM((STG, CH), jnp.int32),
            pltpu.VMEM((STG, CH), jnp.int32),
            pltpu.VMEM((NBUF, CH, 16), jnp.float32),
            pltpu.VMEM((ZB, 16), jnp.float32),
            pltpu.VMEM_SHARED((RN, 16), jnp.float32),
            pltpu.SemaphoreType.DMA,
        ],
    )
    def body(sm_hbm, dm_hbm, g_hbm, out_hbm, sidx, didx, rows_v, zb_v, acc_sh,
             gsem):
        c = lax.axis_index("c")
        s = lax.axis_index("s")
        _zero_init(zb_v, acc_sh, s)
        plsc.subcore_barrier()

        def gfire(j):
            pltpu.async_copy(g_hbm.at[sidx.at[j]], rows_v.at[j % NBUF], gsem)

        def gwait(j):
            pltpu.make_async_copy(
                g_hbm.at[sidx.at[j]], rows_v.at[j % NBUF], gsem
            ).wait()

        def stage(b, carry):
            srow = pl.multiple_of(c * NROW + s * TPC + b * STG, 8)
            drow = pl.multiple_of(s * TPC + b * STG, 8)
            pltpu.sync_copy(sm_hbm.at[pl.ds(srow, STG), :], sidx)
            pltpu.sync_copy(dm_hbm.at[pl.ds(drow, STG), :], didx)
            for j in range(DEPTH):
                gfire(j)
            for j in range(STG):
                gwait(j)
                if j + DEPTH < STG:
                    gfire(j + DEPTH)
                pltpu.sync_copy(
                    rows_v.at[j % NBUF], acc_sh.at[didx.at[j]], add=True
                )
            return carry

        lax.fori_loop(0, NB, stage, 0)
        plsc.subcore_barrier()
        _writeback(acc_sh, out_hbm, c, s)

    return body(sm, dm, g2n)


def _tc_embed(x, We1, be1, We2, be2):
    def body(x_ref, w1_ref, b1_ref, w2_ref, b2_ref, o_ref):
        h = jnp.tanh(
            jnp.dot(x_ref[...], w1_ref[...], preferred_element_type=jnp.float32)
            + b1_ref[...]
        )
        o_ref[...] = jnp.tanh(
            jnp.dot(h, w2_ref[...], preferred_element_type=jnp.float32) + b2_ref[...]
        )

    return pl.pallas_call(
        body,
        grid=(GRID,),
        in_specs=[
            pl.BlockSpec((BLK, 6), lambda i: (i, 0)),
            pl.BlockSpec((6, 64), lambda i: (0, 0)),
            pl.BlockSpec((1, 64), lambda i: (0, 0)),
            pl.BlockSpec((64, 32), lambda i: (0, 0)),
            pl.BlockSpec((1, 32), lambda i: (0, 0)),
        ],
        out_specs=pl.BlockSpec((BLK, 32), lambda i: (i, 0)),
        out_shape=jax.ShapeDtypeStruct((N, 32), jnp.float32),
    )(x, We1, be1, We2, be2)


def _tc_prep(h0, degp, Wg1h):

    def body(h_ref, p_ref, w_ref, g_ref, dinv_ref):
        deg = p_ref[0, :, 0:1] + p_ref[1, :, 0:1] + 1.0
        dinv = lax.rsqrt(deg)
        t = jnp.dot(h_ref[...], w_ref[0], preferred_element_type=jnp.float32)
        g_ref[...] = (t * dinv)[None]
        dinv_ref[...] = dinv

    return pl.pallas_call(
        body,
        grid=(GRID, 2),
        in_specs=[
            pl.BlockSpec((BLK, 32), lambda i, c: (i, 0)),
            pl.BlockSpec((2, BLK, 16), lambda i, c: (0, i, 0)),
            pl.BlockSpec((1, 32, 16), lambda i, c: (c, 0, 0)),
        ],
        out_specs=[
            pl.BlockSpec((1, BLK, 16), lambda i, c: (c, i, 0)),
            pl.BlockSpec((BLK, 1), lambda i, c: (i, 0)),
        ],
        out_shape=[
            jax.ShapeDtypeStruct((2, N, 16), jnp.float32),
            jax.ShapeDtypeStruct((N, 1), jnp.float32),
        ],
    )(h0, degp, Wg1h)


def _tc_comb(acc, g, dinv, bg, Wh):

    def body(a_ref, g_ref, dinv_ref, bg_ref, w_ref, g2_ref):
        accv = jnp.concatenate([a_ref[0], a_ref[1]], axis=1)
        gv = jnp.concatenate([g_ref[0], g_ref[1]], axis=1)
        hv = jnp.maximum(dinv_ref[...] * (accv + gv) + bg_ref[...], 0.0)
        t = jnp.dot(hv, w_ref[0], preferred_element_type=jnp.float32)
        g2_ref[...] = (t * dinv_ref[...])[None]

    return pl.pallas_call(
        body,
        grid=(GRID, 2),
        in_specs=[
            pl.BlockSpec((2, BLK, 16), lambda i, c: (0, i, 0)),
            pl.BlockSpec((2, BLK, 16), lambda i, c: (0, i, 0)),
            pl.BlockSpec((BLK, 1), lambda i, c: (i, 0)),
            pl.BlockSpec((1, 32), lambda i, c: (0, 0)),
            pl.BlockSpec((1, 32, 16), lambda i, c: (c, 0, 0)),
        ],
        out_specs=pl.BlockSpec((1, BLK, 16), lambda i, c: (c, i, 0)),
        out_shape=jax.ShapeDtypeStruct((2, N, 16), jnp.float32),
    )(acc, g, dinv, bg, Wh)


def _tc_final(acc, g, dinv, bg2, Wp1, bp1, Wp2, bp2):
    def body(a_ref, g_ref, dinv_ref, bg_ref, w1_ref, b1_ref, w2_ref, b2_ref, o_ref):
        accv = jnp.concatenate([a_ref[0], a_ref[1]], axis=1)
        gv = jnp.concatenate([g_ref[0], g_ref[1]], axis=1)
        h2 = jnp.maximum(dinv_ref[...] * (accv + gv) + bg_ref[...], 0.0)
        a1 = jnp.tanh(
            jnp.dot(h2, w1_ref[...], preferred_element_type=jnp.float32) + b1_ref[...]
        )
        o_ref[...] = jnp.tanh(
            jnp.dot(a1, w2_ref[...], preferred_element_type=jnp.float32) + b2_ref[...]
        )

    return pl.pallas_call(
        body,
        grid=(GRID,),
        in_specs=[
            pl.BlockSpec((2, BLK, 16), lambda i: (0, i, 0)),
            pl.BlockSpec((2, BLK, 16), lambda i: (0, i, 0)),
            pl.BlockSpec((BLK, 1), lambda i: (i, 0)),
            pl.BlockSpec((1, 32), lambda i: (0, 0)),
            pl.BlockSpec((32, 32), lambda i: (0, 0)),
            pl.BlockSpec((1, 32), lambda i: (0, 0)),
            pl.BlockSpec((32, 1), lambda i: (0, 0)),
            pl.BlockSpec((1, 1), lambda i: (0, 0)),
        ],
        out_specs=pl.BlockSpec((BLK, 1), lambda i: (i, 0)),
        out_shape=jax.ShapeDtypeStruct((N, 1), jnp.float32),
    )(acc, g, dinv, bg2, Wp1, bp1, Wp2, bp2)


def kernel(x, edge_index, We1, be1, We2, be2, Wg1, bg1, Wg2, bg2, Wp1, bp1, Wp2, bp2):
    src = edge_index[0]
    dst = edge_index[1]
    srcp = jnp.concatenate([src, jnp.zeros((PAD,), jnp.int32)])
    dstp = jnp.concatenate([dst, jnp.full((PAD,), N, jnp.int32)])
    sm = jnp.concatenate([srcp, srcp + N]).reshape(2 * NROW, CH)
    dm = dstp.reshape(NROW, CH)

    Wg1h = Wg1.reshape(32, 2, 16).transpose(1, 0, 2)
    Wg2h = Wg2.reshape(32, 2, 16).transpose(1, 0, 2)

    degp = _sc_degree(dm).reshape(2, RN, 16)
    h0 = _tc_embed(x, We1, be1.reshape(1, 64), We2, be2.reshape(1, 32))
    g1, dinv = _tc_prep(h0, degp, Wg1h)

    acc1 = _sc_scatter(sm, dm, g1.reshape(2 * N, 16)).reshape(2, RN, 16)
    g2 = _tc_comb(acc1, g1, dinv, bg1.reshape(1, 32), Wg2h)
    acc2 = _sc_scatter(sm, dm, g2.reshape(2 * N, 16)).reshape(2, RN, 16)
    return _tc_final(
        acc2, g2, dinv, bg2.reshape(1, 32), Wp1, bp1.reshape(1, 32),
        Wp2, bp2.reshape(1, 1),
    )

# --- scband reference (transcript-rebuilt; emitter-appended) ---
"""Pipeline reference for scband-simple-skip-13134009991452 (READ-ONLY COPY).

The authoritative reference and input builder live on the scoring server;
editing this copy changes nothing except your own understanding.
"""

import jax, jax.numpy as jnp
import numpy as np

N = 100000
E = 1600000
NODE_FEATURES = 6
OUT_DIM = 1


def setup_inputs(seed: int = 0) -> dict:
    key = jax.random.key(seed)
    ks = jax.random.split(key, 16)
    inp = {}
    inp['x'] = jax.random.normal(ks[0], (N, NODE_FEATURES), dtype=jnp.float32)
    inp['edge_index'] = jax.random.randint(ks[1], (2, E), 0, N, dtype=jnp.int32)
    def lin_params(k, din, dout):
        k1, k2 = jax.random.split(k)
        s = 1.0 / np.sqrt(din)
        W = jax.random.uniform(k1, (din, dout), minval=-s, maxval=s, dtype=jnp.float32)
        b = jax.random.uniform(k2, (dout,), minval=-s, maxval=s, dtype=jnp.float32)
        return W, b
    # MLP_embed: Linear(6,64) -> tanh -> Linear(64,32) -> tanh
    inp['We1'], inp['be1'] = lin_params(ks[2], NODE_FEATURES, 64)
    inp['We2'], inp['be2'] = lin_params(ks[3], 64, 32)
    # GCN1, GCN2: GCNConv(32,32)
    inp['Wg1'], inp['bg1'] = lin_params(ks[4], 32, 32)
    inp['Wg2'], inp['bg2'] = lin_params(ks[5], 32, 32)
    # MLP_pred: Linear(32,32) -> tanh -> Linear(32,1) -> tanh
    inp['Wp1'], inp['bp1'] = lin_params(ks[6], 32, 32)
    inp['Wp2'], inp['bp2'] = lin_params(ks[7], 32, OUT_DIM)
    return inp


def _mlp(x, W1, b1, W2, b2):
    h = jnp.tanh(x @ W1 + b1)
    return jnp.tanh(h @ W2 + b2)


def _gcn_conv(h, W, b, src, dst, n):
    # h' = D^{-1/2} (A + I) D^{-1/2} (h W) + b, matching torch_geometric GCNConv defaults
    h = h @ W
    loop = jnp.arange(n, dtype=src.dtype)
    src2 = jnp.concatenate([src, loop])
    dst2 = jnp.concatenate([dst, loop])
    deg = jax.ops.segment_sum(jnp.ones_like(src2, dtype=h.dtype), dst2, num_segments=n)
    dinv = jnp.where(deg > 0, jax.lax.rsqrt(deg), 0.0)
    norm = dinv[src2] * dinv[dst2]
    msgs = h[src2] * norm[:, None]
    out = jax.ops.segment_sum(msgs, dst2, num_segments=n)
    return out + b


def reference(x, edge_index, We1, be1, We2, be2, Wg1, bg1, Wg2, bg2, Wp1, bp1, Wp2, bp2):
    src = edge_index[0]
    dst = edge_index[1]
    n = x.shape[0]
    h = _mlp(x, We1, be1, We2, be2)
    h = _gcn_conv(h, Wg1, bg1, src, dst, n)
    h = jax.nn.relu(h)
    # dropout is identity in eval mode (training=False)
    h = _gcn_conv(h, Wg2, bg2, src, dst, n)
    h = jax.nn.relu(h)
    out = _mlp(h, Wp1, bp1, Wp2, bp2)
    return out

if __name__ == "__main__":
    import jax
    _d = setup_inputs()
    print(jax.jit(kernel)(*tuple(_d.values())))

</pallas_src>

<mosaic_0001>
#map = affine_map<(d0, d1) -> (0, 0)>
module attributes {stable_mosaic.version = 14 : i64} {
  func.func @body(%arg0: i32, %arg1: i32, %arg2: memref<25088x128xi32, #tpu.memory_space<hbm>>, %arg3: memref<12544x128xi32, #tpu.memory_space<hbm>>, %arg4: memref<200000x16xf32, #tpu.memory_space<hbm>>, %arg5: memref<200192x16xf32, #tpu.memory_space<hbm>>, %arg6: memref<16x128xi32, #tpu.memory_space<vmem>>, %arg7: memref<16x128xi32, #tpu.memory_space<vmem>>, %arg8: memref<8x128x16xf32, #tpu.memory_space<vmem>>, %arg9: memref<368x16xf32, #tpu.memory_space<vmem>>, %arg10: memref<100096x16xf32, #tpu.memory_space<vmem_shared>>, %arg11: memref<!tpu.dma_semaphore, #tpu.memory_space<semaphore_mem>>) attributes {dimension_semantics = [#tpu.dimension_semantics<core_parallel>, #tpu.dimension_semantics<subcore_parallel>], iteration_bounds = array<i64: 2, 16>, scalar_prefetch = 0 : i64, scratch_operands = 6 : i64, tpu.core_type = #tpu.core_type<sc_vector_subcore>, window_params = [{transform_indices = #map}, {transform_indices = #map}, {transform_indices = #map}, {transform_indices = #map}]} {
    %broadcast_in_dim3A = arith.constant 0.000000e+00 : f32
    %broadcast_in_dim3A_0 = vector.broadcast %broadcast_in_dim3A : f32 to vector<16xf32>
    %scan3A = arith.constant 0 : i32
    %scan3A_1 = arith.constant 0 : i32
    %scan3A_2 = arith.constant 368 : i32
    %scan3A_3 = arith.addi %scan3A_1, %scan3A_2 : i32
    %scan3A_4 = arith.constant 1 : i32
    scf.for %scan3A_25 = %scan3A_1 to %scan3A_3 step %scan3A_4  : i32 {
      %swap3A = arith.index_cast %scan3A_25 : i32 to index
      %swap3A_26 = arith.constant 0 : index
      %swap3A_27 = tpu.vector_load %arg9[%swap3A, %swap3A_26] {strides = array<i32>} : memref<368x16xf32, #tpu.memory_space<vmem>>, vector<1x16xf32>,
      %swap3A_28 = vector.shape_cast %swap3A_27 : vector<1x16xf32> to vector<16xf32>
      %swap3A_29 = vector.shape_cast %broadcast_in_dim3A_0 : vector<16xf32> to vector<1x16xf32>
      tpu.vector_store %arg9[%swap3A, %swap3A_26], %swap3A_29 {strides = array<i32>} : memref<368x16xf32, #tpu.memory_space<vmem>>, vector<1x16xf32>,
    }
    %scan3A_5 = arith.constant 368 : i32
    %scan3A_6 = arith.constant 0 : i32
    %scan3A_7 = arith.constant 0 : i32
    %scan3A_8 = arith.constant 17 : i32
    %scan3A_9 = arith.addi %scan3A_7, %scan3A_8 : i32
    %scan3A_10 = arith.constant 1 : i32
    scf.for %scan3A_25 = %scan3A_7 to %scan3A_9 step %scan3A_10  : i32 {
      %mul3A_26 = arith.constant 6256 : i32
      %mul3A_27 = arith.muli %arg1, %mul3A_26 : i32
      %mul3A_28 = arith.constant 368 : i32
      %mul3A_29 = arith.muli %scan3A_25, %mul3A_28 : i32
      %add3A_30 = arith.addi %mul3A_27, %mul3A_29 : i32
      %multiple_of3A_31 = tpu.assume_multiple %add3A_30, 8 : i32
      "tpu.region"() ({
        %run_scoped3A = tpu.sem_alloc : memref<!tpu.dma_semaphore, #tpu.memory_space<semaphore_mem>>
        %dma_start3A = arith.constant 0 : i32
        %dma_start3A_32 = tpu.memref_slice %arg10[%multiple_of3A_31, %dma_start3A] : memref<100096x16xf32, #tpu.memory_space<vmem_shared>> -> memref<368x16xf32, #tpu.memory_space<vmem_shared>>
        %dma_start3A_33 = arith.constant 0 : i32
        %dma_start3A_34 = tpu.memref_slice %arg10[%multiple_of3A_31, %dma_start3A_33] : memref<100096x16xf32, #tpu.memory_space<vmem_shared>> -> memref<368x16xf32, #tpu.memory_space<vmem_shared>>
        tpu.enqueue_dma source(%arg9 : memref<368x16xf32, #tpu.memory_space<vmem>>) target(%dma_start3A_34 : memref<368x16xf32, #tpu.memory_space<vmem_shared>>) target_semaphore(%run_scoped3A : memref<!tpu.dma_semaphore, #tpu.memory_space<semaphore_mem>>)
        %dma_wait3A = arith.constant 0 : i32
        %dma_wait3A_35 = tpu.memref_slice %arg10[%multiple_of3A_31, %dma_wait3A] : memref<100096x16xf32, #tpu.memory_space<vmem_shared>> -> memref<368x16xf32, #tpu.memory_space<vmem_shared>>
        %dma_wait3A_36 = arith.constant 0 : i32
        %dma_wait3A_37 = tpu.memref_slice %arg10[%multiple_of3A_31, %dma_wait3A_36] : memref<100096x16xf32, #tpu.memory_space<vmem_shared>> -> memref<368x16xf32, #tpu.memory_space<vmem_shared>>
        tpu.wait_dma2 semaphore(%run_scoped3A : memref<!tpu.dma_semaphore, #tpu.memory_space<semaphore_mem>>) src(%arg9 : memref<368x16xf32, #tpu.memory_space<vmem>>) dst(%dma_wait3A_37 : memref<368x16xf32, #tpu.memory_space<vmem_shared>>)
        tpu.yield
      }) : () -> ()
    }
    %scan3A_11 = arith.constant 17 : i32
    %barrier3A = arith.constant 0 : index
    tpu.barrier barrier_id(%barrier3A)
    %scan3A_12 = arith.constant 0 : i32
    %scan3A_13 = arith.constant 0 : i32
    %scan3A_14 = arith.constant 49 : i32
    %scan3A_15 = arith.addi %scan3A_13, %scan3A_14 : i32
    %scan3A_16 = arith.constant 1 : i32
    scf.for %scan3A_25 = %scan3A_13 to %scan3A_15 step %scan3A_16  : i32 {
      %mul3A_26 = arith.constant 12544 : i32
      %mul3A_27 = arith.muli %arg0, %mul3A_26 : i32
      %mul3A_28 = arith.constant 784 : i32
      %mul3A_29 = arith.muli %arg1, %mul3A_28 : i32
      %add3A_30 = arith.addi %mul3A_27, %mul3A_29 : i32
      %mul3A_31 = arith.constant 16 : i32
      %mul3A_32 = arith.muli %scan3A_25, %mul3A_31 : i32
      %add3A_33 = arith.addi %add3A_30, %mul3A_32 : i32
      %multiple_of3A_34 = tpu.assume_multiple %add3A_33, 8 : i32
      %mul3A_35 = arith.constant 784 : i32
      %mul3A_36 = arith.muli %arg1, %mul3A_35 : i32
      %mul3A_37 = arith.constant 16 : i32
      %mul3A_38 = arith.muli %scan3A_25, %mul3A_37 : i32
      %add3A_39 = arith.addi %mul3A_36, %mul3A_38 : i32
      %multiple_of3A_40 = tpu.assume_multiple %add3A_39, 8 : i32
      "tpu.region"() ({
        %run_scoped3A_454 = tpu.sem_alloc : memref<!tpu.dma_semaphore, #tpu.memory_space<semaphore_mem>>
        %dma_start3A_455 = arith.constant 0 : i32
        %dma_start3A_456 = tpu.memref_slice %arg2[%multiple_of3A_34, %dma_start3A_455] : memref<25088x128xi32, #tpu.memory_space<hbm>> -> memref<16x128xi32, #tpu.memory_space<hbm>>
        %dma_start3A_457 = arith.constant 0 : i32
        %dma_start3A_458 = tpu.memref_slice %arg2[%multiple_of3A_34, %dma_start3A_457] : memref<25088x128xi32, #tpu.memory_space<hbm>> -> memref<16x128xi32, #tpu.memory_space<hbm>>
        tpu.enqueue_dma source(%dma_start3A_458 : memref<16x128xi32, #tpu.memory_space<hbm>>) target(%arg6 : memref<16x128xi32, #tpu.memory_space<vmem>>) target_semaphore(%run_scoped3A_454 : memref<!tpu.dma_semaphore, #tpu.memory_space<semaphore_mem>>)
        %dma_wait3A_459 = arith.constant 0 : i32
        %dma_wait3A_460 = tpu.memref_slice %arg2[%multiple_of3A_34, %dma_wait3A_459] : memref<25088x128xi32, #tpu.memory_space<hbm>> -> memref<16x128xi32, #tpu.memory_space<hbm>>
        %dma_wait3A_461 = arith.constant 0 : i32
        %dma_wait3A_462 = tpu.memref_slice %arg2[%multiple_of3A_34, %dma_wait3A_461] : memref<25088x128xi32, #tpu.memory_space<hbm>> -> memref<16x128xi32, #tpu.memory_space<hbm>>
        tpu.wait_dma2 semaphore(%run_scoped3A_454 : memref<!tpu.dma_semaphore, #tpu.memory_space<semaphore_mem>>) src(%dma_wait3A_462 : memref<16x128xi32, #tpu.memory_space<hbm>>) dst(%arg6 : memref<16x128xi32, #tpu.memory_space<vmem>>)
        tpu.yield
      }) : () -> ()
      "tpu.region"() ({
        %run_scoped3A_454 = tpu.sem_alloc : memref<!tpu.dma_semaphore, #tpu.memory_space<semaphore_mem>>
        %dma_start3A_455 = arith.constant 0 : i32
        %dma_start3A_456 = tpu.memref_slice %arg3[%multiple_of3A_40, %dma_start3A_455] : memref<12544x128xi32, #tpu.memory_space<hbm>> -> memref<16x128xi32, #tpu.memory_space<hbm>>
        %dma_start3A_457 = arith.constant 0 : i32
        %dma_start3A_458 = tpu.memref_slice %arg3[%multiple_of3A_40, %dma_start3A_457] : memref<12544x128xi32, #tpu.memory_space<hbm>> -> memref<16x128xi32, #tpu.memory_space<hbm>>
        tpu.enqueue_dma source(%dma_start3A_458 : memref<16x128xi32, #tpu.memory_space<hbm>>) target(%arg7 : memref<16x128xi32, #tpu.memory_space<vmem>>) target_semaphore(%run_scoped3A_454 : memref<!tpu.dma_semaphore, #tpu.memory_space<semaphore_mem>>)
        %dma_wait3A_459 = arith.constant 0 : i32
        %dma_wait3A_460 = tpu.memref_slice %arg3[%multiple_of3A_40, %dma_wait3A_459] : memref<12544x128xi32, #tpu.memory_space<hbm>> -> memref<16x128xi32, #tpu.memory_space<hbm>>
        %dma_wait3A_461 = arith.constant 0 : i32
        %dma_wait3A_462 = tpu.memref_slice %arg3[%multiple_of3A_40, %dma_wait3A_461] : memref<12544x128xi32, #tpu.memory_space<hbm>> -> memref<16x128xi32, #tpu.memory_space<hbm>>
        tpu.wait_dma2 semaphore(%run_scoped3A_454 : memref<!tpu.dma_semaphore, #tpu.memory_space<semaphore_mem>>) src(%dma_wait3A_462 : memref<16x128xi32, #tpu.memory_space<hbm>>) dst(%arg7 : memref<16x128xi32, #tpu.memory_space<vmem>>)
        tpu.yield
      }) : () -> ()
      %dma_start3A = arith.constant 0 : i32
      %dma_start3A_41 = arith.constant 0 : i32
      %dma_start3A_42 = arith.constant 0 : i32
      %dma_start3A_43 = arith.constant 0 : i32
      %dma_start3A_44 = tpu.memref_slice %arg8[%dma_start3A_41, %dma_start3A_42, %dma_start3A_43] : memref<8x128x16xf32, #tpu.memory_space<vmem>> -> memref<1x128x16xf32, #tpu.memory_space<vmem>>
      %dma_start3A_45 = tpu.memref_squeeze %dma_start3A_44 : memref<1x128x16xf32, #tpu.memory_space<vmem>> -> memref<128x16xf32, #tpu.memory_space<vmem>>
      %dma_start3A_46 = arith.constant 0 : i32
      %dma_start3A_47 = tpu.memref_slice %arg6[%dma_start3A, %dma_start3A_46] : memref<16x128xi32, #tpu.memory_space<vmem>> -> memref<1x128xi32, #tpu.memory_space<vmem>>
      %dma_start3A_48 = tpu.memref_squeeze %dma_start3A_47 : memref<1x128xi32, #tpu.memory_space<vmem>> -> memref<128xi32, #tpu.memory_space<vmem>>
      %dma_start3A_49 = arith.constant 0 : i32
      %dma_start3A_50 = arith.constant 0 : i32
      %dma_start3A_51 = tpu.memref_slice %arg4[%dma_start3A_49, %dma_start3A_50] : memref<200000x16xf32, #tpu.memory_space<hbm>> -> memref<200000x16xf32, #tpu.memory_space<hbm>>
      tpu.enqueue_indirect_dma source(%dma_start3A_51 : memref<200000x16xf32, #tpu.memory_space<hbm>>) target(%dma_start3A_45 : memref<128x16xf32, #tpu.memory_space<vmem>>) offsets(%dma_start3A_48 : memref<128xi32, #tpu.memory_space<vmem>>) semaphore(%arg11 : memref<!tpu.dma_semaphore, #tpu.memory_space<semaphore_mem>>)
      %dma_start3A_52 = arith.constant 1 : i32
      %dma_start3A_53 = arith.constant 1 : i32
      %dma_start3A_54 = arith.constant 0 : i32
      %dma_start3A_55 = arith.constant 0 : i32
      %dma_start3A_56 = tpu.memref_slice %arg8[%dma_start3A_53, %dma_start3A_54, %dma_start3A_55] : memref<8x128x16xf32, #tpu.memory_space<vmem>> -> memref<1x128x16xf32, #tpu.memory_space<vmem>>
      %dma_start3A_57 = tpu.memref_squeeze %dma_start3A_56 : memref<1x128x16xf32, #tpu.memory_space<vmem>> -> memref<128x16xf32, #tpu.memory_space<vmem>>
      %dma_start3A_58 = arith.constant 0 : i32
      %dma_start3A_59 = tpu.memref_slice %arg6[%dma_start3A_52, %dma_start3A_58] : memref<16x128xi32, #tpu.memory_space<vmem>> -> memref<1x128xi32, #tpu.memory_space<vmem>>
      %dma_start3A_60 = tpu.memref_squeeze %dma_start3A_59 : memref<1x128xi32, #tpu.memory_space<vmem>> -> memref<128xi32, #tpu.memory_space<vmem>>
      %dma_start3A_61 = arith.constant 0 : i32
      %dma_start3A_62 = arith.constant 0 : i32
      %dma_start3A_63 = tpu.memref_slice %arg4[%dma_start3A_61, %dma_start3A_62] : memref<200000x16xf32, #tpu.memory_space<hbm>> -> memref<200000x16xf32, #tpu.memory_space<hbm>>
      tpu.enqueue_indirect_dma source(%dma_start3A_63 : memref<200000x16xf32, #tpu.memory_space<hbm>>) target(%dma_start3A_57 : memref<128x16xf32, #tpu.memory_space<vmem>>) offsets(%dma_start3A_60 : memref<128xi32, #tpu.memory_space<vmem>>) semaphore(%arg11 : memref<!tpu.dma_semaphore, #tpu.memory_space<semaphore_mem>>)
      %dma_start3A_64 = arith.constant 2 : i32
      %dma_start3A_65 = arith.constant 2 : i32
      %dma_start3A_66 = arith.constant 0 : i32
      %dma_start3A_67 = arith.constant 0 : i32
      %dma_start3A_68 = tpu.memref_slice %arg8[%dma_start3A_65, %dma_start3A_66, %dma_start3A_67] : memref<8x128x16xf32, #tpu.memory_space<vmem>> -> memref<1x128x16xf32, #tpu.memory_space<vmem>>
      %dma_start3A_69 = tpu.memref_squeeze %dma_start3A_68 : memref<1x128x16xf32, #tpu.memory_space<vmem>> -> memref<128x16xf32, #tpu.memory_space<vmem>>
      %dma_start3A_70 = arith.constant 0 : i32
      %dma_start3A_71 = tpu.memref_slice %arg6[%dma_start3A_64, %dma_start3A_70] : memref<16x128xi32, #tpu.memory_space<vmem>> -> memref<1x128xi32, #tpu.memory_space<vmem>>
      %dma_start3A_72 = tpu.memref_squeeze %dma_start3A_71 : memref<1x128xi32, #tpu.memory_space<vmem>> -> memref<128xi32, #tpu.memory_space<vmem>>
      %dma_start3A_73 = arith.constant 0 : i32
      %dma_start3A_74 = arith.constant 0 : i32
      %dma_start3A_75 = tpu.memref_slice %arg4[%dma_start3A_73, %dma_start3A_74] : memref<200000x16xf32, #tpu.memory_space<hbm>> -> memref<200000x16xf32, #tpu.memory_space<hbm>>
      tpu.enqueue_indirect_dma source(%dma_start3A_75 : memref<200000x16xf32, #tpu.memory_space<hbm>>) target(%dma_start3A_69 : memref<128x16xf32, #tpu.memory_space<vmem>>) offsets(%dma_start3A_72 : memref<128xi32, #tpu.memory_space<vmem>>) semaphore(%arg11 : memref<!tpu.dma_semaphore, #tpu.memory_space<semaphore_mem>>)
      %dma_start3A_76 = arith.constant 3 : i32
      %dma_start3A_77 = arith.constant 3 : i32
      %dma_start3A_78 = arith.constant 0 : i32
      %dma_start3A_79 = arith.constant 0 : i32
      %dma_start3A_80 = tpu.memref_slice %arg8[%dma_start3A_77, %dma_start3A_78, %dma_start3A_79] : memref<8x128x16xf32, #tpu.memory_space<vmem>> -> memref<1x128x16xf32, #tpu.memory_space<vmem>>
      %dma_start3A_81 = tpu.memref_squeeze %dma_start3A_80 : memref<1x128x16xf32, #tpu.memory_space<vmem>> -> memref<128x16xf32, #tpu.memory_space<vmem>>
      %dma_start3A_82 = arith.constant 0 : i32
      %dma_start3A_83 = tpu.memref_slice %arg6[%dma_start3A_76, %dma_start3A_82] : memref<16x128xi32, #tpu.memory_space<vmem>> -> memref<1x128xi32, #tpu.memory_space<vmem>>
      %dma_start3A_84 = tpu.memref_squeeze %dma_start3A_83 : memref<1x128xi32, #tpu.memory_space<vmem>> -> memref<128xi32, #tpu.memory_space<vmem>>
      %dma_start3A_85 = arith.constant 0 : i32
      %dma_start3A_86 = arith.constant 0 : i32
      %dma_start3A_87 = tpu.memref_slice %arg4[%dma_start3A_85, %dma_start3A_86] : memref<200000x16xf32, #tpu.memory_space<hbm>> -> memref<200000x16xf32, #tpu.memory_space<hbm>>
      tpu.enqueue_indirect_dma source(%dma_start3A_87 : memref<200000x16xf32, #tpu.memory_space<hbm>>) target(%dma_start3A_81 : memref<128x16xf32, #tpu.memory_space<vmem>>) offsets(%dma_start3A_84 : memref<128xi32, #tpu.memory_space<vmem>>) semaphore(%arg11 : memref<!tpu.dma_semaphore, #tpu.memory_space<semaphore_mem>>)
      %dma_wait3A = arith.constant 0 : i32
      %dma_wait3A_88 = arith.constant 0 : i32
      %dma_wait3A_89 = arith.constant 0 : i32
      %dma_wait3A_90 = arith.constant 0 : i32
      %dma_wait3A_91 = tpu.memref_slice %arg8[%dma_wait3A_88, %dma_wait3A_89, %dma_wait3A_90] : memref<8x128x16xf32, #tpu.memory_space<vmem>> -> memref<1x128x16xf32, #tpu.memory_space<vmem>>
      %dma_wait3A_92 = tpu.memref_squeeze %dma_wait3A_91 : memref<1x128x16xf32, #tpu.memory_space<vmem>> -> memref<128x16xf32, #tpu.memory_space<vmem>>
      %dma_wait3A_93 = arith.constant 0 : i32
      %dma_wait3A_94 = tpu.memref_slice %arg6[%dma_wait3A, %dma_wait3A_93] : memref<16x128xi32, #tpu.memory_space<vmem>> -> memref<1x128xi32, #tpu.memory_space<vmem>>
      %dma_wait3A_95 = tpu.memref_squeeze %dma_wait3A_94 : memref<1x128xi32, #tpu.memory_space<vmem>> -> memref<128xi32, #tpu.memory_space<vmem>>
      %dma_wait3A_96 = arith.constant 0 : i32
      %dma_wait3A_97 = arith.constant 0 : i32
      %dma_wait3A_98 = tpu.memref_slice %arg4[%dma_wait3A_96, %dma_wait3A_97] : memref<200000x16xf32, #tpu.memory_space<hbm>> -> memref<200000x16xf32, #tpu.memory_space<hbm>>
      tpu.wait_indirect_dma semaphore(%arg11 : memref<!tpu.dma_semaphore, #tpu.memory_space<semaphore_mem>>) src(%dma_wait3A_98 : memref<200000x16xf32, #tpu.memory_space<hbm>>) dst(%dma_wait3A_92 : memref<128x16xf32, #tpu.memory_space<vmem>>)
      %dma_start3A_99 = arith.constant 4 : i32
      %dma_start3A_100 = arith.constant 4 : i32
      %dma_start3A_101 = arith.constant 0 : i32
      %dma_start3A_102 = arith.constant 0 : i32
      %dma_start3A_103 = tpu.memref_slice %arg8[%dma_start3A_100, %dma_start3A_101, %dma_start3A_102] : memref<8x128x16xf32, #tpu.memory_space<vmem>> -> memref<1x128x16xf32, #tpu.memory_space<vmem>>
      %dma_start3A_104 = tpu.memref_squeeze %dma_start3A_103 : memref<1x128x16xf32, #tpu.memory_space<vmem>> -> memref<128x16xf32, #tpu.memory_space<vmem>>
      %dma_start3A_105 = arith.constant 0 : i32
      %dma_start3A_106 = tpu.memref_slice %arg6[%dma_start3A_99, %dma_start3A_105] : memref<16x128xi32, #tpu.memory_space<vmem>> -> memref<1x128xi32, #tpu.memory_space<vmem>>
      %dma_start3A_107 = tpu.memref_squeeze %dma_start3A_106 : memref<1x128xi32, #tpu.memory_space<vmem>> -> memref<128xi32, #tpu.memory_space<vmem>>
      %dma_start3A_108 = arith.constant 0 : i32
      %dma_start3A_109 = arith.constant 0 : i32
      %dma_start3A_110 = tpu.memref_slice %arg4[%dma_start3A_108, %dma_start3A_109] : memref<200000x16xf32, #tpu.memory_space<hbm>> -> memref<200000x16xf32, #tpu.memory_space<hbm>>
      tpu.enqueue_indirect_dma source(%dma_start3A_110 : memref<200000x16xf32, #tpu.memory_space<hbm>>) target(%dma_start3A_104 : memref<128x16xf32, #tpu.memory_space<vmem>>) offsets(%dma_start3A_107 : memref<128xi32, #tpu.memory_space<vmem>>) semaphore(%arg11 : memref<!tpu.dma_semaphore, #tpu.memory_space<semaphore_mem>>)
      %run_scoped3A = arith.constant 0 : i32
      %run_scoped3A_111 = arith.constant 0 : i32
      "tpu.region"() ({
        %run_scoped3A_454 = tpu.sem_alloc : memref<!tpu.dma_semaphore, #tpu.memory_space<semaphore_mem>>
        %dma_start3A_455 = arith.constant 0 : i32
        %dma_start3A_456 = arith.constant 0 : i32
        %dma_start3A_457 = tpu.memref_slice %arg8[%run_scoped3A, %dma_start3A_455, %dma_start3A_456] : memref<8x128x16xf32, #tpu.memory_space<vmem>> -> memref<1x128x16xf32, #tpu.memory_space<vmem>>
        %dma_start3A_458 = tpu.memref_squeeze %dma_start3A_457 : memref<1x128x16xf32, #tpu.memory_space<vmem>> -> memref<128x16xf32, #tpu.memory_space<vmem>>
        %dma_start3A_459 = arith.constant 0 : i32
        %dma_start3A_460 = tpu.memref_slice %arg7[%run_scoped3A_111, %dma_start3A_459] : memref<16x128xi32, #tpu.memory_space<vmem>> -> memref<1x128xi32, #tpu.memory_space<vmem>>
        %dma_start3A_461 = tpu.memref_squeeze %dma_start3A_460 : memref<1x128xi32, #tpu.memory_space<vmem>> -> memref<128xi32, #tpu.memory_space<vmem>>
        %dma_start3A_462 = arith.constant 0 : i32
        %dma_start3A_463 = arith.constant 0 : i32
        %dma_start3A_464 = tpu.memref_slice %arg10[%dma_start3A_462, %dma_start3A_463] : memref<100096x16xf32, #tpu.memory_space<vmem_shared>> -> memref<100096x16xf32, #tpu.memory_space<vmem_shared>>
        tpu.enqueue_indirect_dma source(%dma_start3A_458 : memref<128x16xf32, #tpu.memory_space<vmem>>) target(%dma_start3A_464 : memref<100096x16xf32, #tpu.memory_space<vmem_shared>>) offsets(%dma_start3A_461 : memref<128xi32, #tpu.memory_space<vmem>>) semaphore(%run_scoped3A_454 : memref<!tpu.dma_semaphore, #tpu.memory_space<semaphore_mem>>) {add = true}
        %dma_wait3A_465 = arith.constant 0 : i32
        %dma_wait3A_466 = arith.constant 0 : i32
        %dma_wait3A_467 = tpu.memref_slice %arg8[%run_scoped3A, %dma_wait3A_465, %dma_wait3A_466] : memref<8x128x16xf32, #tpu.memory_space<vmem>> -> memref<1x128x16xf32, #tpu.memory_space<vmem>>
        %dma_wait3A_468 = tpu.memref_squeeze %dma_wait3A_467 : memref<1x128x16xf32, #tpu.memory_space<vmem>> -> memref<128x16xf32, #tpu.memory_space<vmem>>
        %dma_wait3A_469 = arith.constant 0 : i32
        %dma_wait3A_470 = tpu.memref_slice %arg7[%run_scoped3A_111, %dma_wait3A_469] : memref<16x128xi32, #tpu.memory_space<vmem>> -> memref<1x128xi32, #tpu.memory_space<vmem>>
        %dma_wait3A_471 = tpu.memref_squeeze %dma_wait3A_470 : memref<1x128xi32, #tpu.memory_space<vmem>> -> memref<128xi32, #tpu.memory_space<vmem>>
        %dma_wait3A_472 = arith.constant 0 : i32
        %dma_wait3A_473 = arith.constant 0 : i32
        %dma_wait3A_474 = tpu.memref_slice %arg10[%dma_wait3A_472, %dma_wait3A_473] : memref<100096x16xf32, #tpu.memory_space<vmem_shared>> -> memref<100096x16xf32, #tpu.memory_space<vmem_shared>>
        tpu.wait_indirect_dma semaphore(%run_scoped3A_454 : memref<!tpu.dma_semaphore, #tpu.memory_space<semaphore_mem>>) src(%dma_wait3A_468 : memref<128x16xf32, #tpu.memory_space<vmem>>) dst(%dma_wait3A_474 : memref<100096x16xf32, #tpu.memory_space<vmem_shared>>)
        tpu.yield
      }) : () -> ()
      %dma_wait3A_112 = arith.constant 1 : i32
      %dma_wait3A_113 = arith.constant 1 : i32
      %dma_wait3A_114 = arith.constant 0 : i32
      %dma_wait3A_115 = arith.constant 0 : i32
      %dma_wait3A_116 = tpu.memref_slice %arg8[%dma_wait3A_113, %dma_wait3A_114, %dma_wait3A_115] : memref<8x128x16xf32, #tpu.memory_space<vmem>> -> memref<1x128x16xf32, #tpu.memory_space<vmem>>
      %dma_wait3A_117 = tpu.memref_squeeze %dma_wait3A_116 : memref<1x128x16xf32, #tpu.memory_space<vmem>> -> memref<128x16xf32, #tpu.memory_space<vmem>>
      %dma_wait3A_118 = arith.constant 0 : i32
      %dma_wait3A_119 = tpu.memref_slice %arg6[%dma_wait3A_112, %dma_wait3A_118] : memref<16x128xi32, #tpu.memory_space<vmem>> -> memref<1x128xi32, #tpu.memory_space<vmem>>
      %dma_wait3A_120 = tpu.memref_squeeze %dma_wait3A_119 : memref<1x128xi32, #tpu.memory_space<vmem>> -> memref<128xi32, #tpu.memory_space<vmem>>
      %dma_wait3A_121 = arith.constant 0 : i32
      %dma_wait3A_122 = arith.constant 0 : i32
      %dma_wait3A_123 = tpu.memref_slice %arg4[%dma_wait3A_121, %dma_wait3A_122] : memref<200000x16xf32, #tpu.memory_space<hbm>> -> memref<200000x16xf32, #tpu.memory_space<hbm>>
      tpu.wait_indirect_dma semaphore(%arg11 : memref<!tpu.dma_semaphore, #tpu.memory_space<semaphore_mem>>) src(%dma_wait3A_123 : memref<200000x16xf32, #tpu.memory_space<hbm>>) dst(%dma_wait3A_117 : memref<128x16xf32, #tpu.memory_space<vmem>>)
      %dma_start3A_124 = arith.constant 5 : i32
      %dma_start3A_125 = arith.constant 5 : i32
      %dma_start3A_126 = arith.constant 0 : i32
      %dma_start3A_127 = arith.constant 0 : i32
      %dma_start3A_128 = tpu.memref_slice %arg8[%dma_start3A_125, %dma_start3A_126, %dma_start3A_127] : memref<8x128x16xf32, #tpu.memory_space<vmem>> -> memref<1x128x16xf32, #tpu.memory_space<vmem>>
      %dma_start3A_129 = tpu.memref_squeeze %dma_start3A_128 : memref<1x128x16xf32, #tpu.memory_space<vmem>> -> memref<128x16xf32, #tpu.memory_space<vmem>>
      %dma_start3A_130 = arith.constant 0 : i32
      %dma_start3A_131 = tpu.memref_slice %arg6[%dma_start3A_124, %dma_start3A_130] : memref<16x128xi32, #tpu.memory_space<vmem>> -> memref<1x128xi32, #tpu.memory_space<vmem>>
      %dma_start3A_132 = tpu.memref_squeeze %dma_start3A_131 : memref<1x128xi32, #tpu.memory_space<vmem>> -> memref<128xi32, #tpu.memory_space<vmem>>
      %dma_start3A_133 = arith.constant 0 : i32
      %dma_start3A_134 = arith.constant 0 : i32
      %dma_start3A_135 = tpu.memref_slice %arg4[%dma_start3A_133, %dma_start3A_134] : memref<200000x16xf32, #tpu.memory_space<hbm>> -> memref<200000x16xf32, #tpu.memory_space<hbm>>
      tpu.enqueue_indirect_dma source(%dma_start3A_135 : memref<200000x16xf32, #tpu.memory_space<hbm>>) target(%dma_start3A_129 : memref<128x16xf32, #tpu.memory_space<vmem>>) offsets(%dma_start3A_132 : memref<128xi32, #tpu.memory_space<vmem>>) semaphore(%arg11 : memref<!tpu.dma_semaphore, #tpu.memory_space<semaphore_mem>>)
      %run_scoped3A_136 = arith.constant 1 : i32
      %run_scoped3A_137 = arith.constant 1 : i32
      "tpu.region"() ({
        %run_scoped3A_454 = tpu.sem_alloc : memref<!tpu.dma_semaphore, #tpu.memory_space<semaphore_mem>>
        %dma_start3A_455 = arith.constant 0 : i32
        %dma_start3A_456 = arith.constant 0 : i32
        %dma_start3A_457 = tpu.memref_slice %arg8[%run_scoped3A_136, %dma_start3A_455, %dma_start3A_456] : memref<8x128x16xf32, #tpu.memory_space<vmem>> -> memref<1x128x16xf32, #tpu.memory_space<vmem>>
        %dma_start3A_458 = tpu.memref_squeeze %dma_start3A_457 : memref<1x128x16xf32, #tpu.memory_space<vmem>> -> memref<128x16xf32, #tpu.memory_space<vmem>>
        %dma_start3A_459 = arith.constant 0 : i32
        %dma_start3A_460 = tpu.memref_slice %arg7[%run_scoped3A_137, %dma_start3A_459] : memref<16x128xi32, #tpu.memory_space<vmem>> -> memref<1x128xi32, #tpu.memory_space<vmem>>
        %dma_start3A_461 = tpu.memref_squeeze %dma_start3A_460 : memref<1x128xi32, #tpu.memory_space<vmem>> -> memref<128xi32, #tpu.memory_space<vmem>>
        %dma_start3A_462 = arith.constant 0 : i32
        %dma_start3A_463 = arith.constant 0 : i32
        %dma_start3A_464 = tpu.memref_slice %arg10[%dma_start3A_462, %dma_start3A_463] : memref<100096x16xf32, #tpu.memory_space<vmem_shared>> -> memref<100096x16xf32, #tpu.memory_space<vmem_shared>>
        tpu.enqueue_indirect_dma source(%dma_start3A_458 : memref<128x16xf32, #tpu.memory_space<vmem>>) target(%dma_start3A_464 : memref<100096x16xf32, #tpu.memory_space<vmem_shared>>) offsets(%dma_start3A_461 : memref<128xi32, #tpu.memory_space<vmem>>) semaphore(%run_scoped3A_454 : memref<!tpu.dma_semaphore, #tpu.memory_space<semaphore_mem>>) {add = true}
        %dma_wait3A_465 = arith.constant 0 : i32
        %dma_wait3A_466 = arith.constant 0 : i32
        %dma_wait3A_467 = tpu.memref_slice %arg8[%run_scoped3A_136, %dma_wait3A_465, %dma_wait3A_466] : memref<8x128x16xf32, #tpu.memory_space<vmem>> -> memref<1x128x16xf32, #tpu.memory_space<vmem>>
        %dma_wait3A_468 = tpu.memref_squeeze %dma_wait3A_467 : memref<1x128x16xf32, #tpu.memory_space<vmem>> -> memref<128x16xf32, #tpu.memory_space<vmem>>
        %dma_wait3A_469 = arith.constant 0 : i32
        %dma_wait3A_470 = tpu.memref_slice %arg7[%run_scoped3A_137, %dma_wait3A_469] : memref<16x128xi32, #tpu.memory_space<vmem>> -> memref<1x128xi32, #tpu.memory_space<vmem>>
        %dma_wait3A_471 = tpu.memref_squeeze %dma_wait3A_470 : memref<1x128xi32, #tpu.memory_space<vmem>> -> memref<128xi32, #tpu.memory_space<vmem>>
        %dma_wait3A_472 = arith.constant 0 : i32
        %dma_wait3A_473 = arith.constant 0 : i32
        %dma_wait3A_474 = tpu.memref_slice %arg10[%dma_wait3A_472, %dma_wait3A_473] : memref<100096x16xf32, #tpu.memory_space<vmem_shared>> -> memref<100096x16xf32, #tpu.memory_space<vmem_shared>>
        tpu.wait_indirect_dma semaphore(%run_scoped3A_454 : memref<!tpu.dma_semaphore, #tpu.memory_space<semaphore_mem>>) src(%dma_wait3A_468 : memref<128x16xf32, #tpu.memory_space<vmem>>) dst(%dma_wait3A_474 : memref<100096x16xf32, #tpu.memory_space<vmem_shared>>)
        tpu.yield
      }) : () -> ()
      %dma_wait3A_138 = arith.constant 2 : i32
      %dma_wait3A_139 = arith.constant 2 : i32
      %dma_wait3A_140 = arith.constant 0 : i32
      %dma_wait3A_141 = arith.constant 0 : i32
      %dma_wait3A_142 = tpu.memref_slice %arg8[%dma_wait3A_139, %dma_wait3A_140, %dma_wait3A_141] : memref<8x128x16xf32, #tpu.memory_space<vmem>> -> memref<1x128x16xf32, #tpu.memory_space<vmem>>
      %dma_wait3A_143 = tpu.memref_squeeze %dma_wait3A_142 : memref<1x128x16xf32, #tpu.memory_space<vmem>> -> memref<128x16xf32, #tpu.memory_space<vmem>>
      %dma_wait3A_144 = arith.constant 0 : i32
      %dma_wait3A_145 = tpu.memref_slice %arg6[%dma_wait3A_138, %dma_wait3A_144] : memref<16x128xi32, #tpu.memory_space<vmem>> -> memref<1x128xi32, #tpu.memory_space<vmem>>
      %dma_wait3A_146 = tpu.memref_squeeze %dma_wait3A_145 : memref<1x128xi32, #tpu.memory_space<vmem>> -> memref<128xi32, #tpu.memory_space<vmem>>
      %dma_wait3A_147 = arith.constant 0 : i32
      %dma_wait3A_148 = arith.constant 0 : i32
      %dma_wait3A_149 = tpu.memref_slice %arg4[%dma_wait3A_147, %dma_wait3A_148] : memref<200000x16xf32, #tpu.memory_space<hbm>> -> memref<200000x16xf32, #tpu.memory_space<hbm>>
      tpu.wait_indirect_dma semaphore(%arg11 : memref<!tpu.dma_semaphore, #tpu.memory_space<semaphore_mem>>) src(%dma_wait3A_149 : memref<200000x16xf32, #tpu.memory_space<hbm>>) dst(%dma_wait3A_143 : memref<128x16xf32, #tpu.memory_space<vmem>>)
      %dma_start3A_150 = arith.constant 6 : i32
      %dma_start3A_151 = arith.constant 6 : i32
      %dma_start3A_152 = arith.constant 0 : i32
      %dma_start3A_153 = arith.constant 0 : i32
      %dma_start3A_154 = tpu.memref_slice %arg8[%dma_start3A_151, %dma_start3A_152, %dma_start3A_153] : memref<8x128x16xf32, #tpu.memory_space<vmem>> -> memref<1x128x16xf32, #tpu.memory_space<vmem>>
      %dma_start3A_155 = tpu.memref_squeeze %dma_start3A_154 : memref<1x128x16xf32, #tpu.memory_space<vmem>> -> memref<128x16xf32, #tpu.memory_space<vmem>>
      %dma_start3A_156 = arith.constant 0 : i32
      %dma_start3A_157 = tpu.memref_slice %arg6[%dma_start3A_150, %dma_start3A_156] : memref<16x128xi32, #tpu.memory_space<vmem>> -> memref<1x128xi32, #tpu.memory_space<vmem>>
      %dma_start3A_158 = tpu.memref_squeeze %dma_start3A_157 : memref<1x128xi32, #tpu.memory_space<vmem>> -> memref<128xi32, #tpu.memory_space<vmem>>
      %dma_start3A_159 = arith.constant 0 : i32
      %dma_start3A_160 = arith.constant 0 : i32
      %dma_start3A_161 = tpu.memref_slice %arg4[%dma_start3A_159, %dma_start3A_160] : memref<200000x16xf32, #tpu.memory_space<hbm>> -> memref<200000x16xf32, #tpu.memory_space<hbm>>
      tpu.enqueue_indirect_dma source(%dma_start3A_161 : memref<200000x16xf32, #tpu.memory_space<hbm>>) target(%dma_start3A_155 : memref<128x16xf32, #tpu.memory_space<vmem>>) offsets(%dma_start3A_158 : memref<128xi32, #tpu.memory_space<vmem>>) semaphore(%arg11 : memref<!tpu.dma_semaphore, #tpu.memory_space<semaphore_mem>>)
      %run_scoped3A_162 = arith.constant 2 : i32
      %run_scoped3A_163 = arith.constant 2 : i32
      "tpu.region"() ({
        %run_scoped3A_454 = tpu.sem_alloc : memref<!tpu.dma_semaphore, #tpu.memory_space<semaphore_mem>>
        %dma_start3A_455 = arith.constant 0 : i32
        %dma_start3A_456 = arith.constant 0 : i32
        %dma_start3A_457 = tpu.memref_slice %arg8[%run_scoped3A_162, %dma_start3A_455, %dma_start3A_456] : memref<8x128x16xf32, #tpu.memory_space<vmem>> -> memref<1x128x16xf32, #tpu.memory_space<vmem>>
        %dma_start3A_458 = tpu.memref_squeeze %dma_start3A_457 : memref<1x128x16xf32, #tpu.memory_space<vmem>> -> memref<128x16xf32, #tpu.memory_space<vmem>>
        %dma_start3A_459 = arith.constant 0 : i32
        %dma_start3A_460 = tpu.memref_slice %arg7[%run_scoped3A_163, %dma_start3A_459] : memref<16x128xi32, #tpu.memory_space<vmem>> -> memref<1x128xi32, #tpu.memory_space<vmem>>
        %dma_start3A_461 = tpu.memref_squeeze %dma_start3A_460 : memref<1x128xi32, #tpu.memory_space<vmem>> -> memref<128xi32, #tpu.memory_space<vmem>>
        %dma_start3A_462 = arith.constant 0 : i32
        %dma_start3A_463 = arith.constant 0 : i32
        %dma_start3A_464 = tpu.memref_slice %arg10[%dma_start3A_462, %dma_start3A_463] : memref<100096x16xf32, #tpu.memory_space<vmem_shared>> -> memref<100096x16xf32, #tpu.memory_space<vmem_shared>>
        tpu.enqueue_indirect_dma source(%dma_start3A_458 : memref<128x16xf32, #tpu.memory_space<vmem>>) target(%dma_start3A_464 : memref<100096x16xf32, #tpu.memory_space<vmem_shared>>) offsets(%dma_start3A_461 : memref<128xi32, #tpu.memory_space<vmem>>) semaphore(%run_scoped3A_454 : memref<!tpu.dma_semaphore, #tpu.memory_space<semaphore_mem>>) {add = true}
        %dma_wait3A_465 = arith.constant 0 : i32
        %dma_wait3A_466 = arith.constant 0 : i32
        %dma_wait3A_467 = tpu.memref_slice %arg8[%run_scoped3A_162, %dma_wait3A_465, %dma_wait3A_466] : memref<8x128x16xf32, #tpu.memory_space<vmem>> -> memref<1x128x16xf32, #tpu.memory_space<vmem>>
        %dma_wait3A_468 = tpu.memref_squeeze %dma_wait3A_467 : memref<1x128x16xf32, #tpu.memory_space<vmem>> -> memref<128x16xf32, #tpu.memory_space<vmem>>
        %dma_wait3A_469 = arith.constant 0 : i32
        %dma_wait3A_470 = tpu.memref_slice %arg7[%run_scoped3A_163, %dma_wait3A_469] : memref<16x128xi32, #tpu.memory_space<vmem>> -> memref<1x128xi32, #tpu.memory_space<vmem>>
        %dma_wait3A_471 = tpu.memref_squeeze %dma_wait3A_470 : memref<1x128xi32, #tpu.memory_space<vmem>> -> memref<128xi32, #tpu.memory_space<vmem>>
        %dma_wait3A_472 = arith.constant 0 : i32
        %dma_wait3A_473 = arith.constant 0 : i32
        %dma_wait3A_474 = tpu.memref_slice %arg10[%dma_wait3A_472, %dma_wait3A_473] : memref<100096x16xf32, #tpu.memory_space<vmem_shared>> -> memref<100096x16xf32, #tpu.memory_space<vmem_shared>>
        tpu.wait_indirect_dma semaphore(%run_scoped3A_454 : memref<!tpu.dma_semaphore, #tpu.memory_space<semaphore_mem>>) src(%dma_wait3A_468 : memref<128x16xf32, #tpu.memory_space<vmem>>) dst(%dma_wait3A_474 : memref<100096x16xf32, #tpu.memory_space<vmem_shared>>)
        tpu.yield
      }) : () -> ()
      %dma_wait3A_164 = arith.constant 3 : i32
      %dma_wait3A_165 = arith.constant 3 : i32
      %dma_wait3A_166 = arith.constant 0 : i32
      %dma_wait3A_167 = arith.constant 0 : i32
      %dma_wait3A_168 = tpu.memref_slice %arg8[%dma_wait3A_165, %dma_wait3A_166, %dma_wait3A_167] : memref<8x128x16xf32, #tpu.memory_space<vmem>> -> memref<1x128x16xf32, #tpu.memory_space<vmem>>
      %dma_wait3A_169 = tpu.memref_squeeze %dma_wait3A_168 : memref<1x128x16xf32, #tpu.memory_space<vmem>> -> memref<128x16xf32, #tpu.memory_space<vmem>>
      %dma_wait3A_170 = arith.constant 0 : i32
      %dma_wait3A_171 = tpu.memref_slice %arg6[%dma_wait3A_164, %dma_wait3A_170] : memref<16x128xi32, #tpu.memory_space<vmem>> -> memref<1x128xi32, #tpu.memory_space<vmem>>
      %dma_wait3A_172 = tpu.memref_squeeze %dma_wait3A_171 : memref<1x128xi32, #tpu.memory_space<vmem>> -> memref<128xi32, #tpu.memory_space<vmem>>
      %dma_wait3A_173 = arith.constant 0 : i32
      %dma_wait3A_174 = arith.constant 0 : i32
      %dma_wait3A_175 = tpu.memref_slice %arg4[%dma_wait3A_173, %dma_wait3A_174] : memref<200000x16xf32, #tpu.memory_space<hbm>> -> memref<200000x16xf32, #tpu.memory_space<hbm>>
      tpu.wait_indirect_dma semaphore(%arg11 : memref<!tpu.dma_semaphore, #tpu.memory_space<semaphore_mem>>) src(%dma_wait3A_175 : memref<200000x16xf32, #tpu.memory_space<hbm>>) dst(%dma_wait3A_169 : memref<128x16xf32, #tpu.memory_space<vmem>>)
      %dma_start3A_176 = arith.constant 7 : i32
      %dma_start3A_177 = arith.constant 7 : i32
      %dma_start3A_178 = arith.constant 0 : i32
      %dma_start3A_179 = arith.constant 0 : i32
      %dma_start3A_180 = tpu.memref_slice %arg8[%dma_start3A_177, %dma_start3A_178, %dma_start3A_179] : memref<8x128x16xf32, #tpu.memory_space<vmem>> -> memref<1x128x16xf32, #tpu.memory_space<vmem>>
      %dma_start3A_181 = tpu.memref_squeeze %dma_start3A_180 : memref<1x128x16xf32, #tpu.memory_space<vmem>> -> memref<128x16xf32, #tpu.memory_space<vmem>>
      %dma_start3A_182 = arith.constant 0 : i32
      %dma_start3A_183 = tpu.memref_slice %arg6[%dma_start3A_176, %dma_start3A_182] : memref<16x128xi32, #tpu.memory_space<vmem>> -> memref<1x128xi32, #tpu.memory_space<vmem>>
      %dma_start3A_184 = tpu.memref_squeeze %dma_start3A_183 : memref<1x128xi32, #tpu.memory_space<vmem>> -> memref<128xi32, #tpu.memory_space<vmem>>
      %dma_start3A_185 = arith.constant 0 : i32
      %dma_start3A_186 = arith.constant 0 : i32
      %dma_start3A_187 = tpu.memref_slice %arg4[%dma_start3A_185, %dma_start3A_186] : memref<200000x16xf32, #tpu.memory_space<hbm>> -> memref<200000x16xf32, #tpu.memory_space<hbm>>
      tpu.enqueue_indirect_dma source(%dma_start3A_187 : memref<200000x16xf32, #tpu.memory_space<hbm>>) target(%dma_start3A_181 : memref<128x16xf32, #tpu.memory_space<vmem>>) offsets(%dma_start3A_184 : memref<128xi32, #tpu.memory_space<vmem>>) semaphore(%arg11 : memref<!tpu.dma_semaphore, #tpu.memory_space<semaphore_mem>>)
      %run_scoped3A_188 = arith.constant 3 : i32
      %run_scoped3A_189 = arith.constant 3 : i32
      "tpu.region"() ({
        %run_scoped3A_454 = tpu.sem_alloc : memref<!tpu.dma_semaphore, #tpu.memory_space<semaphore_mem>>
        %dma_start3A_455 = arith.constant 0 : i32
        %dma_start3A_456 = arith.constant 0 : i32
        %dma_start3A_457 = tpu.memref_slice %arg8[%run_scoped3A_188, %dma_start3A_455, %dma_start3A_456] : memref<8x128x16xf32, #tpu.memory_space<vmem>> -> memref<1x128x16xf32, #tpu.memory_space<vmem>>
        %dma_start3A_458 = tpu.memref_squeeze %dma_start3A_457 : memref<1x128x16xf32, #tpu.memory_space<vmem>> -> memref<128x16xf32, #tpu.memory_space<vmem>>
        %dma_start3A_459 = arith.constant 0 : i32
        %dma_start3A_460 = tpu.memref_slice %arg7[%run_scoped3A_189, %dma_start3A_459] : memref<16x128xi32, #tpu.memory_space<vmem>> -> memref<1x128xi32, #tpu.memory_space<vmem>>
        %dma_start3A_461 = tpu.memref_squeeze %dma_start3A_460 : memref<1x128xi32, #tpu.memory_space<vmem>> -> memref<128xi32, #tpu.memory_space<vmem>>
        %dma_start3A_462 = arith.constant 0 : i32
        %dma_start3A_463 = arith.constant 0 : i32
        %dma_start3A_464 = tpu.memref_slice %arg10[%dma_start3A_462, %dma_start3A_463] : memref<100096x16xf32, #tpu.memory_space<vmem_shared>> -> memref<100096x16xf32, #tpu.memory_space<vmem_shared>>
        tpu.enqueue_indirect_dma source(%dma_start3A_458 : memref<128x16xf32, #tpu.memory_space<vmem>>) target(%dma_start3A_464 : memref<100096x16xf32, #tpu.memory_space<vmem_shared>>) offsets(%dma_start3A_461 : memref<128xi32, #tpu.memory_space<vmem>>) semaphore(%run_scoped3A_454 : memref<!tpu.dma_semaphore, #tpu.memory_space<semaphore_mem>>) {add = true}
        %dma_wait3A_465 = arith.constant 0 : i32
        %dma_wait3A_466 = arith.constant 0 : i32
        %dma_wait3A_467 = tpu.memref_slice %arg8[%run_scoped3A_188, %dma_wait3A_465, %dma_wait3A_466] : memref<8x128x16xf32, #tpu.memory_space<vmem>> -> memref<1x128x16xf32, #tpu.memory_space<vmem>>
        %dma_wait3A_468 = tpu.memref_squeeze %dma_wait3A_467 : memref<1x128x16xf32, #tpu.memory_space<vmem>> -> memref<128x16xf32, #tpu.memory_space<vmem>>
        %dma_wait3A_469 = arith.constant 0 : i32
        %dma_wait3A_470 = tpu.memref_slice %arg7[%run_scoped3A_189, %dma_wait3A_469] : memref<16x128xi32, #tpu.memory_space<vmem>> -> memref<1x128xi32, #tpu.memory_space<vmem>>
        %dma_wait3A_471 = tpu.memref_squeeze %dma_wait3A_470 : memref<1x128xi32, #tpu.memory_space<vmem>> -> memref<128xi32, #tpu.memory_space<vmem>>
        %dma_wait3A_472 = arith.constant 0 : i32
        %dma_wait3A_473 = arith.constant 0 : i32
        %dma_wait3A_474 = tpu.memref_slice %arg10[%dma_wait3A_472, %dma_wait3A_473] : memref<100096x16xf32, #tpu.memory_space<vmem_shared>> -> memref<100096x16xf32, #tpu.memory_space<vmem_shared>>
        tpu.wait_indirect_dma semaphore(%run_scoped3A_454 : memref<!tpu.dma_semaphore, #tpu.memory_space<semaphore_mem>>) src(%dma_wait3A_468 : memref<128x16xf32, #tpu.memory_space<vmem>>) dst(%dma_wait3A_474 : memref<100096x16xf32, #tpu.memory_space<vmem_shared>>)
        tpu.yield
      }) : () -> ()
      %dma_wait3A_190 = arith.constant 4 : i32
      %dma_wait3A_191 = arith.constant 4 : i32
      %dma_wait3A_192 = arith.constant 0 : i32
      %dma_wait3A_193 = arith.constant 0 : i32
      %dma_wait3A_194 = tpu.memref_slice %arg8[%dma_wait3A_191, %dma_wait3A_192, %dma_wait3A_193] : memref<8x128x16xf32, #tpu.memory_space<vmem>> -> memref<1x128x16xf32, #tpu.memory_space<vmem>>
      %dma_wait3A_195 = tpu.memref_squeeze %dma_wait3A_194 : memref<1x128x16xf32, #tpu.memory_space<vmem>> -> memref<128x16xf32, #tpu.memory_space<vmem>>
      %dma_wait3A_196 = arith.constant 0 : i32
      %dma_wait3A_197 = tpu.memref_slice %arg6[%dma_wait3A_190, %dma_wait3A_196] : memref<16x128xi32, #tpu.memory_space<vmem>> -> memref<1x128xi32, #tpu.memory_space<vmem>>
      %dma_wait3A_198 = tpu.memref_squeeze %dma_wait3A_197 : memref<1x128xi32, #tpu.memory_space<vmem>> -> memref<128xi32, #tpu.memory_space<vmem>>
      %dma_wait3A_199 = arith.constant 0 : i32
      %dma_wait3A_200 = arith.constant 0 : i32
      %dma_wait3A_201 = tpu.memref_slice %arg4[%dma_wait3A_199, %dma_wait3A_200] : memref<200000x16xf32, #tpu.memory_space<hbm>> -> memref<200000x16xf32, #tpu.memory_space<hbm>>
      tpu.wait_indirect_dma semaphore(%arg11 : memref<!tpu.dma_semaphore, #tpu.memory_space<semaphore_mem>>) src(%dma_wait3A_201 : memref<200000x16xf32, #tpu.memory_space<hbm>>) dst(%dma_wait3A_195 : memref<128x16xf32, #tpu.memory_space<vmem>>)
      %dma_start3A_202 = arith.constant 8 : i32
      %dma_start3A_203 = arith.constant 0 : i32
      %dma_start3A_204 = arith.constant 0 : i32
      %dma_start3A_205 = arith.constant 0 : i32
      %dma_start3A_206 = tpu.memref_slice %arg8[%dma_start3A_203, %dma_start3A_204, %dma_start3A_205] : memref<8x128x16xf32, #tpu.memory_space<vmem>> -> memref<1x128x16xf32, #tpu.memory_space<vmem>>
      %dma_start3A_207 = tpu.memref_squeeze %dma_start3A_206 : memref<1x128x16xf32, #tpu.memory_space<vmem>> -> memref<128x16xf32, #tpu.memory_space<vmem>>
      %dma_start3A_208 = arith.constant 0 : i32
      %dma_start3A_209 = tpu.memref_slice %arg6[%dma_start3A_202, %dma_start3A_208] : memref<16x128xi32, #tpu.memory_space<vmem>> -> memref<1x128xi32, #tpu.memory_space<vmem>>
      %dma_start3A_210 = tpu.memref_squeeze %dma_start3A_209 : memref<1x128xi32, #tpu.memory_space<vmem>> -> memref<128xi32, #tpu.memory_space<vmem>>
      %dma_start3A_211 = arith.constant 0 : i32
      %dma_start3A_212 = arith.constant 0 : i32
      %dma_start3A_213 = tpu.memref_slice %arg4[%dma_start3A_211, %dma_start3A_212] : memref<200000x16xf32, #tpu.memory_space<hbm>> -> memref<200000x16xf32, #tpu.memory_space<hbm>>
      tpu.enqueue_indirect_dma source(%dma_start3A_213 : memref<200000x16xf32, #tpu.memory_space<hbm>>) target(%dma_start3A_207 : memref<128x16xf32, #tpu.memory_space<vmem>>) offsets(%dma_start3A_210 : memref<128xi32, #tpu.memory_space<vmem>>) semaphore(%arg11 : memref<!tpu.dma_semaphore, #tpu.memory_space<semaphore_mem>>)
      %run_scoped3A_214 = arith.constant 4 : i32
      %run_scoped3A_215 = arith.constant 4 : i32
      "tpu.region"() ({
        %run_scoped3A_454 = tpu.sem_alloc : memref<!tpu.dma_semaphore, #tpu.memory_space<semaphore_mem>>
        %dma_start3A_455 = arith.constant 0 : i32
        %dma_start3A_456 = arith.constant 0 : i32
        %dma_start3A_457 = tpu.memref_slice %arg8[%run_scoped3A_214, %dma_start3A_455, %dma_start3A_456] : memref<8x128x16xf32, #tpu.memory_space<vmem>> -> memref<1x128x16xf32, #tpu.memory_space<vmem>>
        %dma_start3A_458 = tpu.memref_squeeze %dma_start3A_457 : memref<1x128x16xf32, #tpu.memory_space<vmem>> -> memref<128x16xf32, #tpu.memory_space<vmem>>
        %dma_start3A_459 = arith.constant 0 : i32
        %dma_start3A_460 = tpu.memref_slice %arg7[%run_scoped3A_215, %dma_start3A_459] : memref<16x128xi32, #tpu.memory_space<vmem>> -> memref<1x128xi32, #tpu.memory_space<vmem>>
        %dma_start3A_461 = tpu.memref_squeeze %dma_start3A_460 : memref<1x128xi32, #tpu.memory_space<vmem>> -> memref<128xi32, #tpu.memory_space<vmem>>
        %dma_start3A_462 = arith.constant 0 : i32
        %dma_start3A_463 = arith.constant 0 : i32
        %dma_start3A_464 = tpu.memref_slice %arg10[%dma_start3A_462, %dma_start3A_463] : memref<100096x16xf32, #tpu.memory_space<vmem_shared>> -> memref<100096x16xf32, #tpu.memory_space<vmem_shared>>
        tpu.enqueue_indirect_dma source(%dma_start3A_458 : memref<128x16xf32, #tpu.memory_space<vmem>>) target(%dma_start3A_464 : memref<100096x16xf32, #tpu.memory_space<vmem_shared>>) offsets(%dma_start3A_461 : memref<128xi32, #tpu.memory_space<vmem>>) semaphore(%run_scoped3A_454 : memref<!tpu.dma_semaphore, #tpu.memory_space<semaphore_mem>>) {add = true}
        %dma_wait3A_465 = arith.constant 0 : i32
        %dma_wait3A_466 = arith.constant 0 : i32
        %dma_wait3A_467 = tpu.memref_slice %arg8[%run_scoped3A_214, %dma_wait3A_465, %dma_wait3A_466] : memref<8x128x16xf32, #tpu.memory_space<vmem>> -> memref<1x128x16xf32, #tpu.memory_space<vmem>>
        %dma_wait3A_468 = tpu.memref_squeeze %dma_wait3A_467 : memref<1x128x16xf32, #tpu.memory_space<vmem>> -> memref<128x16xf32, #tpu.memory_space<vmem>>
        %dma_wait3A_469 = arith.constant 0 : i32
        %dma_wait3A_470 = tpu.memref_slice %arg7[%run_scoped3A_215, %dma_wait3A_469] : memref<16x128xi32, #tpu.memory_space<vmem>> -> memref<1x128xi32, #tpu.memory_space<vmem>>
        %dma_wait3A_471 = tpu.memref_squeeze %dma_wait3A_470 : memref<1x128xi32, #tpu.memory_space<vmem>> -> memref<128xi32, #tpu.memory_space<vmem>>
        %dma_wait3A_472 = arith.constant 0 : i32
        %dma_wait3A_473 = arith.constant 0 : i32
        %dma_wait3A_474 = tpu.memref_slice %arg10[%dma_wait3A_472, %dma_wait3A_473] : memref<100096x16xf32, #tpu.memory_space<vmem_shared>> -> memref<100096x16xf32, #tpu.memory_space<vmem_shared>>
        tpu.wait_indirect_dma semaphore(%run_scoped3A_454 : memref<!tpu.dma_semaphore, #tpu.memory_space<semaphore_mem>>) src(%dma_wait3A_468 : memref<128x16xf32, #tpu.memory_space<vmem>>) dst(%dma_wait3A_474 : memref<100096x16xf32, #tpu.memory_space<vmem_shared>>)
        tpu.yield
      }) : () -> ()
      %dma_wait3A_216 = arith.constant 5 : i32
      %dma_wait3A_217 = arith.constant 5 : i32
      %dma_wait3A_218 = arith.constant 0 : i32
      %dma_wait3A_219 = arith.constant 0 : i32
      %dma_wait3A_220 = tpu.memref_slice %arg8[%dma_wait3A_217, %dma_wait3A_218, %dma_wait3A_219] : memref<8x128x16xf32, #tpu.memory_space<vmem>> -> memref<1x128x16xf32, #tpu.memory_space<vmem>>
      %dma_wait3A_221 = tpu.memref_squeeze %dma_wait3A_220 : memref<1x128x16xf32, #tpu.memory_space<vmem>> -> memref<128x16xf32, #tpu.memory_space<vmem>>
      %dma_wait3A_222 = arith.constant 0 : i32
      %dma_wait3A_223 = tpu.memref_slice %arg6[%dma_wait3A_216, %dma_wait3A_222] : memref<16x128xi32, #tpu.memory_space<vmem>> -> memref<1x128xi32, #tpu.memory_space<vmem>>
      %dma_wait3A_224 = tpu.memref_squeeze %dma_wait3A_223 : memref<1x128xi32, #tpu.memory_space<vmem>> -> memref<128xi32, #tpu.memory_space<vmem>>
      %dma_wait3A_225 = arith.constant 0 : i32
      %dma_wait3A_226 = arith.constant 0 : i32
      %dma_wait3A_227 = tpu.memref_slice %arg4[%dma_wait3A_225, %dma_wait3A_226] : memref<200000x16xf32, #tpu.memory_space<hbm>> -> memref<200000x16xf32, #tpu.memory_space<hbm>>
      tpu.wait_indirect_dma semaphore(%arg11 : memref<!tpu.dma_semaphore, #tpu.memory_space<semaphore_mem>>) src(%dma_wait3A_227 : memref<200000x16xf32, #tpu.memory_space<hbm>>) dst(%dma_wait3A_221 : memref<128x16xf32, #tpu.memory_space<vmem>>)
      %dma_start3A_228 = arith.constant 9 : i32
      %dma_start3A_229 = arith.constant 1 : i32
      %dma_start3A_230 = arith.constant 0 : i32
      %dma_start3A_231 = arith.constant 0 : i32
      %dma_start3A_232 = tpu.memref_slice %arg8[%dma_start3A_229, %dma_start3A_230, %dma_start3A_231] : memref<8x128x16xf32, #tpu.memory_space<vmem>> -> memref<1x128x16xf32, #tpu.memory_space<vmem>>
      %dma_start3A_233 = tpu.memref_squeeze %dma_start3A_232 : memref<1x128x16xf32, #tpu.memory_space<vmem>> -> memref<128x16xf32, #tpu.memory_space<vmem>>
      %dma_start3A_234 = arith.constant 0 : i32
      %dma_start3A_235 = tpu.memref_slice %arg6[%dma_start3A_228, %dma_start3A_234] : memref<16x128xi32, #tpu.memory_space<vmem>> -> memref<1x128xi32, #tpu.memory_space<vmem>>
      %dma_start3A_236 = tpu.memref_squeeze %dma_start3A_235 : memref<1x128xi32, #tpu.memory_space<vmem>> -> memref<128xi32, #tpu.memory_space<vmem>>
      %dma_start3A_237 = arith.constant 0 : i32
      %dma_start3A_238 = arith.constant 0 : i32
      %dma_start3A_239 = tpu.memref_slice %arg4[%dma_start3A_237, %dma_start3A_238] : memref<200000x16xf32, #tpu.memory_space<hbm>> -> memref<200000x16xf32, #tpu.memory_space<hbm>>
      tpu.enqueue_indirect_dma source(%dma_start3A_239 : memref<200000x16xf32, #tpu.memory_space<hbm>>) target(%dma_start3A_233 : memref<128x16xf32, #tpu.memory_space<vmem>>) offsets(%dma_start3A_236 : memref<128xi32, #tpu.memory_space<vmem>>) semaphore(%arg11 : memref<!tpu.dma_semaphore, #tpu.memory_space<semaphore_mem>>)
      %run_scoped3A_240 = arith.constant 5 : i32
      %run_scoped3A_241 = arith.constant 5 : i32
      "tpu.region"() ({
        %run_scoped3A_454 = tpu.sem_alloc : memref<!tpu.dma_semaphore, #tpu.memory_space<semaphore_mem>>
        %dma_start3A_455 = arith.constant 0 : i32
        %dma_start3A_456 = arith.constant 0 : i32
        %dma_start3A_457 = tpu.memref_slice %arg8[%run_scoped3A_240, %dma_start3A_455, %dma_start3A_456] : memref<8x128x16xf32, #tpu.memory_space<vmem>> -> memref<1x128x16xf32, #tpu.memory_space<vmem>>
        %dma_start3A_458 = tpu.memref_squeeze %dma_start3A_457 : memref<1x128x16xf32, #tpu.memory_space<vmem>> -> memref<128x16xf32, #tpu.memory_space<vmem>>
        %dma_start3A_459 = arith.constant 0 : i32
        %dma_start3A_460 = tpu.memref_slice %arg7[%run_scoped3A_241, %dma_start3A_459] : memref<16x128xi32, #tpu.memory_space<vmem>> -> memref<1x128xi32, #tpu.memory_space<vmem>>
        %dma_start3A_461 = tpu.memref_squeeze %dma_start3A_460 : memref<1x128xi32, #tpu.memory_space<vmem>> -> memref<128xi32, #tpu.memory_space<vmem>>
        %dma_start3A_462 = arith.constant 0 : i32
        %dma_start3A_463 = arith.constant 0 : i32
        %dma_start3A_464 = tpu.memref_slice %arg10[%dma_start3A_462, %dma_start3A_463] : memref<100096x16xf32, #tpu.memory_space<vmem_shared>> -> memref<100096x16xf32, #tpu.memory_space<vmem_shared>>
        tpu.enqueue_indirect_dma source(%dma_start3A_458 : memref<128x16xf32, #tpu.memory_space<vmem>>) target(%dma_start3A_464 : memref<100096x16xf32, #tpu.memory_space<vmem_shared>>) offsets(%dma_start3A_461 : memref<128xi32, #tpu.memory_space<vmem>>) semaphore(%run_scoped3A_454 : memref<!tpu.dma_semaphore, #tpu.memory_space<semaphore_mem>>) {add = true}
        %dma_wait3A_465 = arith.constant 0 : i32
        %dma_wait3A_466 = arith.constant 0 : i32
        %dma_wait3A_467 = tpu.memref_slice %arg8[%run_scoped3A_240, %dma_wait3A_465, %dma_wait3A_466] : memref<8x128x16xf32, #tpu.memory_space<vmem>> -> memref<1x128x16xf32, #tpu.memory_space<vmem>>
        %dma_wait3A_468 = tpu.memref_squeeze %dma_wait3A_467 : memref<1x128x16xf32, #tpu.memory_space<vmem>> -> memref<128x16xf32, #tpu.memory_space<vmem>>
        %dma_wait3A_469 = arith.constant 0 : i32
        %dma_wait3A_470 = tpu.memref_slice %arg7[%run_scoped3A_241, %dma_wait3A_469] : memref<16x128xi32, #tpu.memory_space<vmem>> -> memref<1x128xi32, #tpu.memory_space<vmem>>
        %dma_wait3A_471 = tpu.memref_squeeze %dma_wait3A_470 : memref<1x128xi32, #tpu.memory_space<vmem>> -> memref<128xi32, #tpu.memory_space<vmem>>
        %dma_wait3A_472 = arith.constant 0 : i32
        %dma_wait3A_473 = arith.constant 0 : i32
        %dma_wait3A_474 = tpu.memref_slice %arg10[%dma_wait3A_472, %dma_wait3A_473] : memref<100096x16xf32, #tpu.memory_space<vmem_shared>> -> memref<100096x16xf32, #tpu.memory_space<vmem_shared>>
        tpu.wait_indirect_dma semaphore(%run_scoped3A_454 : memref<!tpu.dma_semaphore, #tpu.memory_space<semaphore_mem>>) src(%dma_wait3A_468 : memref<128x16xf32, #tpu.memory_space<vmem>>) dst(%dma_wait3A_474 : memref<100096x16xf32, #tpu.memory_space<vmem_shared>>)
        tpu.yield
      }) : () -> ()
      %dma_wait3A_242 = arith.constant 6 : i32
      %dma_wait3A_243 = arith.constant 6 : i32
      %dma_wait3A_244 = arith.constant 0 : i32
      %dma_wait3A_245 = arith.constant 0 : i32
      %dma_wait3A_246 = tpu.memref_slice %arg8[%dma_wait3A_243, %dma_wait3A_244, %dma_wait3A_245] : memref<8x128x16xf32, #tpu.memory_space<vmem>> -> memref<1x128x16xf32, #tpu.memory_space<vmem>>
      %dma_wait3A_247 = tpu.memref_squeeze %dma_wait3A_246 : memref<1x128x16xf32, #tpu.memory_space<vmem>> -> memref<128x16xf32, #tpu.memory_space<vmem>>
      %dma_wait3A_248 = arith.constant 0 : i32
      %dma_wait3A_249 = tpu.memref_slice %arg6[%dma_wait3A_242, %dma_wait3A_248] : memref<16x128xi32, #tpu.memory_space<vmem>> -> memref<1x128xi32, #tpu.memory_space<vmem>>
      %dma_wait3A_250 = tpu.memref_squeeze %dma_wait3A_249 : memref<1x128xi32, #tpu.memory_space<vmem>> -> memref<128xi32, #tpu.memory_space<vmem>>
      %dma_wait3A_251 = arith.constant 0 : i32
      %dma_wait3A_252 = arith.constant 0 : i32
      %dma_wait3A_253 = tpu.memref_slice %arg4[%dma_wait3A_251, %dma_wait3A_252] : memref<200000x16xf32, #tpu.memory_space<hbm>> -> memref<200000x16xf32, #tpu.memory_space<hbm>>
      tpu.wait_indirect_dma semaphore(%arg11 : memref<!tpu.dma_semaphore, #tpu.memory_space<semaphore_mem>>) src(%dma_wait3A_253 : memref<200000x16xf32, #tpu.memory_space<hbm>>) dst(%dma_wait3A_247 : memref<128x16xf32, #tpu.memory_space<vmem>>)
      %dma_start3A_254 = arith.constant 10 : i32
      %dma_start3A_255 = arith.constant 2 : i32
      %dma_start3A_256 = arith.constant 0 : i32
      %dma_start3A_257 = arith.constant 0 : i32
      %dma_start3A_258 = tpu.memref_slice %arg8[%dma_start3A_255, %dma_start3A_256, %dma_start3A_257] : memref<8x128x16xf32, #tpu.memory_space<vmem>> -> memref<1x128x16xf32, #tpu.memory_space<vmem>>
      %dma_start3A_259 = tpu.memref_squeeze %dma_start3A_258 : memref<1x128x16xf32, #tpu.memory_space<vmem>> -> memref<128x16xf32, #tpu.memory_space<vmem>>
      %dma_start3A_260 = arith.constant 0 : i32
      %dma_start3A_261 = tpu.memref_slice %arg6[%dma_start3A_254, %dma_start3A_260] : memref<16x128xi32, #tpu.memory_space<vmem>> -> memref<1x128xi32, #tpu.memory_space<vmem>>
      %dma_start3A_262 = tpu.memref_squeeze %dma_start3A_261 : memref<1x128xi32, #tpu.memory_space<vmem>> -> memref<128xi32, #tpu.memory_space<vmem>>
      %dma_start3A_263 = arith.constant 0 : i32
      %dma_start3A_264 = arith.constant 0 : i32
      %dma_start3A_265 = tpu.memref_slice %arg4[%dma_start3A_263, %dma_start3A_264] : memref<200000x16xf32, #tpu.memory_space<hbm>> -> memref<200000x16xf32, #tpu.memory_space<hbm>>
      tpu.enqueue_indirect_dma source(%dma_start3A_265 : memref<200000x16xf32, #tpu.memory_space<hbm>>) target(%dma_start3A_259 : memref<128x16xf32, #tpu.memory_space<vmem>>) offsets(%dma_start3A_262 : memref<128xi32, #tpu.memory_space<vmem>>) semaphore(%arg11 : memref<!tpu.dma_semaphore, #tpu.memory_space<semaphore_mem>>)
      %run_scoped3A_266 = arith.constant 6 : i32
      %run_scoped3A_267 = arith.constant 6 : i32
      "tpu.region"() ({
        %run_scoped3A_454 = tpu.sem_alloc : memref<!tpu.dma_semaphore, #tpu.memory_space<semaphore_mem>>
        %dma_start3A_455 = arith.constant 0 : i32
        %dma_start3A_456 = arith.constant 0 : i32
        %dma_start3A_457 = tpu.memref_slice %arg8[%run_scoped3A_266, %dma_start3A_455, %dma_start3A_456] : memref<8x128x16xf32, #tpu.memory_space<vmem>> -> memref<1x128x16xf32, #tpu.memory_space<vmem>>
        %dma_start3A_458 = tpu.memref_squeeze %dma_start3A_457 : memref<1x128x16xf32, #tpu.memory_space<vmem>> -> memref<128x16xf32, #tpu.memory_space<vmem>>
        %dma_start3A_459 = arith.constant 0 : i32
        %dma_start3A_460 = tpu.memref_slice %arg7[%run_scoped3A_267, %dma_start3A_459] : memref<16x128xi32, #tpu.memory_space<vmem>> -> memref<1x128xi32, #tpu.memory_space<vmem>>
        %dma_start3A_461 = tpu.memref_squeeze %dma_start3A_460 : memref<1x128xi32, #tpu.memory_space<vmem>> -> memref<128xi32, #tpu.memory_space<vmem>>
        %dma_start3A_462 = arith.constant 0 : i32
        %dma_start3A_463 = arith.constant 0 : i32
        %dma_start3A_464 = tpu.memref_slice %arg10[%dma_start3A_462, %dma_start3A_463] : memref<100096x16xf32, #tpu.memory_space<vmem_shared>> -> memref<100096x16xf32, #tpu.memory_space<vmem_shared>>
        tpu.enqueue_indirect_dma source(%dma_start3A_458 : memref<128x16xf32, #tpu.memory_space<vmem>>) target(%dma_start3A_464 : memref<100096x16xf32, #tpu.memory_space<vmem_shared>>) offsets(%dma_start3A_461 : memref<128xi32, #tpu.memory_space<vmem>>) semaphore(%run_scoped3A_454 : memref<!tpu.dma_semaphore, #tpu.memory_space<semaphore_mem>>) {add = true}
        %dma_wait3A_465 = arith.constant 0 : i32
        %dma_wait3A_466 = arith.constant 0 : i32
        %dma_wait3A_467 = tpu.memref_slice %arg8[%run_scoped3A_266, %dma_wait3A_465, %dma_wait3A_466] : memref<8x128x16xf32, #tpu.memory_space<vmem>> -> memref<1x128x16xf32, #tpu.memory_space<vmem>>
        %dma_wait3A_468 = tpu.memref_squeeze %dma_wait3A_467 : memref<1x128x16xf32, #tpu.memory_space<vmem>> -> memref<128x16xf32, #tpu.memory_space<vmem>>
        %dma_wait3A_469 = arith.constant 0 : i32
        %dma_wait3A_470 = tpu.memref_slice %arg7[%run_scoped3A_267, %dma_wait3A_469] : memref<16x128xi32, #tpu.memory_space<vmem>> -> memref<1x128xi32, #tpu.memory_space<vmem>>
        %dma_wait3A_471 = tpu.memref_squeeze %dma_wait3A_470 : memref<1x128xi32, #tpu.memory_space<vmem>> -> memref<128xi32, #tpu.memory_space<vmem>>
        %dma_wait3A_472 = arith.constant 0 : i32
        %dma_wait3A_473 = arith.constant 0 : i32
        %dma_wait3A_474 = tpu.memref_slice %arg10[%dma_wait3A_472, %dma_wait3A_473] : memref<100096x16xf32, #tpu.memory_space<vmem_shared>> -> memref<100096x16xf32, #tpu.memory_space<vmem_shared>>
        tpu.wait_indirect_dma semaphore(%run_scoped3A_454 : memref<!tpu.dma_semaphore, #tpu.memory_space<semaphore_mem>>) src(%dma_wait3A_468 : memref<128x16xf32, #tpu.memory_space<vmem>>) dst(%dma_wait3A_474 : memref<100096x16xf32, #tpu.memory_space<vmem_shared>>)
        tpu.yield
      }) : () -> ()
      %dma_wait3A_268 = arith.constant 7 : i32
      %dma_wait3A_269 = arith.constant 7 : i32
      %dma_wait3A_270 = arith.constant 0 : i32
      %dma_wait3A_271 = arith.constant 0 : i32
      %dma_wait3A_272 = tpu.memref_slice %arg8[%dma_wait3A_269, %dma_wait3A_270, %dma_wait3A_271] : memref<8x128x16xf32, #tpu.memory_space<vmem>> -> memref<1x128x16xf32, #tpu.memory_space<vmem>>
      %dma_wait3A_273 = tpu.memref_squeeze %dma_wait3A_272 : memref<1x128x16xf32, #tpu.memory_space<vmem>> -> memref<128x16xf32, #tpu.memory_space<vmem>>
      %dma_wait3A_274 = arith.constant 0 : i32
      %dma_wait3A_275 = tpu.memref_slice %arg6[%dma_wait3A_268, %dma_wait3A_274] : memref<16x128xi32, #tpu.memory_space<vmem>> -> memref<1x128xi32, #tpu.memory_space<vmem>>
      %dma_wait3A_276 = tpu.memref_squeeze %dma_wait3A_275 : memref<1x128xi32, #tpu.memory_space<vmem>> -> memref<128xi32, #tpu.memory_space<vmem>>
      %dma_wait3A_277 = arith.constant 0 : i32
      %dma_wait3A_278 = arith.constant 0 : i32
      %dma_wait3A_279 = tpu.memref_slice %arg4[%dma_wait3A_277, %dma_wait3A_278] : memref<200000x16xf32, #tpu.memory_space<hbm>> -> memref<200000x16xf32, #tpu.memory_space<hbm>>
      tpu.wait_indirect_dma semaphore(%arg11 : memref<!tpu.dma_semaphore, #tpu.memory_space<semaphore_mem>>) src(%dma_wait3A_279 : memref<200000x16xf32, #tpu.memory_space<hbm>>) dst(%dma_wait3A_273 : memref<128x16xf32, #tpu.memory_space<vmem>>)
      %dma_start3A_280 = arith.constant 11 : i32
      %dma_start3A_281 = arith.constant 3 : i32
      %dma_start3A_282 = arith.constant 0 : i32
      %dma_start3A_283 = arith.constant 0 : i32
      %dma_start3A_284 = tpu.memref_slice %arg8[%dma_start3A_281, %dma_start3A_282, %dma_start3A_283] : memref<8x128x16xf32, #tpu.memory_space<vmem>> -> memref<1x128x16xf32, #tpu.memory_space<vmem>>
      %dma_start3A_285 = tpu.memref_squeeze %dma_start3A_284 : memref<1x128x16xf32, #tpu.memory_space<vmem>> -> memref<128x16xf32, #tpu.memory_space<vmem>>
      %dma_start3A_286 = arith.constant 0 : i32
      %dma_start3A_287 = tpu.memref_slice %arg6[%dma_start3A_280, %dma_start3A_286] : memref<16x128xi32, #tpu.memory_space<vmem>> -> memref<1x128xi32, #tpu.memory_space<vmem>>
      %dma_start3A_288 = tpu.memref_squeeze %dma_start3A_287 : memref<1x128xi32, #tpu.memory_space<vmem>> -> memref<128xi32, #tpu.memory_space<vmem>>
      %dma_start3A_289 = arith.constant 0 : i32
      %dma_start3A_290 = arith.constant 0 : i32
      %dma_start3A_291 = tpu.memref_slice %arg4[%dma_start3A_289, %dma_start3A_290] : memref<200000x16xf32, #tpu.memory_space<hbm>> -> memref<200000x16xf32, #tpu.memory_space<hbm>>
      tpu.enqueue_indirect_dma source(%dma_start3A_291 : memref<200000x16xf32, #tpu.memory_space<hbm>>) target(%dma_start3A_285 : memref<128x16xf32, #tpu.memory_space<vmem>>) offsets(%dma_start3A_288 : memref<128xi32, #tpu.memory_space<vmem>>) semaphore(%arg11 : memref<!tpu.dma_semaphore, #tpu.memory_space<semaphore_mem>>)
      %run_scoped3A_292 = arith.constant 7 : i32
      %run_scoped3A_293 = arith.constant 7 : i32
      "tpu.region"() ({
        %run_scoped3A_454 = tpu.sem_alloc : memref<!tpu.dma_semaphore, #tpu.memory_space<semaphore_mem>>
        %dma_start3A_455 = arith.constant 0 : i32
        %dma_start3A_456 = arith.constant 0 : i32
        %dma_start3A_457 = tpu.memref_slice %arg8[%run_scoped3A_292, %dma_start3A_455, %dma_start3A_456] : memref<8x128x16xf32, #tpu.memory_space<vmem>> -> memref<1x128x16xf32, #tpu.memory_space<vmem>>
        %dma_start3A_458 = tpu.memref_squeeze %dma_start3A_457 : memref<1x128x16xf32, #tpu.memory_space<vmem>> -> memref<128x16xf32, #tpu.memory_space<vmem>>
        %dma_start3A_459 = arith.constant 0 : i32
        %dma_start3A_460 = tpu.memref_slice %arg7[%run_scoped3A_293, %dma_start3A_459] : memref<16x128xi32, #tpu.memory_space<vmem>> -> memref<1x128xi32, #tpu.memory_space<vmem>>
        %dma_start3A_461 = tpu.memref_squeeze %dma_start3A_460 : memref<1x128xi32, #tpu.memory_space<vmem>> -> memref<128xi32, #tpu.memory_space<vmem>>
        %dma_start3A_462 = arith.constant 0 : i32
        %dma_start3A_463 = arith.constant 0 : i32
        %dma_start3A_464 = tpu.memref_slice %arg10[%dma_start3A_462, %dma_start3A_463] : memref<100096x16xf32, #tpu.memory_space<vmem_shared>> -> memref<100096x16xf32, #tpu.memory_space<vmem_shared>>
        tpu.enqueue_indirect_dma source(%dma_start3A_458 : memref<128x16xf32, #tpu.memory_space<vmem>>) target(%dma_start3A_464 : memref<100096x16xf32, #tpu.memory_space<vmem_shared>>) offsets(%dma_start3A_461 : memref<128xi32, #tpu.memory_space<vmem>>) semaphore(%run_scoped3A_454 : memref<!tpu.dma_semaphore, #tpu.memory_space<semaphore_mem>>) {add = true}
        %dma_wait3A_465 = arith.constant 0 : i32
        %dma_wait3A_466 = arith.constant 0 : i32
        %dma_wait3A_467 = tpu.memref_slice %arg8[%run_scoped3A_292, %dma_wait3A_465, %dma_wait3A_466] : memref<8x128x16xf32, #tpu.memory_space<vmem>> -> memref<1x128x16xf32, #tpu.memory_space<vmem>>
        %dma_wait3A_468 = tpu.memref_squeeze %dma_wait3A_467 : memref<1x128x16xf32, #tpu.memory_space<vmem>> -> memref<128x16xf32, #tpu.memory_space<vmem>>
        %dma_wait3A_469 = arith.constant 0 : i32
        %dma_wait3A_470 = tpu.memref_slice %arg7[%run_scoped3A_293, %dma_wait3A_469] : memref<16x128xi32, #tpu.memory_space<vmem>> -> memref<1x128xi32, #tpu.memory_space<vmem>>
        %dma_wait3A_471 = tpu.memref_squeeze %dma_wait3A_470 : memref<1x128xi32, #tpu.memory_space<vmem>> -> memref<128xi32, #tpu.memory_space<vmem>>
        %dma_wait3A_472 = arith.constant 0 : i32
        %dma_wait3A_473 = arith.constant 0 : i32
        %dma_wait3A_474 = tpu.memref_slice %arg10[%dma_wait3A_472, %dma_wait3A_473] : memref<100096x16xf32, #tpu.memory_space<vmem_shared>> -> memref<100096x16xf32, #tpu.memory_space<vmem_shared>>
        tpu.wait_indirect_dma semaphore(%run_scoped3A_454 : memref<!tpu.dma_semaphore, #tpu.memory_space<semaphore_mem>>) src(%dma_wait3A_468 : memref<128x16xf32, #tpu.memory_space<vmem>>) dst(%dma_wait3A_474 : memref<100096x16xf32, #tpu.memory_space<vmem_shared>>)
        tpu.yield
      }) : () -> ()
      %dma_wait3A_294 = arith.constant 8 : i32
      %dma_wait3A_295 = arith.constant 0 : i32
      %dma_wait3A_296 = arith.constant 0 : i32
      %dma_wait3A_297 = arith.constant 0 : i32
      %dma_wait3A_298 = tpu.memref_slice %arg8[%dma_wait3A_295, %dma_wait3A_296, %dma_wait3A_297] : memref<8x128x16xf32, #tpu.memory_space<vmem>> -> memref<1x128x16xf32, #tpu.memory_space<vmem>>
      %dma_wait3A_299 = tpu.memref_squeeze %dma_wait3A_298 : memref<1x128x16xf32, #tpu.memory_space<vmem>> -> memref<128x16xf32, #tpu.memory_space<vmem>>
      %dma_wait3A_300 = arith.constant 0 : i32
      %dma_wait3A_301 = tpu.memref_slice %arg6[%dma_wait3A_294, %dma_wait3A_300] : memref<16x128xi32, #tpu.memory_space<vmem>> -> memref<1x128xi32, #tpu.memory_space<vmem>>
      %dma_wait3A_302 = tpu.memref_squeeze %dma_wait3A_301 : memref<1x128xi32, #tpu.memory_space<vmem>> -> memref<128xi32, #tpu.memory_space<vmem>>
      %dma_wait3A_303 = arith.constant 0 : i32
      %dma_wait3A_304 = arith.constant 0 : i32
      %dma_wait3A_305 = tpu.memref_slice %arg4[%dma_wait3A_303, %dma_wait3A_304] : memref<200000x16xf32, #tpu.memory_space<hbm>> -> memref<200000x16xf32, #tpu.memory_space<hbm>>
      tpu.wait_indirect_dma semaphore(%arg11 : memref<!tpu.dma_semaphore, #tpu.memory_space<semaphore_mem>>) src(%dma_wait3A_305 : memref<200000x16xf32, #tpu.memory_space<hbm>>) dst(%dma_wait3A_299 : memref<128x16xf32, #tpu.memory_space<vmem>>)
      %dma_start3A_306 = arith.constant 12 : i32
      %dma_start3A_307 = arith.constant 4 : i32
      %dma_start3A_308 = arith.constant 0 : i32
      %dma_start3A_309 = arith.constant 0 : i32
      %dma_start3A_310 = tpu.memref_slice %arg8[%dma_start3A_307, %dma_start3A_308, %dma_start3A_309] : memref<8x128x16xf32, #tpu.memory_space<vmem>> -> memref<1x128x16xf32, #tpu.memory_space<vmem>>
      %dma_start3A_311 = tpu.memref_squeeze %dma_start3A_310 : memref<1x128x16xf32, #tpu.memory_space<vmem>> -> memref<128x16xf32, #tpu.memory_space<vmem>>
      %dma_start3A_312 = arith.constant 0 : i32
      %dma_start3A_313 = tpu.memref_slice %arg6[%dma_start3A_306, %dma_start3A_312] : memref<16x128xi32, #tpu.memory_space<vmem>> -> memref<1x128xi32, #tpu.memory_space<vmem>>
      %dma_start3A_314 = tpu.memref_squeeze %dma_start3A_313 : memref<1x128xi32, #tpu.memory_space<vmem>> -> memref<128xi32, #tpu.memory_space<vmem>>
      %dma_start3A_315 = arith.constant 0 : i32
      %dma_start3A_316 = arith.constant 0 : i32
      %dma_start3A_317 = tpu.memref_slice %arg4[%dma_start3A_315, %dma_start3A_316] : memref<200000x16xf32, #tpu.memory_space<hbm>> -> memref<200000x16xf32, #tpu.memory_space<hbm>>
      tpu.enqueue_indirect_dma source(%dma_start3A_317 : memref<200000x16xf32, #tpu.memory_space<hbm>>) target(%dma_start3A_311 : memref<128x16xf32, #tpu.memory_space<vmem>>) offsets(%dma_start3A_314 : memref<128xi32, #tpu.memory_space<vmem>>) semaphore(%arg11 : memref<!tpu.dma_semaphore, #tpu.memory_space<semaphore_mem>>)
      %run_scoped3A_318 = arith.constant 0 : i32
      %run_scoped3A_319 = arith.constant 8 : i32
      "tpu.region"() ({
        %run_scoped3A_454 = tpu.sem_alloc : memref<!tpu.dma_semaphore, #tpu.memory_space<semaphore_mem>>
        %dma_start3A_455 = arith.constant 0 : i32
        %dma_start3A_456 = arith.constant 0 : i32
        %dma_start3A_457 = tpu.memref_slice %arg8[%run_scoped3A_318, %dma_start3A_455, %dma_start3A_456] : memref<8x128x16xf32, #tpu.memory_space<vmem>> -> memref<1x128x16xf32, #tpu.memory_space<vmem>>
        %dma_start3A_458 = tpu.memref_squeeze %dma_start3A_457 : memref<1x128x16xf32, #tpu.memory_space<vmem>> -> memref<128x16xf32, #tpu.memory_space<vmem>>
        %dma_start3A_459 = arith.constant 0 : i32
        %dma_start3A_460 = tpu.memref_slice %arg7[%run_scoped3A_319, %dma_start3A_459] : memref<16x128xi32, #tpu.memory_space<vmem>> -> memref<1x128xi32, #tpu.memory_space<vmem>>
        %dma_start3A_461 = tpu.memref_squeeze %dma_start3A_460 : memref<1x128xi32, #tpu.memory_space<vmem>> -> memref<128xi32, #tpu.memory_space<vmem>>
        %dma_start3A_462 = arith.constant 0 : i32
        %dma_start3A_463 = arith.constant 0 : i32
        %dma_start3A_464 = tpu.memref_slice %arg10[%dma_start3A_462, %dma_start3A_463] : memref<100096x16xf32, #tpu.memory_space<vmem_shared>> -> memref<100096x16xf32, #tpu.memory_space<vmem_shared>>
        tpu.enqueue_indirect_dma source(%dma_start3A_458 : memref<128x16xf32, #tpu.memory_space<vmem>>) target(%dma_start3A_464 : memref<100096x16xf32, #tpu.memory_space<vmem_shared>>) offsets(%dma_start3A_461 : memref<128xi32, #tpu.memory_space<vmem>>) semaphore(%run_scoped3A_454 : memref<!tpu.dma_semaphore, #tpu.memory_space<semaphore_mem>>) {add = true}
        %dma_wait3A_465 = arith.constant 0 : i32
        %dma_wait3A_466 = arith.constant 0 : i32
        %dma_wait3A_467 = tpu.memref_slice %arg8[%run_scoped3A_318, %dma_wait3A_465, %dma_wait3A_466] : memref<8x128x16xf32, #tpu.memory_space<vmem>> -> memref<1x128x16xf32, #tpu.memory_space<vmem>>
        %dma_wait3A_468 = tpu.memref_squeeze %dma_wait3A_467 : memref<1x128x16xf32, #tpu.memory_space<vmem>> -> memref<128x16xf32, #tpu.memory_space<vmem>>
        %dma_wait3A_469 = arith.constant 0 : i32
        %dma_wait3A_470 = tpu.memref_slice %arg7[%run_scoped3A_319, %dma_wait3A_469] : memref<16x128xi32, #tpu.memory_space<vmem>> -> memref<1x128xi32, #tpu.memory_space<vmem>>
        %dma_wait3A_471 = tpu.memref_squeeze %dma_wait3A_470 : memref<1x128xi32, #tpu.memory_space<vmem>> -> memref<128xi32, #tpu.memory_space<vmem>>
        %dma_wait3A_472 = arith.constant 0 : i32
        %dma_wait3A_473 = arith.constant 0 : i32
        %dma_wait3A_474 = tpu.memref_slice %arg10[%dma_wait3A_472, %dma_wait3A_473] : memref<100096x16xf32, #tpu.memory_space<vmem_shared>> -> memref<100096x16xf32, #tpu.memory_space<vmem_shared>>
        tpu.wait_indirect_dma semaphore(%run_scoped3A_454 : memref<!tpu.dma_semaphore, #tpu.memory_space<semaphore_mem>>) src(%dma_wait3A_468 : memref<128x16xf32, #tpu.memory_space<vmem>>) dst(%dma_wait3A_474 : memref<100096x16xf32, #tpu.memory_space<vmem_shared>>)
        tpu.yield
      }) : () -> ()
      %dma_wait3A_320 = arith.constant 9 : i32
      %dma_wait3A_321 = arith.constant 1 : i32
      %dma_wait3A_322 = arith.constant 0 : i32
      %dma_wait3A_323 = arith.constant 0 : i32
      %dma_wait3A_324 = tpu.memref_slice %arg8[%dma_wait3A_321, %dma_wait3A_322, %dma_wait3A_323] : memref<8x128x16xf32, #tpu.memory_space<vmem>> -> memref<1x128x16xf32, #tpu.memory_space<vmem>>
      %dma_wait3A_325 = tpu.memref_squeeze %dma_wait3A_324 : memref<1x128x16xf32, #tpu.memory_space<vmem>> -> memref<128x16xf32, #tpu.memory_space<vmem>>
      %dma_wait3A_326 = arith.constant 0 : i32
      %dma_wait3A_327 = tpu.memref_slice %arg6[%dma_wait3A_320, %dma_wait3A_326] : memref<16x128xi32, #tpu.memory_space<vmem>> -> memref<1x128xi32, #tpu.memory_space<vmem>>
      %dma_wait3A_328 = tpu.memref_squeeze %dma_wait3A_327 : memref<1x128xi32, #tpu.memory_space<vmem>> -> memref<128xi32, #tpu.memory_space<vmem>>
      %dma_wait3A_329 = arith.constant 0 : i32
      %dma_wait3A_330 = arith.constant 0 : i32
      %dma_wait3A_331 = tpu.memref_slice %arg4[%dma_wait3A_329, %dma_wait3A_330] : memref<200000x16xf32, #tpu.memory_space<hbm>> -> memref<200000x16xf32, #tpu.memory_space<hbm>>
      tpu.wait_indirect_dma semaphore(%arg11 : memref<!tpu.dma_semaphore, #tpu.memory_space<semaphore_mem>>) src(%dma_wait3A_331 : memref<200000x16xf32, #tpu.memory_space<hbm>>) dst(%dma_wait3A_325 : memref<128x16xf32, #tpu.memory_space<vmem>>)
      %dma_start3A_332 = arith.constant 13 : i32
      %dma_start3A_333 = arith.constant 5 : i32
      %dma_start3A_334 = arith.constant 0 : i32
      %dma_start3A_335 = arith.constant 0 : i32
      %dma_start3A_336 = tpu.memref_slice %arg8[%dma_start3A_333, %dma_start3A_334, %dma_start3A_335] : memref<8x128x16xf32, #tpu.memory_space<vmem>> -> memref<1x128x16xf32, #tpu.memory_space<vmem>>
      %dma_start3A_337 = tpu.memref_squeeze %dma_start3A_336 : memref<1x128x16xf32, #tpu.memory_space<vmem>> -> memref<128x16xf32, #tpu.memory_space<vmem>>
      %dma_start3A_338 = arith.constant 0 : i32
      %dma_start3A_339 = tpu.memref_slice %arg6[%dma_start3A_332, %dma_start3A_338] : memref<16x128xi32, #tpu.memory_space<vmem>> -> memref<1x128xi32, #tpu.memory_space<vmem>>
      %dma_start3A_340 = tpu.memref_squeeze %dma_start3A_339 : memref<1x128xi32, #tpu.memory_space<vmem>> -> memref<128xi32, #tpu.memory_space<vmem>>
      %dma_start3A_341 = arith.constant 0 : i32
      %dma_start3A_342 = arith.constant 0 : i32
      %dma_start3A_343 = tpu.memref_slice %arg4[%dma_start3A_341, %dma_start3A_342] : memref<200000x16xf32, #tpu.memory_space<hbm>> -> memref<200000x16xf32, #tpu.memory_space<hbm>>
      tpu.enqueue_indirect_dma source(%dma_start3A_343 : memref<200000x16xf32, #tpu.memory_space<hbm>>) target(%dma_start3A_337 : memref<128x16xf32, #tpu.memory_space<vmem>>) offsets(%dma_start3A_340 : memref<128xi32, #tpu.memory_space<vmem>>) semaphore(%arg11 : memref<!tpu.dma_semaphore, #tpu.memory_space<semaphore_mem>>)
      %run_scoped3A_344 = arith.constant 1 : i32
      %run_scoped3A_345 = arith.constant 9 : i32
      "tpu.region"() ({
        %run_scoped3A_454 = tpu.sem_alloc : memref<!tpu.dma_semaphore, #tpu.memory_space<semaphore_mem>>
        %dma_start3A_455 = arith.constant 0 : i32
        %dma_start3A_456 = arith.constant 0 : i32
        %dma_start3A_457 = tpu.memref_slice %arg8[%run_scoped3A_344, %dma_start3A_455, %dma_start3A_456] : memref<8x128x16xf32, #tpu.memory_space<vmem>> -> memref<1x128x16xf32, #tpu.memory_space<vmem>>
        %dma_start3A_458 = tpu.memref_squeeze %dma_start3A_457 : memref<1x128x16xf32, #tpu.memory_space<vmem>> -> memref<128x16xf32, #tpu.memory_space<vmem>>
        %dma_start3A_459 = arith.constant 0 : i32
        %dma_start3A_460 = tpu.memref_slice %arg7[%run_scoped3A_345, %dma_start3A_459] : memref<16x128xi32, #tpu.memory_space<vmem>> -> memref<1x128xi32, #tpu.memory_space<vmem>>
        %dma_start3A_461 = tpu.memref_squeeze %dma_start3A_460 : memref<1x128xi32, #tpu.memory_space<vmem>> -> memref<128xi32, #tpu.memory_space<vmem>>
        %dma_start3A_462 = arith.constant 0 : i32
        %dma_start3A_463 = arith.constant 0 : i32
        %dma_start3A_464 = tpu.memref_slice %arg10[%dma_start3A_462, %dma_start3A_463] : memref<100096x16xf32, #tpu.memory_space<vmem_shared>> -> memref<100096x16xf32, #tpu.memory_space<vmem_shared>>
        tpu.enqueue_indirect_dma source(%dma_start3A_458 : memref<128x16xf32, #tpu.memory_space<vmem>>) target(%dma_start3A_464 : memref<100096x16xf32, #tpu.memory_space<vmem_shared>>) offsets(%dma_start3A_461 : memref<128xi32, #tpu.memory_space<vmem>>) semaphore(%run_scoped3A_454 : memref<!tpu.dma_semaphore, #tpu.memory_space<semaphore_mem>>) {add = true}
        %dma_wait3A_465 = arith.constant 0 : i32
        %dma_wait3A_466 = arith.constant 0 : i32
        %dma_wait3A_467 = tpu.memref_slice %arg8[%run_scoped3A_344, %dma_wait3A_465, %dma_wait3A_466] : memref<8x128x16xf32, #tpu.memory_space<vmem>> -> memref<1x128x16xf32, #tpu.memory_space<vmem>>
        %dma_wait3A_468 = tpu.memref_squeeze %dma_wait3A_467 : memref<1x128x16xf32, #tpu.memory_space<vmem>> -> memref<128x16xf32, #tpu.memory_space<vmem>>
        %dma_wait3A_469 = arith.constant 0 : i32
        %dma_wait3A_470 = tpu.memref_slice %arg7[%run_scoped3A_345, %dma_wait3A_469] : memref<16x128xi32, #tpu.memory_space<vmem>> -> memref<1x128xi32, #tpu.memory_space<vmem>>
        %dma_wait3A_471 = tpu.memref_squeeze %dma_wait3A_470 : memref<1x128xi32, #tpu.memory_space<vmem>> -> memref<128xi32, #tpu.memory_space<vmem>>
        %dma_wait3A_472 = arith.constant 0 : i32
        %dma_wait3A_473 = arith.constant 0 : i32
        %dma_wait3A_474 = tpu.memref_slice %arg10[%dma_wait3A_472, %dma_wait3A_473] : memref<100096x16xf32, #tpu.memory_space<vmem_shared>> -> memref<100096x16xf32, #tpu.memory_space<vmem_shared>>
        tpu.wait_indirect_dma semaphore(%run_scoped3A_454 : memref<!tpu.dma_semaphore, #tpu.memory_space<semaphore_mem>>) src(%dma_wait3A_468 : memref<128x16xf32, #tpu.memory_space<vmem>>) dst(%dma_wait3A_474 : memref<100096x16xf32, #tpu.memory_space<vmem_shared>>)
        tpu.yield
      }) : () -> ()
      %dma_wait3A_346 = arith.constant 10 : i32
      %dma_wait3A_347 = arith.constant 2 : i32
      %dma_wait3A_348 = arith.constant 0 : i32
      %dma_wait3A_349 = arith.constant 0 : i32
      %dma_wait3A_350 = tpu.memref_slice %arg8[%dma_wait3A_347, %dma_wait3A_348, %dma_wait3A_349] : memref<8x128x16xf32, #tpu.memory_space<vmem>> -> memref<1x128x16xf32, #tpu.memory_space<vmem>>
      %dma_wait3A_351 = tpu.memref_squeeze %dma_wait3A_350 : memref<1x128x16xf32, #tpu.memory_space<vmem>> -> memref<128x16xf32, #tpu.memory_space<vmem>>
      %dma_wait3A_352 = arith.constant 0 : i32
      %dma_wait3A_353 = tpu.memref_slice %arg6[%dma_wait3A_346, %dma_wait3A_352] : memref<16x128xi32, #tpu.memory_space<vmem>> -> memref<1x128xi32, #tpu.memory_space<vmem>>
      %dma_wait3A_354 = tpu.memref_squeeze %dma_wait3A_353 : memref<1x128xi32, #tpu.memory_space<vmem>> -> memref<128xi32, #tpu.memory_space<vmem>>
      %dma_wait3A_355 = arith.constant 0 : i32
      %dma_wait3A_356 = arith.constant 0 : i32
      %dma_wait3A_357 = tpu.memref_slice %arg4[%dma_wait3A_355, %dma_wait3A_356] : memref<200000x16xf32, #tpu.memory_space<hbm>> -> memref<200000x16xf32, #tpu.memory_space<hbm>>
      tpu.wait_indirect_dma semaphore(%arg11 : memref<!tpu.dma_semaphore, #tpu.memory_space<semaphore_mem>>) src(%dma_wait3A_357 : memref<200000x16xf32, #tpu.memory_space<hbm>>) dst(%dma_wait3A_351 : memref<128x16xf32, #tpu.memory_space<vmem>>)
      %dma_start3A_358 = arith.constant 14 : i32
      %dma_start3A_359 = arith.constant 6 : i32
      %dma_start3A_360 = arith.constant 0 : i32
      %dma_start3A_361 = arith.constant 0 : i32
      %dma_start3A_362 = tpu.memref_slice %arg8[%dma_start3A_359, %dma_start3A_360, %dma_start3A_361] : memref<8x128x16xf32, #tpu.memory_space<vmem>> -> memref<1x128x16xf32, #tpu.memory_space<vmem>>
      %dma_start3A_363 = tpu.memref_squeeze %dma_start3A_362 : memref<1x128x16xf32, #tpu.memory_space<vmem>> -> memref<128x16xf32, #tpu.memory_space<vmem>>
      %dma_start3A_364 = arith.constant 0 : i32
      %dma_start3A_365 = tpu.memref_slice %arg6[%dma_start3A_358, %dma_start3A_364] : memref<16x128xi32, #tpu.memory_space<vmem>> -> memref<1x128xi32, #tpu.memory_space<vmem>>
      %dma_start3A_366 = tpu.memref_squeeze %dma_start3A_365 : memref<1x128xi32, #tpu.memory_space<vmem>> -> memref<128xi32, #tpu.memory_space<vmem>>
      %dma_start3A_367 = arith.constant 0 : i32
      %dma_start3A_368 = arith.constant 0 : i32
      %dma_start3A_369 = tpu.memref_slice %arg4[%dma_start3A_367, %dma_start3A_368] : memref<200000x16xf32, #tpu.memory_space<hbm>> -> memref<200000x16xf32, #tpu.memory_space<hbm>>
      tpu.enqueue_indirect_dma source(%dma_start3A_369 : memref<200000x16xf32, #tpu.memory_space<hbm>>) target(%dma_start3A_363 : memref<128x16xf32, #tpu.memory_space<vmem>>) offsets(%dma_start3A_366 : memref<128xi32, #tpu.memory_space<vmem>>) semaphore(%arg11 : memref<!tpu.dma_semaphore, #tpu.memory_space<semaphore_mem>>)
      %run_scoped3A_370 = arith.constant 2 : i32
      %run_scoped3A_371 = arith.constant 10 : i32
      "tpu.region"() ({
        %run_scoped3A_454 = tpu.sem_alloc : memref<!tpu.dma_semaphore, #tpu.memory_space<semaphore_mem>>
        %dma_start3A_455 = arith.constant 0 : i32
        %dma_start3A_456 = arith.constant 0 : i32
        %dma_start3A_457 = tpu.memref_slice %arg8[%run_scoped3A_370, %dma_start3A_455, %dma_start3A_456] : memref<8x128x16xf32, #tpu.memory_space<vmem>> -> memref<1x128x16xf32, #tpu.memory_space<vmem>>
        %dma_start3A_458 = tpu.memref_squeeze %dma_start3A_457 : memref<1x128x16xf32, #tpu.memory_space<vmem>> -> memref<128x16xf32, #tpu.memory_space<vmem>>
        %dma_start3A_459 = arith.constant 0 : i32
        %dma_start3A_460 = tpu.memref_slice %arg7[%run_scoped3A_371, %dma_start3A_459] : memref<16x128xi32, #tpu.memory_space<vmem>> -> memref<1x128xi32, #tpu.memory_space<vmem>>
        %dma_start3A_461 = tpu.memref_squeeze %dma_start3A_460 : memref<1x128xi32, #tpu.memory_space<vmem>> -> memref<128xi32, #tpu.memory_space<vmem>>
        %dma_start3A_462 = arith.constant 0 : i32
        %dma_start3A_463 = arith.constant 0 : i32
        %dma_start3A_464 = tpu.memref_slice %arg10[%dma_start3A_462, %dma_start3A_463] : memref<100096x16xf32, #tpu.memory_space<vmem_shared>> -> memref<100096x16xf32, #tpu.memory_space<vmem_shared>>
        tpu.enqueue_indirect_dma source(%dma_start3A_458 : memref<128x16xf32, #tpu.memory_space<vmem>>) target(%dma_start3A_464 : memref<100096x16xf32, #tpu.memory_space<vmem_shared>>) offsets(%dma_start3A_461 : memref<128xi32, #tpu.memory_space<vmem>>) semaphore(%run_scoped3A_454 : memref<!tpu.dma_semaphore, #tpu.memory_space<semaphore_mem>>) {add = true}
        %dma_wait3A_465 = arith.constant 0 : i32
        %dma_wait3A_466 = arith.constant 0 : i32
        %dma_wait3A_467 = tpu.memref_slice %arg8[%run_scoped3A_370, %dma_wait3A_465, %dma_wait3A_466] : memref<8x128x16xf32, #tpu.memory_space<vmem>> -> memref<1x128x16xf32, #tpu.memory_space<vmem>>
        %dma_wait3A_468 = tpu.memref_squeeze %dma_wait3A_467 : memref<1x128x16xf32, #tpu.memory_space<vmem>> -> memref<128x16xf32, #tpu.memory_space<vmem>>
        %dma_wait3A_469 = arith.constant 0 : i32
        %dma_wait3A_470 = tpu.memref_slice %arg7[%run_scoped3A_371, %dma_wait3A_469] : memref<16x128xi32, #tpu.memory_space<vmem>> -> memref<1x128xi32, #tpu.memory_space<vmem>>
        %dma_wait3A_471 = tpu.memref_squeeze %dma_wait3A_470 : memref<1x128xi32, #tpu.memory_space<vmem>> -> memref<128xi32, #tpu.memory_space<vmem>>
        %dma_wait3A_472 = arith.constant 0 : i32
        %dma_wait3A_473 = arith.constant 0 : i32
        %dma_wait3A_474 = tpu.memref_slice %arg10[%dma_wait3A_472, %dma_wait3A_473] : memref<100096x16xf32, #tpu.memory_space<vmem_shared>> -> memref<100096x16xf32, #tpu.memory_space<vmem_shared>>
        tpu.wait_indirect_dma semaphore(%run_scoped3A_454 : memref<!tpu.dma_semaphore, #tpu.memory_space<semaphore_mem>>) src(%dma_wait3A_468 : memref<128x16xf32, #tpu.memory_space<vmem>>) dst(%dma_wait3A_474 : memref<100096x16xf32, #tpu.memory_space<vmem_shared>>)
        tpu.yield
      }) : () -> ()
      %dma_wait3A_372 = arith.constant 11 : i32
      %dma_wait3A_373 = arith.constant 3 : i32
      %dma_wait3A_374 = arith.constant 0 : i32
      %dma_wait3A_375 = arith.constant 0 : i32
      %dma_wait3A_376 = tpu.memref_slice %arg8[%dma_wait3A_373, %dma_wait3A_374, %dma_wait3A_375] : memref<8x128x16xf32, #tpu.memory_space<vmem>> -> memref<1x128x16xf32, #tpu.memory_space<vmem>>
      %dma_wait3A_377 = tpu.memref_squeeze %dma_wait3A_376 : memref<1x128x16xf32, #tpu.memory_space<vmem>> -> memref<128x16xf32, #tpu.memory_space<vmem>>
      %dma_wait3A_378 = arith.constant 0 : i32
      %dma_wait3A_379 = tpu.memref_slice %arg6[%dma_wait3A_372, %dma_wait3A_378] : memref<16x128xi32, #tpu.memory_space<vmem>> -> memref<1x128xi32, #tpu.memory_space<vmem>>
      %dma_wait3A_380 = tpu.memref_squeeze %dma_wait3A_379 : memref<1x128xi32, #tpu.memory_space<vmem>> -> memref<128xi32, #tpu.memory_space<vmem>>
      %dma_wait3A_381 = arith.constant 0 : i32
      %dma_wait3A_382 = arith.constant 0 : i32
      %dma_wait3A_383 = tpu.memref_slice %arg4[%dma_wait3A_381, %dma_wait3A_382] : memref<200000x16xf32, #tpu.memory_space<hbm>> -> memref<200000x16xf32, #tpu.memory_space<hbm>>
      tpu.wait_indirect_dma semaphore(%arg11 : memref<!tpu.dma_semaphore, #tpu.memory_space<semaphore_mem>>) src(%dma_wait3A_383 : memref<200000x16xf32, #tpu.memory_space<hbm>>) dst(%dma_wait3A_377 : memref<128x16xf32, #tpu.memory_space<vmem>>)
      %dma_start3A_384 = arith.constant 15 : i32
      %dma_start3A_385 = arith.constant 7 : i32
      %dma_start3A_386 = arith.constant 0 : i32
      %dma_start3A_387 = arith.constant 0 : i32
      %dma_start3A_388 = tpu.memref_slice %arg8[%dma_start3A_385, %dma_start3A_386, %dma_start3A_387] : memref<8x128x16xf32, #tpu.memory_space<vmem>> -> memref<1x128x16xf32, #tpu.memory_space<vmem>>
      %dma_start3A_389 = tpu.memref_squeeze %dma_start3A_388 : memref<1x128x16xf32, #tpu.memory_space<vmem>> -> memref<128x16xf32, #tpu.memory_space<vmem>>
      %dma_start3A_390 = arith.constant 0 : i32
      %dma_start3A_391 = tpu.memref_slice %arg6[%dma_start3A_384, %dma_start3A_390] : memref<16x128xi32, #tpu.memory_space<vmem>> -> memref<1x128xi32, #tpu.memory_space<vmem>>
      %dma_start3A_392 = tpu.memref_squeeze %dma_start3A_391 : memref<1x128xi32, #tpu.memory_space<vmem>> -> memref<128xi32, #tpu.memory_space<vmem>>
      %dma_start3A_393 = arith.constant 0 : i32
      %dma_start3A_394 = arith.constant 0 : i32
      %dma_start3A_395 = tpu.memref_slice %arg4[%dma_start3A_393, %dma_start3A_394] : memref<200000x16xf32, #tpu.memory_space<hbm>> -> memref<200000x16xf32, #tpu.memory_space<hbm>>
      tpu.enqueue_indirect_dma source(%dma_start3A_395 : memref<200000x16xf32, #tpu.memory_space<hbm>>) target(%dma_start3A_389 : memref<128x16xf32, #tpu.memory_space<vmem>>) offsets(%dma_start3A_392 : memref<128xi32, #tpu.memory_space<vmem>>) semaphore(%arg11 : memref<!tpu.dma_semaphore, #tpu.memory_space<semaphore_mem>>)
      %run_scoped3A_396 = arith.constant 3 : i32
      %run_scoped3A_397 = arith.constant 11 : i32
      "tpu.region"() ({
        %run_scoped3A_454 = tpu.sem_alloc : memref<!tpu.dma_semaphore, #tpu.memory_space<semaphore_mem>>
        %dma_start3A_455 = arith.constant 0 : i32
        %dma_start3A_456 = arith.constant 0 : i32
        %dma_start3A_457 = tpu.memref_slice %arg8[%run_scoped3A_396, %dma_start3A_455, %dma_start3A_456] : memref<8x128x16xf32, #tpu.memory_space<vmem>> -> memref<1x128x16xf32, #tpu.memory_space<vmem>>
        %dma_start3A_458 = tpu.memref_squeeze %dma_start3A_457 : memref<1x128x16xf32, #tpu.memory_space<vmem>> -> memref<128x16xf32, #tpu.memory_space<vmem>>
        %dma_start3A_459 = arith.constant 0 : i32
        %dma_start3A_460 = tpu.memref_slice %arg7[%run_scoped3A_397, %dma_start3A_459] : memref<16x128xi32, #tpu.memory_space<vmem>> -> memref<1x128xi32, #tpu.memory_space<vmem>>
        %dma_start3A_461 = tpu.memref_squeeze %dma_start3A_460 : memref<1x128xi32, #tpu.memory_space<vmem>> -> memref<128xi32, #tpu.memory_space<vmem>>
        %dma_start3A_462 = arith.constant 0 : i32
        %dma_start3A_463 = arith.constant 0 : i32
        %dma_start3A_464 = tpu.memref_slice %arg10[%dma_start3A_462, %dma_start3A_463] : memref<100096x16xf32, #tpu.memory_space<vmem_shared>> -> memref<100096x16xf32, #tpu.memory_space<vmem_shared>>
        tpu.enqueue_indirect_dma source(%dma_start3A_458 : memref<128x16xf32, #tpu.memory_space<vmem>>) target(%dma_start3A_464 : memref<100096x16xf32, #tpu.memory_space<vmem_shared>>) offsets(%dma_start3A_461 : memref<128xi32, #tpu.memory_space<vmem>>) semaphore(%run_scoped3A_454 : memref<!tpu.dma_semaphore, #tpu.memory_space<semaphore_mem>>) {add = true}
        %dma_wait3A_465 = arith.constant 0 : i32
        %dma_wait3A_466 = arith.constant 0 : i32
        %dma_wait3A_467 = tpu.memref_slice %arg8[%run_scoped3A_396, %dma_wait3A_465, %dma_wait3A_466] : memref<8x128x16xf32, #tpu.memory_space<vmem>> -> memref<1x128x16xf32, #tpu.memory_space<vmem>>
        %dma_wait3A_468 = tpu.memref_squeeze %dma_wait3A_467 : memref<1x128x16xf32, #tpu.memory_space<vmem>> -> memref<128x16xf32, #tpu.memory_space<vmem>>
        %dma_wait3A_469 = arith.constant 0 : i32
        %dma_wait3A_470 = tpu.memref_slice %arg7[%run_scoped3A_397, %dma_wait3A_469] : memref<16x128xi32, #tpu.memory_space<vmem>> -> memref<1x128xi32, #tpu.memory_space<vmem>>
        %dma_wait3A_471 = tpu.memref_squeeze %dma_wait3A_470 : memref<1x128xi32, #tpu.memory_space<vmem>> -> memref<128xi32, #tpu.memory_space<vmem>>
        %dma_wait3A_472 = arith.constant 0 : i32
        %dma_wait3A_473 = arith.constant 0 : i32
        %dma_wait3A_474 = tpu.memref_slice %arg10[%dma_wait3A_472, %dma_wait3A_473] : memref<100096x16xf32, #tpu.memory_space<vmem_shared>> -> memref<100096x16xf32, #tpu.memory_space<vmem_shared>>
        tpu.wait_indirect_dma semaphore(%run_scoped3A_454 : memref<!tpu.dma_semaphore, #tpu.memory_space<semaphore_mem>>) src(%dma_wait3A_468 : memref<128x16xf32, #tpu.memory_space<vmem>>) dst(%dma_wait3A_474 : memref<100096x16xf32, #tpu.memory_space<vmem_shared>>)
        tpu.yield
      }) : () -> ()
      %dma_wait3A_398 = arith.constant 12 : i32
      %dma_wait3A_399 = arith.constant 4 : i32
      %dma_wait3A_400 = arith.constant 0 : i32
      %dma_wait3A_401 = arith.constant 0 : i32
      %dma_wait3A_402 = tpu.memref_slice %arg8[%dma_wait3A_399, %dma_wait3A_400, %dma_wait3A_401] : memref<8x128x16xf32, #tpu.memory_space<vmem>> -> memref<1x128x16xf32, #tpu.memory_space<vmem>>
      %dma_wait3A_403 = tpu.memref_squeeze %dma_wait3A_402 : memref<1x128x16xf32, #tpu.memory_space<vmem>> -> memref<128x16xf32, #tpu.memory_space<vmem>>
      %dma_wait3A_404 = arith.constant 0 : i32
      %dma_wait3A_405 = tpu.memref_slice %arg6[%dma_wait3A_398, %dma_wait3A_404] : memref<16x128xi32, #tpu.memory_space<vmem>> -> memref<1x128xi32, #tpu.memory_space<vmem>>
      %dma_wait3A_406 = tpu.memref_squeeze %dma_wait3A_405 : memref<1x128xi32, #tpu.memory_space<vmem>> -> memref<128xi32, #tpu.memory_space<vmem>>
      %dma_wait3A_407 = arith.constant 0 : i32
      %dma_wait3A_408 = arith.constant 0 : i32
      %dma_wait3A_409 = tpu.memref_slice %arg4[%dma_wait3A_407, %dma_wait3A_408] : memref<200000x16xf32, #tpu.memory_space<hbm>> -> memref<200000x16xf32, #tpu.memory_space<hbm>>
      tpu.wait_indirect_dma semaphore(%arg11 : memref<!tpu.dma_semaphore, #tpu.memory_space<semaphore_mem>>) src(%dma_wait3A_409 : memref<200000x16xf32, #tpu.memory_space<hbm>>) dst(%dma_wait3A_403 : memref<128x16xf32, #tpu.memory_space<vmem>>)
      %run_scoped3A_410 = arith.constant 4 : i32
      %run_scoped3A_411 = arith.constant 12 : i32
      "tpu.region"() ({
        %run_scoped3A_454 = tpu.sem_alloc : memref<!tpu.dma_semaphore, #tpu.memory_space<semaphore_mem>>
        %dma_start3A_455 = arith.constant 0 : i32
        %dma_start3A_456 = arith.constant 0 : i32
        %dma_start3A_457 = tpu.memref_slice %arg8[%run_scoped3A_410, %dma_start3A_455, %dma_start3A_456] : memref<8x128x16xf32, #tpu.memory_space<vmem>> -> memref<1x128x16xf32, #tpu.memory_space<vmem>>
        %dma_start3A_458 = tpu.memref_squeeze %dma_start3A_457 : memref<1x128x16xf32, #tpu.memory_space<vmem>> -> memref<128x16xf32, #tpu.memory_space<vmem>>
        %dma_start3A_459 = arith.constant 0 : i32
        %dma_start3A_460 = tpu.memref_slice %arg7[%run_scoped3A_411, %dma_start3A_459] : memref<16x128xi32, #tpu.memory_space<vmem>> -> memref<1x128xi32, #tpu.memory_space<vmem>>
        %dma_start3A_461 = tpu.memref_squeeze %dma_start3A_460 : memref<1x128xi32, #tpu.memory_space<vmem>> -> memref<128xi32, #tpu.memory_space<vmem>>
        %dma_start3A_462 = arith.constant 0 : i32
        %dma_start3A_463 = arith.constant 0 : i32
        %dma_start3A_464 = tpu.memref_slice %arg10[%dma_start3A_462, %dma_start3A_463] : memref<100096x16xf32, #tpu.memory_space<vmem_shared>> -> memref<100096x16xf32, #tpu.memory_space<vmem_shared>>
        tpu.enqueue_indirect_dma source(%dma_start3A_458 : memref<128x16xf32, #tpu.memory_space<vmem>>) target(%dma_start3A_464 : memref<100096x16xf32, #tpu.memory_space<vmem_shared>>) offsets(%dma_start3A_461 : memref<128xi32, #tpu.memory_space<vmem>>) semaphore(%run_scoped3A_454 : memref<!tpu.dma_semaphore, #tpu.memory_space<semaphore_mem>>) {add = true}
        %dma_wait3A_465 = arith.constant 0 : i32
        %dma_wait3A_466 = arith.constant 0 : i32
        %dma_wait3A_467 = tpu.memref_slice %arg8[%run_scoped3A_410, %dma_wait3A_465, %dma_wait3A_466] : memref<8x128x16xf32, #tpu.memory_space<vmem>> -> memref<1x128x16xf32, #tpu.memory_space<vmem>>
        %dma_wait3A_468 = tpu.memref_squeeze %dma_wait3A_467 : memref<1x128x16xf32, #tpu.memory_space<vmem>> -> memref<128x16xf32, #tpu.memory_space<vmem>>
        %dma_wait3A_469 = arith.constant 0 : i32
        %dma_wait3A_470 = tpu.memref_slice %arg7[%run_scoped3A_411, %dma_wait3A_469] : memref<16x128xi32, #tpu.memory_space<vmem>> -> memref<1x128xi32, #tpu.memory_space<vmem>>
        %dma_wait3A_471 = tpu.memref_squeeze %dma_wait3A_470 : memref<1x128xi32, #tpu.memory_space<vmem>> -> memref<128xi32, #tpu.memory_space<vmem>>
        %dma_wait3A_472 = arith.constant 0 : i32
        %dma_wait3A_473 = arith.constant 0 : i32
        %dma_wait3A_474 = tpu.memref_slice %arg10[%dma_wait3A_472, %dma_wait3A_473] : memref<100096x16xf32, #tpu.memory_space<vmem_shared>> -> memref<100096x16xf32, #tpu.memory_space<vmem_shared>>
        tpu.wait_indirect_dma semaphore(%run_scoped3A_454 : memref<!tpu.dma_semaphore, #tpu.memory_space<semaphore_mem>>) src(%dma_wait3A_468 : memref<128x16xf32, #tpu.memory_space<vmem>>) dst(%dma_wait3A_474 : memref<100096x16xf32, #tpu.memory_space<vmem_shared>>)
        tpu.yield
      }) : () -> ()
      %dma_wait3A_412 = arith.constant 13 : i32
      %dma_wait3A_413 = arith.constant 5 : i32
      %dma_wait3A_414 = arith.constant 0 : i32
      %dma_wait3A_415 = arith.constant 0 : i32
      %dma_wait3A_416 = tpu.memref_slice %arg8[%dma_wait3A_413, %dma_wait3A_414, %dma_wait3A_415] : memref<8x128x16xf32, #tpu.memory_space<vmem>> -> memref<1x128x16xf32, #tpu.memory_space<vmem>>
      %dma_wait3A_417 = tpu.memref_squeeze %dma_wait3A_416 : memref<1x128x16xf32, #tpu.memory_space<vmem>> -> memref<128x16xf32, #tpu.memory_space<vmem>>
      %dma_wait3A_418 = arith.constant 0 : i32
      %dma_wait3A_419 = tpu.memref_slice %arg6[%dma_wait3A_412, %dma_wait3A_418] : memref<16x128xi32, #tpu.memory_space<vmem>> -> memref<1x128xi32, #tpu.memory_space<vmem>>
      %dma_wait3A_420 = tpu.memref_squeeze %dma_wait3A_419 : memref<1x128xi32, #tpu.memory_space<vmem>> -> memref<128xi32, #tpu.memory_space<vmem>>
      %dma_wait3A_421 = arith.constant 0 : i32
      %dma_wait3A_422 = arith.constant 0 : i32
      %dma_wait3A_423 = tpu.memref_slice %arg4[%dma_wait3A_421, %dma_wait3A_422] : memref<200000x16xf32, #tpu.memory_space<hbm>> -> memref<200000x16xf32, #tpu.memory_space<hbm>>
      tpu.wait_indirect_dma semaphore(%arg11 : memref<!tpu.dma_semaphore, #tpu.memory_space<semaphore_mem>>) src(%dma_wait3A_423 : memref<200000x16xf32, #tpu.memory_space<hbm>>) dst(%dma_wait3A_417 : memref<128x16xf32, #tpu.memory_space<vmem>>)
      %run_scoped3A_424 = arith.constant 5 : i32
      %run_scoped3A_425 = arith.constant 13 : i32
      "tpu.region"() ({
        %run_scoped3A_454 = tpu.sem_alloc : memref<!tpu.dma_semaphore, #tpu.memory_space<semaphore_mem>>
        %dma_start3A_455 = arith.constant 0 : i32
        %dma_start3A_456 = arith.constant 0 : i32
        %dma_start3A_457 = tpu.memref_slice %arg8[%run_scoped3A_424, %dma_start3A_455, %dma_start3A_456] : memref<8x128x16xf32, #tpu.memory_space<vmem>> -> memref<1x128x16xf32, #tpu.memory_space<vmem>>
        %dma_start3A_458 = tpu.memref_squeeze %dma_start3A_457 : memref<1x128x16xf32, #tpu.memory_space<vmem>> -> memref<128x16xf32, #tpu.memory_space<vmem>>
        %dma_start3A_459 = arith.constant 0 : i32
        %dma_start3A_460 = tpu.memref_slice %arg7[%run_scoped3A_425, %dma_start3A_459] : memref<16x128xi32, #tpu.memory_space<vmem>> -> memref<1x128xi32, #tpu.memory_space<vmem>>
        %dma_start3A_461 = tpu.memref_squeeze %dma_start3A_460 : memref<1x128xi32, #tpu.memory_space<vmem>> -> memref<128xi32, #tpu.memory_space<vmem>>
        %dma_start3A_462 = arith.constant 0 : i32
        %dma_start3A_463 = arith.constant 0 : i32
        %dma_start3A_464 = tpu.memref_slice %arg10[%dma_start3A_462, %dma_start3A_463] : memref<100096x16xf32, #tpu.memory_space<vmem_shared>> -> memref<100096x16xf32, #tpu.memory_space<vmem_shared>>
        tpu.enqueue_indirect_dma source(%dma_start3A_458 : memref<128x16xf32, #tpu.memory_space<vmem>>) target(%dma_start3A_464 : memref<100096x16xf32, #tpu.memory_space<vmem_shared>>) offsets(%dma_start3A_461 : memref<128xi32, #tpu.memory_space<vmem>>) semaphore(%run_scoped3A_454 : memref<!tpu.dma_semaphore, #tpu.memory_space<semaphore_mem>>) {add = true}
        %dma_wait3A_465 = arith.constant 0 : i32
        %dma_wait3A_466 = arith.constant 0 : i32
        %dma_wait3A_467 = tpu.memref_slice %arg8[%run_scoped3A_424, %dma_wait3A_465, %dma_wait3A_466] : memref<8x128x16xf32, #tpu.memory_space<vmem>> -> memref<1x128x16xf32, #tpu.memory_space<vmem>>
        %dma_wait3A_468 = tpu.memref_squeeze %dma_wait3A_467 : memref<1x128x16xf32, #tpu.memory_space<vmem>> -> memref<128x16xf32, #tpu.memory_space<vmem>>
        %dma_wait3A_469 = arith.constant 0 : i32
        %dma_wait3A_470 = tpu.memref_slice %arg7[%run_scoped3A_425, %dma_wait3A_469] : memref<16x128xi32, #tpu.memory_space<vmem>> -> memref<1x128xi32, #tpu.memory_space<vmem>>
        %dma_wait3A_471 = tpu.memref_squeeze %dma_wait3A_470 : memref<1x128xi32, #tpu.memory_space<vmem>> -> memref<128xi32, #tpu.memory_space<vmem>>
        %dma_wait3A_472 = arith.constant 0 : i32
        %dma_wait3A_473 = arith.constant 0 : i32
        %dma_wait3A_474 = tpu.memref_slice %arg10[%dma_wait3A_472, %dma_wait3A_473] : memref<100096x16xf32, #tpu.memory_space<vmem_shared>> -> memref<100096x16xf32, #tpu.memory_space<vmem_shared>>
        tpu.wait_indirect_dma semaphore(%run_scoped3A_454 : memref<!tpu.dma_semaphore, #tpu.memory_space<semaphore_mem>>) src(%dma_wait3A_468 : memref<128x16xf32, #tpu.memory_space<vmem>>) dst(%dma_wait3A_474 : memref<100096x16xf32, #tpu.memory_space<vmem_shared>>)
        tpu.yield
      }) : () -> ()
      %dma_wait3A_426 = arith.constant 14 : i32
      %dma_wait3A_427 = arith.constant 6 : i32
      %dma_wait3A_428 = arith.constant 0 : i32
      %dma_wait3A_429 = arith.constant 0 : i32
      %dma_wait3A_430 = tpu.memref_slice %arg8[%dma_wait3A_427, %dma_wait3A_428, %dma_wait3A_429] : memref<8x128x16xf32, #tpu.memory_space<vmem>> -> memref<1x128x16xf32, #tpu.memory_space<vmem>>
      %dma_wait3A_431 = tpu.memref_squeeze %dma_wait3A_430 : memref<1x128x16xf32, #tpu.memory_space<vmem>> -> memref<128x16xf32, #tpu.memory_space<vmem>>
      %dma_wait3A_432 = arith.constant 0 : i32
      %dma_wait3A_433 = tpu.memref_slice %arg6[%dma_wait3A_426, %dma_wait3A_432] : memref<16x128xi32, #tpu.memory_space<vmem>> -> memref<1x128xi32, #tpu.memory_space<vmem>>
      %dma_wait3A_434 = tpu.memref_squeeze %dma_wait3A_433 : memref<1x128xi32, #tpu.memory_space<vmem>> -> memref<128xi32, #tpu.memory_space<vmem>>
      %dma_wait3A_435 = arith.constant 0 : i32
      %dma_wait3A_436 = arith.constant 0 : i32
      %dma_wait3A_437 = tpu.memref_slice %arg4[%dma_wait3A_435, %dma_wait3A_436] : memref<200000x16xf32, #tpu.memory_space<hbm>> -> memref<200000x16xf32, #tpu.memory_space<hbm>>
      tpu.wait_indirect_dma semaphore(%arg11 : memref<!tpu.dma_semaphore, #tpu.memory_space<semaphore_mem>>) src(%dma_wait3A_437 : memref<200000x16xf32, #tpu.memory_space<hbm>>) dst(%dma_wait3A_431 : memref<128x16xf32, #tpu.memory_space<vmem>>)
      %run_scoped3A_438 = arith.constant 6 : i32
      %run_scoped3A_439 = arith.constant 14 : i32
      "tpu.region"() ({
        %run_scoped3A_454 = tpu.sem_alloc : memref<!tpu.dma_semaphore, #tpu.memory_space<semaphore_mem>>
        %dma_start3A_455 = arith.constant 0 : i32
        %dma_start3A_456 = arith.constant 0 : i32
        %dma_start3A_457 = tpu.memref_slice %arg8[%run_scoped3A_438, %dma_start3A_455, %dma_start3A_456] : memref<8x128x16xf32, #tpu.memory_space<vmem>> -> memref<1x128x16xf32, #tpu.memory_space<vmem>>
        %dma_start3A_458 = tpu.memref_squeeze %dma_start3A_457 : memref<1x128x16xf32, #tpu.memory_space<vmem>> -> memref<128x16xf32, #tpu.memory_space<vmem>>
        %dma_start3A_459 = arith.constant 0 : i32
        %dma_start3A_460 = tpu.memref_slice %arg7[%run_scoped3A_439, %dma_start3A_459] : memref<16x128xi32, #tpu.memory_space<vmem>> -> memref<1x128xi32, #tpu.memory_space<vmem>>
        %dma_start3A_461 = tpu.memref_squeeze %dma_start3A_460 : memref<1x128xi32, #tpu.memory_space<vmem>> -> memref<128xi32, #tpu.memory_space<vmem>>
        %dma_start3A_462 = arith.constant 0 : i32
        %dma_start3A_463 = arith.constant 0 : i32
        %dma_start3A_464 = tpu.memref_slice %arg10[%dma_start3A_462, %dma_start3A_463] : memref<100096x16xf32, #tpu.memory_space<vmem_shared>> -> memref<100096x16xf32, #tpu.memory_space<vmem_shared>>
        tpu.enqueue_indirect_dma source(%dma_start3A_458 : memref<128x16xf32, #tpu.memory_space<vmem>>) target(%dma_start3A_464 : memref<100096x16xf32, #tpu.memory_space<vmem_shared>>) offsets(%dma_start3A_461 : memref<128xi32, #tpu.memory_space<vmem>>) semaphore(%run_scoped3A_454 : memref<!tpu.dma_semaphore, #tpu.memory_space<semaphore_mem>>) {add = true}
        %dma_wait3A_465 = arith.constant 0 : i32
        %dma_wait3A_466 = arith.constant 0 : i32
        %dma_wait3A_467 = tpu.memref_slice %arg8[%run_scoped3A_438, %dma_wait3A_465, %dma_wait3A_466] : memref<8x128x16xf32, #tpu.memory_space<vmem>> -> memref<1x128x16xf32, #tpu.memory_space<vmem>>
        %dma_wait3A_468 = tpu.memref_squeeze %dma_wait3A_467 : memref<1x128x16xf32, #tpu.memory_space<vmem>> -> memref<128x16xf32, #tpu.memory_space<vmem>>
        %dma_wait3A_469 = arith.constant 0 : i32
        %dma_wait3A_470 = tpu.memref_slice %arg7[%run_scoped3A_439, %dma_wait3A_469] : memref<16x128xi32, #tpu.memory_space<vmem>> -> memref<1x128xi32, #tpu.memory_space<vmem>>
        %dma_wait3A_471 = tpu.memref_squeeze %dma_wait3A_470 : memref<1x128xi32, #tpu.memory_space<vmem>> -> memref<128xi32, #tpu.memory_space<vmem>>
        %dma_wait3A_472 = arith.constant 0 : i32
        %dma_wait3A_473 = arith.constant 0 : i32
        %dma_wait3A_474 = tpu.memref_slice %arg10[%dma_wait3A_472, %dma_wait3A_473] : memref<100096x16xf32, #tpu.memory_space<vmem_shared>> -> memref<100096x16xf32, #tpu.memory_space<vmem_shared>>
        tpu.wait_indirect_dma semaphore(%run_scoped3A_454 : memref<!tpu.dma_semaphore, #tpu.memory_space<semaphore_mem>>) src(%dma_wait3A_468 : memref<128x16xf32, #tpu.memory_space<vmem>>) dst(%dma_wait3A_474 : memref<100096x16xf32, #tpu.memory_space<vmem_shared>>)
        tpu.yield
      }) : () -> ()
      %dma_wait3A_440 = arith.constant 15 : i32
      %dma_wait3A_441 = arith.constant 7 : i32
      %dma_wait3A_442 = arith.constant 0 : i32
      %dma_wait3A_443 = arith.constant 0 : i32
      %dma_wait3A_444 = tpu.memref_slice %arg8[%dma_wait3A_441, %dma_wait3A_442, %dma_wait3A_443] : memref<8x128x16xf32, #tpu.memory_space<vmem>> -> memref<1x128x16xf32, #tpu.memory_space<vmem>>
      %dma_wait3A_445 = tpu.memref_squeeze %dma_wait3A_444 : memref<1x128x16xf32, #tpu.memory_space<vmem>> -> memref<128x16xf32, #tpu.memory_space<vmem>>
      %dma_wait3A_446 = arith.constant 0 : i32
      %dma_wait3A_447 = tpu.memref_slice %arg6[%dma_wait3A_440, %dma_wait3A_446] : memref<16x128xi32, #tpu.memory_space<vmem>> -> memref<1x128xi32, #tpu.memory_space<vmem>>
      %dma_wait3A_448 = tpu.memref_squeeze %dma_wait3A_447 : memref<1x128xi32, #tpu.memory_space<vmem>> -> memref<128xi32, #tpu.memory_space<vmem>>
      %dma_wait3A_449 = arith.constant 0 : i32
      %dma_wait3A_450 = arith.constant 0 : i32
      %dma_wait3A_451 = tpu.memref_slice %arg4[%dma_wait3A_449, %dma_wait3A_450] : memref<200000x16xf32, #tpu.memory_space<hbm>> -> memref<200000x16xf32, #tpu.memory_space<hbm>>
      tpu.wait_indirect_dma semaphore(%arg11 : memref<!tpu.dma_semaphore, #tpu.memory_space<semaphore_mem>>) src(%dma_wait3A_451 : memref<200000x16xf32, #tpu.memory_space<hbm>>) dst(%dma_wait3A_445 : memref<128x16xf32, #tpu.memory_space<vmem>>)
      %run_scoped3A_452 = arith.constant 7 : i32
      %run_scoped3A_453 = arith.constant 15 : i32
      "tpu.region"() ({
        %run_scoped3A_454 = tpu.sem_alloc : memref<!tpu.dma_semaphore, #tpu.memory_space<semaphore_mem>>
        %dma_start3A_455 = arith.constant 0 : i32
        %dma_start3A_456 = arith.constant 0 : i32
        %dma_start3A_457 = tpu.memref_slice %arg8[%run_scoped3A_452, %dma_start3A_455, %dma_start3A_456] : memref<8x128x16xf32, #tpu.memory_space<vmem>> -> memref<1x128x16xf32, #tpu.memory_space<vmem>>
        %dma_start3A_458 = tpu.memref_squeeze %dma_start3A_457 : memref<1x128x16xf32, #tpu.memory_space<vmem>> -> memref<128x16xf32, #tpu.memory_space<vmem>>
        %dma_start3A_459 = arith.constant 0 : i32
        %dma_start3A_460 = tpu.memref_slice %arg7[%run_scoped3A_453, %dma_start3A_459] : memref<16x128xi32, #tpu.memory_space<vmem>> -> memref<1x128xi32, #tpu.memory_space<vmem>>
        %dma_start3A_461 = tpu.memref_squeeze %dma_start3A_460 : memref<1x128xi32, #tpu.memory_space<vmem>> -> memref<128xi32, #tpu.memory_space<vmem>>
        %dma_start3A_462 = arith.constant 0 : i32
        %dma_start3A_463 = arith.constant 0 : i32
        %dma_start3A_464 = tpu.memref_slice %arg10[%dma_start3A_462, %dma_start3A_463] : memref<100096x16xf32, #tpu.memory_space<vmem_shared>> -> memref<100096x16xf32, #tpu.memory_space<vmem_shared>>
        tpu.enqueue_indirect_dma source(%dma_start3A_458 : memref<128x16xf32, #tpu.memory_space<vmem>>) target(%dma_start3A_464 : memref<100096x16xf32, #tpu.memory_space<vmem_shared>>) offsets(%dma_start3A_461 : memref<128xi32, #tpu.memory_space<vmem>>) semaphore(%run_scoped3A_454 : memref<!tpu.dma_semaphore, #tpu.memory_space<semaphore_mem>>) {add = true}
        %dma_wait3A_465 = arith.constant 0 : i32
        %dma_wait3A_466 = arith.constant 0 : i32
        %dma_wait3A_467 = tpu.memref_slice %arg8[%run_scoped3A_452, %dma_wait3A_465, %dma_wait3A_466] : memref<8x128x16xf32, #tpu.memory_space<vmem>> -> memref<1x128x16xf32, #tpu.memory_space<vmem>>
        %dma_wait3A_468 = tpu.memref_squeeze %dma_wait3A_467 : memref<1x128x16xf32, #tpu.memory_space<vmem>> -> memref<128x16xf32, #tpu.memory_space<vmem>>
        %dma_wait3A_469 = arith.constant 0 : i32
        %dma_wait3A_470 = tpu.memref_slice %arg7[%run_scoped3A_453, %dma_wait3A_469] : memref<16x128xi32, #tpu.memory_space<vmem>> -> memref<1x128xi32, #tpu.memory_space<vmem>>
        %dma_wait3A_471 = tpu.memref_squeeze %dma_wait3A_470 : memref<1x128xi32, #tpu.memory_space<vmem>> -> memref<128xi32, #tpu.memory_space<vmem>>
        %dma_wait3A_472 = arith.constant 0 : i32
        %dma_wait3A_473 = arith.constant 0 : i32
        %dma_wait3A_474 = tpu.memref_slice %arg10[%dma_wait3A_472, %dma_wait3A_473] : memref<100096x16xf32, #tpu.memory_space<vmem_shared>> -> memref<100096x16xf32, #tpu.memory_space<vmem_shared>>
        tpu.wait_indirect_dma semaphore(%run_scoped3A_454 : memref<!tpu.dma_semaphore, #tpu.memory_space<semaphore_mem>>) src(%dma_wait3A_468 : memref<128x16xf32, #tpu.memory_space<vmem>>) dst(%dma_wait3A_474 : memref<100096x16xf32, #tpu.memory_space<vmem_shared>>)
        tpu.yield
      }) : () -> ()
    }
    %scan3A_17 = arith.constant 49 : i32
    %barrier3A_18 = arith.constant 0 : index
    tpu.barrier barrier_id(%barrier3A_18)
    %mul3A = arith.constant 6256 : i32
    %mul3A_19 = arith.muli %arg1, %mul3A : i32
    %multiple_of3A = tpu.assume_multiple %mul3A_19, 8 : i32
    %mul3A_20 = arith.constant 100096 : i32
    %mul3A_21 = arith.muli %arg0, %mul3A_20 : i32
    %mul3A_22 = arith.constant 6256 : i32
    %mul3A_23 = arith.muli %arg1, %mul3A_22 : i32
    %add3A = arith.addi %mul3A_21, %mul3A_23 : i32
    %multiple_of3A_24 = tpu.assume_multiple %add3A, 8 : i32
    "tpu.region"() ({
      %run_scoped3A = tpu.sem_alloc : memref<!tpu.dma_semaphore, #tpu.memory_space<semaphore_mem>>
      %dma_start3A = arith.constant 0 : i32
      %dma_start3A_25 = tpu.memref_slice %arg5[%multiple_of3A_24, %dma_start3A] : memref<200192x16xf32, #tpu.memory_space<hbm>> -> memref<6256x16xf32, #tpu.memory_space<hbm>>
      %dma_start3A_26 = arith.constant 0 : i32
      %dma_start3A_27 = tpu.memref_slice %arg10[%multiple_of3A, %dma_start3A_26] : memref<100096x16xf32, #tpu.memory_space<vmem_shared>> -> memref<6256x16xf32, #tpu.memory_space<vmem_shared>>
      tpu.enqueue_dma source(%dma_start3A_27 : memref<6256x16xf32, #tpu.memory_space<vmem_shared>>) target(%dma_start3A_25 : memref<6256x16xf32, #tpu.memory_space<hbm>>) target_semaphore(%run_scoped3A : memref<!tpu.dma_semaphore, #tpu.memory_space<semaphore_mem>>)
      %dma_wait3A = arith.constant 0 : i32
      %dma_wait3A_28 = tpu.memref_slice %arg5[%multiple_of3A_24, %dma_wait3A] : memref<200192x16xf32, #tpu.memory_space<hbm>> -> memref<6256x16xf32, #tpu.memory_space<hbm>>
      %dma_wait3A_29 = arith.constant 0 : i32
      %dma_wait3A_30 = tpu.memref_slice %arg10[%multiple_of3A, %dma_wait3A_29] : memref<100096x16xf32, #tpu.memory_space<vmem_shared>> -> memref<6256x16xf32, #tpu.memory_space<vmem_shared>>
      tpu.wait_dma2 semaphore(%run_scoped3A : memref<!tpu.dma_semaphore, #tpu.memory_space<semaphore_mem>>) src(%dma_wait3A_30 : memref<6256x16xf32, #tpu.memory_space<vmem_shared>>) dst(%dma_wait3A_28 : memref<6256x16xf32, #tpu.memory_space<hbm>>)
      tpu.yield
    }) : () -> ()
    return
  }
}

#map = affine_map<(d0, d1) -> (0, 0)>
module attributes {stable_mosaic.version = 14 : i64} {
  func.func @body(%arg0: i32, %arg1: i32, %arg2: memref<25088x128xi32, #tpu.memory_space<hbm>>, %arg3: memref<12544x128xi32, #tpu.memory_space<hbm>>, %arg4: memref<200000x16xf32, #tpu.memory_space<hbm>>, %arg5: memref<200192x16xf32, #tpu.memory_space<hbm>>, %arg6: memref<16x128xi32, #tpu.memory_space<vmem>>, %arg7: memref<16x128xi32, #tpu.memory_space<vmem>>, %arg8: memref<8x128x16xf32, #tpu.memory_space<vmem>>, %arg9: memref<368x16xf32, #tpu.memory_space<vmem>>, %arg10: memref<100096x16xf32, #tpu.memory_space<vmem_shared>>, %arg11: memref<!tpu.dma_semaphore, #tpu.memory_space<semaphore_mem>>) attributes {dimension_semantics = [#tpu.dimension_semantics<core_parallel>, #tpu.dimension_semantics<subcore_parallel>], iteration_bounds = array<i64: 2, 16>, scalar_prefetch = 0 : i64, scratch_operands = 6 : i64, tpu.core_type = #tpu.core_type<sc_vector_subcore>, window_params = [{transform_indices = #map}, {transform_indices = #map}, {transform_indices = #map}, {transform_indices = #map}]} {
    %broadcast_in_dim3A = arith.constant 0.000000e+00 : f32
    %broadcast_in_dim3A_0 = vector.broadcast %broadcast_in_dim3A : f32 to vector<16xf32>
    %scan3A = arith.constant 0 : i32
    %scan3A_1 = arith.constant 0 : i32
    %scan3A_2 = arith.constant 368 : i32
    %scan3A_3 = arith.addi %scan3A_1, %scan3A_2 : i32
    %scan3A_4 = arith.constant 1 : i32
    scf.for %scan3A_25 = %scan3A_1 to %scan3A_3 step %scan3A_4  : i32 {
      %swap3A = arith.index_cast %scan3A_25 : i32 to index
      %swap3A_26 = arith.constant 0 : index
      %swap3A_27 = tpu.vector_load %arg9[%swap3A, %swap3A_26] {strides = array<i32>} : memref<368x16xf32, #tpu.memory_space<vmem>>, vector<1x16xf32>,
      %swap3A_28 = vector.shape_cast %swap3A_27 : vector<1x16xf32> to vector<16xf32>
      %swap3A_29 = vector.shape_cast %broadcast_in_dim3A_0 : vector<16xf32> to vector<1x16xf32>
      tpu.vector_store %arg9[%swap3A, %swap3A_26], %swap3A_29 {strides = array<i32>} : memref<368x16xf32, #tpu.memory_space<vmem>>, vector<1x16xf32>,
    }
    %scan3A_5 = arith.constant 368 : i32
    %scan3A_6 = arith.constant 0 : i32
    %scan3A_7 = arith.constant 0 : i32
    %scan3A_8 = arith.constant 17 : i32
    %scan3A_9 = arith.addi %scan3A_7, %scan3A_8 : i32
    %scan3A_10 = arith.constant 1 : i32
    scf.for %scan3A_25 = %scan3A_7 to %scan3A_9 step %scan3A_10  : i32 {
      %mul3A_26 = arith.constant 6256 : i32
      %mul3A_27 = arith.muli %arg1, %mul3A_26 : i32
      %mul3A_28 = arith.constant 368 : i32
      %mul3A_29 = arith.muli %scan3A_25, %mul3A_28 : i32
      %add3A_30 = arith.addi %mul3A_27, %mul3A_29 : i32
      %multiple_of3A_31 = tpu.assume_multiple %add3A_30, 8 : i32
      "tpu.region"() ({
        %run_scoped3A = tpu.sem_alloc : memref<!tpu.dma_semaphore, #tpu.memory_space<semaphore_mem>>
        %dma_start3A = arith.constant 0 : i32
        %dma_start3A_32 = tpu.memref_slice %arg10[%multiple_of3A_31, %dma_start3A] : memref<100096x16xf32, #tpu.memory_space<vmem_shared>> -> memref<368x16xf32, #tpu.memory_space<vmem_shared>>
        %dma_start3A_33 = arith.constant 0 : i32
        %dma_start3A_34 = tpu.memref_slice %arg10[%multiple_of3A_31, %dma_start3A_33] : memref<100096x16xf32, #tpu.memory_space<vmem_shared>> -> memref<368x16xf32, #tpu.memory_space<vmem_shared>>
        tpu.enqueue_dma source(%arg9 : memref<368x16xf32, #tpu.memory_space<vmem>>) target(%dma_start3A_34 : memref<368x16xf32, #tpu.memory_space<vmem_shared>>) target_semaphore(%run_scoped3A : memref<!tpu.dma_semaphore, #tpu.memory_space<semaphore_mem>>)
        %dma_wait3A = arith.constant 0 : i32
        %dma_wait3A_35 = tpu.memref_slice %arg10[%multiple_of3A_31, %dma_wait3A] : memref<100096x16xf32, #tpu.memory_space<vmem_shared>> -> memref<368x16xf32, #tpu.memory_space<vmem_shared>>
        %dma_wait3A_36 = arith.constant 0 : i32
        %dma_wait3A_37 = tpu.memref_slice %arg10[%multiple_of3A_31, %dma_wait3A_36] : memref<100096x16xf32, #tpu.memory_space<vmem_shared>> -> memref<368x16xf32, #tpu.memory_space<vmem_shared>>
        tpu.wait_dma2 semaphore(%run_scoped3A : memref<!tpu.dma_semaphore, #tpu.memory_space<semaphore_mem>>) src(%arg9 : memref<368x16xf32, #tpu.memory_space<vmem>>) dst(%dma_wait3A_37 : memref<368x16xf32, #tpu.memory_space<vmem_shared>>)
        tpu.yield
      }) : () -> ()
    }
    %scan3A_11 = arith.constant 17 : i32
    %barrier3A = arith.constant 0 : index
    tpu.barrier barrier_id(%barrier3A)
    %scan3A_12 = arith.constant 0 : i32
    %scan3A_13 = arith.constant 0 : i32
    %scan3A_14 = arith.constant 49 : i32
    %scan3A_15 = arith.addi %scan3A_13, %scan3A_14 : i32
    %scan3A_16 = arith.constant 1 : i32
    scf.for %scan3A_25 = %scan3A_13 to %scan3A_15 step %scan3A_16  : i32 {
      %mul3A_26 = arith.constant 12544 : i32
      %mul3A_27 = arith.muli %arg0, %mul3A_26 : i32
      %mul3A_28 = arith.constant 784 : i32
      %mul3A_29 = arith.muli %arg1, %mul3A_28 : i32
      %add3A_30 = arith.addi %mul3A_27, %mul3A_29 : i32
      %mul3A_31 = arith.constant 16 : i32
      %mul3A_32 = arith.muli %scan3A_25, %mul3A_31 : i32
      %add3A_33 = arith.addi %add3A_30, %mul3A_32 : i32
      %multiple_of3A_34 = tpu.assume_multiple %add3A_33, 8 : i32
      %mul3A_35 = arith.constant 784 : i32
      %mul3A_36 = arith.muli %arg1, %mul3A_35 : i32
      %mul3A_37 = arith.constant 16 : i32
      %mul3A_38 = arith.muli %scan3A_25, %mul3A_37 : i32
      %add3A_39 = arith.addi %mul3A_36, %mul3A_38 : i32
      %multiple_of3A_40 = tpu.assume_multiple %add3A_39, 8 : i32
      "tpu.region"() ({
        %run_scoped3A_454 = tpu.sem_alloc : memref<!tpu.dma_semaphore, #tpu.memory_space<semaphore_mem>>
        %dma_start3A_455 = arith.constant 0 : i32
        %dma_start3A_456 = tpu.memref_slice %arg2[%multiple_of3A_34, %dma_start3A_455] : memref<25088x128xi32, #tpu.memory_space<hbm>> -> memref<16x128xi32, #tpu.memory_space<hbm>>
        %dma_start3A_457 = arith.constant 0 : i32
        %dma_start3A_458 = tpu.memref_slice %arg2[%multiple_of3A_34, %dma_start3A_457] : memref<25088x128xi32, #tpu.memory_space<hbm>> -> memref<16x128xi32, #tpu.memory_space<hbm>>
        tpu.enqueue_dma source(%dma_start3A_458 : memref<16x128xi32, #tpu.memory_space<hbm>>) target(%arg6 : memref<16x128xi32, #tpu.memory_space<vmem>>) target_semaphore(%run_scoped3A_454 : memref<!tpu.dma_semaphore, #tpu.memory_space<semaphore_mem>>)
        %dma_wait3A_459 = arith.constant 0 : i32
        %dma_wait3A_460 = tpu.memref_slice %arg2[%multiple_of3A_34, %dma_wait3A_459] : memref<25088x128xi32, #tpu.memory_space<hbm>> -> memref<16x128xi32, #tpu.memory_space<hbm>>
        %dma_wait3A_461 = arith.constant 0 : i32
        %dma_wait3A_462 = tpu.memref_slice %arg2[%multiple_of3A_34, %dma_wait3A_461] : memref<25088x128xi32, #tpu.memory_space<hbm>> -> memref<16x128xi32, #tpu.memory_space<hbm>>
        tpu.wait_dma2 semaphore(%run_scoped3A_454 : memref<!tpu.dma_semaphore, #tpu.memory_space<semaphore_mem>>) src(%dma_wait3A_462 : memref<16x128xi32, #tpu.memory_space<hbm>>) dst(%arg6 : memref<16x128xi32, #tpu.memory_space<vmem>>)
        tpu.yield
      }) : () -> ()
      "tpu.region"() ({
        %run_scoped3A_454 = tpu.sem_alloc : memref<!tpu.dma_semaphore, #tpu.memory_space<semaphore_mem>>
        %dma_start3A_455 = arith.constant 0 : i32
        %dma_start3A_456 = tpu.memref_slice %arg3[%multiple_of3A_40, %dma_start3A_455] : memref<12544x128xi32, #tpu.memory_space<hbm>> -> memref<16x128xi32, #tpu.memory_space<hbm>>
        %dma_start3A_457 = arith.constant 0 : i32
        %dma_start3A_458 = tpu.memref_slice %arg3[%multiple_of3A_40, %dma_start3A_457] : memref<12544x128xi32, #tpu.memory_space<hbm>> -> memref<16x128xi32, #tpu.memory_space<hbm>>
        tpu.enqueue_dma source(%dma_start3A_458 : memref<16x128xi32, #tpu.memory_space<hbm>>) target(%arg7 : memref<16x128xi32, #tpu.memory_space<vmem>>) target_semaphore(%run_scoped3A_454 : memref<!tpu.dma_semaphore, #tpu.memory_space<semaphore_mem>>)
        %dma_wait3A_459 = arith.constant 0 : i32
        %dma_wait3A_460 = tpu.memref_slice %arg3[%multiple_of3A_40, %dma_wait3A_459] : memref<12544x128xi32, #tpu.memory_space<hbm>> -> memref<16x128xi32, #tpu.memory_space<hbm>>
        %dma_wait3A_461 = arith.constant 0 : i32
        %dma_wait3A_462 = tpu.memref_slice %arg3[%multiple_of3A_40, %dma_wait3A_461] : memref<12544x128xi32, #tpu.memory_space<hbm>> -> memref<16x128xi32, #tpu.memory_space<hbm>>
        tpu.wait_dma2 semaphore(%run_scoped3A_454 : memref<!tpu.dma_semaphore, #tpu.memory_space<semaphore_mem>>) src(%dma_wait3A_462 : memref<16x128xi32, #tpu.memory_space<hbm>>) dst(%arg7 : memref<16x128xi32, #tpu.memory_space<vmem>>)
        tpu.yield
      }) : () -> ()
      %dma_start3A = arith.constant 0 : i32
      %dma_start3A_41 = arith.constant 0 : i32
      %dma_start3A_42 = arith.constant 0 : i32
      %dma_start3A_43 = arith.constant 0 : i32
      %dma_start3A_44 = tpu.memref_slice %arg8[%dma_start3A_41, %dma_start3A_42, %dma_start3A_43] : memref<8x128x16xf32, #tpu.memory_space<vmem>> -> memref<1x128x16xf32, #tpu.memory_space<vmem>>
      %dma_start3A_45 = tpu.memref_squeeze %dma_start3A_44 : memref<1x128x16xf32, #tpu.memory_space<vmem>> -> memref<128x16xf32, #tpu.memory_space<vmem>>
      %dma_start3A_46 = arith.constant 0 : i32
      %dma_start3A_47 = tpu.memref_slice %arg6[%dma_start3A, %dma_start3A_46] : memref<16x128xi32, #tpu.memory_space<vmem>> -> memref<1x128xi32, #tpu.memory_space<vmem>>
      %dma_start3A_48 = tpu.memref_squeeze %dma_start3A_47 : memref<1x128xi32, #tpu.memory_space<vmem>> -> memref<128xi32, #tpu.memory_space<vmem>>
      %dma_start3A_49 = arith.constant 0 : i32
      %dma_start3A_50 = arith.constant 0 : i32
      %dma_start3A_51 = tpu.memref_slice %arg4[%dma_start3A_49, %dma_start3A_50] : memref<200000x16xf32, #tpu.memory_space<hbm>> -> memref<200000x16xf32, #tpu.memory_space<hbm>>
      tpu.enqueue_indirect_dma source(%dma_start3A_51 : memref<200000x16xf32, #tpu.memory_space<hbm>>) target(%dma_start3A_45 : memref<128x16xf32, #tpu.memory_space<vmem>>) offsets(%dma_start3A_48 : memref<128xi32, #tpu.memory_space<vmem>>) semaphore(%arg11 : memref<!tpu.dma_semaphore, #tpu.memory_space<semaphore_mem>>)
      %dma_start3A_52 = arith.constant 1 : i32
      %dma_start3A_53 = arith.constant 1 : i32
      %dma_start3A_54 = arith.constant 0 : i32
      %dma_start3A_55 = arith.constant 0 : i32
      %dma_start3A_56 = tpu.memref_slice %arg8[%dma_start3A_53, %dma_start3A_54, %dma_start3A_55] : memref<8x128x16xf32, #tpu.memory_space<vmem>> -> memref<1x128x16xf32, #tpu.memory_space<vmem>>
      %dma_start3A_57 = tpu.memref_squeeze %dma_start3A_56 : memref<1x128x16xf32, #tpu.memory_space<vmem>> -> memref<128x16xf32, #tpu.memory_space<vmem>>
      %dma_start3A_58 = arith.constant 0 : i32
      %dma_start3A_59 = tpu.memref_slice %arg6[%dma_start3A_52, %dma_start3A_58] : memref<16x128xi32, #tpu.memory_space<vmem>> -> memref<1x128xi32, #tpu.memory_space<vmem>>
      %dma_start3A_60 = tpu.memref_squeeze %dma_start3A_59 : memref<1x128xi32, #tpu.memory_space<vmem>> -> memref<128xi32, #tpu.memory_space<vmem>>
      %dma_start3A_61 = arith.constant 0 : i32
      %dma_start3A_62 = arith.constant 0 : i32
      %dma_start3A_63 = tpu.memref_slice %arg4[%dma_start3A_61, %dma_start3A_62] : memref<200000x16xf32, #tpu.memory_space<hbm>> -> memref<200000x16xf32, #tpu.memory_space<hbm>>
      tpu.enqueue_indirect_dma source(%dma_start3A_63 : memref<200000x16xf32, #tpu.memory_space<hbm>>) target(%dma_start3A_57 : memref<128x16xf32, #tpu.memory_space<vmem>>) offsets(%dma_start3A_60 : memref<128xi32, #tpu.memory_space<vmem>>) semaphore(%arg11 : memref<!tpu.dma_semaphore, #tpu.memory_space<semaphore_mem>>)
      %dma_start3A_64 = arith.constant 2 : i32
      %dma_start3A_65 = arith.constant 2 : i32
      %dma_start3A_66 = arith.constant 0 : i32
      %dma_start3A_67 = arith.constant 0 : i32
      %dma_start3A_68 = tpu.memref_slice %arg8[%dma_start3A_65, %dma_start3A_66, %dma_start3A_67] : memref<8x128x16xf32, #tpu.memory_space<vmem>> -> memref<1x128x16xf32, #tpu.memory_space<vmem>>
      %dma_start3A_69 = tpu.memref_squeeze %dma_start3A_68 : memref<1x128x16xf32, #tpu.memory_space<vmem>> -> memref<128x16xf32, #tpu.memory_space<vmem>>
      %dma_start3A_70 = arith.constant 0 : i32
      %dma_start3A_71 = tpu.memref_slice %arg6[%dma_start3A_64, %dma_start3A_70] : memref<16x128xi32, #tpu.memory_space<vmem>> -> memref<1x128xi32, #tpu.memory_space<vmem>>
      %dma_start3A_72 = tpu.memref_squeeze %dma_start3A_71 : memref<1x128xi32, #tpu.memory_space<vmem>> -> memref<128xi32, #tpu.memory_space<vmem>>
      %dma_start3A_73 = arith.constant 0 : i32
      %dma_start3A_74 = arith.constant 0 : i32
      %dma_start3A_75 = tpu.memref_slice %arg4[%dma_start3A_73, %dma_start3A_74] : memref<200000x16xf32, #tpu.memory_space<hbm>> -> memref<200000x16xf32, #tpu.memory_space<hbm>>
      tpu.enqueue_indirect_dma source(%dma_start3A_75 : memref<200000x16xf32, #tpu.memory_space<hbm>>) target(%dma_start3A_69 : memref<128x16xf32, #tpu.memory_space<vmem>>) offsets(%dma_start3A_72 : memref<128xi32, #tpu.memory_space<vmem>>) semaphore(%arg11 : memref<!tpu.dma_semaphore, #tpu.memory_space<semaphore_mem>>)
      %dma_start3A_76 = arith.constant 3 : i32
      %dma_start3A_77 = arith.constant 3 : i32
      %dma_start3A_78 = arith.constant 0 : i32
      %dma_start3A_79 = arith.constant 0 : i32
      %dma_start3A_80 = tpu.memref_slice %arg8[%dma_start3A_77, %dma_start3A_78, %dma_start3A_79] : memref<8x128x16xf32, #tpu.memory_space<vmem>> -> memref<1x128x16xf32, #tpu.memory_space<vmem>>
      %dma_start3A_81 = tpu.memref_squeeze %dma_start3A_80 : memref<1x128x16xf32, #tpu.memory_space<vmem>> -> memref<128x16xf32, #tpu.memory_space<vmem>>
      %dma_start3A_82 = arith.constant 0 : i32
      %dma_start3A_83 = tpu.memref_slice %arg6[%dma_start3A_76, %dma_start3A_82] : memref<16x128xi32, #tpu.memory_space<vmem>> -> memref<1x128xi32, #tpu.memory_space<vmem>>
      %dma_start3A_84 = tpu.memref_squeeze %dma_start3A_83 : memref<1x128xi32, #tpu.memory_space<vmem>> -> memref<128xi32, #tpu.memory_space<vmem>>
      %dma_start3A_85 = arith.constant 0 : i32
      %dma_start3A_86 = arith.constant 0 : i32
      %dma_start3A_87 = tpu.memref_slice %arg4[%dma_start3A_85, %dma_start3A_86] : memref<200000x16xf32, #tpu.memory_space<hbm>> -> memref<200000x16xf32, #tpu.memory_space<hbm>>
      tpu.enqueue_indirect_dma source(%dma_start3A_87 : memref<200000x16xf32, #tpu.memory_space<hbm>>) target(%dma_start3A_81 : memref<128x16xf32, #tpu.memory_space<vmem>>) offsets(%dma_start3A_84 : memref<128xi32, #tpu.memory_space<vmem>>) semaphore(%arg11 : memref<!tpu.dma_semaphore, #tpu.memory_space<semaphore_mem>>)
      %dma_wait3A = arith.constant 0 : i32
      %dma_wait3A_88 = arith.constant 0 : i32
      %dma_wait3A_89 = arith.constant 0 : i32
      %dma_wait3A_90 = arith.constant 0 : i32
      %dma_wait3A_91 = tpu.memref_slice %arg8[%dma_wait3A_88, %dma_wait3A_89, %dma_wait3A_90] : memref<8x128x16xf32, #tpu.memory_space<vmem>> -> memref<1x128x16xf32, #tpu.memory_space<vmem>>
      %dma_wait3A_92 = tpu.memref_squeeze %dma_wait3A_91 : memref<1x128x16xf32, #tpu.memory_space<vmem>> -> memref<128x16xf32, #tpu.memory_space<vmem>>
      %dma_wait3A_93 = arith.constant 0 : i32
      %dma_wait3A_94 = tpu.memref_slice %arg6[%dma_wait3A, %dma_wait3A_93] : memref<16x128xi32, #tpu.memory_space<vmem>> -> memref<1x128xi32, #tpu.memory_space<vmem>>
      %dma_wait3A_95 = tpu.memref_squeeze %dma_wait3A_94 : memref<1x128xi32, #tpu.memory_space<vmem>> -> memref<128xi32, #tpu.memory_space<vmem>>
      %dma_wait3A_96 = arith.constant 0 : i32
      %dma_wait3A_97 = arith.constant 0 : i32
      %dma_wait3A_98 = tpu.memref_slice %arg4[%dma_wait3A_96, %dma_wait3A_97] : memref<200000x16xf32, #tpu.memory_space<hbm>> -> memref<200000x16xf32, #tpu.memory_space<hbm>>
      tpu.wait_indirect_dma semaphore(%arg11 : memref<!tpu.dma_semaphore, #tpu.memory_space<semaphore_mem>>) src(%dma_wait3A_98 : memref<200000x16xf32, #tpu.memory_space<hbm>>) dst(%dma_wait3A_92 : memref<128x16xf32, #tpu.memory_space<vmem>>)
      %dma_start3A_99 = arith.constant 4 : i32
      %dma_start3A_100 = arith.constant 4 : i32
      %dma_start3A_101 = arith.constant 0 : i32
      %dma_start3A_102 = arith.constant 0 : i32
      %dma_start3A_103 = tpu.memref_slice %arg8[%dma_start3A_100, %dma_start3A_101, %dma_start3A_102] : memref<8x128x16xf32, #tpu.memory_space<vmem>> -> memref<1x128x16xf32, #tpu.memory_space<vmem>>
      %dma_start3A_104 = tpu.memref_squeeze %dma_start3A_103 : memref<1x128x16xf32, #tpu.memory_space<vmem>> -> memref<128x16xf32, #tpu.memory_space<vmem>>
      %dma_start3A_105 = arith.constant 0 : i32
      %dma_start3A_106 = tpu.memref_slice %arg6[%dma_start3A_99, %dma_start3A_105] : memref<16x128xi32, #tpu.memory_space<vmem>> -> memref<1x128xi32, #tpu.memory_space<vmem>>
      %dma_start3A_107 = tpu.memref_squeeze %dma_start3A_106 : memref<1x128xi32, #tpu.memory_space<vmem>> -> memref<128xi32, #tpu.memory_space<vmem>>
      %dma_start3A_108 = arith.constant 0 : i32
      %dma_start3A_109 = arith.constant 0 : i32
      %dma_start3A_110 = tpu.memref_slice %arg4[%dma_start3A_108, %dma_start3A_109] : memref<200000x16xf32, #tpu.memory_space<hbm>> -> memref<200000x16xf32, #tpu.memory_space<hbm>>
      tpu.enqueue_indirect_dma source(%dma_start3A_110 : memref<200000x16xf32, #tpu.memory_space<hbm>>) target(%dma_start3A_104 : memref<128x16xf32, #tpu.memory_space<vmem>>) offsets(%dma_start3A_107 : memref<128xi32, #tpu.memory_space<vmem>>) semaphore(%arg11 : memref<!tpu.dma_semaphore, #tpu.memory_space<semaphore_mem>>)
      %run_scoped3A = arith.constant 0 : i32
      %run_scoped3A_111 = arith.constant 0 : i32
      "tpu.region"() ({
        %run_scoped3A_454 = tpu.sem_alloc : memref<!tpu.dma_semaphore, #tpu.memory_space<semaphore_mem>>
        %dma_start3A_455 = arith.constant 0 : i32
        %dma_start3A_456 = arith.constant 0 : i32
        %dma_start3A_457 = tpu.memref_slice %arg8[%run_scoped3A, %dma_start3A_455, %dma_start3A_456] : memref<8x128x16xf32, #tpu.memory_space<vmem>> -> memref<1x128x16xf32, #tpu.memory_space<vmem>>
        %dma_start3A_458 = tpu.memref_squeeze %dma_start3A_457 : memref<1x128x16xf32, #tpu.memory_space<vmem>> -> memref<128x16xf32, #tpu.memory_space<vmem>>
        %dma_start3A_459 = arith.constant 0 : i32
        %dma_start3A_460 = tpu.memref_slice %arg7[%run_scoped3A_111, %dma_start3A_459] : memref<16x128xi32, #tpu.memory_space<vmem>> -> memref<1x128xi32, #tpu.memory_space<vmem>>
        %dma_start3A_461 = tpu.memref_squeeze %dma_start3A_460 : memref<1x128xi32, #tpu.memory_space<vmem>> -> memref<128xi32, #tpu.memory_space<vmem>>
        %dma_start3A_462 = arith.constant 0 : i32
        %dma_start3A_463 = arith.constant 0 : i32
        %dma_start3A_464 = tpu.memref_slice %arg10[%dma_start3A_462, %dma_start3A_463] : memref<100096x16xf32, #tpu.memory_space<vmem_shared>> -> memref<100096x16xf32, #tpu.memory_space<vmem_shared>>
        tpu.enqueue_indirect_dma source(%dma_start3A_458 : memref<128x16xf32, #tpu.memory_space<vmem>>) target(%dma_start3A_464 : memref<100096x16xf32, #tpu.memory_space<vmem_shared>>) offsets(%dma_start3A_461 : memref<128xi32, #tpu.memory_space<vmem>>) semaphore(%run_scoped3A_454 : memref<!tpu.dma_semaphore, #tpu.memory_space<semaphore_mem>>) {add = true}
        %dma_wait3A_465 = arith.constant 0 : i32
        %dma_wait3A_466 = arith.constant 0 : i32
        %dma_wait3A_467 = tpu.memref_slice %arg8[%run_scoped3A, %dma_wait3A_465, %dma_wait3A_466] : memref<8x128x16xf32, #tpu.memory_space<vmem>> -> memref<1x128x16xf32, #tpu.memory_space<vmem>>
        %dma_wait3A_468 = tpu.memref_squeeze %dma_wait3A_467 : memref<1x128x16xf32, #tpu.memory_space<vmem>> -> memref<128x16xf32, #tpu.memory_space<vmem>>
        %dma_wait3A_469 = arith.constant 0 : i32
        %dma_wait3A_470 = tpu.memref_slice %arg7[%run_scoped3A_111, %dma_wait3A_469] : memref<16x128xi32, #tpu.memory_space<vmem>> -> memref<1x128xi32, #tpu.memory_space<vmem>>
        %dma_wait3A_471 = tpu.memref_squeeze %dma_wait3A_470 : memref<1x128xi32, #tpu.memory_space<vmem>> -> memref<128xi32, #tpu.memory_space<vmem>>
        %dma_wait3A_472 = arith.constant 0 : i32
        %dma_wait3A_473 = arith.constant 0 : i32
        %dma_wait3A_474 = tpu.memref_slice %arg10[%dma_wait3A_472, %dma_wait3A_473] : memref<100096x16xf32, #tpu.memory_space<vmem_shared>> -> memref<100096x16xf32, #tpu.memory_space<vmem_shared>>
        tpu.wait_indirect_dma semaphore(%run_scoped3A_454 : memref<!tpu.dma_semaphore, #tpu.memory_space<semaphore_mem>>) src(%dma_wait3A_468 : memref<128x16xf32, #tpu.memory_space<vmem>>) dst(%dma_wait3A_474 : memref<100096x16xf32, #tpu.memory_space<vmem_shared>>)
        tpu.yield
      }) : () -> ()
      %dma_wait3A_112 = arith.constant 1 : i32
      %dma_wait3A_113 = arith.constant 1 : i32
      %dma_wait3A_114 = arith.constant 0 : i32
      %dma_wait3A_115 = arith.constant 0 : i32
      %dma_wait3A_116 = tpu.memref_slice %arg8[%dma_wait3A_113, %dma_wait3A_114, %dma_wait3A_115] : memref<8x128x16xf32, #tpu.memory_space<vmem>> -> memref<1x128x16xf32, #tpu.memory_space<vmem>>
      %dma_wait3A_117 = tpu.memref_squeeze %dma_wait3A_116 : memref<1x128x16xf32, #tpu.memory_space<vmem>> -> memref<128x16xf32, #tpu.memory_space<vmem>>
      %dma_wait3A_118 = arith.constant 0 : i32
      %dma_wait3A_119 = tpu.memref_slice %arg6[%dma_wait3A_112, %dma_wait3A_118] : memref<16x128xi32, #tpu.memory_space<vmem>> -> memref<1x128xi32, #tpu.memory_space<vmem>>
      %dma_wait3A_120 = tpu.memref_squeeze %dma_wait3A_119 : memref<1x128xi32, #tpu.memory_space<vmem>> -> memref<128xi32, #tpu.memory_space<vmem>>
      %dma_wait3A_121 = arith.constant 0 : i32
      %dma_wait3A_122 = arith.constant 0 : i32
      %dma_wait3A_123 = tpu.memref_slice %arg4[%dma_wait3A_121, %dma_wait3A_122] : memref<200000x16xf32, #tpu.memory_space<hbm>> -> memref<200000x16xf32, #tpu.memory_space<hbm>>
      tpu.wait_indirect_dma semaphore(%arg11 : memref<!tpu.dma_semaphore, #tpu.memory_space<semaphore_mem>>) src(%dma_wait3A_123 : memref<200000x16xf32, #tpu.memory_space<hbm>>) dst(%dma_wait3A_117 : memref<128x16xf32, #tpu.memory_space<vmem>>)
      %dma_start3A_124 = arith.constant 5 : i32
      %dma_start3A_125 = arith.constant 5 : i32
      %dma_start3A_126 = arith.constant 0 : i32
      %dma_start3A_127 = arith.constant 0 : i32
      %dma_start3A_128 = tpu.memref_slice %arg8[%dma_start3A_125, %dma_start3A_126, %dma_start3A_127] : memref<8x128x16xf32, #tpu.memory_space<vmem>> -> memref<1x128x16xf32, #tpu.memory_space<vmem>>
      %dma_start3A_129 = tpu.memref_squeeze %dma_start3A_128 : memref<1x128x16xf32, #tpu.memory_space<vmem>> -> memref<128x16xf32, #tpu.memory_space<vmem>>
      %dma_start3A_130 = arith.constant 0 : i32
      %dma_start3A_131 = tpu.memref_slice %arg6[%dma_start3A_124, %dma_start3A_130] : memref<16x128xi32, #tpu.memory_space<vmem>> -> memref<1x128xi32, #tpu.memory_space<vmem>>
      %dma_start3A_132 = tpu.memref_squeeze %dma_start3A_131 : memref<1x128xi32, #tpu.memory_space<vmem>> -> memref<128xi32, #tpu.memory_space<vmem>>
      %dma_start3A_133 = arith.constant 0 : i32
      %dma_start3A_134 = arith.constant 0 : i32
      %dma_start3A_135 = tpu.memref_slice %arg4[%dma_start3A_133, %dma_start3A_134] : memref<200000x16xf32, #tpu.memory_space<hbm>> -> memref<200000x16xf32, #tpu.memory_space<hbm>>
      tpu.enqueue_indirect_dma source(%dma_start3A_135 : memref<200000x16xf32, #tpu.memory_space<hbm>>) target(%dma_start3A_129 : memref<128x16xf32, #tpu.memory_space<vmem>>) offsets(%dma_start3A_132 : memref<128xi32, #tpu.memory_space<vmem>>) semaphore(%arg11 : memref<!tpu.dma_semaphore, #tpu.memory_space<semaphore_mem>>)
      %run_scoped3A_136 = arith.constant 1 : i32
      %run_scoped3A_137 = arith.constant 1 : i32
      "tpu.region"() ({
        %run_scoped3A_454 = tpu.sem_alloc : memref<!tpu.dma_semaphore, #tpu.memory_space<semaphore_mem>>
        %dma_start3A_455 = arith.constant 0 : i32
        %dma_start3A_456 = arith.constant 0 : i32
        %dma_start3A_457 = tpu.memref_slice %arg8[%run_scoped3A_136, %dma_start3A_455, %dma_start3A_456] : memref<8x128x16xf32, #tpu.memory_space<vmem>> -> memref<1x128x16xf32, #tpu.memory_space<vmem>>
        %dma_start3A_458 = tpu.memref_squeeze %dma_start3A_457 : memref<1x128x16xf32, #tpu.memory_space<vmem>> -> memref<128x16xf32, #tpu.memory_space<vmem>>
        %dma_start3A_459 = arith.constant 0 : i32
        %dma_start3A_460 = tpu.memref_slice %arg7[%run_scoped3A_137, %dma_start3A_459] : memref<16x128xi32, #tpu.memory_space<vmem>> -> memref<1x128xi32, #tpu.memory_space<vmem>>
        %dma_start3A_461 = tpu.memref_squeeze %dma_start3A_460 : memref<1x128xi32, #tpu.memory_space<vmem>> -> memref<128xi32, #tpu.memory_space<vmem>>
        %dma_start3A_462 = arith.constant 0 : i32
        %dma_start3A_463 = arith.constant 0 : i32
        %dma_start3A_464 = tpu.memref_slice %arg10[%dma_start3A_462, %dma_start3A_463] : memref<100096x16xf32, #tpu.memory_space<vmem_shared>> -> memref<100096x16xf32, #tpu.memory_space<vmem_shared>>
        tpu.enqueue_indirect_dma source(%dma_start3A_458 : memref<128x16xf32, #tpu.memory_space<vmem>>) target(%dma_start3A_464 : memref<100096x16xf32, #tpu.memory_space<vmem_shared>>) offsets(%dma_start3A_461 : memref<128xi32, #tpu.memory_space<vmem>>) semaphore(%run_scoped3A_454 : memref<!tpu.dma_semaphore, #tpu.memory_space<semaphore_mem>>) {add = true}
        %dma_wait3A_465 = arith.constant 0 : i32
        %dma_wait3A_466 = arith.constant 0 : i32
        %dma_wait3A_467 = tpu.memref_slice %arg8[%run_scoped3A_136, %dma_wait3A_465, %dma_wait3A_466] : memref<8x128x16xf32, #tpu.memory_space<vmem>> -> memref<1x128x16xf32, #tpu.memory_space<vmem>>
        %dma_wait3A_468 = tpu.memref_squeeze %dma_wait3A_467 : memref<1x128x16xf32, #tpu.memory_space<vmem>> -> memref<128x16xf32, #tpu.memory_space<vmem>>
        %dma_wait3A_469 = arith.constant 0 : i32
        %dma_wait3A_470 = tpu.memref_slice %arg7[%run_scoped3A_137, %dma_wait3A_469] : memref<16x128xi32, #tpu.memory_space<vmem>> -> memref<1x128xi32, #tpu.memory_space<vmem>>
        %dma_wait3A_471 = tpu.memref_squeeze %dma_wait3A_470 : memref<1x128xi32, #tpu.memory_space<vmem>> -> memref<128xi32, #tpu.memory_space<vmem>>
        %dma_wait3A_472 = arith.constant 0 : i32
        %dma_wait3A_473 = arith.constant 0 : i32
        %dma_wait3A_474 = tpu.memref_slice %arg10[%dma_wait3A_472, %dma_wait3A_473] : memref<100096x16xf32, #tpu.memory_space<vmem_shared>> -> memref<100096x16xf32, #tpu.memory_space<vmem_shared>>
        tpu.wait_indirect_dma semaphore(%run_scoped3A_454 : memref<!tpu.dma_semaphore, #tpu.memory_space<semaphore_mem>>) src(%dma_wait3A_468 : memref<128x16xf32, #tpu.memory_space<vmem>>) dst(%dma_wait3A_474 : memref<100096x16xf32, #tpu.memory_space<vmem_shared>>)
        tpu.yield
      }) : () -> ()
      %dma_wait3A_138 = arith.constant 2 : i32
      %dma_wait3A_139 = arith.constant 2 : i32
      %dma_wait3A_140 = arith.constant 0 : i32
      %dma_wait3A_141 = arith.constant 0 : i32
      %dma_wait3A_142 = tpu.memref_slice %arg8[%dma_wait3A_139, %dma_wait3A_140, %dma_wait3A_141] : memref<8x128x16xf32, #tpu.memory_space<vmem>> -> memref<1x128x16xf32, #tpu.memory_space<vmem>>
      %dma_wait3A_143 = tpu.memref_squeeze %dma_wait3A_142 : memref<1x128x16xf32, #tpu.memory_space<vmem>> -> memref<128x16xf32, #tpu.memory_space<vmem>>
      %dma_wait3A_144 = arith.constant 0 : i32
      %dma_wait3A_145 = tpu.memref_slice %arg6[%dma_wait3A_138, %dma_wait3A_144] : memref<16x128xi32, #tpu.memory_space<vmem>> -> memref<1x128xi32, #tpu.memory_space<vmem>>
      %dma_wait3A_146 = tpu.memref_squeeze %dma_wait3A_145 : memref<1x128xi32, #tpu.memory_space<vmem>> -> memref<128xi32, #tpu.memory_space<vmem>>
      %dma_wait3A_147 = arith.constant 0 : i32
      %dma_wait3A_148 = arith.constant 0 : i32
      %dma_wait3A_149 = tpu.memref_slice %arg4[%dma_wait3A_147, %dma_wait3A_148] : memref<200000x16xf32, #tpu.memory_space<hbm>> -> memref<200000x16xf32, #tpu.memory_space<hbm>>
      tpu.wait_indirect_dma semaphore(%arg11 : memref<!tpu.dma_semaphore, #tpu.memory_space<semaphore_mem>>) src(%dma_wait3A_149 : memref<200000x16xf32, #tpu.memory_space<hbm>>) dst(%dma_wait3A_143 : memref<128x16xf32, #tpu.memory_space<vmem>>)
      %dma_start3A_150 = arith.constant 6 : i32
      %dma_start3A_151 = arith.constant 6 : i32
      %dma_start3A_152 = arith.constant 0 : i32
      %dma_start3A_153 = arith.constant 0 : i32
      %dma_start3A_154 = tpu.memref_slice %arg8[%dma_start3A_151, %dma_start3A_152, %dma_start3A_153] : memref<8x128x16xf32, #tpu.memory_space<vmem>> -> memref<1x128x16xf32, #tpu.memory_space<vmem>>
      %dma_start3A_155 = tpu.memref_squeeze %dma_start3A_154 : memref<1x128x16xf32, #tpu.memory_space<vmem>> -> memref<128x16xf32, #tpu.memory_space<vmem>>
      %dma_start3A_156 = arith.constant 0 : i32
      %dma_start3A_157 = tpu.memref_slice %arg6[%dma_start3A_150, %dma_start3A_156] : memref<16x128xi32, #tpu.memory_space<vmem>> -> memref<1x128xi32, #tpu.memory_space<vmem>>
      %dma_start3A_158 = tpu.memref_squeeze %dma_start3A_157 : memref<1x128xi32, #tpu.memory_space<vmem>> -> memref<128xi32, #tpu.memory_space<vmem>>
      %dma_start3A_159 = arith.constant 0 : i32
      %dma_start3A_160 = arith.constant 0 : i32
      %dma_start3A_161 = tpu.memref_slice %arg4[%dma_start3A_159, %dma_start3A_160] : memref<200000x16xf32, #tpu.memory_space<hbm>> -> memref<200000x16xf32, #tpu.memory_space<hbm>>
      tpu.enqueue_indirect_dma source(%dma_start3A_161 : memref<200000x16xf32, #tpu.memory_space<hbm>>) target(%dma_start3A_155 : memref<128x16xf32, #tpu.memory_space<vmem>>) offsets(%dma_start3A_158 : memref<128xi32, #tpu.memory_space<vmem>>) semaphore(%arg11 : memref<!tpu.dma_semaphore, #tpu.memory_space<semaphore_mem>>)
      %run_scoped3A_162 = arith.constant 2 : i32
      %run_scoped3A_163 = arith.constant 2 : i32
      "tpu.region"() ({
        %run_scoped3A_454 = tpu.sem_alloc : memref<!tpu.dma_semaphore, #tpu.memory_space<semaphore_mem>>
        %dma_start3A_455 = arith.constant 0 : i32
        %dma_start3A_456 = arith.constant 0 : i32
        %dma_start3A_457 = tpu.memref_slice %arg8[%run_scoped3A_162, %dma_start3A_455, %dma_start3A_456] : memref<8x128x16xf32, #tpu.memory_space<vmem>> -> memref<1x128x16xf32, #tpu.memory_space<vmem>>
        %dma_start3A_458 = tpu.memref_squeeze %dma_start3A_457 : memref<1x128x16xf32, #tpu.memory_space<vmem>> -> memref<128x16xf32, #tpu.memory_space<vmem>>
        %dma_start3A_459 = arith.constant 0 : i32
        %dma_start3A_460 = tpu.memref_slice %arg7[%run_scoped3A_163, %dma_start3A_459] : memref<16x128xi32, #tpu.memory_space<vmem>> -> memref<1x128xi32, #tpu.memory_space<vmem>>
        %dma_start3A_461 = tpu.memref_squeeze %dma_start3A_460 : memref<1x128xi32, #tpu.memory_space<vmem>> -> memref<128xi32, #tpu.memory_space<vmem>>
        %dma_start3A_462 = arith.constant 0 : i32
        %dma_start3A_463 = arith.constant 0 : i32
        %dma_start3A_464 = tpu.memref_slice %arg10[%dma_start3A_462, %dma_start3A_463] : memref<100096x16xf32, #tpu.memory_space<vmem_shared>> -> memref<100096x16xf32, #tpu.memory_space<vmem_shared>>
        tpu.enqueue_indirect_dma source(%dma_start3A_458 : memref<128x16xf32, #tpu.memory_space<vmem>>) target(%dma_start3A_464 : memref<100096x16xf32, #tpu.memory_space<vmem_shared>>) offsets(%dma_start3A_461 : memref<128xi32, #tpu.memory_space<vmem>>) semaphore(%run_scoped3A_454 : memref<!tpu.dma_semaphore, #tpu.memory_space<semaphore_mem>>) {add = true}
        %dma_wait3A_465 = arith.constant 0 : i32
        %dma_wait3A_466 = arith.constant 0 : i32
        %dma_wait3A_467 = tpu.memref_slice %arg8[%run_scoped3A_162, %dma_wait3A_465, %dma_wait3A_466] : memref<8x128x16xf32, #tpu.memory_space<vmem>> -> memref<1x128x16xf32, #tpu.memory_space<vmem>>
        %dma_wait3A_468 = tpu.memref_squeeze %dma_wait3A_467 : memref<1x128x16xf32, #tpu.memory_space<vmem>> -> memref<128x16xf32, #tpu.memory_space<vmem>>
        %dma_wait3A_469 = arith.constant 0 : i32
        %dma_wait3A_470 = tpu.memref_slice %arg7[%run_scoped3A_163, %dma_wait3A_469] : memref<16x128xi32, #tpu.memory_space<vmem>> -> memref<1x128xi32, #tpu.memory_space<vmem>>
        %dma_wait3A_471 = tpu.memref_squeeze %dma_wait3A_470 : memref<1x128xi32, #tpu.memory_space<vmem>> -> memref<128xi32, #tpu.memory_space<vmem>>
        %dma_wait3A_472 = arith.constant 0 : i32
        %dma_wait3A_473 = arith.constant 0 : i32
        %dma_wait3A_474 = tpu.memref_slice %arg10[%dma_wait3A_472, %dma_wait3A_473] : memref<100096x16xf32, #tpu.memory_space<vmem_shared>> -> memref<100096x16xf32, #tpu.memory_space<vmem_shared>>
        tpu.wait_indirect_dma semaphore(%run_scoped3A_454 : memref<!tpu.dma_semaphore, #tpu.memory_space<semaphore_mem>>) src(%dma_wait3A_468 : memref<128x16xf32, #tpu.memory_space<vmem>>) dst(%dma_wait3A_474 : memref<100096x16xf32, #tpu.memory_space<vmem_shared>>)
        tpu.yield
      }) : () -> ()
      %dma_wait3A_164 = arith.constant 3 : i32
      %dma_wait3A_165 = arith.constant 3 : i32
      %dma_wait3A_166 = arith.constant 0 : i32
      %dma_wait3A_167 = arith.constant 0 : i32
      %dma_wait3A_168 = tpu.memref_slice %arg8[%dma_wait3A_165, %dma_wait3A_166, %dma_wait3A_167] : memref<8x128x16xf32, #tpu.memory_space<vmem>> -> memref<1x128x16xf32, #tpu.memory_space<vmem>>
      %dma_wait3A_169 = tpu.memref_squeeze %dma_wait3A_168 : memref<1x128x16xf32, #tpu.memory_space<vmem>> -> memref<128x16xf32, #tpu.memory_space<vmem>>
      %dma_wait3A_170 = arith.constant 0 : i32
      %dma_wait3A_171 = tpu.memref_slice %arg6[%dma_wait3A_164, %dma_wait3A_170] : memref<16x128xi32, #tpu.memory_space<vmem>> -> memref<1x128xi32, #tpu.memory_space<vmem>>
      %dma_wait3A_172 = tpu.memref_squeeze %dma_wait3A_171 : memref<1x128xi32, #tpu.memory_space<vmem>> -> memref<128xi32, #tpu.memory_space<vmem>>
      %dma_wait3A_173 = arith.constant 0 : i32
      %dma_wait3A_174 = arith.constant 0 : i32
      %dma_wait3A_175 = tpu.memref_slice %arg4[%dma_wait3A_173, %dma_wait3A_174] : memref<200000x16xf32, #tpu.memory_space<hbm>> -> memref<200000x16xf32, #tpu.memory_space<hbm>>
      tpu.wait_indirect_dma semaphore(%arg11 : memref<!tpu.dma_semaphore, #tpu.memory_space<semaphore_mem>>) src(%dma_wait3A_175 : memref<200000x16xf32, #tpu.memory_space<hbm>>) dst(%dma_wait3A_169 : memref<128x16xf32, #tpu.memory_space<vmem>>)
      %dma_start3A_176 = arith.constant 7 : i32
      %dma_start3A_177 = arith.constant 7 : i32
      %dma_start3A_178 = arith.constant 0 : i32
      %dma_start3A_179 = arith.constant 0 : i32
      %dma_start3A_180 = tpu.memref_slice %arg8[%dma_start3A_177, %dma_start3A_178, %dma_start3A_179] : memref<8x128x16xf32, #tpu.memory_space<vmem>> -> memref<1x128x16xf32, #tpu.memory_space<vmem>>
      %dma_start3A_181 = tpu.memref_squeeze %dma_start3A_180 : memref<1x128x16xf32, #tpu.memory_space<vmem>> -> memref<128x16xf32, #tpu.memory_space<vmem>>
      %dma_start3A_182 = arith.constant 0 : i32
      %dma_start3A_183 = tpu.memref_slice %arg6[%dma_start3A_176, %dma_start3A_182] : memref<16x128xi32, #tpu.memory_space<vmem>> -> memref<1x128xi32, #tpu.memory_space<vmem>>
      %dma_start3A_184 = tpu.memref_squeeze %dma_start3A_183 : memref<1x128xi32, #tpu.memory_space<vmem>> -> memref<128xi32, #tpu.memory_space<vmem>>
      %dma_start3A_185 = arith.constant 0 : i32
      %dma_start3A_186 = arith.constant 0 : i32
      %dma_start3A_187 = tpu.memref_slice %arg4[%dma_start3A_185, %dma_start3A_186] : memref<200000x16xf32, #tpu.memory_space<hbm>> -> memref<200000x16xf32, #tpu.memory_space<hbm>>
      tpu.enqueue_indirect_dma source(%dma_start3A_187 : memref<200000x16xf32, #tpu.memory_space<hbm>>) target(%dma_start3A_181 : memref<128x16xf32, #tpu.memory_space<vmem>>) offsets(%dma_start3A_184 : memref<128xi32, #tpu.memory_space<vmem>>) semaphore(%arg11 : memref<!tpu.dma_semaphore, #tpu.memory_space<semaphore_mem>>)
      %run_scoped3A_188 = arith.constant 3 : i32
      %run_scoped3A_189 = arith.constant 3 : i32
      "tpu.region"() ({
        %run_scoped3A_454 = tpu.sem_alloc : memref<!tpu.dma_semaphore, #tpu.memory_space<semaphore_mem>>
        %dma_start3A_455 = arith.constant 0 : i32
        %dma_start3A_456 = arith.constant 0 : i32
        %dma_start3A_457 = tpu.memref_slice %arg8[%run_scoped3A_188, %dma_start3A_455, %dma_start3A_456] : memref<8x128x16xf32, #tpu.memory_space<vmem>> -> memref<1x128x16xf32, #tpu.memory_space<vmem>>
        %dma_start3A_458 = tpu.memref_squeeze %dma_start3A_457 : memref<1x128x16xf32, #tpu.memory_space<vmem>> -> memref<128x16xf32, #tpu.memory_space<vmem>>
        %dma_start3A_459 = arith.constant 0 : i32
        %dma_start3A_460 = tpu.memref_slice %arg7[%run_scoped3A_189, %dma_start3A_459] : memref<16x128xi32, #tpu.memory_space<vmem>> -> memref<1x128xi32, #tpu.memory_space<vmem>>
        %dma_start3A_461 = tpu.memref_squeeze %dma_start3A_460 : memref<1x128xi32, #tpu.memory_space<vmem>> -> memref<128xi32, #tpu.memory_space<vmem>>
        %dma_start3A_462 = arith.constant 0 : i32
        %dma_start3A_463 = arith.constant 0 : i32
        %dma_start3A_464 = tpu.memref_slice %arg10[%dma_start3A_462, %dma_start3A_463] : memref<100096x16xf32, #tpu.memory_space<vmem_shared>> -> memref<100096x16xf32, #tpu.memory_space<vmem_shared>>
        tpu.enqueue_indirect_dma source(%dma_start3A_458 : memref<128x16xf32, #tpu.memory_space<vmem>>) target(%dma_start3A_464 : memref<100096x16xf32, #tpu.memory_space<vmem_shared>>) offsets(%dma_start3A_461 : memref<128xi32, #tpu.memory_space<vmem>>) semaphore(%run_scoped3A_454 : memref<!tpu.dma_semaphore, #tpu.memory_space<semaphore_mem>>) {add = true}
        %dma_wait3A_465 = arith.constant 0 : i32
        %dma_wait3A_466 = arith.constant 0 : i32
        %dma_wait3A_467 = tpu.memref_slice %arg8[%run_scoped3A_188, %dma_wait3A_465, %dma_wait3A_466] : memref<8x128x16xf32, #tpu.memory_space<vmem>> -> memref<1x128x16xf32, #tpu.memory_space<vmem>>
        %dma_wait3A_468 = tpu.memref_squeeze %dma_wait3A_467 : memref<1x128x16xf32, #tpu.memory_space<vmem>> -> memref<128x16xf32, #tpu.memory_space<vmem>>
        %dma_wait3A_469 = arith.constant 0 : i32
        %dma_wait3A_470 = tpu.memref_slice %arg7[%run_scoped3A_189, %dma_wait3A_469] : memref<16x128xi32, #tpu.memory_space<vmem>> -> memref<1x128xi32, #tpu.memory_space<vmem>>
        %dma_wait3A_471 = tpu.memref_squeeze %dma_wait3A_470 : memref<1x128xi32, #tpu.memory_space<vmem>> -> memref<128xi32, #tpu.memory_space<vmem>>
        %dma_wait3A_472 = arith.constant 0 : i32
        %dma_wait3A_473 = arith.constant 0 : i32
        %dma_wait3A_474 = tpu.memref_slice %arg10[%dma_wait3A_472, %dma_wait3A_473] : memref<100096x16xf32, #tpu.memory_space<vmem_shared>> -> memref<100096x16xf32, #tpu.memory_space<vmem_shared>>
        tpu.wait_indirect_dma semaphore(%run_scoped3A_454 : memref<!tpu.dma_semaphore, #tpu.memory_space<semaphore_mem>>) src(%dma_wait3A_468 : memref<128x16xf32, #tpu.memory_space<vmem>>) dst(%dma_wait3A_474 : memref<100096x16xf32, #tpu.memory_space<vmem_shared>>)
        tpu.yield
      }) : () -> ()
      %dma_wait3A_190 = arith.constant 4 : i32
      %dma_wait3A_191 = arith.constant 4 : i32
      %dma_wait3A_192 = arith.constant 0 : i32
      %dma_wait3A_193 = arith.constant 0 : i32
      %dma_wait3A_194 = tpu.memref_slice %arg8[%dma_wait3A_191, %dma_wait3A_192, %dma_wait3A_193] : memref<8x128x16xf32, #tpu.memory_space<vmem>> -> memref<1x128x16xf32, #tpu.memory_space<vmem>>
      %dma_wait3A_195 = tpu.memref_squeeze %dma_wait3A_194 : memref<1x128x16xf32, #tpu.memory_space<vmem>> -> memref<128x16xf32, #tpu.memory_space<vmem>>
      %dma_wait3A_196 = arith.constant 0 : i32
      %dma_wait3A_197 = tpu.memref_slice %arg6[%dma_wait3A_190, %dma_wait3A_196] : memref<16x128xi32, #tpu.memory_space<vmem>> -> memref<1x128xi32, #tpu.memory_space<vmem>>
      %dma_wait3A_198 = tpu.memref_squeeze %dma_wait3A_197 : memref<1x128xi32, #tpu.memory_space<vmem>> -> memref<128xi32, #tpu.memory_space<vmem>>
      %dma_wait3A_199 = arith.constant 0 : i32
      %dma_wait3A_200 = arith.constant 0 : i32
      %dma_wait3A_201 = tpu.memref_slice %arg4[%dma_wait3A_199, %dma_wait3A_200] : memref<200000x16xf32, #tpu.memory_space<hbm>> -> memref<200000x16xf32, #tpu.memory_space<hbm>>
      tpu.wait_indirect_dma semaphore(%arg11 : memref<!tpu.dma_semaphore, #tpu.memory_space<semaphore_mem>>) src(%dma_wait3A_201 : memref<200000x16xf32, #tpu.memory_space<hbm>>) dst(%dma_wait3A_195 : memref<128x16xf32, #tpu.memory_space<vmem>>)
      %dma_start3A_202 = arith.constant 8 : i32
      %dma_start3A_203 = arith.constant 0 : i32
      %dma_start3A_204 = arith.constant 0 : i32
      %dma_start3A_205 = arith.constant 0 : i32
      %dma_start3A_206 = tpu.memref_slice %arg8[%dma_start3A_203, %dma_start3A_204, %dma_start3A_205] : memref<8x128x16xf32, #tpu.memory_space<vmem>> -> memref<1x128x16xf32, #tpu.memory_space<vmem>>
      %dma_start3A_207 = tpu.memref_squeeze %dma_start3A_206 : memref<1x128x16xf32, #tpu.memory_space<vmem>> -> memref<128x16xf32, #tpu.memory_space<vmem>>
      %dma_start3A_208 = arith.constant 0 : i32
      %dma_start3A_209 = tpu.memref_slice %arg6[%dma_start3A_202, %dma_start3A_208] : memref<16x128xi32, #tpu.memory_space<vmem>> -> memref<1x128xi32, #tpu.memory_space<vmem>>
      %dma_start3A_210 = tpu.memref_squeeze %dma_start3A_209 : memref<1x128xi32, #tpu.memory_space<vmem>> -> memref<128xi32, #tpu.memory_space<vmem>>
      %dma_start3A_211 = arith.constant 0 : i32
      %dma_start3A_212 = arith.constant 0 : i32
      %dma_start3A_213 = tpu.memref_slice %arg4[%dma_start3A_211, %dma_start3A_212] : memref<200000x16xf32, #tpu.memory_space<hbm>> -> memref<200000x16xf32, #tpu.memory_space<hbm>>
      tpu.enqueue_indirect_dma source(%dma_start3A_213 : memref<200000x16xf32, #tpu.memory_space<hbm>>) target(%dma_start3A_207 : memref<128x16xf32, #tpu.memory_space<vmem>>) offsets(%dma_start3A_210 : memref<128xi32, #tpu.memory_space<vmem>>) semaphore(%arg11 : memref<!tpu.dma_semaphore, #tpu.memory_space<semaphore_mem>>)
      %run_scoped3A_214 = arith.constant 4 : i32
      %run_scoped3A_215 = arith.constant 4 : i32
      "tpu.region"() ({
        %run_scoped3A_454 = tpu.sem_alloc : memref<!tpu.dma_semaphore, #tpu.memory_space<semaphore_mem>>
        %dma_start3A_455 = arith.constant 0 : i32
        %dma_start3A_456 = arith.constant 0 : i32
        %dma_start3A_457 = tpu.memref_slice %arg8[%run_scoped3A_214, %dma_start3A_455, %dma_start3A_456] : memref<8x128x16xf32, #tpu.memory_space<vmem>> -> memref<1x128x16xf32, #tpu.memory_space<vmem>>
        %dma_start3A_458 = tpu.memref_squeeze %dma_start3A_457 : memref<1x128x16xf32, #tpu.memory_space<vmem>> -> memref<128x16xf32, #tpu.memory_space<vmem>>
        %dma_start3A_459 = arith.constant 0 : i32
        %dma_start3A_460 = tpu.memref_slice %arg7[%run_scoped3A_215, %dma_start3A_459] : memref<16x128xi32, #tpu.memory_space<vmem>> -> memref<1x128xi32, #tpu.memory_space<vmem>>
        %dma_start3A_461 = tpu.memref_squeeze %dma_start3A_460 : memref<1x128xi32, #tpu.memory_space<vmem>> -> memref<128xi32, #tpu.memory_space<vmem>>
        %dma_start3A_462 = arith.constant 0 : i32
        %dma_start3A_463 = arith.constant 0 : i32
        %dma_start3A_464 = tpu.memref_slice %arg10[%dma_start3A_462, %dma_start3A_463] : memref<100096x16xf32, #tpu.memory_space<vmem_shared>> -> memref<100096x16xf32, #tpu.memory_space<vmem_shared>>
        tpu.enqueue_indirect_dma source(%dma_start3A_458 : memref<128x16xf32, #tpu.memory_space<vmem>>) target(%dma_start3A_464 : memref<100096x16xf32, #tpu.memory_space<vmem_shared>>) offsets(%dma_start3A_461 : memref<128xi32, #tpu.memory_space<vmem>>) semaphore(%run_scoped3A_454 : memref<!tpu.dma_semaphore, #tpu.memory_space<semaphore_mem>>) {add = true}
        %dma_wait3A_465 = arith.constant 0 : i32
        %dma_wait3A_466 = arith.constant 0 : i32
        %dma_wait3A_467 = tpu.memref_slice %arg8[%run_scoped3A_214, %dma_wait3A_465, %dma_wait3A_466] : memref<8x128x16xf32, #tpu.memory_space<vmem>> -> memref<1x128x16xf32, #tpu.memory_space<vmem>>
        %dma_wait3A_468 = tpu.memref_squeeze %dma_wait3A_467 : memref<1x128x16xf32, #tpu.memory_space<vmem>> -> memref<128x16xf32, #tpu.memory_space<vmem>>
        %dma_wait3A_469 = arith.constant 0 : i32
        %dma_wait3A_470 = tpu.memref_slice %arg7[%run_scoped3A_215, %dma_wait3A_469] : memref<16x128xi32, #tpu.memory_space<vmem>> -> memref<1x128xi32, #tpu.memory_space<vmem>>
        %dma_wait3A_471 = tpu.memref_squeeze %dma_wait3A_470 : memref<1x128xi32, #tpu.memory_space<vmem>> -> memref<128xi32, #tpu.memory_space<vmem>>
        %dma_wait3A_472 = arith.constant 0 : i32
        %dma_wait3A_473 = arith.constant 0 : i32
        %dma_wait3A_474 = tpu.memref_slice %arg10[%dma_wait3A_472, %dma_wait3A_473] : memref<100096x16xf32, #tpu.memory_space<vmem_shared>> -> memref<100096x16xf32, #tpu.memory_space<vmem_shared>>
        tpu.wait_indirect_dma semaphore(%run_scoped3A_454 : memref<!tpu.dma_semaphore, #tpu.memory_space<semaphore_mem>>) src(%dma_wait3A_468 : memref<128x16xf32, #tpu.memory_space<vmem>>) dst(%dma_wait3A_474 : memref<100096x16xf32, #tpu.memory_space<vmem_shared>>)
        tpu.yield
      }) : () -> ()
      %dma_wait3A_216 = arith.constant 5 : i32
      %dma_wait3A_217 = arith.constant 5 : i32
      %dma_wait3A_218 = arith.constant 0 : i32
      %dma_wait3A_219 = arith.constant 0 : i32
      %dma_wait3A_220 = tpu.memref_slice %arg8[%dma_wait3A_217, %dma_wait3A_218, %dma_wait3A_219] : memref<8x128x16xf32, #tpu.memory_space<vmem>> -> memref<1x128x16xf32, #tpu.memory_space<vmem>>
      %dma_wait3A_221 = tpu.memref_squeeze %dma_wait3A_220 : memref<1x128x16xf32, #tpu.memory_space<vmem>> -> memref<128x16xf32, #tpu.memory_space<vmem>>
      %dma_wait3A_222 = arith.constant 0 : i32
      %dma_wait3A_223 = tpu.memref_slice %arg6[%dma_wait3A_216, %dma_wait3A_222] : memref<16x128xi32, #tpu.memory_space<vmem>> -> memref<1x128xi32, #tpu.memory_space<vmem>>
      %dma_wait3A_224 = tpu.memref_squeeze %dma_wait3A_223 : memref<1x128xi32, #tpu.memory_space<vmem>> -> memref<128xi32, #tpu.memory_space<vmem>>
      %dma_wait3A_225 = arith.constant 0 : i32
      %dma_wait3A_226 = arith.constant 0 : i32
      %dma_wait3A_227 = tpu.memref_slice %arg4[%dma_wait3A_225, %dma_wait3A_226] : memref<200000x16xf32, #tpu.memory_space<hbm>> -> memref<200000x16xf32, #tpu.memory_space<hbm>>
      tpu.wait_indirect_dma semaphore(%arg11 : memref<!tpu.dma_semaphore, #tpu.memory_space<semaphore_mem>>) src(%dma_wait3A_227 : memref<200000x16xf32, #tpu.memory_space<hbm>>) dst(%dma_wait3A_221 : memref<128x16xf32, #tpu.memory_space<vmem>>)
      %dma_start3A_228 = arith.constant 9 : i32
      %dma_start3A_229 = arith.constant 1 : i32
      %dma_start3A_230 = arith.constant 0 : i32
      %dma_start3A_231 = arith.constant 0 : i32
      %dma_start3A_232 = tpu.memref_slice %arg8[%dma_start3A_229, %dma_start3A_230, %dma_start3A_231] : memref<8x128x16xf32, #tpu.memory_space<vmem>> -> memref<1x128x16xf32, #tpu.memory_space<vmem>>
      %dma_start3A_233 = tpu.memref_squeeze %dma_start3A_232 : memref<1x128x16xf32, #tpu.memory_space<vmem>> -> memref<128x16xf32, #tpu.memory_space<vmem>>
      %dma_start3A_234 = arith.constant 0 : i32
      %dma_start3A_235 = tpu.memref_slice %arg6[%dma_start3A_228, %dma_start3A_234] : memref<16x128xi32, #tpu.memory_space<vmem>> -> memref<1x128xi32, #tpu.memory_space<vmem>>
      %dma_start3A_236 = tpu.memref_squeeze %dma_start3A_235 : memref<1x128xi32, #tpu.memory_space<vmem>> -> memref<128xi32, #tpu.memory_space<vmem>>
      %dma_start3A_237 = arith.constant 0 : i32
      %dma_start3A_238 = arith.constant 0 : i32
      %dma_start3A_239 = tpu.memref_slice %arg4[%dma_start3A_237, %dma_start3A_238] : memref<200000x16xf32, #tpu.memory_space<hbm>> -> memref<200000x16xf32, #tpu.memory_space<hbm>>
      tpu.enqueue_indirect_dma source(%dma_start3A_239 : memref<200000x16xf32, #tpu.memory_space<hbm>>) target(%dma_start3A_233 : memref<128x16xf32, #tpu.memory_space<vmem>>) offsets(%dma_start3A_236 : memref<128xi32, #tpu.memory_space<vmem>>) semaphore(%arg11 : memref<!tpu.dma_semaphore, #tpu.memory_space<semaphore_mem>>)
      %run_scoped3A_240 = arith.constant 5 : i32
      %run_scoped3A_241 = arith.constant 5 : i32
      "tpu.region"() ({
        %run_scoped3A_454 = tpu.sem_alloc : memref<!tpu.dma_semaphore, #tpu.memory_space<semaphore_mem>>
        %dma_start3A_455 = arith.constant 0 : i32
        %dma_start3A_456 = arith.constant 0 : i32
        %dma_start3A_457 = tpu.memref_slice %arg8[%run_scoped3A_240, %dma_start3A_455, %dma_start3A_456] : memref<8x128x16xf32, #tpu.memory_space<vmem>> -> memref<1x128x16xf32, #tpu.memory_space<vmem>>
        %dma_start3A_458 = tpu.memref_squeeze %dma_start3A_457 : memref<1x128x16xf32, #tpu.memory_space<vmem>> -> memref<128x16xf32, #tpu.memory_space<vmem>>
        %dma_start3A_459 = arith.constant 0 : i32
        %dma_start3A_460 = tpu.memref_slice %arg7[%run_scoped3A_241, %dma_start3A_459] : memref<16x128xi32, #tpu.memory_space<vmem>> -> memref<1x128xi32, #tpu.memory_space<vmem>>
        %dma_start3A_461 = tpu.memref_squeeze %dma_start3A_460 : memref<1x128xi32, #tpu.memory_space<vmem>> -> memref<128xi32, #tpu.memory_space<vmem>>
        %dma_start3A_462 = arith.constant 0 : i32
        %dma_start3A_463 = arith.constant 0 : i32
        %dma_start3A_464 = tpu.memref_slice %arg10[%dma_start3A_462, %dma_start3A_463] : memref<100096x16xf32, #tpu.memory_space<vmem_shared>> -> memref<100096x16xf32, #tpu.memory_space<vmem_shared>>
        tpu.enqueue_indirect_dma source(%dma_start3A_458 : memref<128x16xf32, #tpu.memory_space<vmem>>) target(%dma_start3A_464 : memref<100096x16xf32, #tpu.memory_space<vmem_shared>>) offsets(%dma_start3A_461 : memref<128xi32, #tpu.memory_space<vmem>>) semaphore(%run_scoped3A_454 : memref<!tpu.dma_semaphore, #tpu.memory_space<semaphore_mem>>) {add = true}
        %dma_wait3A_465 = arith.constant 0 : i32
        %dma_wait3A_466 = arith.constant 0 : i32
        %dma_wait3A_467 = tpu.memref_slice %arg8[%run_scoped3A_240, %dma_wait3A_465, %dma_wait3A_466] : memref<8x128x16xf32, #tpu.memory_space<vmem>> -> memref<1x128x16xf32, #tpu.memory_space<vmem>>
        %dma_wait3A_468 = tpu.memref_squeeze %dma_wait3A_467 : memref<1x128x16xf32, #tpu.memory_space<vmem>> -> memref<128x16xf32, #tpu.memory_space<vmem>>
        %dma_wait3A_469 = arith.constant 0 : i32
        %dma_wait3A_470 = tpu.memref_slice %arg7[%run_scoped3A_241, %dma_wait3A_469] : memref<16x128xi32, #tpu.memory_space<vmem>> -> memref<1x128xi32, #tpu.memory_space<vmem>>
        %dma_wait3A_471 = tpu.memref_squeeze %dma_wait3A_470 : memref<1x128xi32, #tpu.memory_space<vmem>> -> memref<128xi32, #tpu.memory_space<vmem>>
        %dma_wait3A_472 = arith.constant 0 : i32
        %dma_wait3A_473 = arith.constant 0 : i32
        %dma_wait3A_474 = tpu.memref_slice %arg10[%dma_wait3A_472, %dma_wait3A_473] : memref<100096x16xf32, #tpu.memory_space<vmem_shared>> -> memref<100096x16xf32, #tpu.memory_space<vmem_shared>>
        tpu.wait_indirect_dma semaphore(%run_scoped3A_454 : memref<!tpu.dma_semaphore, #tpu.memory_space<semaphore_mem>>) src(%dma_wait3A_468 : memref<128x16xf32, #tpu.memory_space<vmem>>) dst(%dma_wait3A_474 : memref<100096x16xf32, #tpu.memory_space<vmem_shared>>)
        tpu.yield
      }) : () -> ()
      %dma_wait3A_242 = arith.constant 6 : i32
      %dma_wait3A_243 = arith.constant 6 : i32
      %dma_wait3A_244 = arith.constant 0 : i32
      %dma_wait3A_245 = arith.constant 0 : i32
      %dma_wait3A_246 = tpu.memref_slice %arg8[%dma_wait3A_243, %dma_wait3A_244, %dma_wait3A_245] : memref<8x128x16xf32, #tpu.memory_space<vmem>> -> memref<1x128x16xf32, #tpu.memory_space<vmem>>
      %dma_wait3A_247 = tpu.memref_squeeze %dma_wait3A_246 : memref<1x128x16xf32, #tpu.memory_space<vmem>> -> memref<128x16xf32, #tpu.memory_space<vmem>>
      %dma_wait3A_248 = arith.constant 0 : i32
      %dma_wait3A_249 = tpu.memref_slice %arg6[%dma_wait3A_242, %dma_wait3A_248] : memref<16x128xi32, #tpu.memory_space<vmem>> -> memref<1x128xi32, #tpu.memory_space<vmem>>
      %dma_wait3A_250 = tpu.memref_squeeze %dma_wait3A_249 : memref<1x128xi32, #tpu.memory_space<vmem>> -> memref<128xi32, #tpu.memory_space<vmem>>
      %dma_wait3A_251 = arith.constant 0 : i32
      %dma_wait3A_252 = arith.constant 0 : i32
      %dma_wait3A_253 = tpu.memref_slice %arg4[%dma_wait3A_251, %dma_wait3A_252] : memref<200000x16xf32, #tpu.memory_space<hbm>> -> memref<200000x16xf32, #tpu.memory_space<hbm>>
      tpu.wait_indirect_dma semaphore(%arg11 : memref<!tpu.dma_semaphore, #tpu.memory_space<semaphore_mem>>) src(%dma_wait3A_253 : memref<200000x16xf32, #tpu.memory_space<hbm>>) dst(%dma_wait3A_247 : memref<128x16xf32, #tpu.memory_space<vmem>>)
      %dma_start3A_254 = arith.constant 10 : i32
      %dma_start3A_255 = arith.constant 2 : i32
      %dma_start3A_256 = arith.constant 0 : i32
      %dma_start3A_257 = arith.constant 0 : i32
      %dma_start3A_258 = tpu.memref_slice %arg8[%dma_start3A_255, %dma_start3A_256, %dma_start3A_257] : memref<8x128x16xf32, #tpu.memory_space<vmem>> -> memref<1x128x16xf32, #tpu.memory_space<vmem>>
      %dma_start3A_259 = tpu.memref_squeeze %dma_start3A_258 : memref<1x128x16xf32, #tpu.memory_space<vmem>> -> memref<128x16xf32, #tpu.memory_space<vmem>>
      %dma_start3A_260 = arith.constant 0 : i32
      %dma_start3A_261 = tpu.memref_slice %arg6[%dma_start3A_254, %dma_start3A_260] : memref<16x128xi32, #tpu.memory_space<vmem>> -> memref<1x128xi32, #tpu.memory_space<vmem>>
      %dma_start3A_262 = tpu.memref_squeeze %dma_start3A_261 : memref<1x128xi32, #tpu.memory_space<vmem>> -> memref<128xi32, #tpu.memory_space<vmem>>
      %dma_start3A_263 = arith.constant 0 : i32
      %dma_start3A_264 = arith.constant 0 : i32
      %dma_start3A_265 = tpu.memref_slice %arg4[%dma_start3A_263, %dma_start3A_264] : memref<200000x16xf32, #tpu.memory_space<hbm>> -> memref<200000x16xf32, #tpu.memory_space<hbm>>
      tpu.enqueue_indirect_dma source(%dma_start3A_265 : memref<200000x16xf32, #tpu.memory_space<hbm>>) target(%dma_start3A_259 : memref<128x16xf32, #tpu.memory_space<vmem>>) offsets(%dma_start3A_262 : memref<128xi32, #tpu.memory_space<vmem>>) semaphore(%arg11 : memref<!tpu.dma_semaphore, #tpu.memory_space<semaphore_mem>>)
      %run_scoped3A_266 = arith.constant 6 : i32
      %run_scoped3A_267 = arith.constant 6 : i32
      "tpu.region"() ({
        %run_scoped3A_454 = tpu.sem_alloc : memref<!tpu.dma_semaphore, #tpu.memory_space<semaphore_mem>>
        %dma_start3A_455 = arith.constant 0 : i32
        %dma_start3A_456 = arith.constant 0 : i32
        %dma_start3A_457 = tpu.memref_slice %arg8[%run_scoped3A_266, %dma_start3A_455, %dma_start3A_456] : memref<8x128x16xf32, #tpu.memory_space<vmem>> -> memref<1x128x16xf32, #tpu.memory_space<vmem>>
        %dma_start3A_458 = tpu.memref_squeeze %dma_start3A_457 : memref<1x128x16xf32, #tpu.memory_space<vmem>> -> memref<128x16xf32, #tpu.memory_space<vmem>>
        %dma_start3A_459 = arith.constant 0 : i32
        %dma_start3A_460 = tpu.memref_slice %arg7[%run_scoped3A_267, %dma_start3A_459] : memref<16x128xi32, #tpu.memory_space<vmem>> -> memref<1x128xi32, #tpu.memory_space<vmem>>
        %dma_start3A_461 = tpu.memref_squeeze %dma_start3A_460 : memref<1x128xi32, #tpu.memory_space<vmem>> -> memref<128xi32, #tpu.memory_space<vmem>>
        %dma_start3A_462 = arith.constant 0 : i32
        %dma_start3A_463 = arith.constant 0 : i32
        %dma_start3A_464 = tpu.memref_slice %arg10[%dma_start3A_462, %dma_start3A_463] : memref<100096x16xf32, #tpu.memory_space<vmem_shared>> -> memref<100096x16xf32, #tpu.memory_space<vmem_shared>>
        tpu.enqueue_indirect_dma source(%dma_start3A_458 : memref<128x16xf32, #tpu.memory_space<vmem>>) target(%dma_start3A_464 : memref<100096x16xf32, #tpu.memory_space<vmem_shared>>) offsets(%dma_start3A_461 : memref<128xi32, #tpu.memory_space<vmem>>) semaphore(%run_scoped3A_454 : memref<!tpu.dma_semaphore, #tpu.memory_space<semaphore_mem>>) {add = true}
        %dma_wait3A_465 = arith.constant 0 : i32
        %dma_wait3A_466 = arith.constant 0 : i32
        %dma_wait3A_467 = tpu.memref_slice %arg8[%run_scoped3A_266, %dma_wait3A_465, %dma_wait3A_466] : memref<8x128x16xf32, #tpu.memory_space<vmem>> -> memref<1x128x16xf32, #tpu.memory_space<vmem>>
        %dma_wait3A_468 = tpu.memref_squeeze %dma_wait3A_467 : memref<1x128x16xf32, #tpu.memory_space<vmem>> -> memref<128x16xf32, #tpu.memory_space<vmem>>
        %dma_wait3A_469 = arith.constant 0 : i32
        %dma_wait3A_470 = tpu.memref_slice %arg7[%run_scoped3A_267, %dma_wait3A_469] : memref<16x128xi32, #tpu.memory_space<vmem>> -> memref<1x128xi32, #tpu.memory_space<vmem>>
        %dma_wait3A_471 = tpu.memref_squeeze %dma_wait3A_470 : memref<1x128xi32, #tpu.memory_space<vmem>> -> memref<128xi32, #tpu.memory_space<vmem>>
        %dma_wait3A_472 = arith.constant 0 : i32
        %dma_wait3A_473 = arith.constant 0 : i32
        %dma_wait3A_474 = tpu.memref_slice %arg10[%dma_wait3A_472, %dma_wait3A_473] : memref<100096x16xf32, #tpu.memory_space<vmem_shared>> -> memref<100096x16xf32, #tpu.memory_space<vmem_shared>>
        tpu.wait_indirect_dma semaphore(%run_scoped3A_454 : memref<!tpu.dma_semaphore, #tpu.memory_space<semaphore_mem>>) src(%dma_wait3A_468 : memref<128x16xf32, #tpu.memory_space<vmem>>) dst(%dma_wait3A_474 : memref<100096x16xf32, #tpu.memory_space<vmem_shared>>)
        tpu.yield
      }) : () -> ()
      %dma_wait3A_268 = arith.constant 7 : i32
      %dma_wait3A_269 = arith.constant 7 : i32
      %dma_wait3A_270 = arith.constant 0 : i32
      %dma_wait3A_271 = arith.constant 0 : i32
      %dma_wait3A_272 = tpu.memref_slice %arg8[%dma_wait3A_269, %dma_wait3A_270, %dma_wait3A_271] : memref<8x128x16xf32, #tpu.memory_space<vmem>> -> memref<1x128x16xf32, #tpu.memory_space<vmem>>
      %dma_wait3A_273 = tpu.memref_squeeze %dma_wait3A_272 : memref<1x128x16xf32, #tpu.memory_space<vmem>> -> memref<128x16xf32, #tpu.memory_space<vmem>>
      %dma_wait3A_274 = arith.constant 0 : i32
      %dma_wait3A_275 = tpu.memref_slice %arg6[%dma_wait3A_268, %dma_wait3A_274] : memref<16x128xi32, #tpu.memory_space<vmem>> -> memref<1x128xi32, #tpu.memory_space<vmem>>
      %dma_wait3A_276 = tpu.memref_squeeze %dma_wait3A_275 : memref<1x128xi32, #tpu.memory_space<vmem>> -> memref<128xi32, #tpu.memory_space<vmem>>
      %dma_wait3A_277 = arith.constant 0 : i32
      %dma_wait3A_278 = arith.constant 0 : i32
      %dma_wait3A_279 = tpu.memref_slice %arg4[%dma_wait3A_277, %dma_wait3A_278] : memref<200000x16xf32, #tpu.memory_space<hbm>> -> memref<200000x16xf32, #tpu.memory_space<hbm>>
      tpu.wait_indirect_dma semaphore(%arg11 : memref<!tpu.dma_semaphore, #tpu.memory_space<semaphore_mem>>) src(%dma_wait3A_279 : memref<200000x16xf32, #tpu.memory_space<hbm>>) dst(%dma_wait3A_273 : memref<128x16xf32, #tpu.memory_space<vmem>>)
      %dma_start3A_280 = arith.constant 11 : i32
      %dma_start3A_281 = arith.constant 3 : i32
      %dma_start3A_282 = arith.constant 0 : i32
      %dma_start3A_283 = arith.constant 0 : i32
      %dma_start3A_284 = tpu.memref_slice %arg8[%dma_start3A_281, %dma_start3A_282, %dma_start3A_283] : memref<8x128x16xf32, #tpu.memory_space<vmem>> -> memref<1x128x16xf32, #tpu.memory_space<vmem>>
      %dma_start3A_285 = tpu.memref_squeeze %dma_start3A_284 : memref<1x128x16xf32, #tpu.memory_space<vmem>> -> memref<128x16xf32, #tpu.memory_space<vmem>>
      %dma_start3A_286 = arith.constant 0 : i32
      %dma_start3A_287 = tpu.memref_slice %arg6[%dma_start3A_280, %dma_start3A_286] : memref<16x128xi32, #tpu.memory_space<vmem>> -> memref<1x128xi32, #tpu.memory_space<vmem>>
      %dma_start3A_288 = tpu.memref_squeeze %dma_start3A_287 : memref<1x128xi32, #tpu.memory_space<vmem>> -> memref<128xi32, #tpu.memory_space<vmem>>
      %dma_start3A_289 = arith.constant 0 : i32
      %dma_start3A_290 = arith.constant 0 : i32
      %dma_start3A_291 = tpu.memref_slice %arg4[%dma_start3A_289, %dma_start3A_290] : memref<200000x16xf32, #tpu.memory_space<hbm>> -> memref<200000x16xf32, #tpu.memory_space<hbm>>
      tpu.enqueue_indirect_dma source(%dma_start3A_291 : memref<200000x16xf32, #tpu.memory_space<hbm>>) target(%dma_start3A_285 : memref<128x16xf32, #tpu.memory_space<vmem>>) offsets(%dma_start3A_288 : memref<128xi32, #tpu.memory_space<vmem>>) semaphore(%arg11 : memref<!tpu.dma_semaphore, #tpu.memory_space<semaphore_mem>>)
      %run_scoped3A_292 = arith.constant 7 : i32
      %run_scoped3A_293 = arith.constant 7 : i32
      "tpu.region"() ({
        %run_scoped3A_454 = tpu.sem_alloc : memref<!tpu.dma_semaphore, #tpu.memory_space<semaphore_mem>>
        %dma_start3A_455 = arith.constant 0 : i32
        %dma_start3A_456 = arith.constant 0 : i32
        %dma_start3A_457 = tpu.memref_slice %arg8[%run_scoped3A_292, %dma_start3A_455, %dma_start3A_456] : memref<8x128x16xf32, #tpu.memory_space<vmem>> -> memref<1x128x16xf32, #tpu.memory_space<vmem>>
        %dma_start3A_458 = tpu.memref_squeeze %dma_start3A_457 : memref<1x128x16xf32, #tpu.memory_space<vmem>> -> memref<128x16xf32, #tpu.memory_space<vmem>>
        %dma_start3A_459 = arith.constant 0 : i32
        %dma_start3A_460 = tpu.memref_slice %arg7[%run_scoped3A_293, %dma_start3A_459] : memref<16x128xi32, #tpu.memory_space<vmem>> -> memref<1x128xi32, #tpu.memory_space<vmem>>
        %dma_start3A_461 = tpu.memref_squeeze %dma_start3A_460 : memref<1x128xi32, #tpu.memory_space<vmem>> -> memref<128xi32, #tpu.memory_space<vmem>>
        %dma_start3A_462 = arith.constant 0 : i32
        %dma_start3A_463 = arith.constant 0 : i32
        %dma_start3A_464 = tpu.memref_slice %arg10[%dma_start3A_462, %dma_start3A_463] : memref<100096x16xf32, #tpu.memory_space<vmem_shared>> -> memref<100096x16xf32, #tpu.memory_space<vmem_shared>>
        tpu.enqueue_indirect_dma source(%dma_start3A_458 : memref<128x16xf32, #tpu.memory_space<vmem>>) target(%dma_start3A_464 : memref<100096x16xf32, #tpu.memory_space<vmem_shared>>) offsets(%dma_start3A_461 : memref<128xi32, #tpu.memory_space<vmem>>) semaphore(%run_scoped3A_454 : memref<!tpu.dma_semaphore, #tpu.memory_space<semaphore_mem>>) {add = true}
        %dma_wait3A_465 = arith.constant 0 : i32
        %dma_wait3A_466 = arith.constant 0 : i32
        %dma_wait3A_467 = tpu.memref_slice %arg8[%run_scoped3A_292, %dma_wait3A_465, %dma_wait3A_466] : memref<8x128x16xf32, #tpu.memory_space<vmem>> -> memref<1x128x16xf32, #tpu.memory_space<vmem>>
        %dma_wait3A_468 = tpu.memref_squeeze %dma_wait3A_467 : memref<1x128x16xf32, #tpu.memory_space<vmem>> -> memref<128x16xf32, #tpu.memory_space<vmem>>
        %dma_wait3A_469 = arith.constant 0 : i32
        %dma_wait3A_470 = tpu.memref_slice %arg7[%run_scoped3A_293, %dma_wait3A_469] : memref<16x128xi32, #tpu.memory_space<vmem>> -> memref<1x128xi32, #tpu.memory_space<vmem>>
        %dma_wait3A_471 = tpu.memref_squeeze %dma_wait3A_470 : memref<1x128xi32, #tpu.memory_space<vmem>> -> memref<128xi32, #tpu.memory_space<vmem>>
        %dma_wait3A_472 = arith.constant 0 : i32
        %dma_wait3A_473 = arith.constant 0 : i32
        %dma_wait3A_474 = tpu.memref_slice %arg10[%dma_wait3A_472, %dma_wait3A_473] : memref<100096x16xf32, #tpu.memory_space<vmem_shared>> -> memref<100096x16xf32, #tpu.memory_space<vmem_shared>>
        tpu.wait_indirect_dma semaphore(%run_scoped3A_454 : memref<!tpu.dma_semaphore, #tpu.memory_space<semaphore_mem>>) src(%dma_wait3A_468 : memref<128x16xf32, #tpu.memory_space<vmem>>) dst(%dma_wait3A_474 : memref<100096x16xf32, #tpu.memory_space<vmem_shared>>)
        tpu.yield
      }) : () -> ()
      %dma_wait3A_294 = arith.constant 8 : i32
      %dma_wait3A_295 = arith.constant 0 : i32
      %dma_wait3A_296 = arith.constant 0 : i32
      %dma_wait3A_297 = arith.constant 0 : i32
      %dma_wait3A_298 = tpu.memref_slice %arg8[%dma_wait3A_295, %dma_wait3A_296, %dma_wait3A_297] : memref<8x128x16xf32, #tpu.memory_space<vmem>> -> memref<1x128x16xf32, #tpu.memory_space<vmem>>
      %dma_wait3A_299 = tpu.memref_squeeze %dma_wait3A_298 : memref<1x128x16xf32, #tpu.memory_space<vmem>> -> memref<128x16xf32, #tpu.memory_space<vmem>>
      %dma_wait3A_300 = arith.constant 0 : i32
      %dma_wait3A_301 = tpu.memref_slice %arg6[%dma_wait3A_294, %dma_wait3A_300] : memref<16x128xi32, #tpu.memory_space<vmem>> -> memref<1x128xi32, #tpu.memory_space<vmem>>
      %dma_wait3A_302 = tpu.memref_squeeze %dma_wait3A_301 : memref<1x128xi32, #tpu.memory_space<vmem>> -> memref<128xi32, #tpu.memory_space<vmem>>
      %dma_wait3A_303 = arith.constant 0 : i32
      %dma_wait3A_304 = arith.constant 0 : i32
      %dma_wait3A_305 = tpu.memref_slice %arg4[%dma_wait3A_303, %dma_wait3A_304] : memref<200000x16xf32, #tpu.memory_space<hbm>> -> memref<200000x16xf32, #tpu.memory_space<hbm>>
      tpu.wait_indirect_dma semaphore(%arg11 : memref<!tpu.dma_semaphore, #tpu.memory_space<semaphore_mem>>) src(%dma_wait3A_305 : memref<200000x16xf32, #tpu.memory_space<hbm>>) dst(%dma_wait3A_299 : memref<128x16xf32, #tpu.memory_space<vmem>>)
      %dma_start3A_306 = arith.constant 12 : i32
      %dma_start3A_307 = arith.constant 4 : i32
      %dma_start3A_308 = arith.constant 0 : i32
      %dma_start3A_309 = arith.constant 0 : i32
      %dma_start3A_310 = tpu.memref_slice %arg8[%dma_start3A_307, %dma_start3A_308, %dma_start3A_309] : memref<8x128x16xf32, #tpu.memory_space<vmem>> -> memref<1x128x16xf32, #tpu.memory_space<vmem>>
      %dma_start3A_311 = tpu.memref_squeeze %dma_start3A_310 : memref<1x128x16xf32, #tpu.memory_space<vmem>> -> memref<128x16xf32, #tpu.memory_space<vmem>>
      %dma_start3A_312 = arith.constant 0 : i32
      %dma_start3A_313 = tpu.memref_slice %arg6[%dma_start3A_306, %dma_start3A_312] : memref<16x128xi32, #tpu.memory_space<vmem>> -> memref<1x128xi32, #tpu.memory_space<vmem>>
      %dma_start3A_314 = tpu.memref_squeeze %dma_start3A_313 : memref<1x128xi32, #tpu.memory_space<vmem>> -> memref<128xi32, #tpu.memory_space<vmem>>
      %dma_start3A_315 = arith.constant 0 : i32
      %dma_start3A_316 = arith.constant 0 : i32
      %dma_start3A_317 = tpu.memref_slice %arg4[%dma_start3A_315, %dma_start3A_316] : memref<200000x16xf32, #tpu.memory_space<hbm>> -> memref<200000x16xf32, #tpu.memory_space<hbm>>
      tpu.enqueue_indirect_dma source(%dma_start3A_317 : memref<200000x16xf32, #tpu.memory_space<hbm>>) target(%dma_start3A_311 : memref<128x16xf32, #tpu.memory_space<vmem>>) offsets(%dma_start3A_314 : memref<128xi32, #tpu.memory_space<vmem>>) semaphore(%arg11 : memref<!tpu.dma_semaphore, #tpu.memory_space<semaphore_mem>>)
      %run_scoped3A_318 = arith.constant 0 : i32
      %run_scoped3A_319 = arith.constant 8 : i32
      "tpu.region"() ({
        %run_scoped3A_454 = tpu.sem_alloc : memref<!tpu.dma_semaphore, #tpu.memory_space<semaphore_mem>>
        %dma_start3A_455 = arith.constant 0 : i32
        %dma_start3A_456 = arith.constant 0 : i32
        %dma_start3A_457 = tpu.memref_slice %arg8[%run_scoped3A_318, %dma_start3A_455, %dma_start3A_456] : memref<8x128x16xf32, #tpu.memory_space<vmem>> -> memref<1x128x16xf32, #tpu.memory_space<vmem>>
        %dma_start3A_458 = tpu.memref_squeeze %dma_start3A_457 : memref<1x128x16xf32, #tpu.memory_space<vmem>> -> memref<128x16xf32, #tpu.memory_space<vmem>>
        %dma_start3A_459 = arith.constant 0 : i32
        %dma_start3A_460 = tpu.memref_slice %arg7[%run_scoped3A_319, %dma_start3A_459] : memref<16x128xi32, #tpu.memory_space<vmem>> -> memref<1x128xi32, #tpu.memory_space<vmem>>
        %dma_start3A_461 = tpu.memref_squeeze %dma_start3A_460 : memref<1x128xi32, #tpu.memory_space<vmem>> -> memref<128xi32, #tpu.memory_space<vmem>>
        %dma_start3A_462 = arith.constant 0 : i32
        %dma_start3A_463 = arith.constant 0 : i32
        %dma_start3A_464 = tpu.memref_slice %arg10[%dma_start3A_462, %dma_start3A_463] : memref<100096x16xf32, #tpu.memory_space<vmem_shared>> -> memref<100096x16xf32, #tpu.memory_space<vmem_shared>>
        tpu.enqueue_indirect_dma source(%dma_start3A_458 : memref<128x16xf32, #tpu.memory_space<vmem>>) target(%dma_start3A_464 : memref<100096x16xf32, #tpu.memory_space<vmem_shared>>) offsets(%dma_start3A_461 : memref<128xi32, #tpu.memory_space<vmem>>) semaphore(%run_scoped3A_454 : memref<!tpu.dma_semaphore, #tpu.memory_space<semaphore_mem>>) {add = true}
        %dma_wait3A_465 = arith.constant 0 : i32
        %dma_wait3A_466 = arith.constant 0 : i32
        %dma_wait3A_467 = tpu.memref_slice %arg8[%run_scoped3A_318, %dma_wait3A_465, %dma_wait3A_466] : memref<8x128x16xf32, #tpu.memory_space<vmem>> -> memref<1x128x16xf32, #tpu.memory_space<vmem>>
        %dma_wait3A_468 = tpu.memref_squeeze %dma_wait3A_467 : memref<1x128x16xf32, #tpu.memory_space<vmem>> -> memref<128x16xf32, #tpu.memory_space<vmem>>
        %dma_wait3A_469 = arith.constant 0 : i32
        %dma_wait3A_470 = tpu.memref_slice %arg7[%run_scoped3A_319, %dma_wait3A_469] : memref<16x128xi32, #tpu.memory_space<vmem>> -> memref<1x128xi32, #tpu.memory_space<vmem>>
        %dma_wait3A_471 = tpu.memref_squeeze %dma_wait3A_470 : memref<1x128xi32, #tpu.memory_space<vmem>> -> memref<128xi32, #tpu.memory_space<vmem>>
        %dma_wait3A_472 = arith.constant 0 : i32
        %dma_wait3A_473 = arith.constant 0 : i32
        %dma_wait3A_474 = tpu.memref_slice %arg10[%dma_wait3A_472, %dma_wait3A_473] : memref<100096x16xf32, #tpu.memory_space<vmem_shared>> -> memref<100096x16xf32, #tpu.memory_space<vmem_shared>>
        tpu.wait_indirect_dma semaphore(%run_scoped3A_454 : memref<!tpu.dma_semaphore, #tpu.memory_space<semaphore_mem>>) src(%dma_wait3A_468 : memref<128x16xf32, #tpu.memory_space<vmem>>) dst(%dma_wait3A_474 : memref<100096x16xf32, #tpu.memory_space<vmem_shared>>)
        tpu.yield
      }) : () -> ()
      %dma_wait3A_320 = arith.constant 9 : i32
      %dma_wait3A_321 = arith.constant 1 : i32
      %dma_wait3A_322 = arith.constant 0 : i32
      %dma_wait3A_323 = arith.constant 0 : i32
      %dma_wait3A_324 = tpu.memref_slice %arg8[%dma_wait3A_321, %dma_wait3A_322, %dma_wait3A_323] : memref<8x128x16xf32, #tpu.memory_space<vmem>> -> memref<1x128x16xf32, #tpu.memory_space<vmem>>
      %dma_wait3A_325 = tpu.memref_squeeze %dma_wait3A_324 : memref<1x128x16xf32, #tpu.memory_space<vmem>> -> memref<128x16xf32, #tpu.memory_space<vmem>>
      %dma_wait3A_326 = arith.constant 0 : i32
      %dma_wait3A_327 = tpu.memref_slice %arg6[%dma_wait3A_320, %dma_wait3A_326] : memref<16x128xi32, #tpu.memory_space<vmem>> -> memref<1x128xi32, #tpu.memory_space<vmem>>
      %dma_wait3A_328 = tpu.memref_squeeze %dma_wait3A_327 : memref<1x128xi32, #tpu.memory_space<vmem>> -> memref<128xi32, #tpu.memory_space<vmem>>
      %dma_wait3A_329 = arith.constant 0 : i32
      %dma_wait3A_330 = arith.constant 0 : i32
      %dma_wait3A_331 = tpu.memref_slice %arg4[%dma_wait3A_329, %dma_wait3A_330] : memref<200000x16xf32, #tpu.memory_space<hbm>> -> memref<200000x16xf32, #tpu.memory_space<hbm>>
      tpu.wait_indirect_dma semaphore(%arg11 : memref<!tpu.dma_semaphore, #tpu.memory_space<semaphore_mem>>) src(%dma_wait3A_331 : memref<200000x16xf32, #tpu.memory_space<hbm>>) dst(%dma_wait3A_325 : memref<128x16xf32, #tpu.memory_space<vmem>>)
      %dma_start3A_332 = arith.constant 13 : i32
      %dma_start3A_333 = arith.constant 5 : i32
      %dma_start3A_334 = arith.constant 0 : i32
      %dma_start3A_335 = arith.constant 0 : i32
      %dma_start3A_336 = tpu.memref_slice %arg8[%dma_start3A_333, %dma_start3A_334, %dma_start3A_335] : memref<8x128x16xf32, #tpu.memory_space<vmem>> -> memref<1x128x16xf32, #tpu.memory_space<vmem>>
      %dma_start3A_337 = tpu.memref_squeeze %dma_start3A_336 : memref<1x128x16xf32, #tpu.memory_space<vmem>> -> memref<128x16xf32, #tpu.memory_space<vmem>>
      %dma_start3A_338 = arith.constant 0 : i32
      %dma_start3A_339 = tpu.memref_slice %arg6[%dma_start3A_332, %dma_start3A_338] : memref<16x128xi32, #tpu.memory_space<vmem>> -> memref<1x128xi32, #tpu.memory_space<vmem>>
      %dma_start3A_340 = tpu.memref_squeeze %dma_start3A_339 : memref<1x128xi32, #tpu.memory_space<vmem>> -> memref<128xi32, #tpu.memory_space<vmem>>
      %dma_start3A_341 = arith.constant 0 : i32
      %dma_start3A_342 = arith.constant 0 : i32
      %dma_start3A_343 = tpu.memref_slice %arg4[%dma_start3A_341, %dma_start3A_342] : memref<200000x16xf32, #tpu.memory_space<hbm>> -> memref<200000x16xf32, #tpu.memory_space<hbm>>
      tpu.enqueue_indirect_dma source(%dma_start3A_343 : memref<200000x16xf32, #tpu.memory_space<hbm>>) target(%dma_start3A_337 : memref<128x16xf32, #tpu.memory_space<vmem>>) offsets(%dma_start3A_340 : memref<128xi32, #tpu.memory_space<vmem>>) semaphore(%arg11 : memref<!tpu.dma_semaphore, #tpu.memory_space<semaphore_mem>>)
      %run_scoped3A_344 = arith.constant 1 : i32
      %run_scoped3A_345 = arith.constant 9 : i32
      "tpu.region"() ({
        %run_scoped3A_454 = tpu.sem_alloc : memref<!tpu.dma_semaphore, #tpu.memory_space<semaphore_mem>>
        %dma_start3A_455 = arith.constant 0 : i32
        %dma_start3A_456 = arith.constant 0 : i32
        %dma_start3A_457 = tpu.memref_slice %arg8[%run_scoped3A_344, %dma_start3A_455, %dma_start3A_456] : memref<8x128x16xf32, #tpu.memory_space<vmem>> -> memref<1x128x16xf32, #tpu.memory_space<vmem>>
        %dma_start3A_458 = tpu.memref_squeeze %dma_start3A_457 : memref<1x128x16xf32, #tpu.memory_space<vmem>> -> memref<128x16xf32, #tpu.memory_space<vmem>>
        %dma_start3A_459 = arith.constant 0 : i32
        %dma_start3A_460 = tpu.memref_slice %arg7[%run_scoped3A_345, %dma_start3A_459] : memref<16x128xi32, #tpu.memory_space<vmem>> -> memref<1x128xi32, #tpu.memory_space<vmem>>
        %dma_start3A_461 = tpu.memref_squeeze %dma_start3A_460 : memref<1x128xi32, #tpu.memory_space<vmem>> -> memref<128xi32, #tpu.memory_space<vmem>>
        %dma_start3A_462 = arith.constant 0 : i32
        %dma_start3A_463 = arith.constant 0 : i32
        %dma_start3A_464 = tpu.memref_slice %arg10[%dma_start3A_462, %dma_start3A_463] : memref<100096x16xf32, #tpu.memory_space<vmem_shared>> -> memref<100096x16xf32, #tpu.memory_space<vmem_shared>>
        tpu.enqueue_indirect_dma source(%dma_start3A_458 : memref<128x16xf32, #tpu.memory_space<vmem>>) target(%dma_start3A_464 : memref<100096x16xf32, #tpu.memory_space<vmem_shared>>) offsets(%dma_start3A_461 : memref<128xi32, #tpu.memory_space<vmem>>) semaphore(%run_scoped3A_454 : memref<!tpu.dma_semaphore, #tpu.memory_space<semaphore_mem>>) {add = true}
        %dma_wait3A_465 = arith.constant 0 : i32
        %dma_wait3A_466 = arith.constant 0 : i32
        %dma_wait3A_467 = tpu.memref_slice %arg8[%run_scoped3A_344, %dma_wait3A_465, %dma_wait3A_466] : memref<8x128x16xf32, #tpu.memory_space<vmem>> -> memref<1x128x16xf32, #tpu.memory_space<vmem>>
        %dma_wait3A_468 = tpu.memref_squeeze %dma_wait3A_467 : memref<1x128x16xf32, #tpu.memory_space<vmem>> -> memref<128x16xf32, #tpu.memory_space<vmem>>
        %dma_wait3A_469 = arith.constant 0 : i32
        %dma_wait3A_470 = tpu.memref_slice %arg7[%run_scoped3A_345, %dma_wait3A_469] : memref<16x128xi32, #tpu.memory_space<vmem>> -> memref<1x128xi32, #tpu.memory_space<vmem>>
        %dma_wait3A_471 = tpu.memref_squeeze %dma_wait3A_470 : memref<1x128xi32, #tpu.memory_space<vmem>> -> memref<128xi32, #tpu.memory_space<vmem>>
        %dma_wait3A_472 = arith.constant 0 : i32
        %dma_wait3A_473 = arith.constant 0 : i32
        %dma_wait3A_474 = tpu.memref_slice %arg10[%dma_wait3A_472, %dma_wait3A_473] : memref<100096x16xf32, #tpu.memory_space<vmem_shared>> -> memref<100096x16xf32, #tpu.memory_space<vmem_shared>>
        tpu.wait_indirect_dma semaphore(%run_scoped3A_454 : memref<!tpu.dma_semaphore, #tpu.memory_space<semaphore_mem>>) src(%dma_wait3A_468 : memref<128x16xf32, #tpu.memory_space<vmem>>) dst(%dma_wait3A_474 : memref<100096x16xf32, #tpu.memory_space<vmem_shared>>)
        tpu.yield
      }) : () -> ()
      %dma_wait3A_346 = arith.constant 10 : i32
      %dma_wait3A_347 = arith.constant 2 : i32
      %dma_wait3A_348 = arith.constant 0 : i32
      %dma_wait3A_349 = arith.constant 0 : i32
      %dma_wait3A_350 = tpu.memref_slice %arg8[%dma_wait3A_347, %dma_wait3A_348, %dma_wait3A_349] : memref<8x128x16xf32, #tpu.memory_space<vmem>> -> memref<1x128x16xf32, #tpu.memory_space<vmem>>
      %dma_wait3A_351 = tpu.memref_squeeze %dma_wait3A_350 : memref<1x128x16xf32, #tpu.memory_space<vmem>> -> memref<128x16xf32, #tpu.memory_space<vmem>>
      %dma_wait3A_352 = arith.constant 0 : i32
      %dma_wait3A_353 = tpu.memref_slice %arg6[%dma_wait3A_346, %dma_wait3A_352] : memref<16x128xi32, #tpu.memory_space<vmem>> -> memref<1x128xi32, #tpu.memory_space<vmem>>
      %dma_wait3A_354 = tpu.memref_squeeze %dma_wait3A_353 : memref<1x128xi32, #tpu.memory_space<vmem>> -> memref<128xi32, #tpu.memory_space<vmem>>
      %dma_wait3A_355 = arith.constant 0 : i32
      %dma_wait3A_356 = arith.constant 0 : i32
      %dma_wait3A_357 = tpu.memref_slice %arg4[%dma_wait3A_355, %dma_wait3A_356] : memref<200000x16xf32, #tpu.memory_space<hbm>> -> memref<200000x16xf32, #tpu.memory_space<hbm>>
      tpu.wait_indirect_dma semaphore(%arg11 : memref<!tpu.dma_semaphore, #tpu.memory_space<semaphore_mem>>) src(%dma_wait3A_357 : memref<200000x16xf32, #tpu.memory_space<hbm>>) dst(%dma_wait3A_351 : memref<128x16xf32, #tpu.memory_space<vmem>>)
      %dma_start3A_358 = arith.constant 14 : i32
      %dma_start3A_359 = arith.constant 6 : i32
      %dma_start3A_360 = arith.constant 0 : i32
      %dma_start3A_361 = arith.constant 0 : i32
      %dma_start3A_362 = tpu.memref_slice %arg8[%dma_start3A_359, %dma_start3A_360, %dma_start3A_361] : memref<8x128x16xf32, #tpu.memory_space<vmem>> -> memref<1x128x16xf32, #tpu.memory_space<vmem>>
      %dma_start3A_363 = tpu.memref_squeeze %dma_start3A_362 : memref<1x128x16xf32, #tpu.memory_space<vmem>> -> memref<128x16xf32, #tpu.memory_space<vmem>>
      %dma_start3A_364 = arith.constant 0 : i32
      %dma_start3A_365 = tpu.memref_slice %arg6[%dma_start3A_358, %dma_start3A_364] : memref<16x128xi32, #tpu.memory_space<vmem>> -> memref<1x128xi32, #tpu.memory_space<vmem>>
      %dma_start3A_366 = tpu.memref_squeeze %dma_start3A_365 : memref<1x128xi32, #tpu.memory_space<vmem>> -> memref<128xi32, #tpu.memory_space<vmem>>
      %dma_start3A_367 = arith.constant 0 : i32
      %dma_start3A_368 = arith.constant 0 : i32
      %dma_start3A_369 = tpu.memref_slice %arg4[%dma_start3A_367, %dma_start3A_368] : memref<200000x16xf32, #tpu.memory_space<hbm>> -> memref<200000x16xf32, #tpu.memory_space<hbm>>
      tpu.enqueue_indirect_dma source(%dma_start3A_369 : memref<200000x16xf32, #tpu.memory_space<hbm>>) target(%dma_start3A_363 : memref<128x16xf32, #tpu.memory_space<vmem>>) offsets(%dma_start3A_366 : memref<128xi32, #tpu.memory_space<vmem>>) semaphore(%arg11 : memref<!tpu.dma_semaphore, #tpu.memory_space<semaphore_mem>>)
      %run_scoped3A_370 = arith.constant 2 : i32
      %run_scoped3A_371 = arith.constant 10 : i32
      "tpu.region"() ({
        %run_scoped3A_454 = tpu.sem_alloc : memref<!tpu.dma_semaphore, #tpu.memory_space<semaphore_mem>>
        %dma_start3A_455 = arith.constant 0 : i32
        %dma_start3A_456 = arith.constant 0 : i32
        %dma_start3A_457 = tpu.memref_slice %arg8[%run_scoped3A_370, %dma_start3A_455, %dma_start3A_456] : memref<8x128x16xf32, #tpu.memory_space<vmem>> -> memref<1x128x16xf32, #tpu.memory_space<vmem>>
        %dma_start3A_458 = tpu.memref_squeeze %dma_start3A_457 : memref<1x128x16xf32, #tpu.memory_space<vmem>> -> memref<128x16xf32, #tpu.memory_space<vmem>>
        %dma_start3A_459 = arith.constant 0 : i32
        %dma_start3A_460 = tpu.memref_slice %arg7[%run_scoped3A_371, %dma_start3A_459] : memref<16x128xi32, #tpu.memory_space<vmem>> -> memref<1x128xi32, #tpu.memory_space<vmem>>
        %dma_start3A_461 = tpu.memref_squeeze %dma_start3A_460 : memref<1x128xi32, #tpu.memory_space<vmem>> -> memref<128xi32, #tpu.memory_space<vmem>>
        %dma_start3A_462 = arith.constant 0 : i32
        %dma_start3A_463 = arith.constant 0 : i32
        %dma_start3A_464 = tpu.memref_slice %arg10[%dma_start3A_462, %dma_start3A_463] : memref<100096x16xf32, #tpu.memory_space<vmem_shared>> -> memref<100096x16xf32, #tpu.memory_space<vmem_shared>>
        tpu.enqueue_indirect_dma source(%dma_start3A_458 : memref<128x16xf32, #tpu.memory_space<vmem>>) target(%dma_start3A_464 : memref<100096x16xf32, #tpu.memory_space<vmem_shared>>) offsets(%dma_start3A_461 : memref<128xi32, #tpu.memory_space<vmem>>) semaphore(%run_scoped3A_454 : memref<!tpu.dma_semaphore, #tpu.memory_space<semaphore_mem>>) {add = true}
        %dma_wait3A_465 = arith.constant 0 : i32
        %dma_wait3A_466 = arith.constant 0 : i32
        %dma_wait3A_467 = tpu.memref_slice %arg8[%run_scoped3A_370, %dma_wait3A_465, %dma_wait3A_466] : memref<8x128x16xf32, #tpu.memory_space<vmem>> -> memref<1x128x16xf32, #tpu.memory_space<vmem>>
        %dma_wait3A_468 = tpu.memref_squeeze %dma_wait3A_467 : memref<1x128x16xf32, #tpu.memory_space<vmem>> -> memref<128x16xf32, #tpu.memory_space<vmem>>
        %dma_wait3A_469 = arith.constant 0 : i32
        %dma_wait3A_470 = tpu.memref_slice %arg7[%run_scoped3A_371, %dma_wait3A_469] : memref<16x128xi32, #tpu.memory_space<vmem>> -> memref<1x128xi32, #tpu.memory_space<vmem>>
        %dma_wait3A_471 = tpu.memref_squeeze %dma_wait3A_470 : memref<1x128xi32, #tpu.memory_space<vmem>> -> memref<128xi32, #tpu.memory_space<vmem>>
        %dma_wait3A_472 = arith.constant 0 : i32
        %dma_wait3A_473 = arith.constant 0 : i32
        %dma_wait3A_474 = tpu.memref_slice %arg10[%dma_wait3A_472, %dma_wait3A_473] : memref<100096x16xf32, #tpu.memory_space<vmem_shared>> -> memref<100096x16xf32, #tpu.memory_space<vmem_shared>>
        tpu.wait_indirect_dma semaphore(%run_scoped3A_454 : memref<!tpu.dma_semaphore, #tpu.memory_space<semaphore_mem>>) src(%dma_wait3A_468 : memref<128x16xf32, #tpu.memory_space<vmem>>) dst(%dma_wait3A_474 : memref<100096x16xf32, #tpu.memory_space<vmem_shared>>)
        tpu.yield
      }) : () -> ()
      %dma_wait3A_372 = arith.constant 11 : i32
      %dma_wait3A_373 = arith.constant 3 : i32
      %dma_wait3A_374 = arith.constant 0 : i32
      %dma_wait3A_375 = arith.constant 0 : i32
      %dma_wait3A_376 = tpu.memref_slice %arg8[%dma_wait3A_373, %dma_wait3A_374, %dma_wait3A_375] : memref<8x128x16xf32, #tpu.memory_space<vmem>> -> memref<1x128x16xf32, #tpu.memory_space<vmem>>
      %dma_wait3A_377 = tpu.memref_squeeze %dma_wait3A_376 : memref<1x128x16xf32, #tpu.memory_space<vmem>> -> memref<128x16xf32, #tpu.memory_space<vmem>>
      %dma_wait3A_378 = arith.constant 0 : i32
      %dma_wait3A_379 = tpu.memref_slice %arg6[%dma_wait3A_372, %dma_wait3A_378] : memref<16x128xi32, #tpu.memory_space<vmem>> -> memref<1x128xi32, #tpu.memory_space<vmem>>
      %dma_wait3A_380 = tpu.memref_squeeze %dma_wait3A_379 : memref<1x128xi32, #tpu.memory_space<vmem>> -> memref<128xi32, #tpu.memory_space<vmem>>
      %dma_wait3A_381 = arith.constant 0 : i32
      %dma_wait3A_382 = arith.constant 0 : i32
      %dma_wait3A_383 = tpu.memref_slice %arg4[%dma_wait3A_381, %dma_wait3A_382] : memref<200000x16xf32, #tpu.memory_space<hbm>> -> memref<200000x16xf32, #tpu.memory_space<hbm>>
      tpu.wait_indirect_dma semaphore(%arg11 : memref<!tpu.dma_semaphore, #tpu.memory_space<semaphore_mem>>) src(%dma_wait3A_383 : memref<200000x16xf32, #tpu.memory_space<hbm>>) dst(%dma_wait3A_377 : memref<128x16xf32, #tpu.memory_space<vmem>>)
      %dma_start3A_384 = arith.constant 15 : i32
      %dma_start3A_385 = arith.constant 7 : i32
      %dma_start3A_386 = arith.constant 0 : i32
      %dma_start3A_387 = arith.constant 0 : i32
      %dma_start3A_388 = tpu.memref_slice %arg8[%dma_start3A_385, %dma_start3A_386, %dma_start3A_387] : memref<8x128x16xf32, #tpu.memory_space<vmem>> -> memref<1x128x16xf32, #tpu.memory_space<vmem>>
      %dma_start3A_389 = tpu.memref_squeeze %dma_start3A_388 : memref<1x128x16xf32, #tpu.memory_space<vmem>> -> memref<128x16xf32, #tpu.memory_space<vmem>>
      %dma_start3A_390 = arith.constant 0 : i32
      %dma_start3A_391 = tpu.memref_slice %arg6[%dma_start3A_384, %dma_start3A_390] : memref<16x128xi32, #tpu.memory_space<vmem>> -> memref<1x128xi32, #tpu.memory_space<vmem>>
      %dma_start3A_392 = tpu.memref_squeeze %dma_start3A_391 : memref<1x128xi32, #tpu.memory_space<vmem>> -> memref<128xi32, #tpu.memory_space<vmem>>
      %dma_start3A_393 = arith.constant 0 : i32
      %dma_start3A_394 = arith.constant 0 : i32
      %dma_start3A_395 = tpu.memref_slice %arg4[%dma_start3A_393, %dma_start3A_394] : memref<200000x16xf32, #tpu.memory_space<hbm>> -> memref<200000x16xf32, #tpu.memory_space<hbm>>
      tpu.enqueue_indirect_dma source(%dma_start3A_395 : memref<200000x16xf32, #tpu.memory_space<hbm>>) target(%dma_start3A_389 : memref<128x16xf32, #tpu.memory_space<vmem>>) offsets(%dma_start3A_392 : memref<128xi32, #tpu.memory_space<vmem>>) semaphore(%arg11 : memref<!tpu.dma_semaphore, #tpu.memory_space<semaphore_mem>>)
      %run_scoped3A_396 = arith.constant 3 : i32
      %run_scoped3A_397 = arith.constant 11 : i32
      "tpu.region"() ({
        %run_scoped3A_454 = tpu.sem_alloc : memref<!tpu.dma_semaphore, #tpu.memory_space<semaphore_mem>>
        %dma_start3A_455 = arith.constant 0 : i32
        %dma_start3A_456 = arith.constant 0 : i32
        %dma_start3A_457 = tpu.memref_slice %arg8[%run_scoped3A_396, %dma_start3A_455, %dma_start3A_456] : memref<8x128x16xf32, #tpu.memory_space<vmem>> -> memref<1x128x16xf32, #tpu.memory_space<vmem>>
        %dma_start3A_458 = tpu.memref_squeeze %dma_start3A_457 : memref<1x128x16xf32, #tpu.memory_space<vmem>> -> memref<128x16xf32, #tpu.memory_space<vmem>>
        %dma_start3A_459 = arith.constant 0 : i32
        %dma_start3A_460 = tpu.memref_slice %arg7[%run_scoped3A_397, %dma_start3A_459] : memref<16x128xi32, #tpu.memory_space<vmem>> -> memref<1x128xi32, #tpu.memory_space<vmem>>
        %dma_start3A_461 = tpu.memref_squeeze %dma_start3A_460 : memref<1x128xi32, #tpu.memory_space<vmem>> -> memref<128xi32, #tpu.memory_space<vmem>>
        %dma_start3A_462 = arith.constant 0 : i32
        %dma_start3A_463 = arith.constant 0 : i32
        %dma_start3A_464 = tpu.memref_slice %arg10[%dma_start3A_462, %dma_start3A_463] : memref<100096x16xf32, #tpu.memory_space<vmem_shared>> -> memref<100096x16xf32, #tpu.memory_space<vmem_shared>>
        tpu.enqueue_indirect_dma source(%dma_start3A_458 : memref<128x16xf32, #tpu.memory_space<vmem>>) target(%dma_start3A_464 : memref<100096x16xf32, #tpu.memory_space<vmem_shared>>) offsets(%dma_start3A_461 : memref<128xi32, #tpu.memory_space<vmem>>) semaphore(%run_scoped3A_454 : memref<!tpu.dma_semaphore, #tpu.memory_space<semaphore_mem>>) {add = true}
        %dma_wait3A_465 = arith.constant 0 : i32
        %dma_wait3A_466 = arith.constant 0 : i32
        %dma_wait3A_467 = tpu.memref_slice %arg8[%run_scoped3A_396, %dma_wait3A_465, %dma_wait3A_466] : memref<8x128x16xf32, #tpu.memory_space<vmem>> -> memref<1x128x16xf32, #tpu.memory_space<vmem>>
        %dma_wait3A_468 = tpu.memref_squeeze %dma_wait3A_467 : memref<1x128x16xf32, #tpu.memory_space<vmem>> -> memref<128x16xf32, #tpu.memory_space<vmem>>
        %dma_wait3A_469 = arith.constant 0 : i32
        %dma_wait3A_470 = tpu.memref_slice %arg7[%run_scoped3A_397, %dma_wait3A_469] : memref<16x128xi32, #tpu.memory_space<vmem>> -> memref<1x128xi32, #tpu.memory_space<vmem>>
        %dma_wait3A_471 = tpu.memref_squeeze %dma_wait3A_470 : memref<1x128xi32, #tpu.memory_space<vmem>> -> memref<128xi32, #tpu.memory_space<vmem>>
        %dma_wait3A_472 = arith.constant 0 : i32
        %dma_wait3A_473 = arith.constant 0 : i32
        %dma_wait3A_474 = tpu.memref_slice %arg10[%dma_wait3A_472, %dma_wait3A_473] : memref<100096x16xf32, #tpu.memory_space<vmem_shared>> -> memref<100096x16xf32, #tpu.memory_space<vmem_shared>>
        tpu.wait_indirect_dma semaphore(%run_scoped3A_454 : memref<!tpu.dma_semaphore, #tpu.memory_space<semaphore_mem>>) src(%dma_wait3A_468 : memref<128x16xf32, #tpu.memory_space<vmem>>) dst(%dma_wait3A_474 : memref<100096x16xf32, #tpu.memory_space<vmem_shared>>)
        tpu.yield
      }) : () -> ()
      %dma_wait3A_398 = arith.constant 12 : i32
      %dma_wait3A_399 = arith.constant 4 : i32
      %dma_wait3A_400 = arith.constant 0 : i32
      %dma_wait3A_401 = arith.constant 0 : i32
      %dma_wait3A_402 = tpu.memref_slice %arg8[%dma_wait3A_399, %dma_wait3A_400, %dma_wait3A_401] : memref<8x128x16xf32, #tpu.memory_space<vmem>> -> memref<1x128x16xf32, #tpu.memory_space<vmem>>
      %dma_wait3A_403 = tpu.memref_squeeze %dma_wait3A_402 : memref<1x128x16xf32, #tpu.memory_space<vmem>> -> memref<128x16xf32, #tpu.memory_space<vmem>>
      %dma_wait3A_404 = arith.constant 0 : i32
      %dma_wait3A_405 = tpu.memref_slice %arg6[%dma_wait3A_398, %dma_wait3A_404] : memref<16x128xi32, #tpu.memory_space<vmem>> -> memref<1x128xi32, #tpu.memory_space<vmem>>
      %dma_wait3A_406 = tpu.memref_squeeze %dma_wait3A_405 : memref<1x128xi32, #tpu.memory_space<vmem>> -> memref<128xi32, #tpu.memory_space<vmem>>
      %dma_wait3A_407 = arith.constant 0 : i32
      %dma_wait3A_408 = arith.constant 0 : i32
      %dma_wait3A_409 = tpu.memref_slice %arg4[%dma_wait3A_407, %dma_wait3A_408] : memref<200000x16xf32, #tpu.memory_space<hbm>> -> memref<200000x16xf32, #tpu.memory_space<hbm>>
      tpu.wait_indirect_dma semaphore(%arg11 : memref<!tpu.dma_semaphore, #tpu.memory_space<semaphore_mem>>) src(%dma_wait3A_409 : memref<200000x16xf32, #tpu.memory_space<hbm>>) dst(%dma_wait3A_403 : memref<128x16xf32, #tpu.memory_space<vmem>>)
      %run_scoped3A_410 = arith.constant 4 : i32
      %run_scoped3A_411 = arith.constant 12 : i32
      "tpu.region"() ({
        %run_scoped3A_454 = tpu.sem_alloc : memref<!tpu.dma_semaphore, #tpu.memory_space<semaphore_mem>>
        %dma_start3A_455 = arith.constant 0 : i32
        %dma_start3A_456 = arith.constant 0 : i32
        %dma_start3A_457 = tpu.memref_slice %arg8[%run_scoped3A_410, %dma_start3A_455, %dma_start3A_456] : memref<8x128x16xf32, #tpu.memory_space<vmem>> -> memref<1x128x16xf32, #tpu.memory_space<vmem>>
        %dma_start3A_458 = tpu.memref_squeeze %dma_start3A_457 : memref<1x128x16xf32, #tpu.memory_space<vmem>> -> memref<128x16xf32, #tpu.memory_space<vmem>>
        %dma_start3A_459 = arith.constant 0 : i32
        %dma_start3A_460 = tpu.memref_slice %arg7[%run_scoped3A_411, %dma_start3A_459] : memref<16x128xi32, #tpu.memory_space<vmem>> -> memref<1x128xi32, #tpu.memory_space<vmem>>
        %dma_start3A_461 = tpu.memref_squeeze %dma_start3A_460 : memref<1x128xi32, #tpu.memory_space<vmem>> -> memref<128xi32, #tpu.memory_space<vmem>>
        %dma_start3A_462 = arith.constant 0 : i32
        %dma_start3A_463 = arith.constant 0 : i32
        %dma_start3A_464 = tpu.memref_slice %arg10[%dma_start3A_462, %dma_start3A_463] : memref<100096x16xf32, #tpu.memory_space<vmem_shared>> -> memref<100096x16xf32, #tpu.memory_space<vmem_shared>>
        tpu.enqueue_indirect_dma source(%dma_start3A_458 : memref<128x16xf32, #tpu.memory_space<vmem>>) target(%dma_start3A_464 : memref<100096x16xf32, #tpu.memory_space<vmem_shared>>) offsets(%dma_start3A_461 : memref<128xi32, #tpu.memory_space<vmem>>) semaphore(%run_scoped3A_454 : memref<!tpu.dma_semaphore, #tpu.memory_space<semaphore_mem>>) {add = true}
        %dma_wait3A_465 = arith.constant 0 : i32
        %dma_wait3A_466 = arith.constant 0 : i32
        %dma_wait3A_467 = tpu.memref_slice %arg8[%run_scoped3A_410, %dma_wait3A_465, %dma_wait3A_466] : memref<8x128x16xf32, #tpu.memory_space<vmem>> -> memref<1x128x16xf32, #tpu.memory_space<vmem>>
        %dma_wait3A_468 = tpu.memref_squeeze %dma_wait3A_467 : memref<1x128x16xf32, #tpu.memory_space<vmem>> -> memref<128x16xf32, #tpu.memory_space<vmem>>
        %dma_wait3A_469 = arith.constant 0 : i32
        %dma_wait3A_470 = tpu.memref_slice %arg7[%run_scoped3A_411, %dma_wait3A_469] : memref<16x128xi32, #tpu.memory_space<vmem>> -> memref<1x128xi32, #tpu.memory_space<vmem>>
        %dma_wait3A_471 = tpu.memref_squeeze %dma_wait3A_470 : memref<1x128xi32, #tpu.memory_space<vmem>> -> memref<128xi32, #tpu.memory_space<vmem>>
        %dma_wait3A_472 = arith.constant 0 : i32
        %dma_wait3A_473 = arith.constant 0 : i32
        %dma_wait3A_474 = tpu.memref_slice %arg10[%dma_wait3A_472, %dma_wait3A_473] : memref<100096x16xf32, #tpu.memory_space<vmem_shared>> -> memref<100096x16xf32, #tpu.memory_space<vmem_shared>>
        tpu.wait_indirect_dma semaphore(%run_scoped3A_454 : memref<!tpu.dma_semaphore, #tpu.memory_space<semaphore_mem>>) src(%dma_wait3A_468 : memref<128x16xf32, #tpu.memory_space<vmem>>) dst(%dma_wait3A_474 : memref<100096x16xf32, #tpu.memory_space<vmem_shared>>)
        tpu.yield
      }) : () -> ()
      %dma_wait3A_412 = arith.constant 13 : i32
      %dma_wait3A_413 = arith.constant 5 : i32
      %dma_wait3A_414 = arith.constant 0 : i32
      %dma_wait3A_415 = arith.constant 0 : i32
      %dma_wait3A_416 = tpu.memref_slice %arg8[%dma_wait3A_413, %dma_wait3A_414, %dma_wait3A_415] : memref<8x128x16xf32, #tpu.memory_space<vmem>> -> memref<1x128x16xf32, #tpu.memory_space<vmem>>
      %dma_wait3A_417 = tpu.memref_squeeze %dma_wait3A_416 : memref<1x128x16xf32, #tpu.memory_space<vmem>> -> memref<128x16xf32, #tpu.memory_space<vmem>>
      %dma_wait3A_418 = arith.constant 0 : i32
      %dma_wait3A_419 = tpu.memref_slice %arg6[%dma_wait3A_412, %dma_wait3A_418] : memref<16x128xi32, #tpu.memory_space<vmem>> -> memref<1x128xi32, #tpu.memory_space<vmem>>
      %dma_wait3A_420 = tpu.memref_squeeze %dma_wait3A_419 : memref<1x128xi32, #tpu.memory_space<vmem>> -> memref<128xi32, #tpu.memory_space<vmem>>
      %dma_wait3A_421 = arith.constant 0 : i32
      %dma_wait3A_422 = arith.constant 0 : i32
      %dma_wait3A_423 = tpu.memref_slice %arg4[%dma_wait3A_421, %dma_wait3A_422] : memref<200000x16xf32, #tpu.memory_space<hbm>> -> memref<200000x16xf32, #tpu.memory_space<hbm>>
      tpu.wait_indirect_dma semaphore(%arg11 : memref<!tpu.dma_semaphore, #tpu.memory_space<semaphore_mem>>) src(%dma_wait3A_423 : memref<200000x16xf32, #tpu.memory_space<hbm>>) dst(%dma_wait3A_417 : memref<128x16xf32, #tpu.memory_space<vmem>>)
      %run_scoped3A_424 = arith.constant 5 : i32
      %run_scoped3A_425 = arith.constant 13 : i32
      "tpu.region"() ({
        %run_scoped3A_454 = tpu.sem_alloc : memref<!tpu.dma_semaphore, #tpu.memory_space<semaphore_mem>>
        %dma_start3A_455 = arith.constant 0 : i32
        %dma_start3A_456 = arith.constant 0 : i32
        %dma_start3A_457 = tpu.memref_slice %arg8[%run_scoped3A_424, %dma_start3A_455, %dma_start3A_456] : memref<8x128x16xf32, #tpu.memory_space<vmem>> -> memref<1x128x16xf32, #tpu.memory_space<vmem>>
        %dma_start3A_458 = tpu.memref_squeeze %dma_start3A_457 : memref<1x128x16xf32, #tpu.memory_space<vmem>> -> memref<128x16xf32, #tpu.memory_space<vmem>>
        %dma_start3A_459 = arith.constant 0 : i32
        %dma_start3A_460 = tpu.memref_slice %arg7[%run_scoped3A_425, %dma_start3A_459] : memref<16x128xi32, #tpu.memory_space<vmem>> -> memref<1x128xi32, #tpu.memory_space<vmem>>
        %dma_start3A_461 = tpu.memref_squeeze %dma_start3A_460 : memref<1x128xi32, #tpu.memory_space<vmem>> -> memref<128xi32, #tpu.memory_space<vmem>>
        %dma_start3A_462 = arith.constant 0 : i32
        %dma_start3A_463 = arith.constant 0 : i32
        %dma_start3A_464 = tpu.memref_slice %arg10[%dma_start3A_462, %dma_start3A_463] : memref<100096x16xf32, #tpu.memory_space<vmem_shared>> -> memref<100096x16xf32, #tpu.memory_space<vmem_shared>>
        tpu.enqueue_indirect_dma source(%dma_start3A_458 : memref<128x16xf32, #tpu.memory_space<vmem>>) target(%dma_start3A_464 : memref<100096x16xf32, #tpu.memory_space<vmem_shared>>) offsets(%dma_start3A_461 : memref<128xi32, #tpu.memory_space<vmem>>) semaphore(%run_scoped3A_454 : memref<!tpu.dma_semaphore, #tpu.memory_space<semaphore_mem>>) {add = true}
        %dma_wait3A_465 = arith.constant 0 : i32
        %dma_wait3A_466 = arith.constant 0 : i32
        %dma_wait3A_467 = tpu.memref_slice %arg8[%run_scoped3A_424, %dma_wait3A_465, %dma_wait3A_466] : memref<8x128x16xf32, #tpu.memory_space<vmem>> -> memref<1x128x16xf32, #tpu.memory_space<vmem>>
        %dma_wait3A_468 = tpu.memref_squeeze %dma_wait3A_467 : memref<1x128x16xf32, #tpu.memory_space<vmem>> -> memref<128x16xf32, #tpu.memory_space<vmem>>
        %dma_wait3A_469 = arith.constant 0 : i32
        %dma_wait3A_470 = tpu.memref_slice %arg7[%run_scoped3A_425, %dma_wait3A_469] : memref<16x128xi32, #tpu.memory_space<vmem>> -> memref<1x128xi32, #tpu.memory_space<vmem>>
        %dma_wait3A_471 = tpu.memref_squeeze %dma_wait3A_470 : memref<1x128xi32, #tpu.memory_space<vmem>> -> memref<128xi32, #tpu.memory_space<vmem>>
        %dma_wait3A_472 = arith.constant 0 : i32
        %dma_wait3A_473 = arith.constant 0 : i32
        %dma_wait3A_474 = tpu.memref_slice %arg10[%dma_wait3A_472, %dma_wait3A_473] : memref<100096x16xf32, #tpu.memory_space<vmem_shared>> -> memref<100096x16xf32, #tpu.memory_space<vmem_shared>>
        tpu.wait_indirect_dma semaphore(%run_scoped3A_454 : memref<!tpu.dma_semaphore, #tpu.memory_space<semaphore_mem>>) src(%dma_wait3A_468 : memref<128x16xf32, #tpu.memory_space<vmem>>) dst(%dma_wait3A_474 : memref<100096x16xf32, #tpu.memory_space<vmem_shared>>)
        tpu.yield
      }) : () -> ()
      %dma_wait3A_426 = arith.constant 14 : i32
      %dma_wait3A_427 = arith.constant 6 : i32
      %dma_wait3A_428 = arith.constant 0 : i32
      %dma_wait3A_429 = arith.constant 0 : i32
      %dma_wait3A_430 = tpu.memref_slice %arg8[%dma_wait3A_427, %dma_wait3A_428, %dma_wait3A_429] : memref<8x128x16xf32, #tpu.memory_space<vmem>> -> memref<1x128x16xf32, #tpu.memory_space<vmem>>
      %dma_wait3A_431 = tpu.memref_squeeze %dma_wait3A_430 : memref<1x128x16xf32, #tpu.memory_space<vmem>> -> memref<128x16xf32, #tpu.memory_space<vmem>>
      %dma_wait3A_432 = arith.constant 0 : i32
      %dma_wait3A_433 = tpu.memref_slice %arg6[%dma_wait3A_426, %dma_wait3A_432] : memref<16x128xi32, #tpu.memory_space<vmem>> -> memref<1x128xi32, #tpu.memory_space<vmem>>
      %dma_wait3A_434 = tpu.memref_squeeze %dma_wait3A_433 : memref<1x128xi32, #tpu.memory_space<vmem>> -> memref<128xi32, #tpu.memory_space<vmem>>
      %dma_wait3A_435 = arith.constant 0 : i32
      %dma_wait3A_436 = arith.constant 0 : i32
      %dma_wait3A_437 = tpu.memref_slice %arg4[%dma_wait3A_435, %dma_wait3A_436] : memref<200000x16xf32, #tpu.memory_space<hbm>> -> memref<200000x16xf32, #tpu.memory_space<hbm>>
      tpu.wait_indirect_dma semaphore(%arg11 : memref<!tpu.dma_semaphore, #tpu.memory_space<semaphore_mem>>) src(%dma_wait3A_437 : memref<200000x16xf32, #tpu.memory_space<hbm>>) dst(%dma_wait3A_431 : memref<128x16xf32, #tpu.memory_space<vmem>>)
      %run_scoped3A_438 = arith.constant 6 : i32
      %run_scoped3A_439 = arith.constant 14 : i32
      "tpu.region"() ({
        %run_scoped3A_454 = tpu.sem_alloc : memref<!tpu.dma_semaphore, #tpu.memory_space<semaphore_mem>>
        %dma_start3A_455 = arith.constant 0 : i32
        %dma_start3A_456 = arith.constant 0 : i32
        %dma_start3A_457 = tpu.memref_slice %arg8[%run_scoped3A_438, %dma_start3A_455, %dma_start3A_456] : memref<8x128x16xf32, #tpu.memory_space<vmem>> -> memref<1x128x16xf32, #tpu.memory_space<vmem>>
        %dma_start3A_458 = tpu.memref_squeeze %dma_start3A_457 : memref<1x128x16xf32, #tpu.memory_space<vmem>> -> memref<128x16xf32, #tpu.memory_space<vmem>>
        %dma_start3A_459 = arith.constant 0 : i32
        %dma_start3A_460 = tpu.memref_slice %arg7[%run_scoped3A_439, %dma_start3A_459] : memref<16x128xi32, #tpu.memory_space<vmem>> -> memref<1x128xi32, #tpu.memory_space<vmem>>
        %dma_start3A_461 = tpu.memref_squeeze %dma_start3A_460 : memref<1x128xi32, #tpu.memory_space<vmem>> -> memref<128xi32, #tpu.memory_space<vmem>>
        %dma_start3A_462 = arith.constant 0 : i32
        %dma_start3A_463 = arith.constant 0 : i32
        %dma_start3A_464 = tpu.memref_slice %arg10[%dma_start3A_462, %dma_start3A_463] : memref<100096x16xf32, #tpu.memory_space<vmem_shared>> -> memref<100096x16xf32, #tpu.memory_space<vmem_shared>>
        tpu.enqueue_indirect_dma source(%dma_start3A_458 : memref<128x16xf32, #tpu.memory_space<vmem>>) target(%dma_start3A_464 : memref<100096x16xf32, #tpu.memory_space<vmem_shared>>) offsets(%dma_start3A_461 : memref<128xi32, #tpu.memory_space<vmem>>) semaphore(%run_scoped3A_454 : memref<!tpu.dma_semaphore, #tpu.memory_space<semaphore_mem>>) {add = true}
        %dma_wait3A_465 = arith.constant 0 : i32
        %dma_wait3A_466 = arith.constant 0 : i32
        %dma_wait3A_467 = tpu.memref_slice %arg8[%run_scoped3A_438, %dma_wait3A_465, %dma_wait3A_466] : memref<8x128x16xf32, #tpu.memory_space<vmem>> -> memref<1x128x16xf32, #tpu.memory_space<vmem>>
        %dma_wait3A_468 = tpu.memref_squeeze %dma_wait3A_467 : memref<1x128x16xf32, #tpu.memory_space<vmem>> -> memref<128x16xf32, #tpu.memory_space<vmem>>
        %dma_wait3A_469 = arith.constant 0 : i32
        %dma_wait3A_470 = tpu.memref_slice %arg7[%run_scoped3A_439, %dma_wait3A_469] : memref<16x128xi32, #tpu.memory_space<vmem>> -> memref<1x128xi32, #tpu.memory_space<vmem>>
        %dma_wait3A_471 = tpu.memref_squeeze %dma_wait3A_470 : memref<1x128xi32, #tpu.memory_space<vmem>> -> memref<128xi32, #tpu.memory_space<vmem>>
        %dma_wait3A_472 = arith.constant 0 : i32
        %dma_wait3A_473 = arith.constant 0 : i32
        %dma_wait3A_474 = tpu.memref_slice %arg10[%dma_wait3A_472, %dma_wait3A_473] : memref<100096x16xf32, #tpu.memory_space<vmem_shared>> -> memref<100096x16xf32, #tpu.memory_space<vmem_shared>>
        tpu.wait_indirect_dma semaphore(%run_scoped3A_454 : memref<!tpu.dma_semaphore, #tpu.memory_space<semaphore_mem>>) src(%dma_wait3A_468 : memref<128x16xf32, #tpu.memory_space<vmem>>) dst(%dma_wait3A_474 : memref<100096x16xf32, #tpu.memory_space<vmem_shared>>)
        tpu.yield
      }) : () -> ()
      %dma_wait3A_440 = arith.constant 15 : i32
      %dma_wait3A_441 = arith.constant 7 : i32
      %dma_wait3A_442 = arith.constant 0 : i32
      %dma_wait3A_443 = arith.constant 0 : i32
      %dma_wait3A_444 = tpu.memref_slice %arg8[%dma_wait3A_441, %dma_wait3A_442, %dma_wait3A_443] : memref<8x128x16xf32, #tpu.memory_space<vmem>> -> memref<1x128x16xf32, #tpu.memory_space<vmem>>
      %dma_wait3A_445 = tpu.memref_squeeze %dma_wait3A_444 : memref<1x128x16xf32, #tpu.memory_space<vmem>> -> memref<128x16xf32, #tpu.memory_space<vmem>>
      %dma_wait3A_446 = arith.constant 0 : i32
      %dma_wait3A_447 = tpu.memref_slice %arg6[%dma_wait3A_440, %dma_wait3A_446] : memref<16x128xi32, #tpu.memory_space<vmem>> -> memref<1x128xi32, #tpu.memory_space<vmem>>
      %dma_wait3A_448 = tpu.memref_squeeze %dma_wait3A_447 : memref<1x128xi32, #tpu.memory_space<vmem>> -> memref<128xi32, #tpu.memory_space<vmem>>
      %dma_wait3A_449 = arith.constant 0 : i32
      %dma_wait3A_450 = arith.constant 0 : i32
      %dma_wait3A_451 = tpu.memref_slice %arg4[%dma_wait3A_449, %dma_wait3A_450] : memref<200000x16xf32, #tpu.memory_space<hbm>> -> memref<200000x16xf32, #tpu.memory_space<hbm>>
      tpu.wait_indirect_dma semaphore(%arg11 : memref<!tpu.dma_semaphore, #tpu.memory_space<semaphore_mem>>) src(%dma_wait3A_451 : memref<200000x16xf32, #tpu.memory_space<hbm>>) dst(%dma_wait3A_445 : memref<128x16xf32, #tpu.memory_space<vmem>>)
      %run_scoped3A_452 = arith.constant 7 : i32
      %run_scoped3A_453 = arith.constant 15 : i32
      "tpu.region"() ({
        %run_scoped3A_454 = tpu.sem_alloc : memref<!tpu.dma_semaphore, #tpu.memory_space<semaphore_mem>>
        %dma_start3A_455 = arith.constant 0 : i32
        %dma_start3A_456 = arith.constant 0 : i32
        %dma_start3A_457 = tpu.memref_slice %arg8[%run_scoped3A_452, %dma_start3A_455, %dma_start3A_456] : memref<8x128x16xf32, #tpu.memory_space<vmem>> -> memref<1x128x16xf32, #tpu.memory_space<vmem>>
        %dma_start3A_458 = tpu.memref_squeeze %dma_start3A_457 : memref<1x128x16xf32, #tpu.memory_space<vmem>> -> memref<128x16xf32, #tpu.memory_space<vmem>>
        %dma_start3A_459 = arith.constant 0 : i32
        %dma_start3A_460 = tpu.memref_slice %arg7[%run_scoped3A_453, %dma_start3A_459] : memref<16x128xi32, #tpu.memory_space<vmem>> -> memref<1x128xi32, #tpu.memory_space<vmem>>
        %dma_start3A_461 = tpu.memref_squeeze %dma_start3A_460 : memref<1x128xi32, #tpu.memory_space<vmem>> -> memref<128xi32, #tpu.memory_space<vmem>>
        %dma_start3A_462 = arith.constant 0 : i32
        %dma_start3A_463 = arith.constant 0 : i32
        %dma_start3A_464 = tpu.memref_slice %arg10[%dma_start3A_462, %dma_start3A_463] : memref<100096x16xf32, #tpu.memory_space<vmem_shared>> -> memref<100096x16xf32, #tpu.memory_space<vmem_shared>>
        tpu.enqueue_indirect_dma source(%dma_start3A_458 : memref<128x16xf32, #tpu.memory_space<vmem>>) target(%dma_start3A_464 : memref<100096x16xf32, #tpu.memory_space<vmem_shared>>) offsets(%dma_start3A_461 : memref<128xi32, #tpu.memory_space<vmem>>) semaphore(%run_scoped3A_454 : memref<!tpu.dma_semaphore, #tpu.memory_space<semaphore_mem>>) {add = true}
        %dma_wait3A_465 = arith.constant 0 : i32
        %dma_wait3A_466 = arith.constant 0 : i32
        %dma_wait3A_467 = tpu.memref_slice %arg8[%run_scoped3A_452, %dma_wait3A_465, %dma_wait3A_466] : memref<8x128x16xf32, #tpu.memory_space<vmem>> -> memref<1x128x16xf32, #tpu.memory_space<vmem>>
        %dma_wait3A_468 = tpu.memref_squeeze %dma_wait3A_467 : memref<1x128x16xf32, #tpu.memory_space<vmem>> -> memref<128x16xf32, #tpu.memory_space<vmem>>
        %dma_wait3A_469 = arith.constant 0 : i32
        %dma_wait3A_470 = tpu.memref_slice %arg7[%run_scoped3A_453, %dma_wait3A_469] : memref<16x128xi32, #tpu.memory_space<vmem>> -> memref<1x128xi32, #tpu.memory_space<vmem>>
        %dma_wait3A_471 = tpu.memref_squeeze %dma_wait3A_470 : memref<1x128xi32, #tpu.memory_space<vmem>> -> memref<128xi32, #tpu.memory_space<vmem>>
        %dma_wait3A_472 = arith.constant 0 : i32
        %dma_wait3A_473 = arith.constant 0 : i32
        %dma_wait3A_474 = tpu.memref_slice %arg10[%dma_wait3A_472, %dma_wait3A_473] : memref<100096x16xf32, #tpu.memory_space<vmem_shared>> -> memref<100096x16xf32, #tpu.memory_space<vmem_shared>>
        tpu.wait_indirect_dma semaphore(%run_scoped3A_454 : memref<!tpu.dma_semaphore, #tpu.memory_space<semaphore_mem>>) src(%dma_wait3A_468 : memref<128x16xf32, #tpu.memory_space<vmem>>) dst(%dma_wait3A_474 : memref<100096x16xf32, #tpu.memory_space<vmem_shared>>)
        tpu.yield
      }) : () -> ()
    }
    %scan3A_17 = arith.constant 49 : i32
    %barrier3A_18 = arith.constant 0 : index
    tpu.barrier barrier_id(%barrier3A_18)
    %mul3A = arith.constant 6256 : i32
    %mul3A_19 = arith.muli %arg1, %mul3A : i32
    %multiple_of3A = tpu.assume_multiple %mul3A_19, 8 : i32
    %mul3A_20 = arith.constant 100096 : i32
    %mul3A_21 = arith.muli %arg0, %mul3A_20 : i32
    %mul3A_22 = arith.constant 6256 : i32
    %mul3A_23 = arith.muli %arg1, %mul3A_22 : i32
    %add3A = arith.addi %mul3A_21, %mul3A_23 : i32
    %multiple_of3A_24 = tpu.assume_multiple %add3A, 8 : i32
    "tpu.region"() ({
      %run_scoped3A = tpu.sem_alloc : memref<!tpu.dma_semaphore, #tpu.memory_space<semaphore_mem>>
      %dma_start3A = arith.constant 0 : i32
      %dma_start3A_25 = tpu.memref_slice %arg5[%multiple_of3A_24, %dma_start3A] : memref<200192x16xf32, #tpu.memory_space<hbm>> -> memref<6256x16xf32, #tpu.memory_space<hbm>>
      %dma_start3A_26 = arith.constant 0 : i32
      %dma_start3A_27 = tpu.memref_slice %arg10[%multiple_of3A, %dma_start3A_26] : memref<100096x16xf32, #tpu.memory_space<vmem_shared>> -> memref<6256x16xf32, #tpu.memory_space<vmem_shared>>
      tpu.enqueue_dma source(%dma_start3A_27 : memref<6256x16xf32, #tpu.memory_space<vmem_shared>>) target(%dma_start3A_25 : memref<6256x16xf32, #tpu.memory_space<hbm>>) target_semaphore(%run_scoped3A : memref<!tpu.dma_semaphore, #tpu.memory_space<semaphore_mem>>)
      %dma_wait3A = arith.constant 0 : i32
      %dma_wait3A_28 = tpu.memref_slice %arg5[%multiple_of3A_24, %dma_wait3A] : memref<200192x16xf32, #tpu.memory_space<hbm>> -> memref<6256x16xf32, #tpu.memory_space<hbm>>
      %dma_wait3A_29 = arith.constant 0 : i32
      %dma_wait3A_30 = tpu.memref_slice %arg10[%multiple_of3A, %dma_wait3A_29] : memref<100096x16xf32, #tpu.memory_space<vmem_shared>> -> memref<6256x16xf32, #tpu.memory_space<vmem_shared>>
      tpu.wait_dma2 semaphore(%run_scoped3A : memref<!tpu.dma_semaphore, #tpu.memory_space<semaphore_mem>>) src(%dma_wait3A_30 : memref<6256x16xf32, #tpu.memory_space<vmem_shared>>) dst(%dma_wait3A_28 : memref<6256x16xf32, #tpu.memory_space<hbm>>)
      tpu.yield
    }) : () -> ()
    return
  }
}

#map = affine_map<(d0, d1) -> (0, 0)>
module attributes {stable_mosaic.version = 14 : i64} {
  func.func @body(%arg0: i32, %arg1: i32, %arg2: memref<12544x128xi32, #tpu.memory_space<hbm>>, %arg3: memref<200192x16xf32, #tpu.memory_space<hbm>>, %arg4: memref<8x128xi32, #tpu.memory_space<vmem>>, %arg5: memref<128x16xf32, #tpu.memory_space<vmem>>, %arg6: memref<368x16xf32, #tpu.memory_space<vmem>>, %arg7: memref<100096x16xf32, #tpu.memory_space<vmem_shared>>) attributes {dimension_semantics = [#tpu.dimension_semantics<core_parallel>, #tpu.dimension_semantics<subcore_parallel>], iteration_bounds = array<i64: 2, 16>, scalar_prefetch = 0 : i64, scratch_operands = 4 : i64, tpu.core_type = #tpu.core_type<sc_vector_subcore>, window_params = [{transform_indices = #map}, {transform_indices = #map}]} {
    %broadcast_in_dim3A = arith.constant 1.000000e+00 : f32
    %broadcast_in_dim3A_0 = vector.broadcast %broadcast_in_dim3A : f32 to vector<16xf32>
    %scan3A = arith.constant 0 : i32
    %scan3A_1 = arith.constant 0 : i32
    %scan3A_2 = arith.constant 128 : i32
    %scan3A_3 = arith.addi %scan3A_1, %scan3A_2 : i32
    %scan3A_4 = arith.constant 1 : i32
    scf.for %scan3A_36 = %scan3A_1 to %scan3A_3 step %scan3A_4  : i32 {
      %swap3A = arith.index_cast %scan3A_36 : i32 to index
      %swap3A_37 = arith.constant 0 : index
      %swap3A_38 = tpu.vector_load %arg5[%swap3A, %swap3A_37] {strides = array<i32>} : memref<128x16xf32, #tpu.memory_space<vmem>>, vector<1x16xf32>,
      %swap3A_39 = vector.shape_cast %swap3A_38 : vector<1x16xf32> to vector<16xf32>
      %swap3A_40 = vector.shape_cast %broadcast_in_dim3A_0 : vector<16xf32> to vector<1x16xf32>
      tpu.vector_store %arg5[%swap3A, %swap3A_37], %swap3A_40 {strides = array<i32>} : memref<128x16xf32, #tpu.memory_space<vmem>>, vector<1x16xf32>,
    }
    %scan3A_5 = arith.constant 128 : i32
    %broadcast_in_dim3A_6 = arith.constant 0.000000e+00 : f32
    %broadcast_in_dim3A_7 = vector.broadcast %broadcast_in_dim3A_6 : f32 to vector<16xf32>
    %scan3A_8 = arith.constant 0 : i32
    %scan3A_9 = arith.constant 0 : i32
    %scan3A_10 = arith.constant 368 : i32
    %scan3A_11 = arith.addi %scan3A_9, %scan3A_10 : i32
    %scan3A_12 = arith.constant 1 : i32
    scf.for %scan3A_36 = %scan3A_9 to %scan3A_11 step %scan3A_12  : i32 {
      %swap3A = arith.index_cast %scan3A_36 : i32 to index
      %swap3A_37 = arith.constant 0 : index
      %swap3A_38 = tpu.vector_load %arg6[%swap3A, %swap3A_37] {strides = array<i32>} : memref<368x16xf32, #tpu.memory_space<vmem>>, vector<1x16xf32>,
      %swap3A_39 = vector.shape_cast %swap3A_38 : vector<1x16xf32> to vector<16xf32>
      %swap3A_40 = vector.shape_cast %broadcast_in_dim3A_7 : vector<16xf32> to vector<1x16xf32>
      tpu.vector_store %arg6[%swap3A, %swap3A_37], %swap3A_40 {strides = array<i32>} : memref<368x16xf32, #tpu.memory_space<vmem>>, vector<1x16xf32>,
    }
    %scan3A_13 = arith.constant 368 : i32
    %scan3A_14 = arith.constant 0 : i32
    %scan3A_15 = arith.constant 0 : i32
    %scan3A_16 = arith.constant 17 : i32
    %scan3A_17 = arith.addi %scan3A_15, %scan3A_16 : i32
    %scan3A_18 = arith.constant 1 : i32
    scf.for %scan3A_36 = %scan3A_15 to %scan3A_17 step %scan3A_18  : i32 {
      %mul3A_37 = arith.constant 6256 : i32
      %mul3A_38 = arith.muli %arg1, %mul3A_37 : i32
      %mul3A_39 = arith.constant 368 : i32
      %mul3A_40 = arith.muli %scan3A_36, %mul3A_39 : i32
      %add3A_41 = arith.addi %mul3A_38, %mul3A_40 : i32
      %multiple_of3A_42 = tpu.assume_multiple %add3A_41, 8 : i32
      "tpu.region"() ({
        %run_scoped3A = tpu.sem_alloc : memref<!tpu.dma_semaphore, #tpu.memory_space<semaphore_mem>>
        %dma_start3A = arith.constant 0 : i32
        %dma_start3A_43 = tpu.memref_slice %arg7[%multiple_of3A_42, %dma_start3A] : memref<100096x16xf32, #tpu.memory_space<vmem_shared>> -> memref<368x16xf32, #tpu.memory_space<vmem_shared>>
        %dma_start3A_44 = arith.constant 0 : i32
        %dma_start3A_45 = tpu.memref_slice %arg7[%multiple_of3A_42, %dma_start3A_44] : memref<100096x16xf32, #tpu.memory_space<vmem_shared>> -> memref<368x16xf32, #tpu.memory_space<vmem_shared>>
        tpu.enqueue_dma source(%arg6 : memref<368x16xf32, #tpu.memory_space<vmem>>) target(%dma_start3A_45 : memref<368x16xf32, #tpu.memory_space<vmem_shared>>) target_semaphore(%run_scoped3A : memref<!tpu.dma_semaphore, #tpu.memory_space<semaphore_mem>>)
        %dma_wait3A = arith.constant 0 : i32
        %dma_wait3A_46 = tpu.memref_slice %arg7[%multiple_of3A_42, %dma_wait3A] : memref<100096x16xf32, #tpu.memory_space<vmem_shared>> -> memref<368x16xf32, #tpu.memory_space<vmem_shared>>
        %dma_wait3A_47 = arith.constant 0 : i32
        %dma_wait3A_48 = tpu.memref_slice %arg7[%multiple_of3A_42, %dma_wait3A_47] : memref<100096x16xf32, #tpu.memory_space<vmem_shared>> -> memref<368x16xf32, #tpu.memory_space<vmem_shared>>
        tpu.wait_dma2 semaphore(%run_scoped3A : memref<!tpu.dma_semaphore, #tpu.memory_space<semaphore_mem>>) src(%arg6 : memref<368x16xf32, #tpu.memory_space<vmem>>) dst(%dma_wait3A_48 : memref<368x16xf32, #tpu.memory_space<vmem_shared>>)
        tpu.yield
      }) : () -> ()
    }
    %scan3A_19 = arith.constant 17 : i32
    %barrier3A = arith.constant 0 : index
    tpu.barrier barrier_id(%barrier3A)
    %mul3A = arith.constant 16 : i32
    %mul3A_20 = arith.muli %arg0, %mul3A : i32
    %add3A = arith.addi %mul3A_20, %arg1 : i32
    %scan3A_21 = arith.constant 0 : i32
    %scan3A_22 = arith.constant 0 : i32
    %scan3A_23 = arith.constant 49 : i32
    %scan3A_24 = arith.addi %scan3A_22, %scan3A_23 : i32
    %scan3A_25 = arith.constant 1 : i32
    scf.for %scan3A_36 = %scan3A_22 to %scan3A_24 step %scan3A_25  : i32 {
      %mul3A_37 = arith.constant 392 : i32
      %mul3A_38 = arith.muli %add3A, %mul3A_37 : i32
      %mul3A_39 = arith.constant 8 : i32
      %mul3A_40 = arith.muli %scan3A_36, %mul3A_39 : i32
      %add3A_41 = arith.addi %mul3A_38, %mul3A_40 : i32
      %multiple_of3A_42 = tpu.assume_multiple %add3A_41, 8 : i32
      "tpu.region"() ({
        %run_scoped3A_50 = tpu.sem_alloc : memref<!tpu.dma_semaphore, #tpu.memory_space<semaphore_mem>>
        %dma_start3A = arith.constant 0 : i32
        %dma_start3A_51 = tpu.memref_slice %arg2[%multiple_of3A_42, %dma_start3A] : memref<12544x128xi32, #tpu.memory_space<hbm>> -> memref<8x128xi32, #tpu.memory_space<hbm>>
        %dma_start3A_52 = arith.constant 0 : i32
        %dma_start3A_53 = tpu.memref_slice %arg2[%multiple_of3A_42, %dma_start3A_52] : memref<12544x128xi32, #tpu.memory_space<hbm>> -> memref<8x128xi32, #tpu.memory_space<hbm>>
        tpu.enqueue_dma source(%dma_start3A_53 : memref<8x128xi32, #tpu.memory_space<hbm>>) target(%arg4 : memref<8x128xi32, #tpu.memory_space<vmem>>) target_semaphore(%run_scoped3A_50 : memref<!tpu.dma_semaphore, #tpu.memory_space<semaphore_mem>>)
        %dma_wait3A = arith.constant 0 : i32
        %dma_wait3A_54 = tpu.memref_slice %arg2[%multiple_of3A_42, %dma_wait3A] : memref<12544x128xi32, #tpu.memory_space<hbm>> -> memref<8x128xi32, #tpu.memory_space<hbm>>
        %dma_wait3A_55 = arith.constant 0 : i32
        %dma_wait3A_56 = tpu.memref_slice %arg2[%multiple_of3A_42, %dma_wait3A_55] : memref<12544x128xi32, #tpu.memory_space<hbm>> -> memref<8x128xi32, #tpu.memory_space<hbm>>
        tpu.wait_dma2 semaphore(%run_scoped3A_50 : memref<!tpu.dma_semaphore, #tpu.memory_space<semaphore_mem>>) src(%dma_wait3A_56 : memref<8x128xi32, #tpu.memory_space<hbm>>) dst(%arg4 : memref<8x128xi32, #tpu.memory_space<vmem>>)
        tpu.yield
      }) : () -> ()
      %run_scoped3A = arith.constant 0 : i32
      "tpu.region"() ({
        %run_scoped3A_50 = tpu.sem_alloc : memref<!tpu.dma_semaphore, #tpu.memory_space<semaphore_mem>>
        %dma_start3A = arith.constant 0 : i32
        %dma_start3A_51 = tpu.memref_slice %arg4[%run_scoped3A, %dma_start3A] : memref<8x128xi32, #tpu.memory_space<vmem>> -> memref<1x128xi32, #tpu.memory_space<vmem>>
        %dma_start3A_52 = tpu.memref_squeeze %dma_start3A_51 : memref<1x128xi32, #tpu.memory_space<vmem>> -> memref<128xi32, #tpu.memory_space<vmem>>
        %dma_start3A_53 = arith.constant 0 : i32
        %dma_start3A_54 = arith.constant 0 : i32
        %dma_start3A_55 = tpu.memref_slice %arg7[%dma_start3A_53, %dma_start3A_54] : memref<100096x16xf32, #tpu.memory_space<vmem_shared>> -> memref<100096x16xf32, #tpu.memory_space<vmem_shared>>
        tpu.enqueue_indirect_dma source(%arg5 : memref<128x16xf32, #tpu.memory_space<vmem>>) target(%dma_start3A_55 : memref<100096x16xf32, #tpu.memory_space<vmem_shared>>) offsets(%dma_start3A_52 : memref<128xi32, #tpu.memory_space<vmem>>) semaphore(%run_scoped3A_50 : memref<!tpu.dma_semaphore, #tpu.memory_space<semaphore_mem>>) {add = true}
        %dma_wait3A = arith.constant 0 : i32
        %dma_wait3A_56 = tpu.memref_slice %arg4[%run_scoped3A, %dma_wait3A] : memref<8x128xi32, #tpu.memory_space<vmem>> -> memref<1x128xi32, #tpu.memory_space<vmem>>
        %dma_wait3A_57 = tpu.memref_squeeze %dma_wait3A_56 : memref<1x128xi32, #tpu.memory_space<vmem>> -> memref<128xi32, #tpu.memory_space<vmem>>
        %dma_wait3A_58 = arith.constant 0 : i32
        %dma_wait3A_59 = arith.constant 0 : i32
        %dma_wait3A_60 = tpu.memref_slice %arg7[%dma_wait3A_58, %dma_wait3A_59] : memref<100096x16xf32, #tpu.memory_space<vmem_shared>> -> memref<100096x16xf32, #tpu.memory_space<vmem_shared>>
        tpu.wait_indirect_dma semaphore(%run_scoped3A_50 : memref<!tpu.dma_semaphore, #tpu.memory_space<semaphore_mem>>) src(%arg5 : memref<128x16xf32, #tpu.memory_space<vmem>>) dst(%dma_wait3A_60 : memref<100096x16xf32, #tpu.memory_space<vmem_shared>>)
        tpu.yield
      }) : () -> ()
      %run_scoped3A_43 = arith.constant 1 : i32
      "tpu.region"() ({
        %run_scoped3A_50 = tpu.sem_alloc : memref<!tpu.dma_semaphore, #tpu.memory_space<semaphore_mem>>
        %dma_start3A = arith.constant 0 : i32
        %dma_start3A_51 = tpu.memref_slice %arg4[%run_scoped3A_43, %dma_start3A] : memref<8x128xi32, #tpu.memory_space<vmem>> -> memref<1x128xi32, #tpu.memory_space<vmem>>
        %dma_start3A_52 = tpu.memref_squeeze %dma_start3A_51 : memref<1x128xi32, #tpu.memory_space<vmem>> -> memref<128xi32, #tpu.memory_space<vmem>>
        %dma_start3A_53 = arith.constant 0 : i32
        %dma_start3A_54 = arith.constant 0 : i32
        %dma_start3A_55 = tpu.memref_slice %arg7[%dma_start3A_53, %dma_start3A_54] : memref<100096x16xf32, #tpu.memory_space<vmem_shared>> -> memref<100096x16xf32, #tpu.memory_space<vmem_shared>>
        tpu.enqueue_indirect_dma source(%arg5 : memref<128x16xf32, #tpu.memory_space<vmem>>) target(%dma_start3A_55 : memref<100096x16xf32, #tpu.memory_space<vmem_shared>>) offsets(%dma_start3A_52 : memref<128xi32, #tpu.memory_space<vmem>>) semaphore(%run_scoped3A_50 : memref<!tpu.dma_semaphore, #tpu.memory_space<semaphore_mem>>) {add = true}
        %dma_wait3A = arith.constant 0 : i32
        %dma_wait3A_56 = tpu.memref_slice %arg4[%run_scoped3A_43, %dma_wait3A] : memref<8x128xi32, #tpu.memory_space<vmem>> -> memref<1x128xi32, #tpu.memory_space<vmem>>
        %dma_wait3A_57 = tpu.memref_squeeze %dma_wait3A_56 : memref<1x128xi32, #tpu.memory_space<vmem>> -> memref<128xi32, #tpu.memory_space<vmem>>
        %dma_wait3A_58 = arith.constant 0 : i32
        %dma_wait3A_59 = arith.constant 0 : i32
        %dma_wait3A_60 = tpu.memref_slice %arg7[%dma_wait3A_58, %dma_wait3A_59] : memref<100096x16xf32, #tpu.memory_space<vmem_shared>> -> memref<100096x16xf32, #tpu.memory_space<vmem_shared>>
        tpu.wait_indirect_dma semaphore(%run_scoped3A_50 : memref<!tpu.dma_semaphore, #tpu.memory_space<semaphore_mem>>) src(%arg5 : memref<128x16xf32, #tpu.memory_space<vmem>>) dst(%dma_wait3A_60 : memref<100096x16xf32, #tpu.memory_space<vmem_shared>>)
        tpu.yield
      }) : () -> ()
      %run_scoped3A_44 = arith.constant 2 : i32
      "tpu.region"() ({
        %run_scoped3A_50 = tpu.sem_alloc : memref<!tpu.dma_semaphore, #tpu.memory_space<semaphore_mem>>
        %dma_start3A = arith.constant 0 : i32
        %dma_start3A_51 = tpu.memref_slice %arg4[%run_scoped3A_44, %dma_start3A] : memref<8x128xi32, #tpu.memory_space<vmem>> -> memref<1x128xi32, #tpu.memory_space<vmem>>
        %dma_start3A_52 = tpu.memref_squeeze %dma_start3A_51 : memref<1x128xi32, #tpu.memory_space<vmem>> -> memref<128xi32, #tpu.memory_space<vmem>>
        %dma_start3A_53 = arith.constant 0 : i32
        %dma_start3A_54 = arith.constant 0 : i32
        %dma_start3A_55 = tpu.memref_slice %arg7[%dma_start3A_53, %dma_start3A_54] : memref<100096x16xf32, #tpu.memory_space<vmem_shared>> -> memref<100096x16xf32, #tpu.memory_space<vmem_shared>>
        tpu.enqueue_indirect_dma source(%arg5 : memref<128x16xf32, #tpu.memory_space<vmem>>) target(%dma_start3A_55 : memref<100096x16xf32, #tpu.memory_space<vmem_shared>>) offsets(%dma_start3A_52 : memref<128xi32, #tpu.memory_space<vmem>>) semaphore(%run_scoped3A_50 : memref<!tpu.dma_semaphore, #tpu.memory_space<semaphore_mem>>) {add = true}
        %dma_wait3A = arith.constant 0 : i32
        %dma_wait3A_56 = tpu.memref_slice %arg4[%run_scoped3A_44, %dma_wait3A] : memref<8x128xi32, #tpu.memory_space<vmem>> -> memref<1x128xi32, #tpu.memory_space<vmem>>
        %dma_wait3A_57 = tpu.memref_squeeze %dma_wait3A_56 : memref<1x128xi32, #tpu.memory_space<vmem>> -> memref<128xi32, #tpu.memory_space<vmem>>
        %dma_wait3A_58 = arith.constant 0 : i32
        %dma_wait3A_59 = arith.constant 0 : i32
        %dma_wait3A_60 = tpu.memref_slice %arg7[%dma_wait3A_58, %dma_wait3A_59] : memref<100096x16xf32, #tpu.memory_space<vmem_shared>> -> memref<100096x16xf32, #tpu.memory_space<vmem_shared>>
        tpu.wait_indirect_dma semaphore(%run_scoped3A_50 : memref<!tpu.dma_semaphore, #tpu.memory_space<semaphore_mem>>) src(%arg5 : memref<128x16xf32, #tpu.memory_space<vmem>>) dst(%dma_wait3A_60 : memref<100096x16xf32, #tpu.memory_space<vmem_shared>>)
        tpu.yield
      }) : () -> ()
      %run_scoped3A_45 = arith.constant 3 : i32
      "tpu.region"() ({
        %run_scoped3A_50 = tpu.sem_alloc : memref<!tpu.dma_semaphore, #tpu.memory_space<semaphore_mem>>
        %dma_start3A = arith.constant 0 : i32
        %dma_start3A_51 = tpu.memref_slice %arg4[%run_scoped3A_45, %dma_start3A] : memref<8x128xi32, #tpu.memory_space<vmem>> -> memref<1x128xi32, #tpu.memory_space<vmem>>
        %dma_start3A_52 = tpu.memref_squeeze %dma_start3A_51 : memref<1x128xi32, #tpu.memory_space<vmem>> -> memref<128xi32, #tpu.memory_space<vmem>>
        %dma_start3A_53 = arith.constant 0 : i32
        %dma_start3A_54 = arith.constant 0 : i32
        %dma_start3A_55 = tpu.memref_slice %arg7[%dma_start3A_53, %dma_start3A_54] : memref<100096x16xf32, #tpu.memory_space<vmem_shared>> -> memref<100096x16xf32, #tpu.memory_space<vmem_shared>>
        tpu.enqueue_indirect_dma source(%arg5 : memref<128x16xf32, #tpu.memory_space<vmem>>) target(%dma_start3A_55 : memref<100096x16xf32, #tpu.memory_space<vmem_shared>>) offsets(%dma_start3A_52 : memref<128xi32, #tpu.memory_space<vmem>>) semaphore(%run_scoped3A_50 : memref<!tpu.dma_semaphore, #tpu.memory_space<semaphore_mem>>) {add = true}
        %dma_wait3A = arith.constant 0 : i32
        %dma_wait3A_56 = tpu.memref_slice %arg4[%run_scoped3A_45, %dma_wait3A] : memref<8x128xi32, #tpu.memory_space<vmem>> -> memref<1x128xi32, #tpu.memory_space<vmem>>
        %dma_wait3A_57 = tpu.memref_squeeze %dma_wait3A_56 : memref<1x128xi32, #tpu.memory_space<vmem>> -> memref<128xi32, #tpu.memory_space<vmem>>
        %dma_wait3A_58 = arith.constant 0 : i32
        %dma_wait3A_59 = arith.constant 0 : i32
        %dma_wait3A_60 = tpu.memref_slice %arg7[%dma_wait3A_58, %dma_wait3A_59] : memref<100096x16xf32, #tpu.memory_space<vmem_shared>> -> memref<100096x16xf32, #tpu.memory_space<vmem_shared>>
        tpu.wait_indirect_dma semaphore(%run_scoped3A_50 : memref<!tpu.dma_semaphore, #tpu.memory_space<semaphore_mem>>) src(%arg5 : memref<128x16xf32, #tpu.memory_space<vmem>>) dst(%dma_wait3A_60 : memref<100096x16xf32, #tpu.memory_space<vmem_shared>>)
        tpu.yield
      }) : () -> ()
      %run_scoped3A_46 = arith.constant 4 : i32
      "tpu.region"() ({
        %run_scoped3A_50 = tpu.sem_alloc : memref<!tpu.dma_semaphore, #tpu.memory_space<semaphore_mem>>
        %dma_start3A = arith.constant 0 : i32
        %dma_start3A_51 = tpu.memref_slice %arg4[%run_scoped3A_46, %dma_start3A] : memref<8x128xi32, #tpu.memory_space<vmem>> -> memref<1x128xi32, #tpu.memory_space<vmem>>
        %dma_start3A_52 = tpu.memref_squeeze %dma_start3A_51 : memref<1x128xi32, #tpu.memory_space<vmem>> -> memref<128xi32, #tpu.memory_space<vmem>>
        %dma_start3A_53 = arith.constant 0 : i32
        %dma_start3A_54 = arith.constant 0 : i32
        %dma_start3A_55 = tpu.memref_slice %arg7[%dma_start3A_53, %dma_start3A_54] : memref<100096x16xf32, #tpu.memory_space<vmem_shared>> -> memref<100096x16xf32, #tpu.memory_space<vmem_shared>>
        tpu.enqueue_indirect_dma source(%arg5 : memref<128x16xf32, #tpu.memory_space<vmem>>) target(%dma_start3A_55 : memref<100096x16xf32, #tpu.memory_space<vmem_shared>>) offsets(%dma_start3A_52 : memref<128xi32, #tpu.memory_space<vmem>>) semaphore(%run_scoped3A_50 : memref<!tpu.dma_semaphore, #tpu.memory_space<semaphore_mem>>) {add = true}
        %dma_wait3A = arith.constant 0 : i32
        %dma_wait3A_56 = tpu.memref_slice %arg4[%run_scoped3A_46, %dma_wait3A] : memref<8x128xi32, #tpu.memory_space<vmem>> -> memref<1x128xi32, #tpu.memory_space<vmem>>
        %dma_wait3A_57 = tpu.memref_squeeze %dma_wait3A_56 : memref<1x128xi32, #tpu.memory_space<vmem>> -> memref<128xi32, #tpu.memory_space<vmem>>
        %dma_wait3A_58 = arith.constant 0 : i32
        %dma_wait3A_59 = arith.constant 0 : i32
        %dma_wait3A_60 = tpu.memref_slice %arg7[%dma_wait3A_58, %dma_wait3A_59] : memref<100096x16xf32, #tpu.memory_space<vmem_shared>> -> memref<100096x16xf32, #tpu.memory_space<vmem_shared>>
        tpu.wait_indirect_dma semaphore(%run_scoped3A_50 : memref<!tpu.dma_semaphore, #tpu.memory_space<semaphore_mem>>) src(%arg5 : memref<128x16xf32, #tpu.memory_space<vmem>>) dst(%dma_wait3A_60 : memref<100096x16xf32, #tpu.memory_space<vmem_shared>>)
        tpu.yield
      }) : () -> ()
      %run_scoped3A_47 = arith.constant 5 : i32
      "tpu.region"() ({
        %run_scoped3A_50 = tpu.sem_alloc : memref<!tpu.dma_semaphore, #tpu.memory_space<semaphore_mem>>
        %dma_start3A = arith.constant 0 : i32
        %dma_start3A_51 = tpu.memref_slice %arg4[%run_scoped3A_47, %dma_start3A] : memref<8x128xi32, #tpu.memory_space<vmem>> -> memref<1x128xi32, #tpu.memory_space<vmem>>
        %dma_start3A_52 = tpu.memref_squeeze %dma_start3A_51 : memref<1x128xi32, #tpu.memory_space<vmem>> -> memref<128xi32, #tpu.memory_space<vmem>>
        %dma_start3A_53 = arith.constant 0 : i32
        %dma_start3A_54 = arith.constant 0 : i32
        %dma_start3A_55 = tpu.memref_slice %arg7[%dma_start3A_53, %dma_start3A_54] : memref<100096x16xf32, #tpu.memory_space<vmem_shared>> -> memref<100096x16xf32, #tpu.memory_space<vmem_shared>>
        tpu.enqueue_indirect_dma source(%arg5 : memref<128x16xf32, #tpu.memory_space<vmem>>) target(%dma_start3A_55 : memref<100096x16xf32, #tpu.memory_space<vmem_shared>>) offsets(%dma_start3A_52 : memref<128xi32, #tpu.memory_space<vmem>>) semaphore(%run_scoped3A_50 : memref<!tpu.dma_semaphore, #tpu.memory_space<semaphore_mem>>) {add = true}
        %dma_wait3A = arith.constant 0 : i32
        %dma_wait3A_56 = tpu.memref_slice %arg4[%run_scoped3A_47, %dma_wait3A] : memref<8x128xi32, #tpu.memory_space<vmem>> -> memref<1x128xi32, #tpu.memory_space<vmem>>
        %dma_wait3A_57 = tpu.memref_squeeze %dma_wait3A_56 : memref<1x128xi32, #tpu.memory_space<vmem>> -> memref<128xi32, #tpu.memory_space<vmem>>
        %dma_wait3A_58 = arith.constant 0 : i32
        %dma_wait3A_59 = arith.constant 0 : i32
        %dma_wait3A_60 = tpu.memref_slice %arg7[%dma_wait3A_58, %dma_wait3A_59] : memref<100096x16xf32, #tpu.memory_space<vmem_shared>> -> memref<100096x16xf32, #tpu.memory_space<vmem_shared>>
        tpu.wait_indirect_dma semaphore(%run_scoped3A_50 : memref<!tpu.dma_semaphore, #tpu.memory_space<semaphore_mem>>) src(%arg5 : memref<128x16xf32, #tpu.memory_space<vmem>>) dst(%dma_wait3A_60 : memref<100096x16xf32, #tpu.memory_space<vmem_shared>>)
        tpu.yield
      }) : () -> ()
      %run_scoped3A_48 = arith.constant 6 : i32
      "tpu.region"() ({
        %run_scoped3A_50 = tpu.sem_alloc : memref<!tpu.dma_semaphore, #tpu.memory_space<semaphore_mem>>
        %dma_start3A = arith.constant 0 : i32
        %dma_start3A_51 = tpu.memref_slice %arg4[%run_scoped3A_48, %dma_start3A] : memref<8x128xi32, #tpu.memory_space<vmem>> -> memref<1x128xi32, #tpu.memory_space<vmem>>
        %dma_start3A_52 = tpu.memref_squeeze %dma_start3A_51 : memref<1x128xi32, #tpu.memory_space<vmem>> -> memref<128xi32, #tpu.memory_space<vmem>>
        %dma_start3A_53 = arith.constant 0 : i32
        %dma_start3A_54 = arith.constant 0 : i32
        %dma_start3A_55 = tpu.memref_slice %arg7[%dma_start3A_53, %dma_start3A_54] : memref<100096x16xf32, #tpu.memory_space<vmem_shared>> -> memref<100096x16xf32, #tpu.memory_space<vmem_shared>>
        tpu.enqueue_indirect_dma source(%arg5 : memref<128x16xf32, #tpu.memory_space<vmem>>) target(%dma_start3A_55 : memref<100096x16xf32, #tpu.memory_space<vmem_shared>>) offsets(%dma_start3A_52 : memref<128xi32, #tpu.memory_space<vmem>>) semaphore(%run_scoped3A_50 : memref<!tpu.dma_semaphore, #tpu.memory_space<semaphore_mem>>) {add = true}
        %dma_wait3A = arith.constant 0 : i32
        %dma_wait3A_56 = tpu.memref_slice %arg4[%run_scoped3A_48, %dma_wait3A] : memref<8x128xi32, #tpu.memory_space<vmem>> -> memref<1x128xi32, #tpu.memory_space<vmem>>
        %dma_wait3A_57 = tpu.memref_squeeze %dma_wait3A_56 : memref<1x128xi32, #tpu.memory_space<vmem>> -> memref<128xi32, #tpu.memory_space<vmem>>
        %dma_wait3A_58 = arith.constant 0 : i32
        %dma_wait3A_59 = arith.constant 0 : i32
        %dma_wait3A_60 = tpu.memref_slice %arg7[%dma_wait3A_58, %dma_wait3A_59] : memref<100096x16xf32, #tpu.memory_space<vmem_shared>> -> memref<100096x16xf32, #tpu.memory_space<vmem_shared>>
        tpu.wait_indirect_dma semaphore(%run_scoped3A_50 : memref<!tpu.dma_semaphore, #tpu.memory_space<semaphore_mem>>) src(%arg5 : memref<128x16xf32, #tpu.memory_space<vmem>>) dst(%dma_wait3A_60 : memref<100096x16xf32, #tpu.memory_space<vmem_shared>>)
        tpu.yield
      }) : () -> ()
      %run_scoped3A_49 = arith.constant 7 : i32
      "tpu.region"() ({
        %run_scoped3A_50 = tpu.sem_alloc : memref<!tpu.dma_semaphore, #tpu.memory_space<semaphore_mem>>
        %dma_start3A = arith.constant 0 : i32
        %dma_start3A_51 = tpu.memref_slice %arg4[%run_scoped3A_49, %dma_start3A] : memref<8x128xi32, #tpu.memory_space<vmem>> -> memref<1x128xi32, #tpu.memory_space<vmem>>
        %dma_start3A_52 = tpu.memref_squeeze %dma_start3A_51 : memref<1x128xi32, #tpu.memory_space<vmem>> -> memref<128xi32, #tpu.memory_space<vmem>>
        %dma_start3A_53 = arith.constant 0 : i32
        %dma_start3A_54 = arith.constant 0 : i32
        %dma_start3A_55 = tpu.memref_slice %arg7[%dma_start3A_53, %dma_start3A_54] : memref<100096x16xf32, #tpu.memory_space<vmem_shared>> -> memref<100096x16xf32, #tpu.memory_space<vmem_shared>>
        tpu.enqueue_indirect_dma source(%arg5 : memref<128x16xf32, #tpu.memory_space<vmem>>) target(%dma_start3A_55 : memref<100096x16xf32, #tpu.memory_space<vmem_shared>>) offsets(%dma_start3A_52 : memref<128xi32, #tpu.memory_space<vmem>>) semaphore(%run_scoped3A_50 : memref<!tpu.dma_semaphore, #tpu.memory_space<semaphore_mem>>) {add = true}
        %dma_wait3A = arith.constant 0 : i32
        %dma_wait3A_56 = tpu.memref_slice %arg4[%run_scoped3A_49, %dma_wait3A] : memref<8x128xi32, #tpu.memory_space<vmem>> -> memref<1x128xi32, #tpu.memory_space<vmem>>
        %dma_wait3A_57 = tpu.memref_squeeze %dma_wait3A_56 : memref<1x128xi32, #tpu.memory_space<vmem>> -> memref<128xi32, #tpu.memory_space<vmem>>
        %dma_wait3A_58 = arith.constant 0 : i32
        %dma_wait3A_59 = arith.constant 0 : i32
        %dma_wait3A_60 = tpu.memref_slice %arg7[%dma_wait3A_58, %dma_wait3A_59] : memref<100096x16xf32, #tpu.memory_space<vmem_shared>> -> memref<100096x16xf32, #tpu.memory_space<vmem_shared>>
        tpu.wait_indirect_dma semaphore(%run_scoped3A_50 : memref<!tpu.dma_semaphore, #tpu.memory_space<semaphore_mem>>) src(%arg5 : memref<128x16xf32, #tpu.memory_space<vmem>>) dst(%dma_wait3A_60 : memref<100096x16xf32, #tpu.memory_space<vmem_shared>>)
        tpu.yield
      }) : () -> ()
    }
    %scan3A_26 = arith.constant 49 : i32
    %barrier3A_27 = arith.constant 0 : index
    tpu.barrier barrier_id(%barrier3A_27)
    %mul3A_28 = arith.constant 6256 : i32
    %mul3A_29 = arith.muli %arg1, %mul3A_28 : i32
    %multiple_of3A = tpu.assume_multiple %mul3A_29, 8 : i32
    %mul3A_30 = arith.constant 100096 : i32
    %mul3A_31 = arith.muli %arg0, %mul3A_30 : i32
    %mul3A_32 = arith.constant 6256 : i32
    %mul3A_33 = arith.muli %arg1, %mul3A_32 : i32
    %add3A_34 = arith.addi %mul3A_31, %mul3A_33 : i32
    %multiple_of3A_35 = tpu.assume_multiple %add3A_34, 8 : i32
    "tpu.region"() ({
      %run_scoped3A = tpu.sem_alloc : memref<!tpu.dma_semaphore, #tpu.memory_space<semaphore_mem>>
      %dma_start3A = arith.constant 0 : i32
      %dma_start3A_36 = tpu.memref_slice %arg3[%multiple_of3A_35, %dma_start3A] : memref<200192x16xf32, #tpu.memory_space<hbm>> -> memref<6256x16xf32, #tpu.memory_space<hbm>>
      %dma_start3A_37 = arith.constant 0 : i32
      %dma_start3A_38 = tpu.memref_slice %arg7[%multiple_of3A, %dma_start3A_37] : memref<100096x16xf32, #tpu.memory_space<vmem_shared>> -> memref<6256x16xf32, #tpu.memory_space<vmem_shared>>
      tpu.enqueue_dma source(%dma_start3A_38 : memref<6256x16xf32, #tpu.memory_space<vmem_shared>>) target(%dma_start3A_36 : memref<6256x16xf32, #tpu.memory_space<hbm>>) target_semaphore(%run_scoped3A : memref<!tpu.dma_semaphore, #tpu.memory_space<semaphore_mem>>)
      %dma_wait3A = arith.constant 0 : i32
      %dma_wait3A_39 = tpu.memref_slice %arg3[%multiple_of3A_35, %dma_wait3A] : memref<200192x16xf32, #tpu.memory_space<hbm>> -> memref<6256x16xf32, #tpu.memory_space<hbm>>
      %dma_wait3A_40 = arith.constant 0 : i32
      %dma_wait3A_41 = tpu.memref_slice %arg7[%multiple_of3A, %dma_wait3A_40] : memref<100096x16xf32, #tpu.memory_space<vmem_shared>> -> memref<6256x16xf32, #tpu.memory_space<vmem_shared>>
      tpu.wait_dma2 semaphore(%run_scoped3A : memref<!tpu.dma_semaphore, #tpu.memory_space<semaphore_mem>>) src(%dma_wait3A_41 : memref<6256x16xf32, #tpu.memory_space<vmem_shared>>) dst(%dma_wait3A_39 : memref<6256x16xf32, #tpu.memory_space<hbm>>)
      tpu.yield
    }) : () -> ()
    return
  }
}

module attributes {stable_mosaic.version = 14 : i64} {
  func.func @body(%arg0: i32, %arg1: memref<4000x6xf32, #tpu.memory_space<vmem>>, %arg2: memref<6x64xf32, #tpu.memory_space<vmem>>, %arg3: memref<1x64xf32, #tpu.memory_space<vmem>>, %arg4: memref<64x32xf32, #tpu.memory_space<vmem>>, %arg5: memref<1x32xf32, #tpu.memory_space<vmem>>, %arg6: memref<4000x32xf32, #tpu.memory_space<vmem>>) attributes {dimension_semantics = [#tpu.dimension_semantics<arbitrary>], iteration_bounds = array<i64: 25>, scalar_prefetch = 0 : i64, scratch_operands = 0 : i64, tpu.core_type = #tpu.core_type<tc>, window_params = [{transform_indices = @transform_0, window_bounds = array<i64: 4000, 6>}, {pipeline_mode = #tpu.pipeline_mode<synchronous>, transform_indices = @transform_1, window_bounds = array<i64: 6, 64>}, {pipeline_mode = #tpu.pipeline_mode<synchronous>, transform_indices = @transform_2, window_bounds = array<i64: 1, 64>}, {pipeline_mode = #tpu.pipeline_mode<synchronous>, transform_indices = @transform_3, window_bounds = array<i64: 64, 32>}, {pipeline_mode = #tpu.pipeline_mode<synchronous>, transform_indices = @transform_4, window_bounds = array<i64: 1, 32>}, {transform_indices = @transform_5, window_bounds = array<i64: 4000, 32>}]} {
    %get3A = arith.constant 0 : index
    %get3A_0 = arith.constant 0 : index
    %get3A_1 = vector.load %arg1[%get3A, %get3A_0] : memref<4000x6xf32, #tpu.memory_space<vmem>>, vector<4000x6xf32>
    %get3A_2 = arith.constant 0 : index
    %get3A_3 = arith.constant 0 : index
    %get3A_4 = vector.load %arg2[%get3A_2, %get3A_3] : memref<6x64xf32, #tpu.memory_space<vmem>>, vector<6x64xf32>
    %dot_general3A = arith.constant dense<0.000000e+00> : vector<4000x64xf32>
    %dot_general3A_5 = tpu.matmul %get3A_1, %get3A_4, %dot_general3A {dimension_numbers = #tpu.dot_dimension_numbers<[1], [0], [0], [1], [0, 0, 1, 1], [], []>, transpose_lhs_hint = false} : vector<4000x6xf32>, vector<6x64xf32>, vector<4000x64xf32> -> vector<4000x64xf32>
    %get3A_6 = arith.constant 0 : index
    %get3A_7 = arith.constant 0 : index
    %get3A_8 = vector.load %arg3[%get3A_6, %get3A_7] : memref<1x64xf32, #tpu.memory_space<vmem>>, vector<1x64xf32>
    %add3A = vector.broadcast %get3A_8 : vector<1x64xf32> to vector<4000x64xf32>
    %add3A_9 = arith.addf %dot_general3A_5, %add3A : vector<4000x64xf32>
    %tanh3A = math.tanh %add3A_9 : vector<4000x64xf32>
    %get3A_10 = arith.constant 0 : index
    %get3A_11 = arith.constant 0 : index
    %get3A_12 = vector.load %arg4[%get3A_10, %get3A_11] : memref<64x32xf32, #tpu.memory_space<vmem>>, vector<64x32xf32>
    %dot_general3A_13 = arith.constant dense<0.000000e+00> : vector<4000x32xf32>
    %dot_general3A_14 = tpu.matmul %tanh3A, %get3A_12, %dot_general3A_13 {dimension_numbers = #tpu.dot_dimension_numbers<[1], [0], [0], [1], [0, 0, 1, 1], [], []>, transpose_lhs_hint = false} : vector<4000x64xf32>, vector<64x32xf32>, vector<4000x32xf32> -> vector<4000x32xf32>
    %get3A_15 = arith.constant 0 : index
    %get3A_16 = arith.constant 0 : index
    %get3A_17 = vector.load %arg5[%get3A_15, %get3A_16] : memref<1x32xf32, #tpu.memory_space<vmem>>, vector<1x32xf32>
    %add3A_18 = vector.broadcast %get3A_17 : vector<1x32xf32> to vector<4000x32xf32>
    %add3A_19 = arith.addf %dot_general3A_14, %add3A_18 : vector<4000x32xf32>
    %tanh3A_20 = math.tanh %add3A_19 : vector<4000x32xf32>
    %swap3A = arith.constant 0 : index
    %swap3A_21 = arith.constant 0 : index
    %swap3A_22 = vector.load %arg6[%swap3A, %swap3A_21] : memref<4000x32xf32, #tpu.memory_space<vmem>>, vector<4000x32xf32>
    tpu.vector_store %arg6[%swap3A, %swap3A_21], %tanh3A_20 {strides = array<i32>} : memref<4000x32xf32, #tpu.memory_space<vmem>>, vector<4000x32xf32>,
    return
  }
  func.func @transform_0(%arg0: i32) -> (i32, i32) {
    %c0_i32 = arith.constant 0 : i32
    %c0_i32_0 = arith.constant 0 : i32
    return %arg0, %c0_i32 : i32, i32
  }
  func.func @transform_1(%arg0: i32) -> (i32, i32) {
    %c0_i32 = arith.constant 0 : i32
    %c0_i32_0 = arith.constant 0 : i32
    %c0_i32_1 = arith.constant 0 : i32
    return %c0_i32, %c0_i32_0 : i32, i32
  }
  func.func @transform_2(%arg0: i32) -> (i32, i32) {
    %c0_i32 = arith.constant 0 : i32
    %c0_i32_0 = arith.constant 0 : i32
    %c0_i32_1 = arith.constant 0 : i32
    return %c0_i32, %c0_i32_0 : i32, i32
  }
  func.func @transform_3(%arg0: i32) -> (i32, i32) {
    %c0_i32 = arith.constant 0 : i32
    %c0_i32_0 = arith.constant 0 : i32
    %c0_i32_1 = arith.constant 0 : i32
    return %c0_i32, %c0_i32_0 : i32, i32
  }
  func.func @transform_4(%arg0: i32) -> (i32, i32) {
    %c0_i32 = arith.constant 0 : i32
    %c0_i32_0 = arith.constant 0 : i32
    %c0_i32_1 = arith.constant 0 : i32
    return %c0_i32, %c0_i32_0 : i32, i32
  }
  func.func @transform_5(%arg0: i32) -> (i32, i32) {
    %c0_i32 = arith.constant 0 : i32
    %c0_i32_0 = arith.constant 0 : i32
    return %arg0, %c0_i32 : i32, i32
  }
}

module attributes {stable_mosaic.version = 14 : i64} {
  func.func @body(%arg0: i32, %arg1: i32, %arg2: memref<4000x32xf32, #tpu.memory_space<vmem>>, %arg3: memref<2x4000x16xf32, #tpu.memory_space<vmem>>, %arg4: memref<1x32x16xf32, #tpu.memory_space<vmem>>, %arg5: memref<1x4000x16xf32, #tpu.memory_space<vmem>>, %arg6: memref<4000x1xf32, #tpu.memory_space<vmem>>) attributes {dimension_semantics = [#tpu.dimension_semantics<arbitrary>, #tpu.dimension_semantics<arbitrary>], iteration_bounds = array<i64: 25, 2>, scalar_prefetch = 0 : i64, scratch_operands = 0 : i64, tpu.core_type = #tpu.core_type<tc>, window_params = [{transform_indices = @transform_0, window_bounds = array<i64: 4000, 32>}, {transform_indices = @transform_1, window_bounds = array<i64: 2, 4000, 16>}, {transform_indices = @transform_2, window_bounds = array<i64: 1, 32, 16>}, {transform_indices = @transform_3, window_bounds = array<i64: 1, 4000, 16>}, {transform_indices = @transform_4, window_bounds = array<i64: 4000, 1>}]} {
    %get3A = arith.constant 0 : index
    %get3A_0 = arith.constant 0 : index
    %get3A_1 = arith.constant 0 : index
    %get3A_2 = vector.load %arg3[%get3A, %get3A_0, %get3A_1] : memref<2x4000x16xf32, #tpu.memory_space<vmem>>, vector<1x4000x1xf32>
    %get3A_3 = vector.shape_cast %get3A_2 : vector<1x4000x1xf32> to vector<4000x1xf32>
    %get3A_4 = arith.constant 1 : index
    %get3A_5 = arith.constant 0 : index
    %get3A_6 = arith.constant 0 : index
    %get3A_7 = vector.load %arg3[%get3A_4, %get3A_5, %get3A_6] : memref<2x4000x16xf32, #tpu.memory_space<vmem>>, vector<1x4000x1xf32>
    %get3A_8 = vector.shape_cast %get3A_7 : vector<1x4000x1xf32> to vector<4000x1xf32>
    %add3A = arith.addf %get3A_3, %get3A_8 : vector<4000x1xf32>
    %add3A_9 = arith.constant 1.000000e+00 : f32
    %add3A_10 = vector.broadcast %add3A_9 : f32 to vector<4000x1xf32>
    %add3A_11 = arith.addf %add3A, %add3A_10 : vector<4000x1xf32>
    %rsqrt3A = math.rsqrt %add3A_11 : vector<4000x1xf32>
    %get3A_12 = arith.constant 0 : index
    %get3A_13 = arith.constant 0 : index
    %get3A_14 = vector.load %arg2[%get3A_12, %get3A_13] : memref<4000x32xf32, #tpu.memory_space<vmem>>, vector<4000x32xf32>
    %get3A_15 = arith.constant 0 : index
    %get3A_16 = arith.constant 0 : index
    %get3A_17 = arith.constant 0 : index
    %get3A_18 = vector.load %arg4[%get3A_15, %get3A_16, %get3A_17] : memref<1x32x16xf32, #tpu.memory_space<vmem>>, vector<1x32x16xf32>
    %get3A_19 = vector.shape_cast %get3A_18 : vector<1x32x16xf32> to vector<32x16xf32>
    %dot_general3A = arith.constant dense<0.000000e+00> : vector<4000x16xf32>
    %dot_general3A_20 = tpu.matmul %get3A_14, %get3A_19, %dot_general3A {dimension_numbers = #tpu.dot_dimension_numbers<[1], [0], [0], [1], [0, 0, 1, 1], [], []>, transpose_lhs_hint = false} : vector<4000x32xf32>, vector<32x16xf32>, vector<4000x16xf32> -> vector<4000x16xf32>
    %mul3A = vector.broadcast %rsqrt3A : vector<4000x1xf32> to vector<4000x16xf32>
    %mul3A_21 = arith.mulf %dot_general3A_20, %mul3A : vector<4000x16xf32>
    %broadcast_in_dim3A = vector.shape_cast %mul3A_21 : vector<4000x16xf32> to vector<1x4000x16xf32>
    %swap3A = arith.constant 0 : index
    %swap3A_22 = arith.constant 0 : index
    %swap3A_23 = arith.constant 0 : index
    %swap3A_24 = vector.load %arg5[%swap3A, %swap3A_22, %swap3A_23] : memref<1x4000x16xf32, #tpu.memory_space<vmem>>, vector<1x4000x16xf32>
    tpu.vector_store %arg5[%swap3A, %swap3A_22, %swap3A_23], %broadcast_in_dim3A {strides = array<i32>} : memref<1x4000x16xf32, #tpu.memory_space<vmem>>, vector<1x4000x16xf32>,
    %swap3A_25 = arith.constant 0 : index
    %swap3A_26 = arith.constant 0 : index
    %swap3A_27 = vector.load %arg6[%swap3A_25, %swap3A_26] : memref<4000x1xf32, #tpu.memory_space<vmem>>, vector<4000x1xf32>
    tpu.vector_store %arg6[%swap3A_25, %swap3A_26], %rsqrt3A {strides = array<i32>} : memref<4000x1xf32, #tpu.memory_space<vmem>>, vector<4000x1xf32>,
    return
  }
  func.func @transform_0(%arg0: i32, %arg1: i32) -> (i32, i32) {
    %c0_i32 = arith.constant 0 : i32
    %c0_i32_0 = arith.constant 0 : i32
    return %arg0, %c0_i32 : i32, i32
  }
  func.func @transform_1(%arg0: i32, %arg1: i32) -> (i32, i32, i32) {
    %c0_i32 = arith.constant 0 : i32
    %c0_i32_0 = arith.constant 0 : i32
    %c0_i32_1 = arith.constant 0 : i32
    return %c0_i32, %arg0, %c0_i32_0 : i32, i32, i32
  }
  func.func @transform_2(%arg0: i32, %arg1: i32) -> (i32, i32, i32) {
    %c0_i32 = arith.constant 0 : i32
    %c0_i32_0 = arith.constant 0 : i32
    %c0_i32_1 = arith.constant 0 : i32
    return %arg1, %c0_i32, %c0_i32_0 : i32, i32, i32
  }
  func.func @transform_3(%arg0: i32, %arg1: i32) -> (i32, i32, i32) {
    %c0_i32 = arith.constant 0 : i32
    %c0_i32_0 = arith.constant 0 : i32
    return %arg1, %arg0, %c0_i32 : i32, i32, i32
  }
  func.func @transform_4(%arg0: i32, %arg1: i32) -> (i32, i32) {
    %c0_i32 = arith.constant 0 : i32
    %c0_i32_0 = arith.constant 0 : i32
    return %arg0, %c0_i32 : i32, i32
  }
}

module attributes {stable_mosaic.version = 14 : i64} {
  func.func @body(%arg0: i32, %arg1: i32, %arg2: memref<2x4000x16xf32, #tpu.memory_space<vmem>>, %arg3: memref<2x4000x16xf32, #tpu.memory_space<vmem>>, %arg4: memref<4000x1xf32, #tpu.memory_space<vmem>>, %arg5: memref<1x32xf32, #tpu.memory_space<vmem>>, %arg6: memref<1x32x16xf32, #tpu.memory_space<vmem>>, %arg7: memref<1x4000x16xf32, #tpu.memory_space<vmem>>) attributes {dimension_semantics = [#tpu.dimension_semantics<arbitrary>, #tpu.dimension_semantics<arbitrary>], iteration_bounds = array<i64: 25, 2>, scalar_prefetch = 0 : i64, scratch_operands = 0 : i64, tpu.core_type = #tpu.core_type<tc>, window_params = [{transform_indices = @transform_0, window_bounds = array<i64: 2, 4000, 16>}, {transform_indices = @transform_1, window_bounds = array<i64: 2, 4000, 16>}, {transform_indices = @transform_2, window_bounds = array<i64: 4000, 1>}, {pipeline_mode = #tpu.pipeline_mode<synchronous>, transform_indices = @transform_3, window_bounds = array<i64: 1, 32>}, {transform_indices = @transform_4, window_bounds = array<i64: 1, 32, 16>}, {transform_indices = @transform_5, window_bounds = array<i64: 1, 4000, 16>}]} {
    %get3A = arith.constant 0 : index
    %get3A_0 = arith.constant 0 : index
    %get3A_1 = arith.constant 0 : index
    %get3A_2 = vector.load %arg2[%get3A, %get3A_0, %get3A_1] : memref<2x4000x16xf32, #tpu.memory_space<vmem>>, vector<1x4000x16xf32>
    %get3A_3 = vector.shape_cast %get3A_2 : vector<1x4000x16xf32> to vector<4000x16xf32>
    %get3A_4 = arith.constant 1 : index
    %get3A_5 = arith.constant 0 : index
    %get3A_6 = arith.constant 0 : index
    %get3A_7 = vector.load %arg2[%get3A_4, %get3A_5, %get3A_6] : memref<2x4000x16xf32, #tpu.memory_space<vmem>>, vector<1x4000x16xf32>
    %get3A_8 = vector.shape_cast %get3A_7 : vector<1x4000x16xf32> to vector<4000x16xf32>
    %concatenate3A = tpu.concatenate %get3A_3, %get3A_8 in 1 : vector<4000x16xf32>, vector<4000x16xf32> -> vector<4000x32xf32>
    %get3A_9 = arith.constant 0 : index
    %get3A_10 = arith.constant 0 : index
    %get3A_11 = arith.constant 0 : index
    %get3A_12 = vector.load %arg3[%get3A_9, %get3A_10, %get3A_11] : memref<2x4000x16xf32, #tpu.memory_space<vmem>>, vector<1x4000x16xf32>
    %get3A_13 = vector.shape_cast %get3A_12 : vector<1x4000x16xf32> to vector<4000x16xf32>
    %get3A_14 = arith.constant 1 : index
    %get3A_15 = arith.constant 0 : index
    %get3A_16 = arith.constant 0 : index
    %get3A_17 = vector.load %arg3[%get3A_14, %get3A_15, %get3A_16] : memref<2x4000x16xf32, #tpu.memory_space<vmem>>, vector<1x4000x16xf32>
    %get3A_18 = vector.shape_cast %get3A_17 : vector<1x4000x16xf32> to vector<4000x16xf32>
    %concatenate3A_19 = tpu.concatenate %get3A_13, %get3A_18 in 1 : vector<4000x16xf32>, vector<4000x16xf32> -> vector<4000x32xf32>
    %get3A_20 = arith.constant 0 : index
    %get3A_21 = arith.constant 0 : index
    %get3A_22 = vector.load %arg4[%get3A_20, %get3A_21] : memref<4000x1xf32, #tpu.memory_space<vmem>>, vector<4000x1xf32>
    %add3A = arith.addf %concatenate3A, %concatenate3A_19 : vector<4000x32xf32>
    %mul3A = vector.broadcast %get3A_22 : vector<4000x1xf32> to vector<4000x32xf32>
    %mul3A_23 = arith.mulf %mul3A, %add3A : vector<4000x32xf32>
    %get3A_24 = arith.constant 0 : index
    %get3A_25 = arith.constant 0 : index
    %get3A_26 = vector.load %arg5[%get3A_24, %get3A_25] : memref<1x32xf32, #tpu.memory_space<vmem>>, vector<1x32xf32>
    %add3A_27 = vector.broadcast %get3A_26 : vector<1x32xf32> to vector<4000x32xf32>
    %add3A_28 = arith.addf %mul3A_23, %add3A_27 : vector<4000x32xf32>
    %max3A = arith.constant 0.000000e+00 : f32
    %max3A_29 = vector.broadcast %max3A : f32 to vector<4000x32xf32>
    %max3A_30 = arith.maximumf %add3A_28, %max3A_29 : vector<4000x32xf32>
    %get3A_31 = arith.constant 0 : index
    %get3A_32 = arith.constant 0 : index
    %get3A_33 = arith.constant 0 : index
    %get3A_34 = vector.load %arg6[%get3A_31, %get3A_32, %get3A_33] : memref<1x32x16xf32, #tpu.memory_space<vmem>>, vector<1x32x16xf32>
    %get3A_35 = vector.shape_cast %get3A_34 : vector<1x32x16xf32> to vector<32x16xf32>
    %dot_general3A = arith.constant dense<0.000000e+00> : vector<4000x16xf32>
    %dot_general3A_36 = tpu.matmul %max3A_30, %get3A_35, %dot_general3A {dimension_numbers = #tpu.dot_dimension_numbers<[1], [0], [0], [1], [0, 0, 1, 1], [], []>, transpose_lhs_hint = false} : vector<4000x32xf32>, vector<32x16xf32>, vector<4000x16xf32> -> vector<4000x16xf32>
    %get3A_37 = arith.constant 0 : index
    %get3A_38 = arith.constant 0 : index
    %get3A_39 = vector.load %arg4[%get3A_37, %get3A_38] : memref<4000x1xf32, #tpu.memory_space<vmem>>, vector<4000x1xf32>
    %mul3A_40 = vector.broadcast %get3A_39 : vector<4000x1xf32> to vector<4000x16xf32>
    %mul3A_41 = arith.mulf %dot_general3A_36, %mul3A_40 : vector<4000x16xf32>
    %broadcast_in_dim3A = vector.shape_cast %mul3A_41 : vector<4000x16xf32> to vector<1x4000x16xf32>
    %swap3A = arith.constant 0 : index
    %swap3A_42 = arith.constant 0 : index
    %swap3A_43 = arith.constant 0 : index
    %swap3A_44 = vector.load %arg7[%swap3A, %swap3A_42, %swap3A_43] : memref<1x4000x16xf32, #tpu.memory_space<vmem>>, vector<1x4000x16xf32>
    tpu.vector_store %arg7[%swap3A, %swap3A_42, %swap3A_43], %broadcast_in_dim3A {strides = array<i32>} : memref<1x4000x16xf32, #tpu.memory_space<vmem>>, vector<1x4000x16xf32>,
    return
  }
  func.func @transform_0(%arg0: i32, %arg1: i32) -> (i32, i32, i32) {
    %c0_i32 = arith.constant 0 : i32
    %c0_i32_0 = arith.constant 0 : i32
    %c0_i32_1 = arith.constant 0 : i32
    return %c0_i32, %arg0, %c0_i32_0 : i32, i32, i32
  }
  func.func @transform_1(%arg0: i32, %arg1: i32) -> (i32, i32, i32) {
    %c0_i32 = arith.constant 0 : i32
    %c0_i32_0 = arith.constant 0 : i32
    %c0_i32_1 = arith.constant 0 : i32
    return %c0_i32, %arg0, %c0_i32_0 : i32, i32, i32
  }
  func.func @transform_2(%arg0: i32, %arg1: i32) -> (i32, i32) {
    %c0_i32 = arith.constant 0 : i32
    %c0_i32_0 = arith.constant 0 : i32
    return %arg0, %c0_i32 : i32, i32
  }
  func.func @transform_3(%arg0: i32, %arg1: i32) -> (i32, i32) {
    %c0_i32 = arith.constant 0 : i32
    %c0_i32_0 = arith.constant 0 : i32
    %c0_i32_1 = arith.constant 0 : i32
    return %c0_i32, %c0_i32_0 : i32, i32
  }
  func.func @transform_4(%arg0: i32, %arg1: i32) -> (i32, i32, i32) {
    %c0_i32 = arith.constant 0 : i32
    %c0_i32_0 = arith.constant 0 : i32
    %c0_i32_1 = arith.constant 0 : i32
    return %arg1, %c0_i32, %c0_i32_0 : i32, i32, i32
  }
  func.func @transform_5(%arg0: i32, %arg1: i32) -> (i32, i32, i32) {
    %c0_i32 = arith.constant 0 : i32
    %c0_i32_0 = arith.constant 0 : i32
    return %arg1, %arg0, %c0_i32 : i32, i32, i32
  }
}

module attributes {stable_mosaic.version = 14 : i64} {
  func.func @body(%arg0: i32, %arg1: memref<2x4000x16xf32, #tpu.memory_space<vmem>>, %arg2: memref<2x4000x16xf32, #tpu.memory_space<vmem>>, %arg3: memref<4000x1xf32, #tpu.memory_space<vmem>>, %arg4: memref<1x32xf32, #tpu.memory_space<vmem>>, %arg5: memref<32x32xf32, #tpu.memory_space<vmem>>, %arg6: memref<1x32xf32, #tpu.memory_space<vmem>>, %arg7: memref<32x1xf32, #tpu.memory_space<vmem>>, %arg8: memref<1x1xf32, #tpu.memory_space<vmem>>, %arg9: memref<4000x1xf32, #tpu.memory_space<vmem>>) attributes {dimension_semantics = [#tpu.dimension_semantics<arbitrary>], iteration_bounds = array<i64: 25>, scalar_prefetch = 0 : i64, scratch_operands = 0 : i64, tpu.core_type = #tpu.core_type<tc>, window_params = [{transform_indices = @transform_0, window_bounds = array<i64: 2, 4000, 16>}, {transform_indices = @transform_1, window_bounds = array<i64: 2, 4000, 16>}, {transform_indices = @transform_2, window_bounds = array<i64: 4000, 1>}, {pipeline_mode = #tpu.pipeline_mode<synchronous>, transform_indices = @transform_3, window_bounds = array<i64: 1, 32>}, {pipeline_mode = #tpu.pipeline_mode<synchronous>, transform_indices = @transform_4, window_bounds = array<i64: 32, 32>}, {pipeline_mode = #tpu.pipeline_mode<synchronous>, transform_indices = @transform_5, window_bounds = array<i64: 1, 32>}, {pipeline_mode = #tpu.pipeline_mode<synchronous>, transform_indices = @transform_6, window_bounds = array<i64: 32, 1>}, {pipeline_mode = #tpu.pipeline_mode<synchronous>, transform_indices = @transform_7, window_bounds = array<i64: 1, 1>}, {transform_indices = @transform_8, window_bounds = array<i64: 4000, 1>}]} {
    %get3A = arith.constant 0 : index
    %get3A_0 = arith.constant 0 : index
    %get3A_1 = arith.constant 0 : index
    %get3A_2 = vector.load %arg1[%get3A, %get3A_0, %get3A_1] : memref<2x4000x16xf32, #tpu.memory_space<vmem>>, vector<1x4000x16xf32>
    %get3A_3 = vector.shape_cast %get3A_2 : vector<1x4000x16xf32> to vector<4000x16xf32>
    %get3A_4 = arith.constant 1 : index
    %get3A_5 = arith.constant 0 : index
    %get3A_6 = arith.constant 0 : index
    %get3A_7 = vector.load %arg1[%get3A_4, %get3A_5, %get3A_6] : memref<2x4000x16xf32, #tpu.memory_space<vmem>>, vector<1x4000x16xf32>
    %get3A_8 = vector.shape_cast %get3A_7 : vector<1x4000x16xf32> to vector<4000x16xf32>
    %concatenate3A = tpu.concatenate %get3A_3, %get3A_8 in 1 : vector<4000x16xf32>, vector<4000x16xf32> -> vector<4000x32xf32>
    %get3A_9 = arith.constant 0 : index
    %get3A_10 = arith.constant 0 : index
    %get3A_11 = arith.constant 0 : index
    %get3A_12 = vector.load %arg2[%get3A_9, %get3A_10, %get3A_11] : memref<2x4000x16xf32, #tpu.memory_space<vmem>>, vector<1x4000x16xf32>
    %get3A_13 = vector.shape_cast %get3A_12 : vector<1x4000x16xf32> to vector<4000x16xf32>
    %get3A_14 = arith.constant 1 : index
    %get3A_15 = arith.constant 0 : index
    %get3A_16 = arith.constant 0 : index
    %get3A_17 = vector.load %arg2[%get3A_14, %get3A_15, %get3A_16] : memref<2x4000x16xf32, #tpu.memory_space<vmem>>, vector<1x4000x16xf32>
    %get3A_18 = vector.shape_cast %get3A_17 : vector<1x4000x16xf32> to vector<4000x16xf32>
    %concatenate3A_19 = tpu.concatenate %get3A_13, %get3A_18 in 1 : vector<4000x16xf32>, vector<4000x16xf32> -> vector<4000x32xf32>
    %get3A_20 = arith.constant 0 : index
    %get3A_21 = arith.constant 0 : index
    %get3A_22 = vector.load %arg3[%get3A_20, %get3A_21] : memref<4000x1xf32, #tpu.memory_space<vmem>>, vector<4000x1xf32>
    %add3A = arith.addf %concatenate3A, %concatenate3A_19 : vector<4000x32xf32>
    %mul3A = vector.broadcast %get3A_22 : vector<4000x1xf32> to vector<4000x32xf32>
    %mul3A_23 = arith.mulf %mul3A, %add3A : vector<4000x32xf32>
    %get3A_24 = arith.constant 0 : index
    %get3A_25 = arith.constant 0 : index
    %get3A_26 = vector.load %arg4[%get3A_24, %get3A_25] : memref<1x32xf32, #tpu.memory_space<vmem>>, vector<1x32xf32>
    %add3A_27 = vector.broadcast %get3A_26 : vector<1x32xf32> to vector<4000x32xf32>
    %add3A_28 = arith.addf %mul3A_23, %add3A_27 : vector<4000x32xf32>
    %max3A = arith.constant 0.000000e+00 : f32
    %max3A_29 = vector.broadcast %max3A : f32 to vector<4000x32xf32>
    %max3A_30 = arith.maximumf %add3A_28, %max3A_29 : vector<4000x32xf32>
    %get3A_31 = arith.constant 0 : index
    %get3A_32 = arith.constant 0 : index
    %get3A_33 = vector.load %arg5[%get3A_31, %get3A_32] : memref<32x32xf32, #tpu.memory_space<vmem>>, vector<32x32xf32>
    %dot_general3A = arith.constant dense<0.000000e+00> : vector<4000x32xf32>
    %dot_general3A_34 = tpu.matmul %max3A_30, %get3A_33, %dot_general3A {dimension_numbers = #tpu.dot_dimension_numbers<[1], [0], [0], [1], [0, 0, 1, 1], [], []>, transpose_lhs_hint = false} : vector<4000x32xf32>, vector<32x32xf32>, vector<4000x32xf32> -> vector<4000x32xf32>
    %get3A_35 = arith.constant 0 : index
    %get3A_36 = arith.constant 0 : index
    %get3A_37 = vector.load %arg6[%get3A_35, %get3A_36] : memref<1x32xf32, #tpu.memory_space<vmem>>, vector<1x32xf32>
    %add3A_38 = vector.broadcast %get3A_37 : vector<1x32xf32> to vector<4000x32xf32>
    %add3A_39 = arith.addf %dot_general3A_34, %add3A_38 : vector<4000x32xf32>
    %tanh3A = math.tanh %add3A_39 : vector<4000x32xf32>
    %get3A_40 = arith.constant 0 : index
    %get3A_41 = arith.constant 0 : index
    %get3A_42 = vector.load %arg7[%get3A_40, %get3A_41] : memref<32x1xf32, #tpu.memory_space<vmem>>, vector<32x1xf32>
    %dot_general3A_43 = arith.constant dense<0.000000e+00> : vector<4000x1xf32>
    %dot_general3A_44 = tpu.matmul %tanh3A, %get3A_42, %dot_general3A_43 {dimension_numbers = #tpu.dot_dimension_numbers<[1], [0], [0], [1], [0, 0, 1, 1], [], []>, transpose_lhs_hint = false} : vector<4000x32xf32>, vector<32x1xf32>, vector<4000x1xf32> -> vector<4000x1xf32>
    %get3A_45 = arith.constant 0 : index
    %get3A_46 = arith.constant 0 : index
    %get3A_47 = vector.load %arg8[%get3A_45, %get3A_46] : memref<1x1xf32, #tpu.memory_space<vmem>>, vector<1x1xf32>
    %add3A_48 = vector.broadcast %get3A_47 : vector<1x1xf32> to vector<4000x1xf32>
    %add3A_49 = arith.addf %dot_general3A_44, %add3A_48 : vector<4000x1xf32>
    %tanh3A_50 = math.tanh %add3A_49 : vector<4000x1xf32>
    %swap3A = arith.constant 0 : index
    %swap3A_51 = arith.constant 0 : index
    %swap3A_52 = vector.load %arg9[%swap3A, %swap3A_51] : memref<4000x1xf32, #tpu.memory_space<vmem>>, vector<4000x1xf32>
    tpu.vector_store %arg9[%swap3A, %swap3A_51], %tanh3A_50 {strides = array<i32>} : memref<4000x1xf32, #tpu.memory_space<vmem>>, vector<4000x1xf32>,
    return
  }
  func.func @transform_0(%arg0: i32) -> (i32, i32, i32) {
    %c0_i32 = arith.constant 0 : i32
    %c0_i32_0 = arith.constant 0 : i32
    %c0_i32_1 = arith.constant 0 : i32
    return %c0_i32, %arg0, %c0_i32_0 : i32, i32, i32
  }
  func.func @transform_1(%arg0: i32) -> (i32, i32, i32) {
    %c0_i32 = arith.constant 0 : i32
    %c0_i32_0 = arith.constant 0 : i32
    %c0_i32_1 = arith.constant 0 : i32
    return %c0_i32, %arg0, %c0_i32_0 : i32, i32, i32
  }
  func.func @transform_2(%arg0: i32) -> (i32, i32) {
    %c0_i32 = arith.constant 0 : i32
    %c0_i32_0 = arith.constant 0 : i32
    return %arg0, %c0_i32 : i32, i32
  }
  func.func @transform_3(%arg0: i32) -> (i32, i32) {
    %c0_i32 = arith.constant 0 : i32
    %c0_i32_0 = arith.constant 0 : i32
    %c0_i32_1 = arith.constant 0 : i32
    return %c0_i32, %c0_i32_0 : i32, i32
  }
  func.func @transform_4(%arg0: i32) -> (i32, i32) {
    %c0_i32 = arith.constant 0 : i32
    %c0_i32_0 = arith.constant 0 : i32
    %c0_i32_1 = arith.constant 0 : i32
    return %c0_i32, %c0_i32_0 : i32, i32
  }
  func.func @transform_5(%arg0: i32) -> (i32, i32) {
    %c0_i32 = arith.constant 0 : i32
    %c0_i32_0 = arith.constant 0 : i32
    %c0_i32_1 = arith.constant 0 : i32
    return %c0_i32, %c0_i32_0 : i32, i32
  }
  func.func @transform_6(%arg0: i32) -> (i32, i32) {
    %c0_i32 = arith.constant 0 : i32
    %c0_i32_0 = arith.constant 0 : i32
    %c0_i32_1 = arith.constant 0 : i32
    return %c0_i32, %c0_i32_0 : i32, i32
  }
  func.func @transform_7(%arg0: i32) -> (i32, i32) {
    %c0_i32 = arith.constant 0 : i32
    %c0_i32_0 = arith.constant 0 : i32
    %c0_i32_1 = arith.constant 0 : i32
    return %c0_i32, %c0_i32_0 : i32, i32
  }
  func.func @transform_8(%arg0: i32) -> (i32, i32) {
    %c0_i32 = arith.constant 0 : i32
    %c0_i32_0 = arith.constant 0 : i32
    return %arg0, %c0_i32 : i32, i32
  }
}

</mosaic_0001>

<sc_bundles>
// kernel: kernel.12.cloned.1.call-start
scs
__scs_entry_jumppad:
0x0: {  	(pc) =	sbr.rel $0x88, $3  }
0x1: {  	(tag) =	ssettag $0x0;
	lr =	simm.s32 $0x1  }
0x2: {  	[smem:$0x3F93] =	sst lr;
	_ =	strace $0xD0000000  }
0x3: {  	_ = 	snop  }
0x4: {  	_ = 	snop  }
0x5: {  	_ = 	snop  }
0x6: {  	_ = 	snop  }
0x7: {  	_ = 	snop  }
__scs_overlays_trampoline_lowered:
0x8: {  	[smem:$0x3FA2] =	sst s0  }
0x9: {  	[smem:$0x3FA3] =	sst s1  }
0xa: {  	[smem:$0x3FA4] =	sst s2  }
0xb: {  	[smem:$0x3FA5] =	sst s3  }
0xc: {  	[smem:$0x3FA6] =	sst s4  }
0xd: {  	[smem:$0x3FA7] =	sst s5  }
0xe: {  	[smem:$0x3FA8] =	sst s6  }
0xf: {  	[smem:$0x3FA9] =	sst s7  }
0x10: {  	[smem:$0x3FAA] =	sst s8  }
0x11: {  	[smem:$0x3FAB] =	sst s9;
	s0 =	simm.s32 @!p0 $0x0  }
0x12: {  	s1 =	sld [smem:$0x3F91];
	s0 =	simm.s32 @p0 $0x1  }
0x13: {  	[smem:$0x3FAC] =	sst s0;
	s0 =	simm.s32 @!p1 $0x0  }
0x14: {  	s2 =	sld [smem:$0x3F90];
	s0 =	simm.s32 @p1 $0x1  }
0x15: {  	[smem:$0x3FAD] =	sst s0;
	s0 =	simm.s32 @!p2 $0x0  }
0x16: {  	s3 =	sld [smem:$0x3FDB];
	s0 =	simm.s32 @p2 $0x1  }
0x17: {  	s4 =	simm.s32 $0x1BF5;
	[smem:$0x3FAF] =	sst s0  }
0x18: {  	s0 =	sld [smem:$0x3F92];
	_ =	swait.ge [sflag:s4], $0x0  }
0x19: {  	s7 =	sld [smem:$0x3F93]  }
0x1a: {  	s8 =	sadd.s32 $0xFFFFE003, lr  }
0x1b: {  	s9 =	sadd.s32 $0xFFFFFEF7, lr;
	s5 =	simm.s32 $0xFFFFFFFF;
	p2 =	slt.u32 s8, $0xFFFFF086  }
0x1c: {  	p1 =	slt.u32 s9, $0xF7A;
	s5 =	simm.s32 @!p2 $0x0  }
0x1d: {  	s5 =	simm.s32 @p1 $0x1;
	p0 =	seq.s32 s7, s2  }
0x1e: {  	s7 =	smul.u32 @!p0 $0xF7A, s2;
	p2 =	seq.s32 @!p0 s5, $0x0  }
0x1f: {  	s9 =	smul.u32 $0xF7A, s1;
	s8 =	simm.s32 @!p0 $0x1BF5;
	p2 =	por !p2, p0  }
0x20: {  	[sflag:s8] =	ssyncset.s32 @!p0 $0xFFFFF086;
	s6 =	sadd.s32 @!p0 s3, s7;
	s7 =	simm.s32 @!p0 $0x108  }
0x21: {  	s3 =	sadd.s32 s3, s9;
	s6 =	sadd.s32 @!p0 $0x88, s6;
	s7 =	simm.s32 @p2 $0x1082  }
0x22: {  	[simem:s7], [sflag:s8] =	dma.local @!p0 [hbm:s6], $0xF7A  }
0x23: {  	s9 =	sor.u32 $0xD0000000, s2;
	s6 =	simm.s32 $0x108;
	_ =	swait.ge @!p0 [sflag:s8], $0x0  }
0x24: {  	s3 =	sadd.s32 $0x88, s3;
	s6 =	simm.s32 @!p1 $0x1082;
	[sflag:s4] =	ssyncset.s32 $0xFFFFF086  }
0x25: {  	[simem:s6], [sflag:s4] =	dma.local [hbm:s3], $0xF7A  }
0x26: {  	[smem:$0x3F93] =	sst s1;
	(tag) =	ssettag s2;
	_ =	strace s9  }
0x27: {  	s1 =	sld [smem:$0x3FA3]  }
0x28: {  	s2 =	sld [smem:$0x3FA4]  }
0x29: {  	s4 =	sld [smem:$0x3FA6]  }
0x2a: {  	p0 =	seq.s32 s5, $0x0;
	s5 =	sld [smem:$0x3FA7]  }
0x2b: {  	s6 =	sld [smem:$0x3FA8]  }
0x2c: {  	s7 =	sld [smem:$0x3FA9]  }
0x2d: {  	s3 =	simm.s32 $0x108;
	s8 =	sld [smem:$0x3FAA]  }
0x2e: {  	s3 =	simm.s32 @!p0 $0x1082;
	s9 =	sld [smem:$0x3FAB]  }
0x2f: {  	lr =	sadd.s32 s0, s3;
	s0 =	sld [smem:$0x3FA2]  }
0x30: {  	s3 =	sld [smem:$0x3FA5]  }
0x31: {  	[smem:$0x3FAE] =	sst s10  }
0x32: {  	s10 =	sld [smem:$0x3FAC];
	_ =	sdelay $0x3  }
0x33: {  	p0 =	seq.s32 s10, $0x1;
	s10 =	sld [smem:$0x3FAE];
	_ =	sdelay $0x3  }
0x34: {  	[smem:$0x3FAE] =	sst s10  }
0x35: {  	s10 =	sld [smem:$0x3FAD];
	_ =	sdelay $0x3  }
0x36: {  	p1 =	seq.s32 s10, $0x1;
	s10 =	sld [smem:$0x3FAE];
	_ =	sdelay $0x3  }
0x37: {  	[smem:$0x3FAE] =	sst s10  }
0x38: {  	s10 =	sld [smem:$0x3FAF]  }
0x39: {  	_ = 	snop;
	(pc) =	sbr.ind lr, $3  }
0x3a: {  	_ = 	snop  }
0x3b: {  	_ = 	snop  }
0x3c: {  	p2 =	seq.s32 s10, $0x1;
	s10 =	sld [smem:$0x3FAE]  }
0x3d: {  	_ =	shalt  }
0x3e: {  	_ =	shalt  }
0x3f: {  	_ =	shalt  }
0x40: {  	_ =	shalt  }
0x41: {  	_ =	shalt  }
0x42: {  	_ =	shalt  }
0x43: {  	_ =	shalt  }
0x44: {  	_ =	shalt  }
0x45: {  	_ =	shalt  }
0x46: {  	_ =	shalt  }
0x47: {  	_ =	shalt  }
0x48: {  	_ =	shalt  }
0x49: {  	_ =	shalt  }
0x4a: {  	_ =	shalt  }
0x4b: {  	_ =	shalt  }
0x4c: {  	_ =	shalt  }
0x4d: {  	_ =	shalt  }
0x4e: {  	_ =	shalt  }
0x4f: {  	_ =	shalt  }
0x50: {  	_ =	shalt  }
0x51: {  	_ =	shalt  }
0x52: {  	_ =	shalt  }
0x53: {  	_ =	shalt  }
0x54: {  	_ =	shalt  }
0x55: {  	_ =	shalt  }
0x56: {  	_ =	shalt  }
0x57: {  	_ =	shalt  }
0x58: {  	_ =	shalt  }
0x59: {  	_ =	shalt  }
0x5a: {  	_ =	shalt  }
0x5b: {  	_ =	shalt  }
0x5c: {  	_ =	shalt  }
0x5d: {  	_ =	shalt  }
0x5e: {  	_ =	shalt  }
0x5f: {  	_ =	shalt  }
0x60: {  	_ =	shalt  }
0x61: {  	_ =	shalt  }
0x62: {  	_ =	shalt  }
0x63: {  	_ =	shalt  }
0x64: {  	_ =	shalt  }
0x65: {  	_ =	shalt  }
0x66: {  	_ =	shalt  }
0x67: {  	_ =	shalt  }
0x68: {  	_ =	shalt  }
0x69: {  	_ =	shalt  }
0x6a: {  	_ =	shalt  }
0x6b: {  	_ =	shalt  }
0x6c: {  	_ =	shalt  }
0x6d: {  	_ =	shalt  }
0x6e: {  	_ =	shalt  }
0x6f: {  	_ =	shalt  }
0x70: {  	_ =	shalt  }
0x71: {  	_ =	shalt  }
0x72: {  	_ =	shalt  }
0x73: {  	_ =	shalt  }
0x74: {  	_ =	shalt  }
0x75: {  	_ =	shalt  }
0x76: {  	_ =	shalt  }
0x77: {  	_ =	shalt  }
0x78: {  	_ =	shalt  }
0x79: {  	_ =	shalt  }
0x7a: {  	_ =	shalt  }
0x7b: {  	_ =	shalt  }
0x7c: {  	_ =	shalt  }
0x7d: {  	_ =	shalt  }
0x7e: {  	_ =	shalt  }
0x7f: {  	_ =	shalt  }
0x80: {  	_ =	shalt  }
0x81: {  	_ =	shalt  }
0x82: {  	_ =	shalt  }
0x83: {  	_ =	shalt  }
0x84: {  	_ =	shalt  }
0x85: {  	_ =	shalt  }
0x86: {  	_ =	shalt  }
0x87: {  	_ =	shalt  }
.Lfunc_end0:
.L_simem_size_0:
called_computation.1_lowered:
.L_overlay_start_0:
0x88: {  	s2 =	sld [smem:$0x3FD9]  }
0x89: {  	s3 =	sld [smem:$0x3FFE];
	_ =	sdelay $0x1  }
0x8a: {  	s1 =	srdreg.scid  }
0x8b: {  	s0 =	sand.u32 $0x1, s1  }
0x8c: {  	s16 =	sshll.u32 s0, $0xA;
	s2 =	sadd.s32 s3, s2  }
0x8d: {  	s2 =	sadd.s32 s2, s16  }
0x8e: {  	[smem:$0x3FBA] =	sst s2  }
0x8f: {  	_ = 	snop  }
0x90: {  	(tm) =	ssettm $0x1  }
0x91: {  	s17 =	sld [smem:$0x3FFB];
	_ =	sdelay $0x3  }
0x92: {  	_ =	strace s17  }
0x93: {  	s2 =	sld [smem:$0x3FFC];
	_ =	sdelay $0x3  }
0x94: {  	_ =	strace s2  }
0x95: {  	s2 =	sld [smem:$0x3FFD];
	_ =	sdelay $0x3  }
0x96: {  	_ =	strace s2  }
0x97: {  	_ =	strace $0x8FFFFFFF  }
0x98: {  	s18 =	sld [smem:$0x3FDB];
	_ =	sdelay $0x1  }
0x99: {  	s19 =	simm.s32 $_scs_section_size  }
0x9a: {  	s4 =	simm.s32 $_size__tile_overlayer_lowered;
	s5 =	simm.s32 $_tile_overlayer_lowered  }
0x9b: {  	s22 =	simm.s32 $0x1BFF;
	s21 =	sshll.u32 s5, $0x1;
	s2 =	sadd.s32 s19, s18  }
0x9c: {  	s6 =	simm.s32 $0x0;
	s20 =	sshll.u32 s4, $0x1;
	s4 =	sadd.s32 s21, s2  }
0x9d: {  	[timem:s6], [sflag:s22] =	dma.local [hbm:s4], s20  }
0x9e: {  	_ =	swait.ge [sflag:s22], s20  }
0x9f: {  	s3 =	ssub.s32 $0x0, s20;
	[sflag:s22] =	ssyncset.done $0x0  }
0xa0: {  	[sflag:s22] =	ssyncadd.s32 s3;
	_ =	sdelay $0x1  }
0xa1: {  	s23 =	simm.s32 $0x1B8B  }
0xa2: {  	_ =	swait.ge [sflag:s23], $0x1  }
0xa3: {  	[sflag:s23] =	ssyncset.done $0x0  }
0xa4: {  	s25 =	simm.s32 $0x1B8E;
	s24 =	sld [smem:$0x3FFE];
	[sflag:s23] =	ssyncadd.s32 $0xFFFFFFFF  }
0xa5: {  	s26 =	simm.s32 $execute0_lowered;
	[smem:$0x3FD2] =	sst s25  }
0xa6: {  	s4 =	sshll.u32 s26, $0x1;
	_ =	strace $0x80000049;
	[dreg:$0x1] =	wrdreg $0xFFFFFFFF  }
0xa7: {  	s28 =	simm.s32 $_size_execute0_lowered;
	s2 =	sadd.s32 s2, s4;
	[dreg:$0x0] =	wrdreg $0x0  }
0xa8: {  	s4 =	sshll.u32 s28, $0x1;
	[dreg:$0x2] =	wrdreg s2  }
0xa9: {  	[dreg:$0x3] =	wrdreg s4  }
0xaa: {  	[dreg:$0x4] =	wrdreg $0xC0  }
0xab: {  	_ =	task [dreg:s6], $0x5FFFF  }
0xac: {  	[dreg:$0x1] =	wrdreg $0xFFFFFFFF  }
0xad: {  	[dreg:$0x0] =	wrdreg $0x60  }
0xae: {  	[dreg:$0x2] =	wrdreg s24  }
0xaf: {  	[dreg:$0x3] =	wrdreg $0x67000  }
0xb0: {  	[dreg:$0x4] =	wrdreg $0x9  }
0xb1: {  	_ =	task.clear_ibuf [dreg:s6], $0x5FFFF;
	_ =	strace $0x90000049  }
0xb2: {  	s29 =	simm.s32 $0x9;
	_ =	strace $0x8000004B  }
0xb3: {  	_ =	swait.ge [sflag:s29], $0x1  }
0xb4: {  	[sflag:s29] =	ssyncadd.s32 $0xFFFFFFFF  }
0xb5: {  	_ =	strace $0x9000004B  }
0xb6: {  	_ =	sfence  }
0xb7: {  	s30 =	sld [smem:$0x0];
	_ =	sdelay $0x2  }
0xb8: {  	s31 =	sshll.u32 s1, $0xD;
	s1 =	sshrl.u32 s1, $0x2  }
0xb9: {  	s3 =	sand.u32 $0x4000, s31;
	s1 =	sadd.s32 s1, s30  }
0xba: {  	s0 =	sor.u32 s3, s0;
	s1 =	sshll.u32 s1, $0x11  }
0xbb: {  	s0 =	sor.u32 s1, s0  }
0xbc: {  	s0 =	sadd.s32 $0x8F2B, s0  }
0xbd: {  	[sflag:s0] =	ssyncadd.remote.s32 $0x1  }
0xbe: {  	_ =	sfence.sel $0xFFFF  }
0xbf: {  	[dreg:$0x0] =	wrdreg $0xFFFFFFFF;
	(pc) =	sbr.abs _section_cstart, $3  }
0xc0: {  	[dreg:$0x1] =	wrdreg $0xFFFFFFFF  }
0xc1: {  	_ =	task.clear_ibuf [dreg:s6], $0x2FFFF;
	_ =	strace $0x9FFFFFFF  }
0xc2: {  	(tm) =	ssettm $0x7FFFFFFF  }
0xc3: {  	_ =	shalt  }
tec
execute0_lowered:
.L_overlay_start_1:
0x0: {  	(tag) =	ssettag $0x1  }
0x1: {  	s0 =	rddreg [dreg:$0x0]  }
0x2: {  	s2 =	rddreg [dreg:$0x1];
	s9 =	stileid.u32;
	s3 =	simm.s32 $0x0  }
0x3: {  	s1 =	srdreg.scid;
	s14 =	simm.s32 $0x100;
	[smem:$0x7FF] =	sst s3  }
0x4: {  	s16 =	simm.s32 $0x180;
	_ =	strace $0x8000004A;
	[dreg:$0x5] =	wrdreg s14  }
0x5: {  	s18 =	simm.s32 $0x200;
	s20 =	simm.s32 $0x280;
	[dreg:$0x6] =	wrdreg s16  }
0x6: {  	s22 =	simm.s32 $0x880;
	s4 =	smul.u32 $0x3100, s9;
	[dreg:$0x7] =	wrdreg s18  }
0x7: {  	s25 =	simm.s32 $0x300;
	s7 =	smul.u32 $0x30E0, s9;
	[dreg:$0x8] =	wrdreg s20  }
0x8: {  	s1 =	sand.u32 $0x1, s1;
	s9 =	smul.u32 $0x61C00, s9;
	[dreg:$0x9] =	wrdreg s22  }
0x9: {  	s5 =	smul.u32 $0x30E00, s1;
	s8 =	ssub.s32 $0x2, s1;
	[dreg:$0xa] =	wrdreg s25  }
0xa: {  	s6 =	sadd.s32 s4, s0;
	s11 =	sshrl.u32 s9, $0x2;
	s9 =	simm.s32 $0x980  }
0xb: {  	s1 =	smul.u32 $0x31000, s1;
	s12 =	sadd.s32 $0x1E00, s6;
	[dreg:$0xd] =	wrdreg s9  }
0xc: {  	s5 =	sadd.s32 s7, s5;
	s7 =	simm.s32 $0x380;
	[dreg:$0x4] =	wrdreg s12  }
0xd: {  	s24 =	sadd.s32 s11, s2;
	s11 =	simm.s32 $0x400;
	[dreg:$0xc] =	wrdreg s7  }
0xe: {  	s26 =	sshrl.u32 s8, $0x1;
	s1 =	sadd.s32 s1, s6;
	[dreg:$0xe] =	wrdreg s11  }
0xf: {  	s10 =	ssub.s32 s8, s26;
	s1 =	sadd.s32 $0x94A00, s1;
	[dreg:$0x17] =	wrdreg s24  }
0x10: {  	s13 =	smax.u32 s10, $0x1;
	[dreg:$0x3] =	wrdreg s1  }
0x11: {  	s15 =	sadd.s32 $0x1700, s24;
	[dreg:$0x18] =	wrdreg s13  }
0x12: {  	s17 =	sadd.s32 $0x2E00, s24;
	[dreg:$0x19] =	wrdreg s15  }
0x13: {  	s19 =	sadd.s32 $0x4500, s24;
	[dreg:$0x1a] =	wrdreg s17  }
0x14: {  	s21 =	sadd.s32 $0x5C00, s24;
	[dreg:$0x1b] =	wrdreg s19  }
0x15: {  	s23 =	sadd.s32 $0x7300, s24;
	[dreg:$0x1c] =	wrdreg s21  }
0x16: {  	s26 =	sadd.s32 $0x8A00, s24;
	[dreg:$0x1d] =	wrdreg s23  }
0x17: {  	s4 =	sadd.s32 $0x32E00, s0;
	s6 =	sadd.s32 $0xA100, s24;
	[dreg:$0x1e] =	wrdreg s26  }
0x18: {  	s0 =	sadd.s32 s5, s0;
	s5 =	simm.s32 $0x900;
	[dreg:$0x1f] =	wrdreg s6  }
0x19: {  	s28 =	simm.s32 $0x80;
	s8 =	sadd.s32 $0xB800, s24;
	[dreg:$0xb] =	wrdreg s5  }
0x1a: {  	s29 =	simm.s32 $0x1000;
	s10 =	sadd.s32 $0xCF00, s24;
	[smem:$0x7F5] =	sst s8  }
0x1b: {  	s30 =	simm.s32 $0x1800;
	s12 =	sadd.s32 $0xE600, s24;
	[smem:$0x7F6] =	sst s10  }
0x1c: {  	s31 =	simm.s32 $0x2000;
	s14 =	sadd.s32 $0xFD00, s24;
	[smem:$0x7F7] =	sst s12  }
0x1d: {  	s9 =	simm.s32 $0x4800;
	s16 =	sadd.s32 $0x11400, s24;
	[smem:$0x7F8] =	sst s14  }
0x1e: {  	s18 =	sadd.s32 $0x12B00, s24;
	s20 =	sadd.s32 $0x14200, s24;
	[smem:$0x7F9] =	sst s16  }
0x1f: {  	s22 =	sadd.s32 $0x15900, s24;
	s25 =	sadd.s32 $0x17000, s24;
	[smem:$0x7FA] =	sst s18  }
0x20: {  	s7 =	simm.s32 $0x3800;
	s11 =	simm.s32 $0xC00;
	[smem:$0x7FB] =	sst s20  }
0x21: {  	s0 =	sadd.s32 $0xF6A00, s0;
	s13 =	simm.s32 $0xA00;
	[smem:$0x7FC] =	sst s22  }
0x22: {  	s15 =	simm.s32 $0x480;
	s17 =	simm.s32 $0xA80;
	[smem:$0x7FD] =	sst s25  }
0x23: {  	s19 =	simm.s32 $0x500;
	s21 =	simm.s32 $0xB00;
	[dreg:$0x16] =	wrdreg s0  }
0x24: {  	s23 =	simm.s32 $0x580;
	s26 =	simm.s32 $0xB80;
	[dreg:$0xf] =	wrdreg s13  }
0x25: {  	s25 =	simm.s32 $0x2;
	s1 =	simm.s32 $0x1;
	[dreg:$0x10] =	wrdreg s15  }
0x26: {  	s5 =	simm.s32 $0x3000;
	s8 =	simm.s32 $0x4000;
	[dreg:$0x11] =	wrdreg s17  }
0x27: {  	s10 =	simm.s32 $0x600;
	s12 =	simm.s32 $0x680;
	[dreg:$0x12] =	wrdreg s19  }
0x28: {  	s14 =	simm.s32 $0x700;
	s16 =	simm.s32 $0x780;
	[dreg:$0x13] =	wrdreg s21  }
0x29: {  	s18 =	simm.s32 $0xE00;
	s20 =	simm.s32 $0xF00;
	[dreg:$0x14] =	wrdreg s23  }
0x2a: {  	s22 =	simm.s32 $0x0;
	[dreg:$0x15] =	wrdreg s26;
	s26 =	simm.s32 $0x800  }
0x2b: {  	s0 =	simm.s32 $0x2800;
	s13 =	simm.s32 $0xC80;
	s15 =	simm.s32 $0xD00  }
0x2c: {  	v0 =	vimm.f32 $0.0e+00;
	s17 =	simm.s32 $0xD80;
	s19 =	simm.s32 $0xE80;
	s21 =	simm.s32 $0xF80  }
.LBB2_1:
0x2d: {  	[smem:$0x7F4] =	sst s22;
	s6 =	simm.s32 $0x40;
	s22 =	simm.s32 $0x0  }
.LBB2_2:
0x2e: {  	p0 =	sne.s32 s6, $0x5BC0;
	[tilespmem:s22+$0x5000] =	vst v0;
	s22 =	smov.u32 s6;
	s6 =	sadd.s32 $0x40, s6  }
.Ltmp0:
0x2f: {  	(pc) =	sbr.rel @p0 .LBB2_2-.Ltmp0, $2  }
0x30: {  	_ =	sdelay $0x2  }
0x31: {  	s22 =	sshra.s32 s22, $0x2  }
0x32: {  	[tilespmem:s22+$0x5000] =	vst v0;
	s22 =	simm.s32 $0x5000  }
0x33: {  	[spmem:s24] =	stream.linear.scatter [tilespmem:s22], [sflag:$0x2], $0x1700, $0x38;
	[tilespmem:$0x1EE00] =	vst v63  }
0x34: {  	_ =	swait.ge [sflag:s25], $0x1700  }
0x35: {  	[sflag:s25] =	ssyncset.done $0x0  }
0x36: {  	s6 =	rddreg [dreg:$0x19];
	[sflag:s25] =	ssyncadd.s32 $0xFFFFE900  }
0x37: {  	[spmem:s6] =	stream.linear.scatter [tilespmem:s22], [sflag:$0x2], $0x1700, $0x38;
	[tilespmem:$0x1EE00] =	vst v63  }
0x38: {  	_ =	swait.ge [sflag:s25], $0x1700  }
0x39: {  	[sflag:s25] =	ssyncset.done $0x0  }
0x3a: {  	s23 =	rddreg [dreg:$0x1a];
	[sflag:s25] =	ssyncadd.s32 $0xFFFFE900  }
0x3b: {  	[spmem:s23] =	stream.linear.scatter [tilespmem:s22], [sflag:$0x2], $0x1700, $0x38;
	[tilespmem:$0x1EE00] =	vst v63  }
0x3c: {  	_ =	swait.ge [sflag:s25], $0x1700  }
0x3d: {  	[sflag:s25] =	ssyncset.done $0x0  }
0x3e: {  	s24 =	rddreg [dreg:$0x1b];
	[sflag:s25] =	ssyncadd.s32 $0xFFFFE900  }
0x3f: {  	[spmem:s24] =	stream.linear.scatter [tilespmem:s22], [sflag:$0x2], $0x1700, $0x38;
	[tilespmem:$0x1EE00] =	vst v63  }
0x40: {  	_ =	swait.ge [sflag:s25], $0x1700  }
0x41: {  	[sflag:s25] =	ssyncset.done $0x0  }
0x42: {  	s23 =	rddreg [dreg:$0x1c];
	[sflag:s25] =	ssyncadd.s32 $0xFFFFE900  }
0x43: {  	[spmem:s23] =	stream.linear.scatter [tilespmem:s22], [sflag:$0x2], $0x1700, $0x38;
	[tilespmem:$0x1EE00] =	vst v63  }
0x44: {  	_ =	swait.ge [sflag:s25], $0x1700  }
0x45: {  	[sflag:s25] =	ssyncset.done $0x0  }
0x46: {  	s24 =	rddreg [dreg:$0x1d];
	[sflag:s25] =	ssyncadd.s32 $0xFFFFE900  }
0x47: {  	[spmem:s24] =	stream.linear.scatter [tilespmem:s22], [sflag:$0x2], $0x1700, $0x38;
	[tilespmem:$0x1EE00] =	vst v63  }
0x48: {  	_ =	swait.ge [sflag:s25], $0x1700  }
0x49: {  	[sflag:s25] =	ssyncset.done $0x0  }
0x4a: {  	s23 =	rddreg [dreg:$0x1e];
	[sflag:s25] =	ssyncadd.s32 $0xFFFFE900  }
0x4b: {  	[spmem:s23] =	stream.linear.scatter [tilespmem:s22], [sflag:$0x2], $0x1700, $0x38;
	[tilespmem:$0x1EE00] =	vst v63  }
0x4c: {  	_ =	swait.ge [sflag:s25], $0x1700  }
0x4d: {  	[sflag:s25] =	ssyncset.done $0x0  }
0x4e: {  	s24 =	rddreg [dreg:$0x1f];
	[sflag:s25] =	ssyncadd.s32 $0xFFFFE900  }
0x4f: {  	[spmem:s24] =	stream.linear.scatter [tilespmem:s22], [sflag:$0x2], $0x1700, $0x38;
	[tilespmem:$0x1EE00] =	vst v63  }
0x50: {  	_ =	swait.ge [sflag:s25], $0x1700  }
0x51: {  	s23 =	sld [smem:$0x7F5]  }
0x52: {  	[sflag:s25] =	ssyncset.done $0x0  }
0x53: {  	[sflag:s25] =	ssyncadd.s32 $0xFFFFE900  }
0x54: {  	[spmem:s23] =	stream.linear.scatter [tilespmem:s22], [sflag:$0x2], $0x1700, $0x38;
	[tilespmem:$0x1EE00] =	vst v63  }
0x55: {  	_ =	swait.ge [sflag:s25], $0x1700  }
0x56: {  	s24 =	sld [smem:$0x7F6]  }
0x57: {  	[sflag:s25] =	ssyncset.done $0x0  }
0x58: {  	[sflag:s25] =	ssyncadd.s32 $0xFFFFE900  }
0x59: {  	[spmem:s24] =	stream.linear.scatter [tilespmem:s22], [sflag:$0x2], $0x1700, $0x38;
	[tilespmem:$0x1EE00] =	vst v63  }
0x5a: {  	_ =	swait.ge [sflag:s25], $0x1700  }
0x5b: {  	s23 =	sld [smem:$0x7F7]  }
0x5c: {  	[sflag:s25] =	ssyncset.done $0x0  }
0x5d: {  	[sflag:s25] =	ssyncadd.s32 $0xFFFFE900  }
0x5e: {  	[spmem:s23] =	stream.linear.scatter [tilespmem:s22], [sflag:$0x2], $0x1700, $0x38;
	[tilespmem:$0x1EE00] =	vst v63  }
0x5f: {  	_ =	swait.ge [sflag:s25], $0x1700  }
0x60: {  	s24 =	sld [smem:$0x7F8]  }
0x61: {  	[sflag:s25] =	ssyncset.done $0x0  }
0x62: {  	[sflag:s25] =	ssyncadd.s32 $0xFFFFE900  }
0x63: {  	[spmem:s24] =	stream.linear.scatter [tilespmem:s22], [sflag:$0x2], $0x1700, $0x38;
	[tilespmem:$0x1EE00] =	vst v63  }
0x64: {  	_ =	swait.ge [sflag:s25], $0x1700  }
0x65: {  	s23 =	sld [smem:$0x7F9]  }
0x66: {  	[sflag:s25] =	ssyncset.done $0x0  }
0x67: {  	[sflag:s25] =	ssyncadd.s32 $0xFFFFE900  }
0x68: {  	[spmem:s23] =	stream.linear.scatter [tilespmem:s22], [sflag:$0x2], $0x1700, $0x38;
	[tilespmem:$0x1EE00] =	vst v63  }
0x69: {  	_ =	swait.ge [sflag:s25], $0x1700  }
0x6a: {  	s24 =	sld [smem:$0x7FA]  }
0x6b: {  	[sflag:s25] =	ssyncset.done $0x0  }
0x6c: {  	[sflag:s25] =	ssyncadd.s32 $0xFFFFE900  }
0x6d: {  	[spmem:s24] =	stream.linear.scatter [tilespmem:s22], [sflag:$0x2], $0x1700, $0x38;
	[tilespmem:$0x1EE00] =	vst v63  }
0x6e: {  	_ =	swait.ge [sflag:s25], $0x1700  }
0x6f: {  	s23 =	sld [smem:$0x7FB]  }
0x70: {  	[sflag:s25] =	ssyncset.done $0x0  }
0x71: {  	[sflag:s25] =	ssyncadd.s32 $0xFFFFE900  }
0x72: {  	[spmem:s23] =	stream.linear.scatter [tilespmem:s22], [sflag:$0x2], $0x1700, $0x38;
	[tilespmem:$0x1EE00] =	vst v63  }
0x73: {  	_ =	swait.ge [sflag:s25], $0x1700  }
0x74: {  	s24 =	sld [smem:$0x7FC]  }
0x75: {  	[sflag:s25] =	ssyncset.done $0x0  }
0x76: {  	[sflag:s25] =	ssyncadd.s32 $0xFFFFE900  }
0x77: {  	[spmem:s24] =	stream.linear.scatter [tilespmem:s22], [sflag:$0x2], $0x1700, $0x38;
	[tilespmem:$0x1EE00] =	vst v63  }
0x78: {  	_ =	swait.ge [sflag:s25], $0x1700  }
0x79: {  	s23 =	sld [smem:$0x7FD]  }
0x7a: {  	[sflag:s25] =	ssyncset.done $0x0  }
0x7b: {  	[sflag:s25] =	ssyncadd.s32 $0xFFFFE900  }
0x7c: {  	[spmem:s23] =	stream.linear.scatter [tilespmem:s22], [sflag:$0x2], $0x1700, $0x38;
	[tilespmem:$0x1EE00] =	vst v63  }
0x7d: {  	_ =	swait.ge [sflag:s25], $0x1700  }
0x7e: {  	[sflag:s25] =	ssyncset.done $0x0  }
0x7f: {  	[sflag:s25] =	ssyncadd.s32 $0xFFFFE900  }
0x80: {  	[bflag:$0x0] =	sbarrier.arrive $0xFFFF  }
0x81: {  	s24 =	rddreg [dreg:$0x3]  }
0x82: {  	s6 =	sadd.s32 $0x0, s24  }
0x83: {  	[tilespmem:s3], [sflag:$0x2] =	stream.linear.gather [hbm4b:s6+s3], $0x800, $0x38;
	[tilespmem:$0x1EE00] =	vst v63  }
0x84: {  	_ =	swait.ge [sflag:s25], $0x800  }
0x85: {  	s22 =	rddreg [dreg:$0x4];
	[sflag:s25] =	ssyncset.done $0x0  }
0x86: {  	[sflag:s25] =	ssyncadd.s32 $0xFFFFF800;
	s6 =	sadd.s32 $0x0, s22  }
0x87: {  	[tilespmem:s26], [sflag:$0x2] =	stream.linear.gather [hbm4b:s6+s3], $0x800, $0x38;
	[tilespmem:$0x1EE00] =	vst v63  }
0x88: {  	_ =	swait.ge [sflag:s25], $0x800  }
0x89: {  	[sflag:s25] =	ssyncset.done $0x0  }
0x8a: {  	[sflag:s25] =	ssyncadd.s32 $0xFFFFF800  }
0x8b: {  	[tilespmem:s29], [sflag:$0x1] =	stream.indirect.gather [hbm4b:s4+s28], $0x10, s3, s28, $0xb8;
	[tilespmem:$0x1EE00] =	vst v63  }
0x8c: {  	_ = 	snop  }
0x8d: {  	[tilespmem:s30], [sflag:$0x1] =	stream.indirect.gather [hbm4b:s4+s28], $0x10, s28, s28, $0xb8;
	[tilespmem:$0x1EE00] =	vst v63  }
0x8e: {  	s23 =	rddreg [dreg:$0x5]  }
0x8f: {  	[tilespmem:s31], [sflag:$0x1] =	stream.indirect.gather [hbm4b:s4+s28], $0x10, s23, s28, $0xb8;
	[tilespmem:$0x1EE00] =	vst v63  }
0x90: {  	s24 =	rddreg [dreg:$0x6]  }
0x91: {  	[tilespmem:s0], [sflag:$0x1] =	stream.indirect.gather [hbm4b:s4+s28], $0x10, s24, s28, $0xb8;
	[tilespmem:$0x1EE00] =	vst v63  }
0x92: {  	_ =	swait.ge [sflag:s1], $0x800  }
0x93: {  	[sflag:s1] =	ssyncset.done $0x0  }
0x94: {  	s22 =	rddreg [dreg:$0x7];
	[sflag:s1] =	ssyncadd.s32 $0xFFFFF800  }
0x95: {  	[tilespmem:s5], [sflag:$0x1] =	stream.indirect.gather [hbm4b:s4+s28], $0x10, s22, s28, $0xb8;
	[tilespmem:$0x1EE00] =	vst v63  }
0x96: {  	_ = 	snop  }
0x97: {  	[spmem:s2] =	stream.indirect.scatter.add.f32 [tilespmem:s29], [sflag:$0x2], $0x10, s26, s28, $0xb8;
	[tilespmem:$0x1EE00] =	vst v63  }
0x98: {  	_ =	swait.ge [sflag:s25], $0x800  }
0x99: {  	[sflag:s25] =	ssyncset.done $0x0  }
0x9a: {  	[sflag:s25] =	ssyncadd.s32 $0xFFFFF800  }
0x9b: {  	_ =	swait.ge [sflag:s1], $0x800  }
0x9c: {  	[sflag:s1] =	ssyncset.done $0x0  }
0x9d: {  	s23 =	rddreg [dreg:$0x8];
	[sflag:s1] =	ssyncadd.s32 $0xFFFFF800  }
0x9e: {  	[tilespmem:s7], [sflag:$0x1] =	stream.indirect.gather [hbm4b:s4+s28], $0x10, s23, s28, $0xb8;
	[tilespmem:$0x1EE00] =	vst v63  }
0x9f: {  	s24 =	rddreg [dreg:$0x9]  }
0xa0: {  	[spmem:s2] =	stream.indirect.scatter.add.f32 [tilespmem:s30], [sflag:$0x2], $0x10, s24, s28, $0xb8;
	[tilespmem:$0x1EE00] =	vst v63  }
0xa1: {  	_ =	swait.ge [sflag:s25], $0x800  }
0xa2: {  	[sflag:s25] =	ssyncset.done $0x0  }
0xa3: {  	[sflag:s25] =	ssyncadd.s32 $0xFFFFF800  }
0xa4: {  	_ =	swait.ge [sflag:s1], $0x800  }
0xa5: {  	[sflag:s1] =	ssyncset.done $0x0  }
0xa6: {  	s23 =	rddreg [dreg:$0xa];
	[sflag:s1] =	ssyncadd.s32 $0xFFFFF800  }
0xa7: {  	[tilespmem:s8], [sflag:$0x1] =	stream.indirect.gather [hbm4b:s4+s28], $0x10, s23, s28, $0xb8;
	[tilespmem:$0x1EE00] =	vst v63  }
0xa8: {  	s24 =	rddreg [dreg:$0xb]  }
0xa9: {  	[spmem:s2] =	stream.indirect.scatter.add.f32 [tilespmem:s31], [sflag:$0x2], $0x10, s24, s28, $0xb8;
	[tilespmem:$0x1EE00] =	vst v63  }
0xaa: {  	_ =	swait.ge [sflag:s25], $0x800  }
0xab: {  	[sflag:s25] =	ssyncset.done $0x0  }
0xac: {  	[sflag:s25] =	ssyncadd.s32 $0xFFFFF800  }
0xad: {  	_ =	swait.ge [sflag:s1], $0x800  }
0xae: {  	[sflag:s1] =	ssyncset.done $0x0  }
0xaf: {  	s23 =	rddreg [dreg:$0xc];
	[sflag:s1] =	ssyncadd.s32 $0xFFFFF800  }
0xb0: {  	[tilespmem:s9], [sflag:$0x1] =	stream.indirect.gather [hbm4b:s4+s28], $0x10, s23, s28, $0xb8;
	[tilespmem:$0x1EE00] =	vst v63  }
0xb1: {  	s24 =	rddreg [dreg:$0xd]  }
0xb2: {  	[spmem:s2] =	stream.indirect.scatter.add.f32 [tilespmem:s0], [sflag:$0x2], $0x10, s24, s28, $0xb8;
	[tilespmem:$0x1EE00] =	vst v63  }
0xb3: {  	_ =	swait.ge [sflag:s25], $0x800  }
0xb4: {  	[sflag:s25] =	ssyncset.done $0x0  }
0xb5: {  	[sflag:s25] =	ssyncadd.s32 $0xFFFFF800  }
0xb6: {  	_ =	swait.ge [sflag:s1], $0x800  }
0xb7: {  	[sflag:s1] =	ssyncset.done $0x0  }
0xb8: {  	s23 =	rddreg [dreg:$0xe];
	[sflag:s1] =	ssyncadd.s32 $0xFFFFF800  }
0xb9: {  	[tilespmem:s29], [sflag:$0x1] =	stream.indirect.gather [hbm4b:s4+s28], $0x10, s23, s28, $0xb8;
	[tilespmem:$0x1EE00] =	vst v63  }
0xba: {  	s24 =	rddreg [dreg:$0xf]  }
0xbb: {  	[spmem:s2] =	stream.indirect.scatter.add.f32 [tilespmem:s5], [sflag:$0x2], $0x10, s24, s28, $0xb8;
	[tilespmem:$0x1EE00] =	vst v63  }
0xbc: {  	_ =	swait.ge [sflag:s25], $0x800  }
0xbd: {  	[sflag:s25] =	ssyncset.done $0x0  }
0xbe: {  	[sflag:s25] =	ssyncadd.s32 $0xFFFFF800  }
0xbf: {  	_ =	swait.ge [sflag:s1], $0x800  }
0xc0: {  	[sflag:s1] =	ssyncset.done $0x0  }
0xc1: {  	s23 =	rddreg [dreg:$0x10];
	[sflag:s1] =	ssyncadd.s32 $0xFFFFF800  }
0xc2: {  	[tilespmem:s30], [sflag:$0x1] =	stream.indirect.gather [hbm4b:s4+s28], $0x10, s23, s28, $0xb8;
	[tilespmem:$0x1EE00] =	vst v63  }
0xc3: {  	s24 =	rddreg [dreg:$0x11]  }
0xc4: {  	[spmem:s2] =	stream.indirect.scatter.add.f32 [tilespmem:s7], [sflag:$0x2], $0x10, s24, s28, $0xb8;
	[tilespmem:$0x1EE00] =	vst v63  }
0xc5: {  	_ =	swait.ge [sflag:s25], $0x800  }
0xc6: {  	[sflag:s25] =	ssyncset.done $0x0  }
0xc7: {  	[sflag:s25] =	ssyncadd.s32 $0xFFFFF800  }
0xc8: {  	_ =	swait.ge [sflag:s1], $0x800  }
0xc9: {  	[sflag:s1] =	ssyncset.done $0x0  }
0xca: {  	s23 =	rddreg [dreg:$0x12];
	[sflag:s1] =	ssyncadd.s32 $0xFFFFF800  }
0xcb: {  	[tilespmem:s31], [sflag:$0x1] =	stream.indirect.gather [hbm4b:s4+s28], $0x10, s23, s28, $0xb8;
	[tilespmem:$0x1EE00] =	vst v63  }
0xcc: {  	s24 =	rddreg [dreg:$0x13]  }
0xcd: {  	[spmem:s2] =	stream.indirect.scatter.add.f32 [tilespmem:s8], [sflag:$0x2], $0x10, s24, s28, $0xb8;
	[tilespmem:$0x1EE00] =	vst v63  }
0xce: {  	_ =	swait.ge [sflag:s25], $0x800  }
0xcf: {  	[sflag:s25] =	ssyncset.done $0x0  }
0xd0: {  	[sflag:s25] =	ssyncadd.s32 $0xFFFFF800  }
0xd1: {  	_ =	swait.ge [sflag:s1], $0x800  }
0xd2: {  	[sflag:s1] =	ssyncset.done $0x0  }
0xd3: {  	s23 =	rddreg [dreg:$0x14];
	[sflag:s1] =	ssyncadd.s32 $0xFFFFF800  }
0xd4: {  	[tilespmem:s0], [sflag:$0x1] =	stream.indirect.gather [hbm4b:s4+s28], $0x10, s23, s28, $0xb8;
	[tilespmem:$0x1EE00] =	vst v63  }
0xd5: {  	s24 =	rddreg [dreg:$0x15]  }
0xd6: {  	[spmem:s2] =	stream.indirect.scatter.add.f32 [tilespmem:s9], [sflag:$0x2], $0x10, s24, s28, $0xb8;
	[tilespmem:$0x1EE00] =	vst v63  }
0xd7: {  	_ =	swait.ge [sflag:s25], $0x800  }
0xd8: {  	[sflag:s25] =	ssyncset.done $0x0  }
0xd9: {  	[sflag:s25] =	ssyncadd.s32 $0xFFFFF800  }
0xda: {  	_ =	swait.ge [sflag:s1], $0x800  }
0xdb: {  	[sflag:s1] =	ssyncset.done $0x0  }
0xdc: {  	[sflag:s1] =	ssyncadd.s32 $0xFFFFF800  }
0xdd: {  	[tilespmem:s5], [sflag:$0x1] =	stream.indirect.gather [hbm4b:s4+s28], $0x10, s10, s28, $0xb8;
	[tilespmem:$0x1EE00] =	vst v63  }
0xde: {  	_ = 	snop  }
0xdf: {  	[spmem:s2] =	stream.indirect.scatter.add.f32 [tilespmem:s29], [sflag:$0x2], $0x10, s11, s28, $0xb8;
	[tilespmem:$0x1EE00] =	vst v63  }
0xe0: {  	_ =	swait.ge [sflag:s25], $0x800  }
0xe1: {  	[sflag:s25] =	ssyncset.done $0x0  }
0xe2: {  	[sflag:s25] =	ssyncadd.s32 $0xFFFFF800  }
0xe3: {  	_ =	swait.ge [sflag:s1], $0x800  }
0xe4: {  	[sflag:s1] =	ssyncset.done $0x0  }
0xe5: {  	[sflag:s1] =	ssyncadd.s32 $0xFFFFF800  }
0xe6: {  	[tilespmem:s7], [sflag:$0x1] =	stream.indirect.gather [hbm4b:s4+s28], $0x10, s12, s28, $0xb8;
	[tilespmem:$0x1EE00] =	vst v63  }
0xe7: {  	_ = 	snop  }
0xe8: {  	[spmem:s2] =	stream.indirect.scatter.add.f32 [tilespmem:s30], [sflag:$0x2], $0x10, s13, s28, $0xb8;
	[tilespmem:$0x1EE00] =	vst v63  }
0xe9: {  	_ =	swait.ge [sflag:s25], $0x800  }
0xea: {  	[sflag:s25] =	ssyncset.done $0x0  }
0xeb: {  	[sflag:s25] =	ssyncadd.s32 $0xFFFFF800  }
0xec: {  	_ =	swait.ge [sflag:s1], $0x800  }
0xed: {  	[sflag:s1] =	ssyncset.done $0x0  }
0xee: {  	[sflag:s1] =	ssyncadd.s32 $0xFFFFF800  }
0xef: {  	[tilespmem:s8], [sflag:$0x1] =	stream.indirect.gather [hbm4b:s4+s28], $0x10, s14, s28, $0xb8;
	[tilespmem:$0x1EE00] =	vst v63  }
0xf0: {  	_ = 	snop  }
0xf1: {  	[spmem:s2] =	stream.indirect.scatter.add.f32 [tilespmem:s31], [sflag:$0x2], $0x10, s15, s28, $0xb8;
	[tilespmem:$0x1EE00] =	vst v63  }
0xf2: {  	_ =	swait.ge [sflag:s25], $0x800  }
0xf3: {  	[sflag:s25] =	ssyncset.done $0x0  }
0xf4: {  	[sflag:s25] =	ssyncadd.s32 $0xFFFFF800  }
0xf5: {  	_ =	swait.ge [sflag:s1], $0x800  }
0xf6: {  	[sflag:s1] =	ssyncset.done $0x0  }
0xf7: {  	[sflag:s1] =	ssyncadd.s32 $0xFFFFF800  }
0xf8: {  	[tilespmem:s9], [sflag:$0x1] =	stream.indirect.gather [hbm4b:s4+s28], $0x10, s16, s28, $0xb8;
	[tilespmem:$0x1EE00] =	vst v63  }
0xf9: {  	_ = 	snop  }
0xfa: {  	[spmem:s2] =	stream.indirect.scatter.add.f32 [tilespmem:s0], [sflag:$0x2], $0x10, s17, s28, $0xb8;
	[tilespmem:$0x1EE00] =	vst v63  }
0xfb: {  	_ =	swait.ge [sflag:s25], $0x800  }
0xfc: {  	[sflag:s25] =	ssyncset.done $0x0  }
0xfd: {  	[sflag:s25] =	ssyncadd.s32 $0xFFFFF800  }
0xfe: {  	_ =	swait.ge [sflag:s1], $0x800  }
0xff: {  	[sflag:s1] =	ssyncset.done $0x0  }
0x100: {  	[sflag:s1] =	ssyncadd.s32 $0xFFFFF800  }
0x101: {  	[spmem:s2] =	stream.indirect.scatter.add.f32 [tilespmem:s5], [sflag:$0x2], $0x10, s18, s28, $0xb8;
	[tilespmem:$0x1EE00] =	vst v63  }
0x102: {  	_ =	swait.ge [sflag:s25], $0x800  }
0x103: {  	[sflag:s25] =	ssyncset.done $0x0  }
0x104: {  	[sflag:s25] =	ssyncadd.s32 $0xFFFFF800  }
0x105: {  	_ =	swait.ge [sflag:s1], $0x800  }
0x106: {  	[sflag:s1] =	ssyncset.done $0x0  }
0x107: {  	[sflag:s1] =	ssyncadd.s32 $0xFFFFF800  }
0x108: {  	[spmem:s2] =	stream.indirect.scatter.add.f32 [tilespmem:s7], [sflag:$0x2], $0x10, s19, s28, $0xb8;
	[tilespmem:$0x1EE00] =	vst v63  }
0x109: {  	_ =	swait.ge [sflag:s25], $0x800  }
0x10a: {  	[sflag:s25] =	ssyncset.done $0x0  }
0x10b: {  	[sflag:s25] =	ssyncadd.s32 $0xFFFFF800  }
0x10c: {  	_ =	swait.ge [sflag:s1], $0x800  }
0x10d: {  	[sflag:s1] =	ssyncset.done $0x0  }
0x10e: {  	[sflag:s1] =	ssyncadd.s32 $0xFFFFF800  }
0x10f: {  	[spmem:s2] =	stream.indirect.scatter.add.f32 [tilespmem:s8], [sflag:$0x2], $0x10, s20, s28, $0xb8;
	[tilespmem:$0x1EE00] =	vst v63  }
0x110: {  	_ =	swait.ge [sflag:s25], $0x800  }
0x111: {  	[sflag:s25] =	ssyncset.done $0x0  }
0x112: {  	[sflag:s25] =	ssyncadd.s32 $0xFFFFF800  }
0x113: {  	_ =	swait.ge [sflag:s1], $0x800  }
0x114: {  	[sflag:s1] =	ssyncset.done $0x0  }
0x115: {  	[sflag:s1] =	ssyncadd.s32 $0xFFFFF800  }
0x116: {  	[spmem:s2] =	stream.indirect.scatter.add.f32 [tilespmem:s9], [sflag:$0x2], $0x10, s21, s28, $0xb8;
	[tilespmem:$0x1EE00] =	vst v63  }
0x117: {  	s6 =	simm.s32 $0x200;
	_ =	swait.ge [sflag:s25], $0x800  }
0x118: {  	s23 =	simm.s32 $0x100;
	s22 =	rddreg [dreg:$0x3];
	[sflag:s25] =	ssyncset.done $0x0  }
.LBB2_4:
0x119: {  	[sflag:s25] =	ssyncadd.s32 $0xFFFFF800;
	s22 =	sadd.s32 s23, s22  }
0x11a: {  	[tilespmem:s3], [sflag:$0x2] =	stream.linear.gather [hbm4b:s22+s3], $0x800, $0x38;
	[tilespmem:$0x1EE00] =	vst v63  }
0x11b: {  	_ =	swait.ge [sflag:s25], $0x800  }
0x11c: {  	s22 =	rddreg [dreg:$0x4];
	[sflag:s25] =	ssyncset.done $0x0  }
0x11d: {  	[sflag:s25] =	ssyncadd.s32 $0xFFFFF800;
	s22 =	sadd.s32 s23, s22  }
0x11e: {  	[tilespmem:s26], [sflag:$0x2] =	stream.linear.gather [hbm4b:s22+s3], $0x800, $0x38;
	[tilespmem:$0x1EE00] =	vst v63  }
0x11f: {  	_ =	swait.ge [sflag:s25], $0x800  }
0x120: {  	[sflag:s25] =	ssyncset.done $0x0  }
0x121: {  	[sflag:s25] =	ssyncadd.s32 $0xFFFFF800  }
0x122: {  	[tilespmem:s29], [sflag:$0x1] =	stream.indirect.gather [hbm4b:s4+s28], $0x10, s3, s28, $0xb8;
	[tilespmem:$0x1EE00] =	vst v63  }
0x123: {  	_ = 	snop  }
0x124: {  	[tilespmem:s30], [sflag:$0x1] =	stream.indirect.gather [hbm4b:s4+s28], $0x10, s28, s28, $0xb8;
	[tilespmem:$0x1EE00] =	vst v63  }
0x125: {  	s24 =	smov.u32 s6;
	s22 =	rddreg [dreg:$0x5]  }
0x126: {  	[tilespmem:s31], [sflag:$0x1] =	stream.indirect.gather [hbm4b:s4+s28], $0x10, s22, s28, $0xb8;
	[tilespmem:$0x1EE00] =	vst v63  }
0x127: {  	s23 =	smov.u32 s24;
	s24 =	rddreg [dreg:$0x6]  }
0x128: {  	[tilespmem:s0], [sflag:$0x1] =	stream.indirect.gather [hbm4b:s4+s28], $0x10, s24, s28, $0xb8;
	[tilespmem:$0x1EE00] =	vst v63  }
0x129: {  	_ =	swait.ge [sflag:s1], $0x800  }
0x12a: {  	[sflag:s1] =	ssyncset.done $0x0  }
0x12b: {  	s24 =	rddreg [dreg:$0x7];
	[sflag:s1] =	ssyncadd.s32 $0xFFFFF800  }
0x12c: {  	[tilespmem:s5], [sflag:$0x1] =	stream.indirect.gather [hbm4b:s4+s28], $0x10, s24, s28, $0xb8;
	[tilespmem:$0x1EE00] =	vst v63  }
0x12d: {  	_ = 	snop  }
0x12e: {  	[spmem:s2] =	stream.indirect.scatter.add.f32 [tilespmem:s29], [sflag:$0x2], $0x10, s26, s28, $0xb8;
	[tilespmem:$0x1EE00] =	vst v63  }
0x12f: {  	_ =	swait.ge [sflag:s25], $0x800  }
0x130: {  	[sflag:s25] =	ssyncset.done $0x0  }
0x131: {  	[sflag:s25] =	ssyncadd.s32 $0xFFFFF800  }
0x132: {  	_ =	swait.ge [sflag:s1], $0x800  }
0x133: {  	[sflag:s1] =	ssyncset.done $0x0  }
0x134: {  	s22 =	rddreg [dreg:$0x8];
	[sflag:s1] =	ssyncadd.s32 $0xFFFFF800  }
0x135: {  	[tilespmem:s7], [sflag:$0x1] =	stream.indirect.gather [hbm4b:s4+s28], $0x10, s22, s28, $0xb8;
	[tilespmem:$0x1EE00] =	vst v63  }
0x136: {  	s24 =	rddreg [dreg:$0x9]  }
0x137: {  	[spmem:s2] =	stream.indirect.scatter.add.f32 [tilespmem:s30], [sflag:$0x2], $0x10, s24, s28, $0xb8;
	[tilespmem:$0x1EE00] =	vst v63  }
0x138: {  	_ =	swait.ge [sflag:s25], $0x800  }
0x139: {  	[sflag:s25] =	ssyncset.done $0x0  }
0x13a: {  	[sflag:s25] =	ssyncadd.s32 $0xFFFFF800  }
0x13b: {  	_ =	swait.ge [sflag:s1], $0x800  }
0x13c: {  	[sflag:s1] =	ssyncset.done $0x0  }
0x13d: {  	s22 =	rddreg [dreg:$0xa];
	[sflag:s1] =	ssyncadd.s32 $0xFFFFF800  }
0x13e: {  	[tilespmem:s8], [sflag:$0x1] =	stream.indirect.gather [hbm4b:s4+s28], $0x10, s22, s28, $0xb8;
	[tilespmem:$0x1EE00] =	vst v63  }
0x13f: {  	s24 =	rddreg [dreg:$0xb]  }
0x140: {  	[spmem:s2] =	stream.indirect.scatter.add.f32 [tilespmem:s31], [sflag:$0x2], $0x10, s24, s28, $0xb8;
	[tilespmem:$0x1EE00] =	vst v63  }
0x141: {  	_ =	swait.ge [sflag:s25], $0x800  }
0x142: {  	[sflag:s25] =	ssyncset.done $0x0  }
0x143: {  	[sflag:s25] =	ssyncadd.s32 $0xFFFFF800  }
0x144: {  	_ =	swait.ge [sflag:s1], $0x800  }
0x145: {  	[sflag:s1] =	ssyncset.done $0x0  }
0x146: {  	s22 =	rddreg [dreg:$0xc];
	[sflag:s1] =	ssyncadd.s32 $0xFFFFF800  }
0x147: {  	[tilespmem:s9], [sflag:$0x1] =	stream.indirect.gather [hbm4b:s4+s28], $0x10, s22, s28, $0xb8;
	[tilespmem:$0x1EE00] =	vst v63  }
0x148: {  	s24 =	rddreg [dreg:$0xd]  }
0x149: {  	[spmem:s2] =	stream.indirect.scatter.add.f32 [tilespmem:s0], [sflag:$0x2], $0x10, s24, s28, $0xb8;
	[tilespmem:$0x1EE00] =	vst v63  }
0x14a: {  	_ =	swait.ge [sflag:s25], $0x800  }
0x14b: {  	[sflag:s25] =	ssyncset.done $0x0  }
0x14c: {  	[sflag:s25] =	ssyncadd.s32 $0xFFFFF800  }
0x14d: {  	_ =	swait.ge [sflag:s1], $0x800  }
0x14e: {  	[sflag:s1] =	ssyncset.done $0x0  }
0x14f: {  	s22 =	rddreg [dreg:$0xe];
	[sflag:s1] =	ssyncadd.s32 $0xFFFFF800  }
0x150: {  	[tilespmem:s29], [sflag:$0x1] =	stream.indirect.gather [hbm4b:s4+s28], $0x10, s22, s28, $0xb8;
	[tilespmem:$0x1EE00] =	vst v63  }
0x151: {  	s24 =	rddreg [dreg:$0xf]  }
0x152: {  	[spmem:s2] =	stream.indirect.scatter.add.f32 [tilespmem:s5], [sflag:$0x2], $0x10, s24, s28, $0xb8;
	[tilespmem:$0x1EE00] =	vst v63  }
0x153: {  	_ =	swait.ge [sflag:s25], $0x800  }
0x154: {  	[sflag:s25] =	ssyncset.done $0x0  }
0x155: {  	[sflag:s25] =	ssyncadd.s32 $0xFFFFF800  }
0x156: {  	_ =	swait.ge [sflag:s1], $0x800  }
0x157: {  	[sflag:s1] =	ssyncset.done $0x0  }
0x158: {  	s22 =	rddreg [dreg:$0x10];
	[sflag:s1] =	ssyncadd.s32 $0xFFFFF800  }
0x159: {  	[tilespmem:s30], [sflag:$0x1] =	stream.indirect.gather [hbm4b:s4+s28], $0x10, s22, s28, $0xb8;
	[tilespmem:$0x1EE00] =	vst v63  }
0x15a: {  	s24 =	rddreg [dreg:$0x11]  }
0x15b: {  	[spmem:s2] =	stream.indirect.scatter.add.f32 [tilespmem:s7], [sflag:$0x2], $0x10, s24, s28, $0xb8;
	[tilespmem:$0x1EE00] =	vst v63  }
0x15c: {  	_ =	swait.ge [sflag:s25], $0x800  }
0x15d: {  	[sflag:s25] =	ssyncset.done $0x0  }
0x15e: {  	[sflag:s25] =	ssyncadd.s32 $0xFFFFF800  }
0x15f: {  	_ =	swait.ge [sflag:s1], $0x800  }
0x160: {  	[sflag:s1] =	ssyncset.done $0x0  }
0x161: {  	s22 =	rddreg [dreg:$0x12];
	[sflag:s1] =	ssyncadd.s32 $0xFFFFF800  }
0x162: {  	[tilespmem:s31], [sflag:$0x1] =	stream.indirect.gather [hbm4b:s4+s28], $0x10, s22, s28, $0xb8;
	[tilespmem:$0x1EE00] =	vst v63  }
0x163: {  	s24 =	rddreg [dreg:$0x13]  }
0x164: {  	[spmem:s2] =	stream.indirect.scatter.add.f32 [tilespmem:s8], [sflag:$0x2], $0x10, s24, s28, $0xb8;
	[tilespmem:$0x1EE00] =	vst v63  }
0x165: {  	_ =	swait.ge [sflag:s25], $0x800  }
0x166: {  	[sflag:s25] =	ssyncset.done $0x0  }
0x167: {  	[sflag:s25] =	ssyncadd.s32 $0xFFFFF800  }
0x168: {  	_ =	swait.ge [sflag:s1], $0x800  }
0x169: {  	[sflag:s1] =	ssyncset.done $0x0  }
0x16a: {  	s22 =	rddreg [dreg:$0x14];
	[sflag:s1] =	ssyncadd.s32 $0xFFFFF800  }
0x16b: {  	[tilespmem:s0], [sflag:$0x1] =	stream.indirect.gather [hbm4b:s4+s28], $0x10, s22, s28, $0xb8;
	[tilespmem:$0x1EE00] =	vst v63  }
0x16c: {  	s24 =	rddreg [dreg:$0x15]  }
0x16d: {  	[spmem:s2] =	stream.indirect.scatter.add.f32 [tilespmem:s9], [sflag:$0x2], $0x10, s24, s28, $0xb8;
	[tilespmem:$0x1EE00] =	vst v63  }
0x16e: {  	_ =	swait.ge [sflag:s25], $0x800  }
0x16f: {  	[sflag:s25] =	ssyncset.done $0x0  }
0x170: {  	[sflag:s25] =	ssyncadd.s32 $0xFFFFF800  }
0x171: {  	_ =	swait.ge [sflag:s1], $0x800  }
0x172: {  	[sflag:s1] =	ssyncset.done $0x0  }
0x173: {  	[sflag:s1] =	ssyncadd.s32 $0xFFFFF800  }
0x174: {  	[tilespmem:s5], [sflag:$0x1] =	stream.indirect.gather [hbm4b:s4+s28], $0x10, s10, s28, $0xb8;
	[tilespmem:$0x1EE00] =	vst v63  }
0x175: {  	_ = 	snop  }
0x176: {  	[spmem:s2] =	stream.indirect.scatter.add.f32 [tilespmem:s29], [sflag:$0x2], $0x10, s11, s28, $0xb8;
	[tilespmem:$0x1EE00] =	vst v63  }
0x177: {  	_ =	swait.ge [sflag:s25], $0x800  }
0x178: {  	[sflag:s25] =	ssyncset.done $0x0  }
0x179: {  	[sflag:s25] =	ssyncadd.s32 $0xFFFFF800  }
0x17a: {  	_ =	swait.ge [sflag:s1], $0x800  }
0x17b: {  	[sflag:s1] =	ssyncset.done $0x0  }
0x17c: {  	[sflag:s1] =	ssyncadd.s32 $0xFFFFF800  }
0x17d: {  	[tilespmem:s7], [sflag:$0x1] =	stream.indirect.gather [hbm4b:s4+s28], $0x10, s12, s28, $0xb8;
	[tilespmem:$0x1EE00] =	vst v63  }
0x17e: {  	_ = 	snop  }
0x17f: {  	[spmem:s2] =	stream.indirect.scatter.add.f32 [tilespmem:s30], [sflag:$0x2], $0x10, s13, s28, $0xb8;
	[tilespmem:$0x1EE00] =	vst v63  }
0x180: {  	_ =	swait.ge [sflag:s25], $0x800  }
0x181: {  	[sflag:s25] =	ssyncset.done $0x0  }
0x182: {  	[sflag:s25] =	ssyncadd.s32 $0xFFFFF800  }
0x183: {  	_ =	swait.ge [sflag:s1], $0x800  }
0x184: {  	[sflag:s1] =	ssyncset.done $0x0  }
0x185: {  	[sflag:s1] =	ssyncadd.s32 $0xFFFFF800  }
0x186: {  	[tilespmem:s8], [sflag:$0x1] =	stream.indirect.gather [hbm4b:s4+s28], $0x10, s14, s28, $0xb8;
	[tilespmem:$0x1EE00] =	vst v63  }
0x187: {  	_ = 	snop  }
0x188: {  	[spmem:s2] =	stream.indirect.scatter.add.f32 [tilespmem:s31], [sflag:$0x2], $0x10, s15, s28, $0xb8;
	[tilespmem:$0x1EE00] =	vst v63  }
0x189: {  	_ =	swait.ge [sflag:s25], $0x800  }
0x18a: {  	[sflag:s25] =	ssyncset.done $0x0  }
0x18b: {  	[sflag:s25] =	ssyncadd.s32 $0xFFFFF800  }
0x18c: {  	_ =	swait.ge [sflag:s1], $0x800  }
0x18d: {  	[sflag:s1] =	ssyncset.done $0x0  }
0x18e: {  	[sflag:s1] =	ssyncadd.s32 $0xFFFFF800  }
0x18f: {  	[tilespmem:s9], [sflag:$0x1] =	stream.indirect.gather [hbm4b:s4+s28], $0x10, s16, s28, $0xb8;
	[tilespmem:$0x1EE00] =	vst v63  }
0x190: {  	_ = 	snop  }
0x191: {  	[spmem:s2] =	stream.indirect.scatter.add.f32 [tilespmem:s0], [sflag:$0x2], $0x10, s17, s28, $0xb8;
	[tilespmem:$0x1EE00] =	vst v63  }
0x192: {  	_ =	swait.ge [sflag:s25], $0x800  }
0x193: {  	[sflag:s25] =	ssyncset.done $0x0  }
0x194: {  	[sflag:s25] =	ssyncadd.s32 $0xFFFFF800  }
0x195: {  	_ =	swait.ge [sflag:s1], $0x800  }
0x196: {  	[sflag:s1] =	ssyncset.done $0x0  }
0x197: {  	[sflag:s1] =	ssyncadd.s32 $0xFFFFF800  }
0x198: {  	[spmem:s2] =	stream.indirect.scatter.add.f32 [tilespmem:s5], [sflag:$0x2], $0x10, s18, s28, $0xb8;
	[tilespmem:$0x1EE00] =	vst v63  }
0x199: {  	_ =	swait.ge [sflag:s25], $0x800  }
0x19a: {  	[sflag:s25] =	ssyncset.done $0x0  }
0x19b: {  	[sflag:s25] =	ssyncadd.s32 $0xFFFFF800  }
0x19c: {  	_ =	swait.ge [sflag:s1], $0x800  }
0x19d: {  	[sflag:s1] =	ssyncset.done $0x0  }
0x19e: {  	[sflag:s1] =	ssyncadd.s32 $0xFFFFF800  }
0x19f: {  	[spmem:s2] =	stream.indirect.scatter.add.f32 [tilespmem:s7], [sflag:$0x2], $0x10, s19, s28, $0xb8;
	[tilespmem:$0x1EE00] =	vst v63  }
0x1a0: {  	_ =	swait.ge [sflag:s25], $0x800  }
0x1a1: {  	[sflag:s25] =	ssyncset.done $0x0  }
0x1a2: {  	[sflag:s25] =	ssyncadd.s32 $0xFFFFF800  }
0x1a3: {  	_ =	swait.ge [sflag:s1], $0x800  }
0x1a4: {  	[sflag:s1] =	ssyncset.done $0x0  }
0x1a5: {  	[sflag:s1] =	ssyncadd.s32 $0xFFFFF800  }
0x1a6: {  	[spmem:s2] =	stream.indirect.scatter.add.f32 [tilespmem:s8], [sflag:$0x2], $0x10, s20, s28, $0xb8;
	[tilespmem:$0x1EE00] =	vst v63  }
0x1a7: {  	_ =	swait.ge [sflag:s25], $0x800  }
0x1a8: {  	[sflag:s25] =	ssyncset.done $0x0  }
0x1a9: {  	[sflag:s25] =	ssyncadd.s32 $0xFFFFF800  }
0x1aa: {  	p0 =	sne.s32 s6, $0x3000;
	_ =	swait.ge [sflag:s1], $0x800  }
.Ltmp1:
0x1ab: {  	[sflag:s1] =	ssyncset.done $0x0;
	(pc) =	sbr.rel @p0 .LBB2_4-.Ltmp1, $4  }
0x1ac: {  	[sflag:s1] =	ssyncadd.s32 $0xFFFFF800  }
0x1ad: {  	[spmem:s2] =	stream.indirect.scatter.add.f32 [tilespmem:s9], [sflag:$0x2], $0x10, s21, s28, $0xb8;
	[tilespmem:$0x1EE00] =	vst v63  }
0x1ae: {  	_ =	swait.ge [sflag:s25], $0x800  }
0x1af: {  	s6 =	sadd.s32 $0x100, s6;
	s22 =	rddreg [dreg:$0x3];
	[sflag:s25] =	ssyncset.done $0x0  }
0x1b0: {  	[sflag:s25] =	ssyncadd.s32 $0xFFFFF800;
	s6 =	sadd.s32 s23, s22  }
0x1b1: {  	[tilespmem:s3], [sflag:$0x2] =	stream.linear.gather [hbm4b:s6+s3], $0x800, $0x38;
	[tilespmem:$0x1EE00] =	vst v63  }
0x1b2: {  	_ =	swait.ge [sflag:s25], $0x800  }
0x1b3: {  	s22 =	rddreg [dreg:$0x4];
	[sflag:s25] =	ssyncset.done $0x0  }
0x1b4: {  	[sflag:s25] =	ssyncadd.s32 $0xFFFFF800;
	s6 =	sadd.s32 s23, s22  }
0x1b5: {  	[tilespmem:s26], [sflag:$0x2] =	stream.linear.gather [hbm4b:s6+s3], $0x800, $0x38;
	[tilespmem:$0x1EE00] =	vst v63  }
0x1b6: {  	_ =	swait.ge [sflag:s25], $0x800  }
0x1b7: {  	[sflag:s25] =	ssyncset.done $0x0  }
0x1b8: {  	[sflag:s25] =	ssyncadd.s32 $0xFFFFF800  }
0x1b9: {  	[tilespmem:s29], [sflag:$0x1] =	stream.indirect.gather [hbm4b:s4+s28], $0x10, s3, s28, $0xb8;
	[tilespmem:$0x1EE00] =	vst v63  }
0x1ba: {  	_ = 	snop  }
0x1bb: {  	[tilespmem:s30], [sflag:$0x1] =	stream.indirect.gather [hbm4b:s4+s28], $0x10, s28, s28, $0xb8;
	[tilespmem:$0x1EE00] =	vst v63  }
0x1bc: {  	s23 =	rddreg [dreg:$0x5]  }
0x1bd: {  	[tilespmem:s31], [sflag:$0x1] =	stream.indirect.gather [hbm4b:s4+s28], $0x10, s23, s28, $0xb8;
	[tilespmem:$0x1EE00] =	vst v63  }
0x1be: {  	s24 =	rddreg [dreg:$0x6]  }
0x1bf: {  	[tilespmem:s0], [sflag:$0x1] =	stream.indirect.gather [hbm4b:s4+s28], $0x10, s24, s28, $0xb8;
	[tilespmem:$0x1EE00] =	vst v63  }
0x1c0: {  	_ =	swait.ge [sflag:s1], $0x800  }
0x1c1: {  	[sflag:s1] =	ssyncset.done $0x0  }
0x1c2: {  	s22 =	rddreg [dreg:$0x7];
	[sflag:s1] =	ssyncadd.s32 $0xFFFFF800  }
0x1c3: {  	[tilespmem:s5], [sflag:$0x1] =	stream.indirect.gather [hbm4b:s4+s28], $0x10, s22, s28, $0xb8;
	[tilespmem:$0x1EE00] =	vst v63  }
0x1c4: {  	_ = 	snop  }
0x1c5: {  	[spmem:s2] =	stream.indirect.scatter.add.f32 [tilespmem:s29], [sflag:$0x2], $0x10, s26, s28, $0xb8;
	[tilespmem:$0x1EE00] =	vst v63  }
0x1c6: {  	_ =	swait.ge [sflag:s25], $0x800  }
0x1c7: {  	[sflag:s25] =	ssyncset.done $0x0  }
0x1c8: {  	[sflag:s25] =	ssyncadd.s32 $0xFFFFF800  }
0x1c9: {  	_ =	swait.ge [sflag:s1], $0x800  }
0x1ca: {  	[sflag:s1] =	ssyncset.done $0x0  }
0x1cb: {  	s23 =	rddreg [dreg:$0x8];
	[sflag:s1] =	ssyncadd.s32 $0xFFFFF800  }
0x1cc: {  	[tilespmem:s7], [sflag:$0x1] =	stream.indirect.gather [hbm4b:s4+s28], $0x10, s23, s28, $0xb8;
	[tilespmem:$0x1EE00] =	vst v63  }
0x1cd: {  	s24 =	rddreg [dreg:$0x9]  }
0x1ce: {  	[spmem:s2] =	stream.indirect.scatter.add.f32 [tilespmem:s30], [sflag:$0x2], $0x10, s24, s28, $0xb8;
	[tilespmem:$0x1EE00] =	vst v63  }
0x1cf: {  	_ =	swait.ge [sflag:s25], $0x800  }
0x1d0: {  	[sflag:s25] =	ssyncset.done $0x0  }
0x1d1: {  	[sflag:s25] =	ssyncadd.s32 $0xFFFFF800  }
0x1d2: {  	_ =	swait.ge [sflag:s1], $0x800  }
0x1d3: {  	[sflag:s1] =	ssyncset.done $0x0  }
0x1d4: {  	s23 =	rddreg [dreg:$0xa];
	[sflag:s1] =	ssyncadd.s32 $0xFFFFF800  }
0x1d5: {  	[tilespmem:s8], [sflag:$0x1] =	stream.indirect.gather [hbm4b:s4+s28], $0x10, s23, s28, $0xb8;
	[tilespmem:$0x1EE00] =	vst v63  }
0x1d6: {  	s24 =	rddreg [dreg:$0xb]  }
0x1d7: {  	[spmem:s2] =	stream.indirect.scatter.add.f32 [tilespmem:s31], [sflag:$0x2], $0x10, s24, s28, $0xb8;
	[tilespmem:$0x1EE00] =	vst v63  }
0x1d8: {  	_ =	swait.ge [sflag:s25], $0x800  }
0x1d9: {  	[sflag:s25] =	ssyncset.done $0x0  }
0x1da: {  	[sflag:s25] =	ssyncadd.s32 $0xFFFFF800  }
0x1db: {  	_ =	swait.ge [sflag:s1], $0x800  }
0x1dc: {  	[sflag:s1] =	ssyncset.done $0x0  }
0x1dd: {  	s23 =	rddreg [dreg:$0xc];
	[sflag:s1] =	ssyncadd.s32 $0xFFFFF800  }
0x1de: {  	[tilespmem:s9], [sflag:$0x1] =	stream.indirect.gather [hbm4b:s4+s28], $0x10, s23, s28, $0xb8;
	[tilespmem:$0x1EE00] =	vst v63  }
0x1df: {  	s24 =	rddreg [dreg:$0xd]  }
0x1e0: {  	[spmem:s2] =	stream.indirect.scatter.add.f32 [tilespmem:s0], [sflag:$0x2], $0x10, s24, s28, $0xb8;
	[tilespmem:$0x1EE00] =	vst v63  }
0x1e1: {  	_ =	swait.ge [sflag:s25], $0x800  }
0x1e2: {  	[sflag:s25] =	ssyncset.done $0x0  }
0x1e3: {  	[sflag:s25] =	ssyncadd.s32 $0xFFFFF800  }
0x1e4: {  	_ =	swait.ge [sflag:s1], $0x800  }
0x1e5: {  	[sflag:s1] =	ssyncset.done $0x0  }
0x1e6: {  	s23 =	rddreg [dreg:$0xe];
	[sflag:s1] =	ssyncadd.s32 $0xFFFFF800  }
0x1e7: {  	[tilespmem:s29], [sflag:$0x1] =	stream.indirect.gather [hbm4b:s4+s28], $0x10, s23, s28, $0xb8;
	[tilespmem:$0x1EE00] =	vst v63  }
0x1e8: {  	s24 =	rddreg [dreg:$0xf]  }
0x1e9: {  	[spmem:s2] =	stream.indirect.scatter.add.f32 [tilespmem:s5], [sflag:$0x2], $0x10, s24, s28, $0xb8;
	[tilespmem:$0x1EE00] =	vst v63  }
0x1ea: {  	_ =	swait.ge [sflag:s25], $0x800  }
0x1eb: {  	[sflag:s25] =	ssyncset.done $0x0  }
0x1ec: {  	[sflag:s25] =	ssyncadd.s32 $0xFFFFF800  }
0x1ed: {  	_ =	swait.ge [sflag:s1], $0x800  }
0x1ee: {  	[sflag:s1] =	ssyncset.done $0x0  }
0x1ef: {  	s23 =	rddreg [dreg:$0x10];
	[sflag:s1] =	ssyncadd.s32 $0xFFFFF800  }
0x1f0: {  	[tilespmem:s30], [sflag:$0x1] =	stream.indirect.gather [hbm4b:s4+s28], $0x10, s23, s28, $0xb8;
	[tilespmem:$0x1EE00] =	vst v63  }
0x1f1: {  	s24 =	rddreg [dreg:$0x11]  }
0x1f2: {  	[spmem:s2] =	stream.indirect.scatter.add.f32 [tilespmem:s7], [sflag:$0x2], $0x10, s24, s28, $0xb8;
	[tilespmem:$0x1EE00] =	vst v63  }
0x1f3: {  	_ =	swait.ge [sflag:s25], $0x800  }
0x1f4: {  	[sflag:s25] =	ssyncset.done $0x0  }
0x1f5: {  	[sflag:s25] =	ssyncadd.s32 $0xFFFFF800  }
0x1f6: {  	_ =	swait.ge [sflag:s1], $0x800  }
0x1f7: {  	[sflag:s1] =	ssyncset.done $0x0  }
0x1f8: {  	s23 =	rddreg [dreg:$0x12];
	[sflag:s1] =	ssyncadd.s32 $0xFFFFF800  }
0x1f9: {  	[tilespmem:s31], [sflag:$0x1] =	stream.indirect.gather [hbm4b:s4+s28], $0x10, s23, s28, $0xb8;
	[tilespmem:$0x1EE00] =	vst v63  }
0x1fa: {  	s24 =	rddreg [dreg:$0x13]  }
0x1fb: {  	[spmem:s2] =	stream.indirect.scatter.add.f32 [tilespmem:s8], [sflag:$0x2], $0x10, s24, s28, $0xb8;
	[tilespmem:$0x1EE00] =	vst v63  }
0x1fc: {  	_ =	swait.ge [sflag:s25], $0x800  }
0x1fd: {  	[sflag:s25] =	ssyncset.done $0x0  }
0x1fe: {  	[sflag:s25] =	ssyncadd.s32 $0xFFFFF800  }
0x1ff: {  	_ =	swait.ge [sflag:s1], $0x800  }
0x200: {  	[sflag:s1] =	ssyncset.done $0x0  }
0x201: {  	s22 =	rddreg [dreg:$0x14];
	[sflag:s1] =	ssyncadd.s32 $0xFFFFF800  }
0x202: {  	[tilespmem:s0], [sflag:$0x1] =	stream.indirect.gather [hbm4b:s4+s28], $0x10, s22, s28, $0xb8;
	[tilespmem:$0x1EE00] =	vst v63  }
0x203: {  	s23 =	rddreg [dreg:$0x15]  }
0x204: {  	[spmem:s2] =	stream.indirect.scatter.add.f32 [tilespmem:s9], [sflag:$0x2], $0x10, s23, s28, $0xb8;
	[tilespmem:$0x1EE00] =	vst v63  }
0x205: {  	_ =	swait.ge [sflag:s25], $0x800  }
0x206: {  	[sflag:s25] =	ssyncset.done $0x0  }
0x207: {  	[sflag:s25] =	ssyncadd.s32 $0xFFFFF800  }
0x208: {  	_ =	swait.ge [sflag:s1], $0x800  }
0x209: {  	[sflag:s1] =	ssyncset.done $0x0  }
0x20a: {  	[sflag:s1] =	ssyncadd.s32 $0xFFFFF800  }
0x20b: {  	[tilespmem:s5], [sflag:$0x1] =	stream.indirect.gather [hbm4b:s4+s28], $0x10, s10, s28, $0xb8;
	[tilespmem:$0x1EE00] =	vst v63  }
0x20c: {  	_ = 	snop  }
0x20d: {  	[spmem:s2] =	stream.indirect.scatter.add.f32 [tilespmem:s29], [sflag:$0x2], $0x10, s11, s28, $0xb8;
	[tilespmem:$0x1EE00] =	vst v63  }
0x20e: {  	_ =	swait.ge [sflag:s25], $0x800  }
0x20f: {  	[sflag:s25] =	ssyncset.done $0x0  }
0x210: {  	[sflag:s25] =	ssyncadd.s32 $0xFFFFF800  }
0x211: {  	_ =	swait.ge [sflag:s1], $0x800  }
0x212: {  	[sflag:s1] =	ssyncset.done $0x0  }
0x213: {  	[sflag:s1] =	ssyncadd.s32 $0xFFFFF800  }
0x214: {  	[tilespmem:s7], [sflag:$0x1] =	stream.indirect.gather [hbm4b:s4+s28], $0x10, s12, s28, $0xb8;
	[tilespmem:$0x1EE00] =	vst v63  }
0x215: {  	_ = 	snop  }
0x216: {  	[spmem:s2] =	stream.indirect.scatter.add.f32 [tilespmem:s30], [sflag:$0x2], $0x10, s13, s28, $0xb8;
	[tilespmem:$0x1EE00] =	vst v63  }
0x217: {  	_ =	swait.ge [sflag:s25], $0x800  }
0x218: {  	[sflag:s25] =	ssyncset.done $0x0  }
0x219: {  	[sflag:s25] =	ssyncadd.s32 $0xFFFFF800  }
0x21a: {  	_ =	swait.ge [sflag:s1], $0x800  }
0x21b: {  	[sflag:s1] =	ssyncset.done $0x0  }
0x21c: {  	[sflag:s1] =	ssyncadd.s32 $0xFFFFF800  }
0x21d: {  	[tilespmem:s8], [sflag:$0x1] =	stream.indirect.gather [hbm4b:s4+s28], $0x10, s14, s28, $0xb8;
	[tilespmem:$0x1EE00] =	vst v63  }
0x21e: {  	_ = 	snop  }
0x21f: {  	[spmem:s2] =	stream.indirect.scatter.add.f32 [tilespmem:s31], [sflag:$0x2], $0x10, s15, s28, $0xb8;
	[tilespmem:$0x1EE00] =	vst v63  }
0x220: {  	_ =	swait.ge [sflag:s25], $0x800  }
0x221: {  	[sflag:s25] =	ssyncset.done $0x0  }
0x222: {  	[sflag:s25] =	ssyncadd.s32 $0xFFFFF800  }
0x223: {  	_ =	swait.ge [sflag:s1], $0x800  }
0x224: {  	[sflag:s1] =	ssyncset.done $0x0  }
0x225: {  	[sflag:s1] =	ssyncadd.s32 $0xFFFFF800  }
0x226: {  	[tilespmem:s9], [sflag:$0x1] =	stream.indirect.gather [hbm4b:s4+s28], $0x10, s16, s28, $0xb8;
	[tilespmem:$0x1EE00] =	vst v63  }
0x227: {  	_ = 	snop  }
0x228: {  	[spmem:s2] =	stream.indirect.scatter.add.f32 [tilespmem:s0], [sflag:$0x2], $0x10, s17, s28, $0xb8;
	[tilespmem:$0x1EE00] =	vst v63  }
0x229: {  	_ =	swait.ge [sflag:s25], $0x800  }
0x22a: {  	[sflag:s25] =	ssyncset.done $0x0  }
0x22b: {  	[sflag:s25] =	ssyncadd.s32 $0xFFFFF800  }
0x22c: {  	_ =	swait.ge [sflag:s1], $0x800  }
0x22d: {  	[sflag:s1] =	ssyncset.done $0x0  }
0x22e: {  	[sflag:s1] =	ssyncadd.s32 $0xFFFFF800  }
0x22f: {  	[spmem:s2] =	stream.indirect.scatter.add.f32 [tilespmem:s5], [sflag:$0x2], $0x10, s18, s28, $0xb8;
	[tilespmem:$0x1EE00] =	vst v63  }
0x230: {  	_ =	swait.ge [sflag:s25], $0x800  }
0x231: {  	[sflag:s25] =	ssyncset.done $0x0  }
0x232: {  	[sflag:s25] =	ssyncadd.s32 $0xFFFFF800  }
0x233: {  	_ =	swait.ge [sflag:s1], $0x800  }
0x234: {  	[sflag:s1] =	ssyncset.done $0x0  }
0x235: {  	[sflag:s1] =	ssyncadd.s32 $0xFFFFF800  }
0x236: {  	[spmem:s2] =	stream.indirect.scatter.add.f32 [tilespmem:s7], [sflag:$0x2], $0x10, s19, s28, $0xb8;
	[tilespmem:$0x1EE00] =	vst v63  }
0x237: {  	_ =	swait.ge [sflag:s25], $0x800  }
0x238: {  	[sflag:s25] =	ssyncset.done $0x0  }
0x239: {  	[sflag:s25] =	ssyncadd.s32 $0xFFFFF800  }
0x23a: {  	_ =	swait.ge [sflag:s1], $0x800  }
0x23b: {  	[sflag:s1] =	ssyncset.done $0x0  }
0x23c: {  	[sflag:s1] =	ssyncadd.s32 $0xFFFFF800  }
0x23d: {  	[spmem:s2] =	stream.indirect.scatter.add.f32 [tilespmem:s8], [sflag:$0x2], $0x10, s20, s28, $0xb8;
	[tilespmem:$0x1EE00] =	vst v63  }
0x23e: {  	_ =	swait.ge [sflag:s25], $0x800  }
0x23f: {  	[sflag:s25] =	ssyncset.done $0x0  }
0x240: {  	[sflag:s25] =	ssyncadd.s32 $0xFFFFF800  }
0x241: {  	_ =	swait.ge [sflag:s1], $0x800  }
0x242: {  	[sflag:s1] =	ssyncset.done $0x0  }
0x243: {  	[sflag:s1] =	ssyncadd.s32 $0xFFFFF800  }
0x244: {  	[spmem:s2] =	stream.indirect.scatter.add.f32 [tilespmem:s9], [sflag:$0x2], $0x10, s21, s28, $0xb8;
	[tilespmem:$0x1EE00] =	vst v63  }
0x245: {  	_ =	swait.ge [sflag:s25], $0x800  }
0x246: {  	[sflag:s25] =	ssyncset.done $0x0  }
0x247: {  	[sflag:s25] =	ssyncadd.s32 $0xFFFFF800  }
0x248: {  	s24 =	stileid.u32;
	[bflag:$0x0] =	sbarrier.arrive $0xFFFF  }
0x249: {  	s6 =	sshll.u32 s24, $0x6;
	s24 =	rddreg [dreg:$0x17]  }
0x24a: {  	s6 =	sor.u32 $0x1C02, s6;
	s23 =	rddreg [dreg:$0x16];
	s22 =	sshrl.u32 s24, $0x3  }
0x24b: {  	[hbm:s23], [sflag:s6] =	dma.local [spmem:s22], $0x30E0  }
0x24c: {  	_ =	swait.ge [sflag:s25], $0x30E0  }
0x24d: {  	s6 =	sld [smem:$0x7F4];
	_ =	sdelay $0x2  }
0x24e: {  	s23 =	rddreg [dreg:$0x18];
	s22 =	sadd.s32 $0x1, s6  }
0x24f: {  	p0 =	sne.s32 s22, s23  }
.Ltmp2:
0x250: {  	_ = 	snop;
	(pc) =	sbr.rel @p0 .LBB2_1-.Ltmp2, $3  }
0x251: {  	_ =	sdelay $0x1  }
0x252: {  	[sflag:s25] =	ssyncset.done $0x0  }
0x253: {  	[sflag:s25] =	ssyncadd.s32 $0xFFFFCF20  }
0x254: {  	_ =	sfence.sel $0x180000  }
0x255: {  	[bflag:$0x0] =	sbarrier.arrive $0xFFFF  }
0x256: {  	_ =	strace $0x9000004A  }
0x257: {  	s0 =	stileid.u32;
	[bflag:$0x2] =	sbarrier.arrive $0xFFFF  }
0x258: {  	p0 =	sne.s32 s0, $0x0;
	s0 =	rddreg [dreg:$0x2]  }
0x259: {  	s0 =	sadd.s32 @!p0 $0x100000, s0  }
0x25a: {  	[sflag:s0] =	ssyncadd.tile.s32 @!p0 $0x1;
	_ =	shalt  }
.Lfunc_end2:
_tile_overlayer_lowered:
.L_overlay_start_2:
0x25b: {  	(tag) =	ssettag $0x2  }
0x25c: {  	s0 =	rddreg [dreg:$0x0];
	s2 =	stileid.u32  }
0x25d: {  	s1 =	rddreg [dreg:$0x1];
	p0 =	sne.s32 s2, $0x0  }
0x25e: {  	s3 =	rddreg [dreg:$0x2];
	[bflag:$0x3] =	sbarrier.arrive $0xFFFF;
	s2 =	simm.s32 @!p0 $0x1C02  }
0x25f: {  	[timem:s3], [sflag:s2] =	dma.local @!p0 [hbm:s0], s1  }
0x260: {  	s0 =	simm.s32 @!p0 $0x2  }
0x261: {  	_ =	swait.ge @!p0 [sflag:s0], s1  }
0x262: {  	s1 =	ssub.s32 @!p0 $0x0, s1;
	[sflag:s0] =	ssyncset.done @!p0 $0x0  }
0x263: {  	[sflag:s0] =	ssyncadd.s32 @!p0 s1  }
0x264: {  	[bflag:$0x3] =	sbarrier.arrive $0xFFFF  }
0x265: {  	_ =	shalt  }

// kernel: kernel.15.cloned.1.call-start
scs
__scs_entry_jumppad:
0x0: {  	(pc) =	sbr.rel $0x88, $3  }
0x1: {  	(tag) =	ssettag $0x0;
	lr =	simm.s32 $0x1  }
0x2: {  	[smem:$0x3F93] =	sst lr;
	_ =	strace $0xD0000000  }
0x3: {  	_ = 	snop  }
0x4: {  	_ = 	snop  }
0x5: {  	_ = 	snop  }
0x6: {  	_ = 	snop  }
0x7: {  	_ = 	snop  }
__scs_overlays_trampoline_lowered:
0x8: {  	[smem:$0x3FA2] =	sst s0  }
0x9: {  	[smem:$0x3FA3] =	sst s1  }
0xa: {  	[smem:$0x3FA4] =	sst s2  }
0xb: {  	[smem:$0x3FA5] =	sst s3  }
0xc: {  	[smem:$0x3FA6] =	sst s4  }
0xd: {  	[smem:$0x3FA7] =	sst s5  }
0xe: {  	[smem:$0x3FA8] =	sst s6  }
0xf: {  	[smem:$0x3FA9] =	sst s7  }
0x10: {  	[smem:$0x3FAA] =	sst s8  }
0x11: {  	[smem:$0x3FAB] =	sst s9;
	s0 =	simm.s32 @!p0 $0x0  }
0x12: {  	s1 =	sld [smem:$0x3F91];
	s0 =	simm.s32 @p0 $0x1  }
0x13: {  	[smem:$0x3FAC] =	sst s0;
	s0 =	simm.s32 @!p1 $0x0  }
0x14: {  	s2 =	sld [smem:$0x3F90];
	s0 =	simm.s32 @p1 $0x1  }
0x15: {  	[smem:$0x3FAD] =	sst s0;
	s0 =	simm.s32 @!p2 $0x0  }
0x16: {  	s3 =	sld [smem:$0x3FDB];
	s0 =	simm.s32 @p2 $0x1  }
0x17: {  	s4 =	simm.s32 $0x1BF5;
	[smem:$0x3FAF] =	sst s0  }
0x18: {  	s0 =	sld [smem:$0x3F92];
	_ =	swait.ge [sflag:s4], $0x0  }
0x19: {  	s7 =	sld [smem:$0x3F93]  }
0x1a: {  	s8 =	sadd.s32 $0xFFFFE003, lr  }
0x1b: {  	s9 =	sadd.s32 $0xFFFFFEF7, lr;
	s5 =	simm.s32 $0xFFFFFFFF;
	p2 =	slt.u32 s8, $0xFFFFF086  }
0x1c: {  	p1 =	slt.u32 s9, $0xF7A;
	s5 =	simm.s32 @!p2 $0x0  }
0x1d: {  	s5 =	simm.s32 @p1 $0x1;
	p0 =	seq.s32 s7, s2  }
0x1e: {  	s7 =	smul.u32 @!p0 $0xF7A, s2;
	p2 =	seq.s32 @!p0 s5, $0x0  }
0x1f: {  	s9 =	smul.u32 $0xF7A, s1;
	s8 =	simm.s32 @!p0 $0x1BF5;
	p2 =	por !p2, p0  }
0x20: {  	[sflag:s8] =	ssyncset.s32 @!p0 $0xFFFFF086;
	s6 =	sadd.s32 @!p0 s3, s7;
	s7 =	simm.s32 @!p0 $0x108  }
0x21: {  	s3 =	sadd.s32 s3, s9;
	s6 =	sadd.s32 @!p0 $0x88, s6;
	s7 =	simm.s32 @p2 $0x1082  }
0x22: {  	[simem:s7], [sflag:s8] =	dma.local @!p0 [hbm:s6], $0xF7A  }
0x23: {  	s9 =	sor.u32 $0xD0000000, s2;
	s6 =	simm.s32 $0x108;
	_ =	swait.ge @!p0 [sflag:s8], $0x0  }
0x24: {  	s3 =	sadd.s32 $0x88, s3;
	s6 =	simm.s32 @!p1 $0x1082;
	[sflag:s4] =	ssyncset.s32 $0xFFFFF086  }
0x25: {  	[simem:s6], [sflag:s4] =	dma.local [hbm:s3], $0xF7A  }
0x26: {  	[smem:$0x3F93] =	sst s1;
	(tag) =	ssettag s2;
	_ =	strace s9  }
0x27: {  	s1 =	sld [smem:$0x3FA3]  }
0x28: {  	s2 =	sld [smem:$0x3FA4]  }
0x29: {  	s4 =	sld [smem:$0x3FA6]  }
0x2a: {  	p0 =	seq.s32 s5, $0x0;
	s5 =	sld [smem:$0x3FA7]  }
0x2b: {  	s6 =	sld [smem:$0x3FA8]  }
0x2c: {  	s7 =	sld [smem:$0x3FA9]  }
0x2d: {  	s3 =	simm.s32 $0x108;
	s8 =	sld [smem:$0x3FAA]  }
0x2e: {  	s3 =	simm.s32 @!p0 $0x1082;
	s9 =	sld [smem:$0x3FAB]  }
0x2f: {  	lr =	sadd.s32 s0, s3;
	s0 =	sld [smem:$0x3FA2]  }
0x30: {  	s3 =	sld [smem:$0x3FA5]  }
0x31: {  	[smem:$0x3FAE] =	sst s10  }
0x32: {  	s10 =	sld [smem:$0x3FAC];
	_ =	sdelay $0x3  }
0x33: {  	p0 =	seq.s32 s10, $0x1;
	s10 =	sld [smem:$0x3FAE];
	_ =	sdelay $0x3  }
0x34: {  	[smem:$0x3FAE] =	sst s10  }
0x35: {  	s10 =	sld [smem:$0x3FAD];
	_ =	sdelay $0x3  }
0x36: {  	p1 =	seq.s32 s10, $0x1;
	s10 =	sld [smem:$0x3FAE];
	_ =	sdelay $0x3  }
0x37: {  	[smem:$0x3FAE] =	sst s10  }
0x38: {  	s10 =	sld [smem:$0x3FAF]  }
0x39: {  	_ = 	snop;
	(pc) =	sbr.ind lr, $3  }
0x3a: {  	_ = 	snop  }
0x3b: {  	_ = 	snop  }
0x3c: {  	p2 =	seq.s32 s10, $0x1;
	s10 =	sld [smem:$0x3FAE]  }
0x3d: {  	_ =	shalt  }
0x3e: {  	_ =	shalt  }
0x3f: {  	_ =	shalt  }
0x40: {  	_ =	shalt  }
0x41: {  	_ =	shalt  }
0x42: {  	_ =	shalt  }
0x43: {  	_ =	shalt  }
0x44: {  	_ =	shalt  }
0x45: {  	_ =	shalt  }
0x46: {  	_ =	shalt  }
0x47: {  	_ =	shalt  }
0x48: {  	_ =	shalt  }
0x49: {  	_ =	shalt  }
0x4a: {  	_ =	shalt  }
0x4b: {  	_ =	shalt  }
0x4c: {  	_ =	shalt  }
0x4d: {  	_ =	shalt  }
0x4e: {  	_ =	shalt  }
0x4f: {  	_ =	shalt  }
0x50: {  	_ =	shalt  }
0x51: {  	_ =	shalt  }
0x52: {  	_ =	shalt  }
0x53: {  	_ =	shalt  }
0x54: {  	_ =	shalt  }
0x55: {  	_ =	shalt  }
0x56: {  	_ =	shalt  }
0x57: {  	_ =	shalt  }
0x58: {  	_ =	shalt  }
0x59: {  	_ =	shalt  }
0x5a: {  	_ =	shalt  }
0x5b: {  	_ =	shalt  }
0x5c: {  	_ =	shalt  }
0x5d: {  	_ =	shalt  }
0x5e: {  	_ =	shalt  }
0x5f: {  	_ =	shalt  }
0x60: {  	_ =	shalt  }
0x61: {  	_ =	shalt  }
0x62: {  	_ =	shalt  }
0x63: {  	_ =	shalt  }
0x64: {  	_ =	shalt  }
0x65: {  	_ =	shalt  }
0x66: {  	_ =	shalt  }
0x67: {  	_ =	shalt  }
0x68: {  	_ =	shalt  }
0x69: {  	_ =	shalt  }
0x6a: {  	_ =	shalt  }
0x6b: {  	_ =	shalt  }
0x6c: {  	_ =	shalt  }
0x6d: {  	_ =	shalt  }
0x6e: {  	_ =	shalt  }
0x6f: {  	_ =	shalt  }
0x70: {  	_ =	shalt  }
0x71: {  	_ =	shalt  }
0x72: {  	_ =	shalt  }
0x73: {  	_ =	shalt  }
0x74: {  	_ =	shalt  }
0x75: {  	_ =	shalt  }
0x76: {  	_ =	shalt  }
0x77: {  	_ =	shalt  }
0x78: {  	_ =	shalt  }
0x79: {  	_ =	shalt  }
0x7a: {  	_ =	shalt  }
0x7b: {  	_ =	shalt  }
0x7c: {  	_ =	shalt  }
0x7d: {  	_ =	shalt  }
0x7e: {  	_ =	shalt  }
0x7f: {  	_ =	shalt  }
0x80: {  	_ =	shalt  }
0x81: {  	_ =	shalt  }
0x82: {  	_ =	shalt  }
0x83: {  	_ =	shalt  }
0x84: {  	_ =	shalt  }
0x85: {  	_ =	shalt  }
0x86: {  	_ =	shalt  }
0x87: {  	_ =	shalt  }
.Lfunc_end0:
.L_simem_size_0:
called_computation.2_lowered:
.L_overlay_start_0:
0x88: {  	s2 =	sld [smem:$0x3FD9]  }
0x89: {  	s3 =	sld [smem:$0x3FFE];
	_ =	sdelay $0x1  }
0x8a: {  	s1 =	srdreg.scid  }
0x8b: {  	s0 =	sand.u32 $0x1, s1  }
0x8c: {  	s16 =	sshll.u32 s0, $0xA;
	s2 =	sadd.s32 s3, s2  }
0x8d: {  	s2 =	sadd.s32 s2, s16  }
0x8e: {  	[smem:$0x3FBA] =	sst s2  }
0x8f: {  	_ = 	snop  }
0x90: {  	(tm) =	ssettm $0x1  }
0x91: {  	s17 =	sld [smem:$0x3FFB];
	_ =	sdelay $0x3  }
0x92: {  	_ =	strace s17  }
0x93: {  	s2 =	sld [smem:$0x3FFC];
	_ =	sdelay $0x3  }
0x94: {  	_ =	strace s2  }
0x95: {  	s2 =	sld [smem:$0x3FFD];
	_ =	sdelay $0x3  }
0x96: {  	_ =	strace s2  }
0x97: {  	_ =	strace $0x8FFFFFFF  }
0x98: {  	s18 =	sld [smem:$0x3FDB];
	_ =	sdelay $0x1  }
0x99: {  	s19 =	simm.s32 $_scs_section_size  }
0x9a: {  	s4 =	simm.s32 $_size__tile_overlayer_lowered;
	s5 =	simm.s32 $_tile_overlayer_lowered  }
0x9b: {  	s22 =	simm.s32 $0x1BFF;
	s21 =	sshll.u32 s5, $0x1;
	s2 =	sadd.s32 s19, s18  }
0x9c: {  	s6 =	simm.s32 $0x0;
	s20 =	sshll.u32 s4, $0x1;
	s4 =	sadd.s32 s21, s2  }
0x9d: {  	[timem:s6], [sflag:s22] =	dma.local [hbm:s4], s20  }
0x9e: {  	_ =	swait.ge [sflag:s22], s20  }
0x9f: {  	s3 =	ssub.s32 $0x0, s20;
	[sflag:s22] =	ssyncset.done $0x0  }
0xa0: {  	[sflag:s22] =	ssyncadd.s32 s3;
	_ =	sdelay $0x1  }
0xa1: {  	s23 =	simm.s32 $0x1B8B  }
0xa2: {  	_ =	swait.ge [sflag:s23], $0x1  }
0xa3: {  	[sflag:s23] =	ssyncset.done $0x0  }
0xa4: {  	s25 =	simm.s32 $0x1B8E;
	s24 =	sld [smem:$0x3FFE];
	[sflag:s23] =	ssyncadd.s32 $0xFFFFFFFF  }
0xa5: {  	s26 =	simm.s32 $execute0_lowered;
	[smem:$0x3FD2] =	sst s25  }
0xa6: {  	s4 =	sshll.u32 s26, $0x1;
	_ =	strace $0x8000004C;
	[dreg:$0x1] =	wrdreg $0xFFFFFFFF  }
0xa7: {  	s28 =	simm.s32 $_size_execute0_lowered;
	s2 =	sadd.s32 s2, s4;
	[dreg:$0x0] =	wrdreg $0x0  }
0xa8: {  	s4 =	sshll.u32 s28, $0x1;
	[dreg:$0x2] =	wrdreg s2  }
0xa9: {  	[dreg:$0x3] =	wrdreg s4  }
0xaa: {  	[dreg:$0x4] =	wrdreg $0xC0  }
0xab: {  	_ =	task [dreg:s6], $0x5FFFF  }
0xac: {  	[dreg:$0x1] =	wrdreg $0xFFFFFFFF  }
0xad: {  	[dreg:$0x0] =	wrdreg $0x60  }
0xae: {  	[dreg:$0x2] =	wrdreg s24  }
0xaf: {  	[dreg:$0x3] =	wrdreg $0x67000  }
0xb0: {  	[dreg:$0x4] =	wrdreg $0x9  }
0xb1: {  	_ =	task.clear_ibuf [dreg:s6], $0x5FFFF;
	_ =	strace $0x9000004C  }
0xb2: {  	s29 =	simm.s32 $0x9;
	_ =	strace $0x8000004E  }
0xb3: {  	_ =	swait.ge [sflag:s29], $0x1  }
0xb4: {  	[sflag:s29] =	ssyncadd.s32 $0xFFFFFFFF  }
0xb5: {  	_ =	strace $0x9000004E  }
0xb6: {  	_ =	sfence  }
0xb7: {  	s30 =	sld [smem:$0x0];
	_ =	sdelay $0x2  }
0xb8: {  	s31 =	sshll.u32 s1, $0xD;
	s1 =	sshrl.u32 s1, $0x2  }
0xb9: {  	s3 =	sand.u32 $0x4000, s31;
	s1 =	sadd.s32 s1, s30  }
0xba: {  	s0 =	sor.u32 s3, s0;
	s1 =	sshll.u32 s1, $0x11  }
0xbb: {  	s0 =	sor.u32 s1, s0  }
0xbc: {  	s0 =	sadd.s32 $0x8F2B, s0  }
0xbd: {  	[sflag:s0] =	ssyncadd.remote.s32 $0x1  }
0xbe: {  	_ =	sfence.sel $0xFFFF  }
0xbf: {  	[dreg:$0x0] =	wrdreg $0xFFFFFFFF;
	(pc) =	sbr.abs _section_cstart, $3  }
0xc0: {  	[dreg:$0x1] =	wrdreg $0xFFFFFFFF  }
0xc1: {  	_ =	task.clear_ibuf [dreg:s6], $0x2FFFF;
	_ =	strace $0x9FFFFFFF  }
0xc2: {  	(tm) =	ssettm $0x7FFFFFFF  }
0xc3: {  	_ =	shalt  }
tec
execute0_lowered:
.L_overlay_start_1:
0x0: {  	(tag) =	ssettag $0x1  }
0x1: {  	s0 =	rddreg [dreg:$0x0]  }
0x2: {  	s2 =	rddreg [dreg:$0x1];
	s9 =	stileid.u32;
	s3 =	simm.s32 $0x0  }
0x3: {  	s1 =	srdreg.scid;
	s14 =	simm.s32 $0x100;
	[smem:$0x7FF] =	sst s3  }
0x4: {  	s16 =	simm.s32 $0x180;
	_ =	strace $0x8000004D;
	[dreg:$0x5] =	wrdreg s14  }
0x5: {  	s18 =	simm.s32 $0x200;
	s20 =	simm.s32 $0x280;
	[dreg:$0x6] =	wrdreg s16  }
0x6: {  	s22 =	simm.s32 $0x880;
	s4 =	smul.u32 $0x3100, s9;
	[dreg:$0x7] =	wrdreg s18  }
0x7: {  	s25 =	simm.s32 $0x300;
	s7 =	smul.u32 $0x30E0, s9;
	[dreg:$0x8] =	wrdreg s20  }
0x8: {  	s1 =	sand.u32 $0x1, s1;
	s9 =	smul.u32 $0x61C00, s9;
	[dreg:$0x9] =	wrdreg s22  }
0x9: {  	s5 =	smul.u32 $0x30E00, s1;
	s8 =	ssub.s32 $0x2, s1;
	[dreg:$0xa] =	wrdreg s25  }
0xa: {  	s6 =	sadd.s32 s4, s0;
	s11 =	sshrl.u32 s9, $0x2;
	s9 =	simm.s32 $0x980  }
0xb: {  	s1 =	smul.u32 $0x31000, s1;
	s12 =	sadd.s32 $0x1E00, s6;
	[dreg:$0xd] =	wrdreg s9  }
0xc: {  	s5 =	sadd.s32 s7, s5;
	s7 =	simm.s32 $0x380;
	[dreg:$0x4] =	wrdreg s12  }
0xd: {  	s24 =	sadd.s32 s11, s2;
	s11 =	simm.s32 $0x400;
	[dreg:$0xc] =	wrdreg s7  }
0xe: {  	s26 =	sshrl.u32 s8, $0x1;
	s1 =	sadd.s32 s1, s6;
	[dreg:$0xe] =	wrdreg s11  }
0xf: {  	s10 =	ssub.s32 s8, s26;
	s1 =	sadd.s32 $0x94A00, s1;
	[dreg:$0x17] =	wrdreg s24  }
0x10: {  	s13 =	smax.u32 s10, $0x1;
	[dreg:$0x3] =	wrdreg s1  }
0x11: {  	s15 =	sadd.s32 $0x1700, s24;
	[dreg:$0x18] =	wrdreg s13  }
0x12: {  	s17 =	sadd.s32 $0x2E00, s24;
	[dreg:$0x19] =	wrdreg s15  }
0x13: {  	s19 =	sadd.s32 $0x4500, s24;
	[dreg:$0x1a] =	wrdreg s17  }
0x14: {  	s21 =	sadd.s32 $0x5C00, s24;
	[dreg:$0x1b] =	wrdreg s19  }
0x15: {  	s23 =	sadd.s32 $0x7300, s24;
	[dreg:$0x1c] =	wrdreg s21  }
0x16: {  	s26 =	sadd.s32 $0x8A00, s24;
	[dreg:$0x1d] =	wrdreg s23  }
0x17: {  	s4 =	sadd.s32 $0x32E00, s0;
	s6 =	sadd.s32 $0xA100, s24;
	[dreg:$0x1e] =	wrdreg s26  }
0x18: {  	s0 =	sadd.s32 s5, s0;
	s5 =	simm.s32 $0x900;
	[dreg:$0x1f] =	wrdreg s6  }
0x19: {  	s28 =	simm.s32 $0x80;
	s8 =	sadd.s32 $0xB800, s24;
	[dreg:$0xb] =	wrdreg s5  }
0x1a: {  	s29 =	simm.s32 $0x1000;
	s10 =	sadd.s32 $0xCF00, s24;
	[smem:$0x7F5] =	sst s8  }
0x1b: {  	s30 =	simm.s32 $0x1800;
	s12 =	sadd.s32 $0xE600, s24;
	[smem:$0x7F6] =	sst s10  }
0x1c: {  	s31 =	simm.s32 $0x2000;
	s14 =	sadd.s32 $0xFD00, s24;
	[smem:$0x7F7] =	sst s12  }
0x1d: {  	s9 =	simm.s32 $0x4800;
	s16 =	sadd.s32 $0x11400, s24;
	[smem:$0x7F8] =	sst s14  }
0x1e: {  	s18 =	sadd.s32 $0x12B00, s24;
	s20 =	sadd.s32 $0x14200, s24;
	[smem:$0x7F9] =	sst s16  }
0x1f: {  	s22 =	sadd.s32 $0x15900, s24;
	s25 =	sadd.s32 $0x17000, s24;
	[smem:$0x7FA] =	sst s18  }
0x20: {  	s7 =	simm.s32 $0x3800;
	s11 =	simm.s32 $0xC00;
	[smem:$0x7FB] =	sst s20  }
0x21: {  	s0 =	sadd.s32 $0xF6A00, s0;
	s13 =	simm.s32 $0xA00;
	[smem:$0x7FC] =	sst s22  }
0x22: {  	s15 =	simm.s32 $0x480;
	s17 =	simm.s32 $0xA80;
	[smem:$0x7FD] =	sst s25  }
0x23: {  	s19 =	simm.s32 $0x500;
	s21 =	simm.s32 $0xB00;
	[dreg:$0x16] =	wrdreg s0  }
0x24: {  	s23 =	simm.s32 $0x580;
	s26 =	simm.s32 $0xB80;
	[dreg:$0xf] =	wrdreg s13  }
0x25: {  	s25 =	simm.s32 $0x2;
	s1 =	simm.s32 $0x1;
	[dreg:$0x10] =	wrdreg s15  }
0x26: {  	s5 =	simm.s32 $0x3000;
	s8 =	simm.s32 $0x4000;
	[dreg:$0x11] =	wrdreg s17  }
0x27: {  	s10 =	simm.s32 $0x600;
	s12 =	simm.s32 $0x680;
	[dreg:$0x12] =	wrdreg s19  }
0x28: {  	s14 =	simm.s32 $0x700;
	s16 =	simm.s32 $0x780;
	[dreg:$0x13] =	wrdreg s21  }
0x29: {  	s18 =	simm.s32 $0xE00;
	s20 =	simm.s32 $0xF00;
	[dreg:$0x14] =	wrdreg s23  }
0x2a: {  	s22 =	simm.s32 $0x0;
	[dreg:$0x15] =	wrdreg s26;
	s26 =	simm.s32 $0x800  }
0x2b: {  	s0 =	simm.s32 $0x2800;
	s13 =	simm.s32 $0xC80;
	s15 =	simm.s32 $0xD00  }
0x2c: {  	v0 =	vimm.f32 $0.0e+00;
	s17 =	simm.s32 $0xD80;
	s19 =	simm.s32 $0xE80;
	s21 =	simm.s32 $0xF80  }
.LBB2_1:
0x2d: {  	[smem:$0x7F4] =	sst s22;
	s6 =	simm.s32 $0x40;
	s22 =	simm.s32 $0x0  }
.LBB2_2:
0x2e: {  	p0 =	sne.s32 s6, $0x5BC0;
	[tilespmem:s22+$0x5000] =	vst v0;
	s22 =	smov.u32 s6;
	s6 =	sadd.s32 $0x40, s6  }
.Ltmp0:
0x2f: {  	(pc) =	sbr.rel @p0 .LBB2_2-.Ltmp0, $2  }
0x30: {  	_ =	sdelay $0x2  }
0x31: {  	s22 =	sshra.s32 s22, $0x2  }
0x32: {  	[tilespmem:s22+$0x5000] =	vst v0;
	s22 =	simm.s32 $0x5000  }
0x33: {  	[spmem:s24] =	stream.linear.scatter [tilespmem:s22], [sflag:$0x2], $0x1700, $0x38;
	[tilespmem:$0x1EE00] =	vst v63  }
0x34: {  	_ =	swait.ge [sflag:s25], $0x1700  }
0x35: {  	[sflag:s25] =	ssyncset.done $0x0  }
0x36: {  	s6 =	rddreg [dreg:$0x19];
	[sflag:s25] =	ssyncadd.s32 $0xFFFFE900  }
0x37: {  	[spmem:s6] =	stream.linear.scatter [tilespmem:s22], [sflag:$0x2], $0x1700, $0x38;
	[tilespmem:$0x1EE00] =	vst v63  }
0x38: {  	_ =	swait.ge [sflag:s25], $0x1700  }
0x39: {  	[sflag:s25] =	ssyncset.done $0x0  }
0x3a: {  	s23 =	rddreg [dreg:$0x1a];
	[sflag:s25] =	ssyncadd.s32 $0xFFFFE900  }
0x3b: {  	[spmem:s23] =	stream.linear.scatter [tilespmem:s22], [sflag:$0x2], $0x1700, $0x38;
	[tilespmem:$0x1EE00] =	vst v63  }
0x3c: {  	_ =	swait.ge [sflag:s25], $0x1700  }
0x3d: {  	[sflag:s25] =	ssyncset.done $0x0  }
0x3e: {  	s24 =	rddreg [dreg:$0x1b];
	[sflag:s25] =	ssyncadd.s32 $0xFFFFE900  }
0x3f: {  	[spmem:s24] =	stream.linear.scatter [tilespmem:s22], [sflag:$0x2], $0x1700, $0x38;
	[tilespmem:$0x1EE00] =	vst v63  }
0x40: {  	_ =	swait.ge [sflag:s25], $0x1700  }
0x41: {  	[sflag:s25] =	ssyncset.done $0x0  }
0x42: {  	s23 =	rddreg [dreg:$0x1c];
	[sflag:s25] =	ssyncadd.s32 $0xFFFFE900  }
0x43: {  	[spmem:s23] =	stream.linear.scatter [tilespmem:s22], [sflag:$0x2], $0x1700, $0x38;
	[tilespmem:$0x1EE00] =	vst v63  }
0x44: {  	_ =	swait.ge [sflag:s25], $0x1700  }
0x45: {  	[sflag:s25] =	ssyncset.done $0x0  }
0x46: {  	s24 =	rddreg [dreg:$0x1d];
	[sflag:s25] =	ssyncadd.s32 $0xFFFFE900  }
0x47: {  	[spmem:s24] =	stream.linear.scatter [tilespmem:s22], [sflag:$0x2], $0x1700, $0x38;
	[tilespmem:$0x1EE00] =	vst v63  }
0x48: {  	_ =	swait.ge [sflag:s25], $0x1700  }
0x49: {  	[sflag:s25] =	ssyncset.done $0x0  }
0x4a: {  	s23 =	rddreg [dreg:$0x1e];
	[sflag:s25] =	ssyncadd.s32 $0xFFFFE900  }
0x4b: {  	[spmem:s23] =	stream.linear.scatter [tilespmem:s22], [sflag:$0x2], $0x1700, $0x38;
	[tilespmem:$0x1EE00] =	vst v63  }
0x4c: {  	_ =	swait.ge [sflag:s25], $0x1700  }
0x4d: {  	[sflag:s25] =	ssyncset.done $0x0  }
0x4e: {  	s24 =	rddreg [dreg:$0x1f];
	[sflag:s25] =	ssyncadd.s32 $0xFFFFE900  }
0x4f: {  	[spmem:s24] =	stream.linear.scatter [tilespmem:s22], [sflag:$0x2], $0x1700, $0x38;
	[tilespmem:$0x1EE00] =	vst v63  }
0x50: {  	_ =	swait.ge [sflag:s25], $0x1700  }
0x51: {  	s23 =	sld [smem:$0x7F5]  }
0x52: {  	[sflag:s25] =	ssyncset.done $0x0  }
0x53: {  	[sflag:s25] =	ssyncadd.s32 $0xFFFFE900  }
0x54: {  	[spmem:s23] =	stream.linear.scatter [tilespmem:s22], [sflag:$0x2], $0x1700, $0x38;
	[tilespmem:$0x1EE00] =	vst v63  }
0x55: {  	_ =	swait.ge [sflag:s25], $0x1700  }
0x56: {  	s24 =	sld [smem:$0x7F6]  }
0x57: {  	[sflag:s25] =	ssyncset.done $0x0  }
0x58: {  	[sflag:s25] =	ssyncadd.s32 $0xFFFFE900  }
0x59: {  	[spmem:s24] =	stream.linear.scatter [tilespmem:s22], [sflag:$0x2], $0x1700, $0x38;
	[tilespmem:$0x1EE00] =	vst v63  }
0x5a: {  	_ =	swait.ge [sflag:s25], $0x1700  }
0x5b: {  	s23 =	sld [smem:$0x7F7]  }
0x5c: {  	[sflag:s25] =	ssyncset.done $0x0  }
0x5d: {  	[sflag:s25] =	ssyncadd.s32 $0xFFFFE900  }
0x5e: {  	[spmem:s23] =	stream.linear.scatter [tilespmem:s22], [sflag:$0x2], $0x1700, $0x38;
	[tilespmem:$0x1EE00] =	vst v63  }
0x5f: {  	_ =	swait.ge [sflag:s25], $0x1700  }
0x60: {  	s24 =	sld [smem:$0x7F8]  }
0x61: {  	[sflag:s25] =	ssyncset.done $0x0  }
0x62: {  	[sflag:s25] =	ssyncadd.s32 $0xFFFFE900  }
0x63: {  	[spmem:s24] =	stream.linear.scatter [tilespmem:s22], [sflag:$0x2], $0x1700, $0x38;
	[tilespmem:$0x1EE00] =	vst v63  }
0x64: {  	_ =	swait.ge [sflag:s25], $0x1700  }
0x65: {  	s23 =	sld [smem:$0x7F9]  }
0x66: {  	[sflag:s25] =	ssyncset.done $0x0  }
0x67: {  	[sflag:s25] =	ssyncadd.s32 $0xFFFFE900  }
0x68: {  	[spmem:s23] =	stream.linear.scatter [tilespmem:s22], [sflag:$0x2], $0x1700, $0x38;
	[tilespmem:$0x1EE00] =	vst v63  }
0x69: {  	_ =	swait.ge [sflag:s25], $0x1700  }
0x6a: {  	s24 =	sld [smem:$0x7FA]  }
0x6b: {  	[sflag:s25] =	ssyncset.done $0x0  }
0x6c: {  	[sflag:s25] =	ssyncadd.s32 $0xFFFFE900  }
0x6d: {  	[spmem:s24] =	stream.linear.scatter [tilespmem:s22], [sflag:$0x2], $0x1700, $0x38;
	[tilespmem:$0x1EE00] =	vst v63  }
0x6e: {  	_ =	swait.ge [sflag:s25], $0x1700  }
0x6f: {  	s23 =	sld [smem:$0x7FB]  }
0x70: {  	[sflag:s25] =	ssyncset.done $0x0  }
0x71: {  	[sflag:s25] =	ssyncadd.s32 $0xFFFFE900  }
0x72: {  	[spmem:s23] =	stream.linear.scatter [tilespmem:s22], [sflag:$0x2], $0x1700, $0x38;
	[tilespmem:$0x1EE00] =	vst v63  }
0x73: {  	_ =	swait.ge [sflag:s25], $0x1700  }
0x74: {  	s24 =	sld [smem:$0x7FC]  }
0x75: {  	[sflag:s25] =	ssyncset.done $0x0  }
0x76: {  	[sflag:s25] =	ssyncadd.s32 $0xFFFFE900  }
0x77: {  	[spmem:s24] =	stream.linear.scatter [tilespmem:s22], [sflag:$0x2], $0x1700, $0x38;
	[tilespmem:$0x1EE00] =	vst v63  }
0x78: {  	_ =	swait.ge [sflag:s25], $0x1700  }
0x79: {  	s23 =	sld [smem:$0x7FD]  }
0x7a: {  	[sflag:s25] =	ssyncset.done $0x0  }
0x7b: {  	[sflag:s25] =	ssyncadd.s32 $0xFFFFE900  }
0x7c: {  	[spmem:s23] =	stream.linear.scatter [tilespmem:s22], [sflag:$0x2], $0x1700, $0x38;
	[tilespmem:$0x1EE00] =	vst v63  }
0x7d: {  	_ =	swait.ge [sflag:s25], $0x1700  }
0x7e: {  	[sflag:s25] =	ssyncset.done $0x0  }
0x7f: {  	[sflag:s25] =	ssyncadd.s32 $0xFFFFE900  }
0x80: {  	[bflag:$0x0] =	sbarrier.arrive $0xFFFF  }
0x81: {  	s24 =	rddreg [dreg:$0x3]  }
0x82: {  	s6 =	sadd.s32 $0x0, s24  }
0x83: {  	[tilespmem:s3], [sflag:$0x2] =	stream.linear.gather [hbm4b:s6+s3], $0x800, $0x38;
	[tilespmem:$0x1EE00] =	vst v63  }
0x84: {  	_ =	swait.ge [sflag:s25], $0x800  }
0x85: {  	s22 =	rddreg [dreg:$0x4];
	[sflag:s25] =	ssyncset.done $0x0  }
0x86: {  	[sflag:s25] =	ssyncadd.s32 $0xFFFFF800;
	s6 =	sadd.s32 $0x0, s22  }
0x87: {  	[tilespmem:s26], [sflag:$0x2] =	stream.linear.gather [hbm4b:s6+s3], $0x800, $0x38;
	[tilespmem:$0x1EE00] =	vst v63  }
0x88: {  	_ =	swait.ge [sflag:s25], $0x800  }
0x89: {  	[sflag:s25] =	ssyncset.done $0x0  }
0x8a: {  	[sflag:s25] =	ssyncadd.s32 $0xFFFFF800  }
0x8b: {  	[tilespmem:s29], [sflag:$0x1] =	stream.indirect.gather [hbm4b:s4+s28], $0x10, s3, s28, $0xb8;
	[tilespmem:$0x1EE00] =	vst v63  }
0x8c: {  	_ = 	snop  }
0x8d: {  	[tilespmem:s30], [sflag:$0x1] =	stream.indirect.gather [hbm4b:s4+s28], $0x10, s28, s28, $0xb8;
	[tilespmem:$0x1EE00] =	vst v63  }
0x8e: {  	s23 =	rddreg [dreg:$0x5]  }
0x8f: {  	[tilespmem:s31], [sflag:$0x1] =	stream.indirect.gather [hbm4b:s4+s28], $0x10, s23, s28, $0xb8;
	[tilespmem:$0x1EE00] =	vst v63  }
0x90: {  	s24 =	rddreg [dreg:$0x6]  }
0x91: {  	[tilespmem:s0], [sflag:$0x1] =	stream.indirect.gather [hbm4b:s4+s28], $0x10, s24, s28, $0xb8;
	[tilespmem:$0x1EE00] =	vst v63  }
0x92: {  	_ =	swait.ge [sflag:s1], $0x800  }
0x93: {  	[sflag:s1] =	ssyncset.done $0x0  }
0x94: {  	s22 =	rddreg [dreg:$0x7];
	[sflag:s1] =	ssyncadd.s32 $0xFFFFF800  }
0x95: {  	[tilespmem:s5], [sflag:$0x1] =	stream.indirect.gather [hbm4b:s4+s28], $0x10, s22, s28, $0xb8;
	[tilespmem:$0x1EE00] =	vst v63  }
0x96: {  	_ = 	snop  }
0x97: {  	[spmem:s2] =	stream.indirect.scatter.add.f32 [tilespmem:s29], [sflag:$0x2], $0x10, s26, s28, $0xb8;
	[tilespmem:$0x1EE00] =	vst v63  }
0x98: {  	_ =	swait.ge [sflag:s25], $0x800  }
0x99: {  	[sflag:s25] =	ssyncset.done $0x0  }
0x9a: {  	[sflag:s25] =	ssyncadd.s32 $0xFFFFF800  }
0x9b: {  	_ =	swait.ge [sflag:s1], $0x800  }
0x9c: {  	[sflag:s1] =	ssyncset.done $0x0  }
0x9d: {  	s23 =	rddreg [dreg:$0x8];
	[sflag:s1] =	ssyncadd.s32 $0xFFFFF800  }
0x9e: {  	[tilespmem:s7], [sflag:$0x1] =	stream.indirect.gather [hbm4b:s4+s28], $0x10, s23, s28, $0xb8;
	[tilespmem:$0x1EE00] =	vst v63  }
0x9f: {  	s24 =	rddreg [dreg:$0x9]  }
0xa0: {  	[spmem:s2] =	stream.indirect.scatter.add.f32 [tilespmem:s30], [sflag:$0x2], $0x10, s24, s28, $0xb8;
	[tilespmem:$0x1EE00] =	vst v63  }
0xa1: {  	_ =	swait.ge [sflag:s25], $0x800  }
0xa2: {  	[sflag:s25] =	ssyncset.done $0x0  }
0xa3: {  	[sflag:s25] =	ssyncadd.s32 $0xFFFFF800  }
0xa4: {  	_ =	swait.ge [sflag:s1], $0x800  }
0xa5: {  	[sflag:s1] =	ssyncset.done $0x0  }
0xa6: {  	s23 =	rddreg [dreg:$0xa];
	[sflag:s1] =	ssyncadd.s32 $0xFFFFF800  }
0xa7: {  	[tilespmem:s8], [sflag:$0x1] =	stream.indirect.gather [hbm4b:s4+s28], $0x10, s23, s28, $0xb8;
	[tilespmem:$0x1EE00] =	vst v63  }
0xa8: {  	s24 =	rddreg [dreg:$0xb]  }
0xa9: {  	[spmem:s2] =	stream.indirect.scatter.add.f32 [tilespmem:s31], [sflag:$0x2], $0x10, s24, s28, $0xb8;
	[tilespmem:$0x1EE00] =	vst v63  }
0xaa: {  	_ =	swait.ge [sflag:s25], $0x800  }
0xab: {  	[sflag:s25] =	ssyncset.done $0x0  }
0xac: {  	[sflag:s25] =	ssyncadd.s32 $0xFFFFF800  }
0xad: {  	_ =	swait.ge [sflag:s1], $0x800  }
0xae: {  	[sflag:s1] =	ssyncset.done $0x0  }
0xaf: {  	s23 =	rddreg [dreg:$0xc];
	[sflag:s1] =	ssyncadd.s32 $0xFFFFF800  }
0xb0: {  	[tilespmem:s9], [sflag:$0x1] =	stream.indirect.gather [hbm4b:s4+s28], $0x10, s23, s28, $0xb8;
	[tilespmem:$0x1EE00] =	vst v63  }
0xb1: {  	s24 =	rddreg [dreg:$0xd]  }
0xb2: {  	[spmem:s2] =	stream.indirect.scatter.add.f32 [tilespmem:s0], [sflag:$0x2], $0x10, s24, s28, $0xb8;
	[tilespmem:$0x1EE00] =	vst v63  }
0xb3: {  	_ =	swait.ge [sflag:s25], $0x800  }
0xb4: {  	[sflag:s25] =	ssyncset.done $0x0  }
0xb5: {  	[sflag:s25] =	ssyncadd.s32 $0xFFFFF800  }
0xb6: {  	_ =	swait.ge [sflag:s1], $0x800  }
0xb7: {  	[sflag:s1] =	ssyncset.done $0x0  }
0xb8: {  	s23 =	rddreg [dreg:$0xe];
	[sflag:s1] =	ssyncadd.s32 $0xFFFFF800  }
0xb9: {  	[tilespmem:s29], [sflag:$0x1] =	stream.indirect.gather [hbm4b:s4+s28], $0x10, s23, s28, $0xb8;
	[tilespmem:$0x1EE00] =	vst v63  }
0xba: {  	s24 =	rddreg [dreg:$0xf]  }
0xbb: {  	[spmem:s2] =	stream.indirect.scatter.add.f32 [tilespmem:s5], [sflag:$0x2], $0x10, s24, s28, $0xb8;
	[tilespmem:$0x1EE00] =	vst v63  }
0xbc: {  	_ =	swait.ge [sflag:s25], $0x800  }
0xbd: {  	[sflag:s25] =	ssyncset.done $0x0  }
0xbe: {  	[sflag:s25] =	ssyncadd.s32 $0xFFFFF800  }
0xbf: {  	_ =	swait.ge [sflag:s1], $0x800  }
0xc0: {  	[sflag:s1] =	ssyncset.done $0x0  }
0xc1: {  	s23 =	rddreg [dreg:$0x10];
	[sflag:s1] =	ssyncadd.s32 $0xFFFFF800  }
0xc2: {  	[tilespmem:s30], [sflag:$0x1] =	stream.indirect.gather [hbm4b:s4+s28], $0x10, s23, s28, $0xb8;
	[tilespmem:$0x1EE00] =	vst v63  }
0xc3: {  	s24 =	rddreg [dreg:$0x11]  }
0xc4: {  	[spmem:s2] =	stream.indirect.scatter.add.f32 [tilespmem:s7], [sflag:$0x2], $0x10, s24, s28, $0xb8;
	[tilespmem:$0x1EE00] =	vst v63  }
0xc5: {  	_ =	swait.ge [sflag:s25], $0x800  }
0xc6: {  	[sflag:s25] =	ssyncset.done $0x0  }
0xc7: {  	[sflag:s25] =	ssyncadd.s32 $0xFFFFF800  }
0xc8: {  	_ =	swait.ge [sflag:s1], $0x800  }
0xc9: {  	[sflag:s1] =	ssyncset.done $0x0  }
0xca: {  	s23 =	rddreg [dreg:$0x12];
	[sflag:s1] =	ssyncadd.s32 $0xFFFFF800  }
0xcb: {  	[tilespmem:s31], [sflag:$0x1] =	stream.indirect.gather [hbm4b:s4+s28], $0x10, s23, s28, $0xb8;
	[tilespmem:$0x1EE00] =	vst v63  }
0xcc: {  	s24 =	rddreg [dreg:$0x13]  }
0xcd: {  	[spmem:s2] =	stream.indirect.scatter.add.f32 [tilespmem:s8], [sflag:$0x2], $0x10, s24, s28, $0xb8;
	[tilespmem:$0x1EE00] =	vst v63  }
0xce: {  	_ =	swait.ge [sflag:s25], $0x800  }
0xcf: {  	[sflag:s25] =	ssyncset.done $0x0  }
0xd0: {  	[sflag:s25] =	ssyncadd.s32 $0xFFFFF800  }
0xd1: {  	_ =	swait.ge [sflag:s1], $0x800  }
0xd2: {  	[sflag:s1] =	ssyncset.done $0x0  }
0xd3: {  	s23 =	rddreg [dreg:$0x14];
	[sflag:s1] =	ssyncadd.s32 $0xFFFFF800  }
0xd4: {  	[tilespmem:s0], [sflag:$0x1] =	stream.indirect.gather [hbm4b:s4+s28], $0x10, s23, s28, $0xb8;
	[tilespmem:$0x1EE00] =	vst v63  }
0xd5: {  	s24 =	rddreg [dreg:$0x15]  }
0xd6: {  	[spmem:s2] =	stream.indirect.scatter.add.f32 [tilespmem:s9], [sflag:$0x2], $0x10, s24, s28, $0xb8;
	[tilespmem:$0x1EE00] =	vst v63  }
0xd7: {  	_ =	swait.ge [sflag:s25], $0x800  }
0xd8: {  	[sflag:s25] =	ssyncset.done $0x0  }
0xd9: {  	[sflag:s25] =	ssyncadd.s32 $0xFFFFF800  }
0xda: {  	_ =	swait.ge [sflag:s1], $0x800  }
0xdb: {  	[sflag:s1] =	ssyncset.done $0x0  }
0xdc: {  	[sflag:s1] =	ssyncadd.s32 $0xFFFFF800  }
0xdd: {  	[tilespmem:s5], [sflag:$0x1] =	stream.indirect.gather [hbm4b:s4+s28], $0x10, s10, s28, $0xb8;
	[tilespmem:$0x1EE00] =	vst v63  }
0xde: {  	_ = 	snop  }
0xdf: {  	[spmem:s2] =	stream.indirect.scatter.add.f32 [tilespmem:s29], [sflag:$0x2], $0x10, s11, s28, $0xb8;
	[tilespmem:$0x1EE00] =	vst v63  }
0xe0: {  	_ =	swait.ge [sflag:s25], $0x800  }
0xe1: {  	[sflag:s25] =	ssyncset.done $0x0  }
0xe2: {  	[sflag:s25] =	ssyncadd.s32 $0xFFFFF800  }
0xe3: {  	_ =	swait.ge [sflag:s1], $0x800  }
0xe4: {  	[sflag:s1] =	ssyncset.done $0x0  }
0xe5: {  	[sflag:s1] =	ssyncadd.s32 $0xFFFFF800  }
0xe6: {  	[tilespmem:s7], [sflag:$0x1] =	stream.indirect.gather [hbm4b:s4+s28], $0x10, s12, s28, $0xb8;
	[tilespmem:$0x1EE00] =	vst v63  }
0xe7: {  	_ = 	snop  }
0xe8: {  	[spmem:s2] =	stream.indirect.scatter.add.f32 [tilespmem:s30], [sflag:$0x2], $0x10, s13, s28, $0xb8;
	[tilespmem:$0x1EE00] =	vst v63  }
0xe9: {  	_ =	swait.ge [sflag:s25], $0x800  }
0xea: {  	[sflag:s25] =	ssyncset.done $0x0  }
0xeb: {  	[sflag:s25] =	ssyncadd.s32 $0xFFFFF800  }
0xec: {  	_ =	swait.ge [sflag:s1], $0x800  }
0xed: {  	[sflag:s1] =	ssyncset.done $0x0  }
0xee: {  	[sflag:s1] =	ssyncadd.s32 $0xFFFFF800  }
0xef: {  	[tilespmem:s8], [sflag:$0x1] =	stream.indirect.gather [hbm4b:s4+s28], $0x10, s14, s28, $0xb8;
	[tilespmem:$0x1EE00] =	vst v63  }
0xf0: {  	_ = 	snop  }
0xf1: {  	[spmem:s2] =	stream.indirect.scatter.add.f32 [tilespmem:s31], [sflag:$0x2], $0x10, s15, s28, $0xb8;
	[tilespmem:$0x1EE00] =	vst v63  }
0xf2: {  	_ =	swait.ge [sflag:s25], $0x800  }
0xf3: {  	[sflag:s25] =	ssyncset.done $0x0  }
0xf4: {  	[sflag:s25] =	ssyncadd.s32 $0xFFFFF800  }
0xf5: {  	_ =	swait.ge [sflag:s1], $0x800  }
0xf6: {  	[sflag:s1] =	ssyncset.done $0x0  }
0xf7: {  	[sflag:s1] =	ssyncadd.s32 $0xFFFFF800  }
0xf8: {  	[tilespmem:s9], [sflag:$0x1] =	stream.indirect.gather [hbm4b:s4+s28], $0x10, s16, s28, $0xb8;
	[tilespmem:$0x1EE00] =	vst v63  }
0xf9: {  	_ = 	snop  }
0xfa: {  	[spmem:s2] =	stream.indirect.scatter.add.f32 [tilespmem:s0], [sflag:$0x2], $0x10, s17, s28, $0xb8;
	[tilespmem:$0x1EE00] =	vst v63  }
0xfb: {  	_ =	swait.ge [sflag:s25], $0x800  }
0xfc: {  	[sflag:s25] =	ssyncset.done $0x0  }
0xfd: {  	[sflag:s25] =	ssyncadd.s32 $0xFFFFF800  }
0xfe: {  	_ =	swait.ge [sflag:s1], $0x800  }
0xff: {  	[sflag:s1] =	ssyncset.done $0x0  }
0x100: {  	[sflag:s1] =	ssyncadd.s32 $0xFFFFF800  }
0x101: {  	[spmem:s2] =	stream.indirect.scatter.add.f32 [tilespmem:s5], [sflag:$0x2], $0x10, s18, s28, $0xb8;
	[tilespmem:$0x1EE00] =	vst v63  }
0x102: {  	_ =	swait.ge [sflag:s25], $0x800  }
0x103: {  	[sflag:s25] =	ssyncset.done $0x0  }
0x104: {  	[sflag:s25] =	ssyncadd.s32 $0xFFFFF800  }
0x105: {  	_ =	swait.ge [sflag:s1], $0x800  }
0x106: {  	[sflag:s1] =	ssyncset.done $0x0  }
0x107: {  	[sflag:s1] =	ssyncadd.s32 $0xFFFFF800  }
0x108: {  	[spmem:s2] =	stream.indirect.scatter.add.f32 [tilespmem:s7], [sflag:$0x2], $0x10, s19, s28, $0xb8;
	[tilespmem:$0x1EE00] =	vst v63  }
0x109: {  	_ =	swait.ge [sflag:s25], $0x800  }
0x10a: {  	[sflag:s25] =	ssyncset.done $0x0  }
0x10b: {  	[sflag:s25] =	ssyncadd.s32 $0xFFFFF800  }
0x10c: {  	_ =	swait.ge [sflag:s1], $0x800  }
0x10d: {  	[sflag:s1] =	ssyncset.done $0x0  }
0x10e: {  	[sflag:s1] =	ssyncadd.s32 $0xFFFFF800  }
0x10f: {  	[spmem:s2] =	stream.indirect.scatter.add.f32 [tilespmem:s8], [sflag:$0x2], $0x10, s20, s28, $0xb8;
	[tilespmem:$0x1EE00] =	vst v63  }
0x110: {  	_ =	swait.ge [sflag:s25], $0x800  }
0x111: {  	[sflag:s25] =	ssyncset.done $0x0  }
0x112: {  	[sflag:s25] =	ssyncadd.s32 $0xFFFFF800  }
0x113: {  	_ =	swait.ge [sflag:s1], $0x800  }
0x114: {  	[sflag:s1] =	ssyncset.done $0x0  }
0x115: {  	[sflag:s1] =	ssyncadd.s32 $0xFFFFF800  }
0x116: {  	[spmem:s2] =	stream.indirect.scatter.add.f32 [tilespmem:s9], [sflag:$0x2], $0x10, s21, s28, $0xb8;
	[tilespmem:$0x1EE00] =	vst v63  }
0x117: {  	s6 =	simm.s32 $0x200;
	_ =	swait.ge [sflag:s25], $0x800  }
0x118: {  	s23 =	simm.s32 $0x100;
	s22 =	rddreg [dreg:$0x3];
	[sflag:s25] =	ssyncset.done $0x0  }
.LBB2_4:
0x119: {  	[sflag:s25] =	ssyncadd.s32 $0xFFFFF800;
	s22 =	sadd.s32 s23, s22  }
0x11a: {  	[tilespmem:s3], [sflag:$0x2] =	stream.linear.gather [hbm4b:s22+s3], $0x800, $0x38;
	[tilespmem:$0x1EE00] =	vst v63  }
0x11b: {  	_ =	swait.ge [sflag:s25], $0x800  }
0x11c: {  	s22 =	rddreg [dreg:$0x4];
	[sflag:s25] =	ssyncset.done $0x0  }
0x11d: {  	[sflag:s25] =	ssyncadd.s32 $0xFFFFF800;
	s22 =	sadd.s32 s23, s22  }
0x11e: {  	[tilespmem:s26], [sflag:$0x2] =	stream.linear.gather [hbm4b:s22+s3], $0x800, $0x38;
	[tilespmem:$0x1EE00] =	vst v63  }
0x11f: {  	_ =	swait.ge [sflag:s25], $0x800  }
0x120: {  	[sflag:s25] =	ssyncset.done $0x0  }
0x121: {  	[sflag:s25] =	ssyncadd.s32 $0xFFFFF800  }
0x122: {  	[tilespmem:s29], [sflag:$0x1] =	stream.indirect.gather [hbm4b:s4+s28], $0x10, s3, s28, $0xb8;
	[tilespmem:$0x1EE00] =	vst v63  }
0x123: {  	_ = 	snop  }
0x124: {  	[tilespmem:s30], [sflag:$0x1] =	stream.indirect.gather [hbm4b:s4+s28], $0x10, s28, s28, $0xb8;
	[tilespmem:$0x1EE00] =	vst v63  }
0x125: {  	s24 =	smov.u32 s6;
	s22 =	rddreg [dreg:$0x5]  }
0x126: {  	[tilespmem:s31], [sflag:$0x1] =	stream.indirect.gather [hbm4b:s4+s28], $0x10, s22, s28, $0xb8;
	[tilespmem:$0x1EE00] =	vst v63  }
0x127: {  	s23 =	smov.u32 s24;
	s24 =	rddreg [dreg:$0x6]  }
0x128: {  	[tilespmem:s0], [sflag:$0x1] =	stream.indirect.gather [hbm4b:s4+s28], $0x10, s24, s28, $0xb8;
	[tilespmem:$0x1EE00] =	vst v63  }
0x129: {  	_ =	swait.ge [sflag:s1], $0x800  }
0x12a: {  	[sflag:s1] =	ssyncset.done $0x0  }
0x12b: {  	s24 =	rddreg [dreg:$0x7];
	[sflag:s1] =	ssyncadd.s32 $0xFFFFF800  }
0x12c: {  	[tilespmem:s5], [sflag:$0x1] =	stream.indirect.gather [hbm4b:s4+s28], $0x10, s24, s28, $0xb8;
	[tilespmem:$0x1EE00] =	vst v63  }
0x12d: {  	_ = 	snop  }
0x12e: {  	[spmem:s2] =	stream.indirect.scatter.add.f32 [tilespmem:s29], [sflag:$0x2], $0x10, s26, s28, $0xb8;
	[tilespmem:$0x1EE00] =	vst v63  }
0x12f: {  	_ =	swait.ge [sflag:s25], $0x800  }
0x130: {  	[sflag:s25] =	ssyncset.done $0x0  }
0x131: {  	[sflag:s25] =	ssyncadd.s32 $0xFFFFF800  }
0x132: {  	_ =	swait.ge [sflag:s1], $0x800  }
0x133: {  	[sflag:s1] =	ssyncset.done $0x0  }
0x134: {  	s22 =	rddreg [dreg:$0x8];
	[sflag:s1] =	ssyncadd.s32 $0xFFFFF800  }
0x135: {  	[tilespmem:s7], [sflag:$0x1] =	stream.indirect.gather [hbm4b:s4+s28], $0x10, s22, s28, $0xb8;
	[tilespmem:$0x1EE00] =	vst v63  }
0x136: {  	s24 =	rddreg [dreg:$0x9]  }
0x137: {  	[spmem:s2] =	stream.indirect.scatter.add.f32 [tilespmem:s30], [sflag:$0x2], $0x10, s24, s28, $0xb8;
	[tilespmem:$0x1EE00] =	vst v63  }
0x138: {  	_ =	swait.ge [sflag:s25], $0x800  }
0x139: {  	[sflag:s25] =	ssyncset.done $0x0  }
0x13a: {  	[sflag:s25] =	ssyncadd.s32 $0xFFFFF800  }
0x13b: {  	_ =	swait.ge [sflag:s1], $0x800  }
0x13c: {  	[sflag:s1] =	ssyncset.done $0x0  }
0x13d: {  	s22 =	rddreg [dreg:$0xa];
	[sflag:s1] =	ssyncadd.s32 $0xFFFFF800  }
0x13e: {  	[tilespmem:s8], [sflag:$0x1] =	stream.indirect.gather [hbm4b:s4+s28], $0x10, s22, s28, $0xb8;
	[tilespmem:$0x1EE00] =	vst v63  }
0x13f: {  	s24 =	rddreg [dreg:$0xb]  }
0x140: {  	[spmem:s2] =	stream.indirect.scatter.add.f32 [tilespmem:s31], [sflag:$0x2], $0x10, s24, s28, $0xb8;
	[tilespmem:$0x1EE00] =	vst v63  }
0x141: {  	_ =	swait.ge [sflag:s25], $0x800  }
0x142: {  	[sflag:s25] =	ssyncset.done $0x0  }
0x143: {  	[sflag:s25] =	ssyncadd.s32 $0xFFFFF800  }
0x144: {  	_ =	swait.ge [sflag:s1], $0x800  }
0x145: {  	[sflag:s1] =	ssyncset.done $0x0  }
0x146: {  	s22 =	rddreg [dreg:$0xc];
	[sflag:s1] =	ssyncadd.s32 $0xFFFFF800  }
0x147: {  	[tilespmem:s9], [sflag:$0x1] =	stream.indirect.gather [hbm4b:s4+s28], $0x10, s22, s28, $0xb8;
	[tilespmem:$0x1EE00] =	vst v63  }
0x148: {  	s24 =	rddreg [dreg:$0xd]  }
0x149: {  	[spmem:s2] =	stream.indirect.scatter.add.f32 [tilespmem:s0], [sflag:$0x2], $0x10, s24, s28, $0xb8;
	[tilespmem:$0x1EE00] =	vst v63  }
0x14a: {  	_ =	swait.ge [sflag:s25], $0x800  }
0x14b: {  	[sflag:s25] =	ssyncset.done $0x0  }
0x14c: {  	[sflag:s25] =	ssyncadd.s32 $0xFFFFF800  }
0x14d: {  	_ =	swait.ge [sflag:s1], $0x800  }
0x14e: {  	[sflag:s1] =	ssyncset.done $0x0  }
0x14f: {  	s22 =	rddreg [dreg:$0xe];
	[sflag:s1] =	ssyncadd.s32 $0xFFFFF800  }
0x150: {  	[tilespmem:s29], [sflag:$0x1] =	stream.indirect.gather [hbm4b:s4+s28], $0x10, s22, s28, $0xb8;
	[tilespmem:$0x1EE00] =	vst v63  }
0x151: {  	s24 =	rddreg [dreg:$0xf]  }
0x152: {  	[spmem:s2] =	stream.indirect.scatter.add.f32 [tilespmem:s5], [sflag:$0x2], $0x10, s24, s28, $0xb8;
	[tilespmem:$0x1EE00] =	vst v63  }
0x153: {  	_ =	swait.ge [sflag:s25], $0x800  }
0x154: {  	[sflag:s25] =	ssyncset.done $0x0  }
0x155: {  	[sflag:s25] =	ssyncadd.s32 $0xFFFFF800  }
0x156: {  	_ =	swait.ge [sflag:s1], $0x800  }
0x157: {  	[sflag:s1] =	ssyncset.done $0x0  }
0x158: {  	s22 =	rddreg [dreg:$0x10];
	[sflag:s1] =	ssyncadd.s32 $0xFFFFF800  }
0x159: {  	[tilespmem:s30], [sflag:$0x1] =	stream.indirect.gather [hbm4b:s4+s28], $0x10, s22, s28, $0xb8;
	[tilespmem:$0x1EE00] =	vst v63  }
0x15a: {  	s24 =	rddreg [dreg:$0x11]  }
0x15b: {  	[spmem:s2] =	stream.indirect.scatter.add.f32 [tilespmem:s7], [sflag:$0x2], $0x10, s24, s28, $0xb8;
	[tilespmem:$0x1EE00] =	vst v63  }
0x15c: {  	_ =	swait.ge [sflag:s25], $0x800  }
0x15d: {  	[sflag:s25] =	ssyncset.done $0x0  }
0x15e: {  	[sflag:s25] =	ssyncadd.s32 $0xFFFFF800  }
0x15f: {  	_ =	swait.ge [sflag:s1], $0x800  }
0x160: {  	[sflag:s1] =	ssyncset.done $0x0  }
0x161: {  	s22 =	rddreg [dreg:$0x12];
	[sflag:s1] =	ssyncadd.s32 $0xFFFFF800  }
0x162: {  	[tilespmem:s31], [sflag:$0x1] =	stream.indirect.gather [hbm4b:s4+s28], $0x10, s22, s28, $0xb8;
	[tilespmem:$0x1EE00] =	vst v63  }
0x163: {  	s24 =	rddreg [dreg:$0x13]  }
0x164: {  	[spmem:s2] =	stream.indirect.scatter.add.f32 [tilespmem:s8], [sflag:$0x2], $0x10, s24, s28, $0xb8;
	[tilespmem:$0x1EE00] =	vst v63  }
0x165: {  	_ =	swait.ge [sflag:s25], $0x800  }
0x166: {  	[sflag:s25] =	ssyncset.done $0x0  }
0x167: {  	[sflag:s25] =	ssyncadd.s32 $0xFFFFF800  }
0x168: {  	_ =	swait.ge [sflag:s1], $0x800  }
0x169: {  	[sflag:s1] =	ssyncset.done $0x0  }
0x16a: {  	s22 =	rddreg [dreg:$0x14];
	[sflag:s1] =	ssyncadd.s32 $0xFFFFF800  }
0x16b: {  	[tilespmem:s0], [sflag:$0x1] =	stream.indirect.gather [hbm4b:s4+s28], $0x10, s22, s28, $0xb8;
	[tilespmem:$0x1EE00] =	vst v63  }
0x16c: {  	s24 =	rddreg [dreg:$0x15]  }
0x16d: {  	[spmem:s2] =	stream.indirect.scatter.add.f32 [tilespmem:s9], [sflag:$0x2], $0x10, s24, s28, $0xb8;
	[tilespmem:$0x1EE00] =	vst v63  }
0x16e: {  	_ =	swait.ge [sflag:s25], $0x800  }
0x16f: {  	[sflag:s25] =	ssyncset.done $0x0  }
0x170: {  	[sflag:s25] =	ssyncadd.s32 $0xFFFFF800  }
0x171: {  	_ =	swait.ge [sflag:s1], $0x800  }
0x172: {  	[sflag:s1] =	ssyncset.done $0x0  }
0x173: {  	[sflag:s1] =	ssyncadd.s32 $0xFFFFF800  }
0x174: {  	[tilespmem:s5], [sflag:$0x1] =	stream.indirect.gather [hbm4b:s4+s28], $0x10, s10, s28, $0xb8;
	[tilespmem:$0x1EE00] =	vst v63  }
0x175: {  	_ = 	snop  }
0x176: {  	[spmem:s2] =	stream.indirect.scatter.add.f32 [tilespmem:s29], [sflag:$0x2], $0x10, s11, s28, $0xb8;
	[tilespmem:$0x1EE00] =	vst v63  }
0x177: {  	_ =	swait.ge [sflag:s25], $0x800  }
0x178: {  	[sflag:s25] =	ssyncset.done $0x0  }
0x179: {  	[sflag:s25] =	ssyncadd.s32 $0xFFFFF800  }
0x17a: {  	_ =	swait.ge [sflag:s1], $0x800  }
0x17b: {  	[sflag:s1] =	ssyncset.done $0x0  }
0x17c: {  	[sflag:s1] =	ssyncadd.s32 $0xFFFFF800  }
0x17d: {  	[tilespmem:s7], [sflag:$0x1] =	stream.indirect.gather [hbm4b:s4+s28], $0x10, s12, s28, $0xb8;
	[tilespmem:$0x1EE00] =	vst v63  }
0x17e: {  	_ = 	snop  }
0x17f: {  	[spmem:s2] =	stream.indirect.scatter.add.f32 [tilespmem:s30], [sflag:$0x2], $0x10, s13, s28, $0xb8;
	[tilespmem:$0x1EE00] =	vst v63  }
0x180: {  	_ =	swait.ge [sflag:s25], $0x800  }
0x181: {  	[sflag:s25] =	ssyncset.done $0x0  }
0x182: {  	[sflag:s25] =	ssyncadd.s32 $0xFFFFF800  }
0x183: {  	_ =	swait.ge [sflag:s1], $0x800  }
0x184: {  	[sflag:s1] =	ssyncset.done $0x0  }
0x185: {  	[sflag:s1] =	ssyncadd.s32 $0xFFFFF800  }
0x186: {  	[tilespmem:s8], [sflag:$0x1] =	stream.indirect.gather [hbm4b:s4+s28], $0x10, s14, s28, $0xb8;
	[tilespmem:$0x1EE00] =	vst v63  }
0x187: {  	_ = 	snop  }
0x188: {  	[spmem:s2] =	stream.indirect.scatter.add.f32 [tilespmem:s31], [sflag:$0x2], $0x10, s15, s28, $0xb8;
	[tilespmem:$0x1EE00] =	vst v63  }
0x189: {  	_ =	swait.ge [sflag:s25], $0x800  }
0x18a: {  	[sflag:s25] =	ssyncset.done $0x0  }
0x18b: {  	[sflag:s25] =	ssyncadd.s32 $0xFFFFF800  }
0x18c: {  	_ =	swait.ge [sflag:s1], $0x800  }
0x18d: {  	[sflag:s1] =	ssyncset.done $0x0  }
0x18e: {  	[sflag:s1] =	ssyncadd.s32 $0xFFFFF800  }
0x18f: {  	[tilespmem:s9], [sflag:$0x1] =	stream.indirect.gather [hbm4b:s4+s28], $0x10, s16, s28, $0xb8;
	[tilespmem:$0x1EE00] =	vst v63  }
0x190: {  	_ = 	snop  }
0x191: {  	[spmem:s2] =	stream.indirect.scatter.add.f32 [tilespmem:s0], [sflag:$0x2], $0x10, s17, s28, $0xb8;
	[tilespmem:$0x1EE00] =	vst v63  }
0x192: {  	_ =	swait.ge [sflag:s25], $0x800  }
0x193: {  	[sflag:s25] =	ssyncset.done $0x0  }
0x194: {  	[sflag:s25] =	ssyncadd.s32 $0xFFFFF800  }
0x195: {  	_ =	swait.ge [sflag:s1], $0x800  }
0x196: {  	[sflag:s1] =	ssyncset.done $0x0  }
0x197: {  	[sflag:s1] =	ssyncadd.s32 $0xFFFFF800  }
0x198: {  	[spmem:s2] =	stream.indirect.scatter.add.f32 [tilespmem:s5], [sflag:$0x2], $0x10, s18, s28, $0xb8;
	[tilespmem:$0x1EE00] =	vst v63  }
0x199: {  	_ =	swait.ge [sflag:s25], $0x800  }
0x19a: {  	[sflag:s25] =	ssyncset.done $0x0  }
0x19b: {  	[sflag:s25] =	ssyncadd.s32 $0xFFFFF800  }
0x19c: {  	_ =	swait.ge [sflag:s1], $0x800  }
0x19d: {  	[sflag:s1] =	ssyncset.done $0x0  }
0x19e: {  	[sflag:s1] =	ssyncadd.s32 $0xFFFFF800  }
0x19f: {  	[spmem:s2] =	stream.indirect.scatter.add.f32 [tilespmem:s7], [sflag:$0x2], $0x10, s19, s28, $0xb8;
	[tilespmem:$0x1EE00] =	vst v63  }
0x1a0: {  	_ =	swait.ge [sflag:s25], $0x800  }
0x1a1: {  	[sflag:s25] =	ssyncset.done $0x0  }
0x1a2: {  	[sflag:s25] =	ssyncadd.s32 $0xFFFFF800  }
0x1a3: {  	_ =	swait.ge [sflag:s1], $0x800  }
0x1a4: {  	[sflag:s1] =	ssyncset.done $0x0  }
0x1a5: {  	[sflag:s1] =	ssyncadd.s32 $0xFFFFF800  }
0x1a6: {  	[spmem:s2] =	stream.indirect.scatter.add.f32 [tilespmem:s8], [sflag:$0x2], $0x10, s20, s28, $0xb8;
	[tilespmem:$0x1EE00] =	vst v63  }
0x1a7: {  	_ =	swait.ge [sflag:s25], $0x800  }
0x1a8: {  	[sflag:s25] =	ssyncset.done $0x0  }
0x1a9: {  	[sflag:s25] =	ssyncadd.s32 $0xFFFFF800  }
0x1aa: {  	p0 =	sne.s32 s6, $0x3000;
	_ =	swait.ge [sflag:s1], $0x800  }
.Ltmp1:
0x1ab: {  	[sflag:s1] =	ssyncset.done $0x0;
	(pc) =	sbr.rel @p0 .LBB2_4-.Ltmp1, $4  }
0x1ac: {  	[sflag:s1] =	ssyncadd.s32 $0xFFFFF800  }
0x1ad: {  	[spmem:s2] =	stream.indirect.scatter.add.f32 [tilespmem:s9], [sflag:$0x2], $0x10, s21, s28, $0xb8;
	[tilespmem:$0x1EE00] =	vst v63  }
0x1ae: {  	_ =	swait.ge [sflag:s25], $0x800  }
0x1af: {  	s6 =	sadd.s32 $0x100, s6;
	s22 =	rddreg [dreg:$0x3];
	[sflag:s25] =	ssyncset.done $0x0  }
0x1b0: {  	[sflag:s25] =	ssyncadd.s32 $0xFFFFF800;
	s6 =	sadd.s32 s23, s22  }
0x1b1: {  	[tilespmem:s3], [sflag:$0x2] =	stream.linear.gather [hbm4b:s6+s3], $0x800, $0x38;
	[tilespmem:$0x1EE00] =	vst v63  }
0x1b2: {  	_ =	swait.ge [sflag:s25], $0x800  }
0x1b3: {  	s22 =	rddreg [dreg:$0x4];
	[sflag:s25] =	ssyncset.done $0x0  }
0x1b4: {  	[sflag:s25] =	ssyncadd.s32 $0xFFFFF800;
	s6 =	sadd.s32 s23, s22  }
0x1b5: {  	[tilespmem:s26], [sflag:$0x2] =	stream.linear.gather [hbm4b:s6+s3], $0x800, $0x38;
	[tilespmem:$0x1EE00] =	vst v63  }
0x1b6: {  	_ =	swait.ge [sflag:s25], $0x800  }
0x1b7: {  	[sflag:s25] =	ssyncset.done $0x0  }
0x1b8: {  	[sflag:s25] =	ssyncadd.s32 $0xFFFFF800  }
0x1b9: {  	[tilespmem:s29], [sflag:$0x1] =	stream.indirect.gather [hbm4b:s4+s28], $0x10, s3, s28, $0xb8;
	[tilespmem:$0x1EE00] =	vst v63  }
0x1ba: {  	_ = 	snop  }
0x1bb: {  	[tilespmem:s30], [sflag:$0x1] =	stream.indirect.gather [hbm4b:s4+s28], $0x10, s28, s28, $0xb8;
	[tilespmem:$0x1EE00] =	vst v63  }
0x1bc: {  	s23 =	rddreg [dreg:$0x5]  }
0x1bd: {  	[tilespmem:s31], [sflag:$0x1] =	stream.indirect.gather [hbm4b:s4+s28], $0x10, s23, s28, $0xb8;
	[tilespmem:$0x1EE00] =	vst v63  }
0x1be: {  	s24 =	rddreg [dreg:$0x6]  }
0x1bf: {  	[tilespmem:s0], [sflag:$0x1] =	stream.indirect.gather [hbm4b:s4+s28], $0x10, s24, s28, $0xb8;
	[tilespmem:$0x1EE00] =	vst v63  }
0x1c0: {  	_ =	swait.ge [sflag:s1], $0x800  }
0x1c1: {  	[sflag:s1] =	ssyncset.done $0x0  }
0x1c2: {  	s22 =	rddreg [dreg:$0x7];
	[sflag:s1] =	ssyncadd.s32 $0xFFFFF800  }
0x1c3: {  	[tilespmem:s5], [sflag:$0x1] =	stream.indirect.gather [hbm4b:s4+s28], $0x10, s22, s28, $0xb8;
	[tilespmem:$0x1EE00] =	vst v63  }
0x1c4: {  	_ = 	snop  }
0x1c5: {  	[spmem:s2] =	stream.indirect.scatter.add.f32 [tilespmem:s29], [sflag:$0x2], $0x10, s26, s28, $0xb8;
	[tilespmem:$0x1EE00] =	vst v63  }
0x1c6: {  	_ =	swait.ge [sflag:s25], $0x800  }
0x1c7: {  	[sflag:s25] =	ssyncset.done $0x0  }
0x1c8: {  	[sflag:s25] =	ssyncadd.s32 $0xFFFFF800  }
0x1c9: {  	_ =	swait.ge [sflag:s1], $0x800  }
0x1ca: {  	[sflag:s1] =	ssyncset.done $0x0  }
0x1cb: {  	s23 =	rddreg [dreg:$0x8];
	[sflag:s1] =	ssyncadd.s32 $0xFFFFF800  }
0x1cc: {  	[tilespmem:s7], [sflag:$0x1] =	stream.indirect.gather [hbm4b:s4+s28], $0x10, s23, s28, $0xb8;
	[tilespmem:$0x1EE00] =	vst v63  }
0x1cd: {  	s24 =	rddreg [dreg:$0x9]  }
0x1ce: {  	[spmem:s2] =	stream.indirect.scatter.add.f32 [tilespmem:s30], [sflag:$0x2], $0x10, s24, s28, $0xb8;
	[tilespmem:$0x1EE00] =	vst v63  }
0x1cf: {  	_ =	swait.ge [sflag:s25], $0x800  }
0x1d0: {  	[sflag:s25] =	ssyncset.done $0x0  }
0x1d1: {  	[sflag:s25] =	ssyncadd.s32 $0xFFFFF800  }
0x1d2: {  	_ =	swait.ge [sflag:s1], $0x800  }
0x1d3: {  	[sflag:s1] =	ssyncset.done $0x0  }
0x1d4: {  	s23 =	rddreg [dreg:$0xa];
	[sflag:s1] =	ssyncadd.s32 $0xFFFFF800  }
0x1d5: {  	[tilespmem:s8], [sflag:$0x1] =	stream.indirect.gather [hbm4b:s4+s28], $0x10, s23, s28, $0xb8;
	[tilespmem:$0x1EE00] =	vst v63  }
0x1d6: {  	s24 =	rddreg [dreg:$0xb]  }
0x1d7: {  	[spmem:s2] =	stream.indirect.scatter.add.f32 [tilespmem:s31], [sflag:$0x2], $0x10, s24, s28, $0xb8;
	[tilespmem:$0x1EE00] =	vst v63  }
0x1d8: {  	_ =	swait.ge [sflag:s25], $0x800  }
0x1d9: {  	[sflag:s25] =	ssyncset.done $0x0  }
0x1da: {  	[sflag:s25] =	ssyncadd.s32 $0xFFFFF800  }
0x1db: {  	_ =	swait.ge [sflag:s1], $0x800  }
0x1dc: {  	[sflag:s1] =	ssyncset.done $0x0  }
0x1dd: {  	s23 =	rddreg [dreg:$0xc];
	[sflag:s1] =	ssyncadd.s32 $0xFFFFF800  }
0x1de: {  	[tilespmem:s9], [sflag:$0x1] =	stream.indirect.gather [hbm4b:s4+s28], $0x10, s23, s28, $0xb8;
	[tilespmem:$0x1EE00] =	vst v63  }
0x1df: {  	s24 =	rddreg [dreg:$0xd]  }
0x1e0: {  	[spmem:s2] =	stream.indirect.scatter.add.f32 [tilespmem:s0], [sflag:$0x2], $0x10, s24, s28, $0xb8;
	[tilespmem:$0x1EE00] =	vst v63  }
0x1e1: {  	_ =	swait.ge [sflag:s25], $0x800  }
0x1e2: {  	[sflag:s25] =	ssyncset.done $0x0  }
0x1e3: {  	[sflag:s25] =	ssyncadd.s32 $0xFFFFF800  }
0x1e4: {  	_ =	swait.ge [sflag:s1], $0x800  }
0x1e5: {  	[sflag:s1] =	ssyncset.done $0x0  }
0x1e6: {  	s23 =	rddreg [dreg:$0xe];
	[sflag:s1] =	ssyncadd.s32 $0xFFFFF800  }
0x1e7: {  	[tilespmem:s29], [sflag:$0x1] =	stream.indirect.gather [hbm4b:s4+s28], $0x10, s23, s28, $0xb8;
	[tilespmem:$0x1EE00] =	vst v63  }
0x1e8: {  	s24 =	rddreg [dreg:$0xf]  }
0x1e9: {  	[spmem:s2] =	stream.indirect.scatter.add.f32 [tilespmem:s5], [sflag:$0x2], $0x10, s24, s28, $0xb8;
	[tilespmem:$0x1EE00] =	vst v63  }
0x1ea: {  	_ =	swait.ge [sflag:s25], $0x800  }
0x1eb: {  	[sflag:s25] =	ssyncset.done $0x0  }
0x1ec: {  	[sflag:s25] =	ssyncadd.s32 $0xFFFFF800  }
0x1ed: {  	_ =	swait.ge [sflag:s1], $0x800  }
0x1ee: {  	[sflag:s1] =	ssyncset.done $0x0  }
0x1ef: {  	s23 =	rddreg [dreg:$0x10];
	[sflag:s1] =	ssyncadd.s32 $0xFFFFF800  }
0x1f0: {  	[tilespmem:s30], [sflag:$0x1] =	stream.indirect.gather [hbm4b:s4+s28], $0x10, s23, s28, $0xb8;
	[tilespmem:$0x1EE00] =	vst v63  }
0x1f1: {  	s24 =	rddreg [dreg:$0x11]  }
0x1f2: {  	[spmem:s2] =	stream.indirect.scatter.add.f32 [tilespmem:s7], [sflag:$0x2], $0x10, s24, s28, $0xb8;
	[tilespmem:$0x1EE00] =	vst v63  }
0x1f3: {  	_ =	swait.ge [sflag:s25], $0x800  }
0x1f4: {  	[sflag:s25] =	ssyncset.done $0x0  }
0x1f5: {  	[sflag:s25] =	ssyncadd.s32 $0xFFFFF800  }
0x1f6: {  	_ =	swait.ge [sflag:s1], $0x800  }
0x1f7: {  	[sflag:s1] =	ssyncset.done $0x0  }
0x1f8: {  	s23 =	rddreg [dreg:$0x12];
	[sflag:s1] =	ssyncadd.s32 $0xFFFFF800  }
0x1f9: {  	[tilespmem:s31], [sflag:$0x1] =	stream.indirect.gather [hbm4b:s4+s28], $0x10, s23, s28, $0xb8;
	[tilespmem:$0x1EE00] =	vst v63  }
0x1fa: {  	s24 =	rddreg [dreg:$0x13]  }
0x1fb: {  	[spmem:s2] =	stream.indirect.scatter.add.f32 [tilespmem:s8], [sflag:$0x2], $0x10, s24, s28, $0xb8;
	[tilespmem:$0x1EE00] =	vst v63  }
0x1fc: {  	_ =	swait.ge [sflag:s25], $0x800  }
0x1fd: {  	[sflag:s25] =	ssyncset.done $0x0  }
0x1fe: {  	[sflag:s25] =	ssyncadd.s32 $0xFFFFF800  }
0x1ff: {  	_ =	swait.ge [sflag:s1], $0x800  }
0x200: {  	[sflag:s1] =	ssyncset.done $0x0  }
0x201: {  	s22 =	rddreg [dreg:$0x14];
	[sflag:s1] =	ssyncadd.s32 $0xFFFFF800  }
0x202: {  	[tilespmem:s0], [sflag:$0x1] =	stream.indirect.gather [hbm4b:s4+s28], $0x10, s22, s28, $0xb8;
	[tilespmem:$0x1EE00] =	vst v63  }
0x203: {  	s23 =	rddreg [dreg:$0x15]  }
0x204: {  	[spmem:s2] =	stream.indirect.scatter.add.f32 [tilespmem:s9], [sflag:$0x2], $0x10, s23, s28, $0xb8;
	[tilespmem:$0x1EE00] =	vst v63  }
0x205: {  	_ =	swait.ge [sflag:s25], $0x800  }
0x206: {  	[sflag:s25] =	ssyncset.done $0x0  }
0x207: {  	[sflag:s25] =	ssyncadd.s32 $0xFFFFF800  }
0x208: {  	_ =	swait.ge [sflag:s1], $0x800  }
0x209: {  	[sflag:s1] =	ssyncset.done $0x0  }
0x20a: {  	[sflag:s1] =	ssyncadd.s32 $0xFFFFF800  }
0x20b: {  	[tilespmem:s5], [sflag:$0x1] =	stream.indirect.gather [hbm4b:s4+s28], $0x10, s10, s28, $0xb8;
	[tilespmem:$0x1EE00] =	vst v63  }
0x20c: {  	_ = 	snop  }
0x20d: {  	[spmem:s2] =	stream.indirect.scatter.add.f32 [tilespmem:s29], [sflag:$0x2], $0x10, s11, s28, $0xb8;
	[tilespmem:$0x1EE00] =	vst v63  }
0x20e: {  	_ =	swait.ge [sflag:s25], $0x800  }
0x20f: {  	[sflag:s25] =	ssyncset.done $0x0  }
0x210: {  	[sflag:s25] =	ssyncadd.s32 $0xFFFFF800  }
0x211: {  	_ =	swait.ge [sflag:s1], $0x800  }
0x212: {  	[sflag:s1] =	ssyncset.done $0x0  }
0x213: {  	[sflag:s1] =	ssyncadd.s32 $0xFFFFF800  }
0x214: {  	[tilespmem:s7], [sflag:$0x1] =	stream.indirect.gather [hbm4b:s4+s28], $0x10, s12, s28, $0xb8;
	[tilespmem:$0x1EE00] =	vst v63  }
0x215: {  	_ = 	snop  }
0x216: {  	[spmem:s2] =	stream.indirect.scatter.add.f32 [tilespmem:s30], [sflag:$0x2], $0x10, s13, s28, $0xb8;
	[tilespmem:$0x1EE00] =	vst v63  }
0x217: {  	_ =	swait.ge [sflag:s25], $0x800  }
0x218: {  	[sflag:s25] =	ssyncset.done $0x0  }
0x219: {  	[sflag:s25] =	ssyncadd.s32 $0xFFFFF800  }
0x21a: {  	_ =	swait.ge [sflag:s1], $0x800  }
0x21b: {  	[sflag:s1] =	ssyncset.done $0x0  }
0x21c: {  	[sflag:s1] =	ssyncadd.s32 $0xFFFFF800  }
0x21d: {  	[tilespmem:s8], [sflag:$0x1] =	stream.indirect.gather [hbm4b:s4+s28], $0x10, s14, s28, $0xb8;
	[tilespmem:$0x1EE00] =	vst v63  }
0x21e: {  	_ = 	snop  }
0x21f: {  	[spmem:s2] =	stream.indirect.scatter.add.f32 [tilespmem:s31], [sflag:$0x2], $0x10, s15, s28, $0xb8;
	[tilespmem:$0x1EE00] =	vst v63  }
0x220: {  	_ =	swait.ge [sflag:s25], $0x800  }
0x221: {  	[sflag:s25] =	ssyncset.done $0x0  }
0x222: {  	[sflag:s25] =	ssyncadd.s32 $0xFFFFF800  }
0x223: {  	_ =	swait.ge [sflag:s1], $0x800  }
0x224: {  	[sflag:s1] =	ssyncset.done $0x0  }
0x225: {  	[sflag:s1] =	ssyncadd.s32 $0xFFFFF800  }
0x226: {  	[tilespmem:s9], [sflag:$0x1] =	stream.indirect.gather [hbm4b:s4+s28], $0x10, s16, s28, $0xb8;
	[tilespmem:$0x1EE00] =	vst v63  }
0x227: {  	_ = 	snop  }
0x228: {  	[spmem:s2] =	stream.indirect.scatter.add.f32 [tilespmem:s0], [sflag:$0x2], $0x10, s17, s28, $0xb8;
	[tilespmem:$0x1EE00] =	vst v63  }
0x229: {  	_ =	swait.ge [sflag:s25], $0x800  }
0x22a: {  	[sflag:s25] =	ssyncset.done $0x0  }
0x22b: {  	[sflag:s25] =	ssyncadd.s32 $0xFFFFF800  }
0x22c: {  	_ =	swait.ge [sflag:s1], $0x800  }
0x22d: {  	[sflag:s1] =	ssyncset.done $0x0  }
0x22e: {  	[sflag:s1] =	ssyncadd.s32 $0xFFFFF800  }
0x22f: {  	[spmem:s2] =	stream.indirect.scatter.add.f32 [tilespmem:s5], [sflag:$0x2], $0x10, s18, s28, $0xb8;
	[tilespmem:$0x1EE00] =	vst v63  }
0x230: {  	_ =	swait.ge [sflag:s25], $0x800  }
0x231: {  	[sflag:s25] =	ssyncset.done $0x0  }
0x232: {  	[sflag:s25] =	ssyncadd.s32 $0xFFFFF800  }
0x233: {  	_ =	swait.ge [sflag:s1], $0x800  }
0x234: {  	[sflag:s1] =	ssyncset.done $0x0  }
0x235: {  	[sflag:s1] =	ssyncadd.s32 $0xFFFFF800  }
0x236: {  	[spmem:s2] =	stream.indirect.scatter.add.f32 [tilespmem:s7], [sflag:$0x2], $0x10, s19, s28, $0xb8;
	[tilespmem:$0x1EE00] =	vst v63  }
0x237: {  	_ =	swait.ge [sflag:s25], $0x800  }
0x238: {  	[sflag:s25] =	ssyncset.done $0x0  }
0x239: {  	[sflag:s25] =	ssyncadd.s32 $0xFFFFF800  }
0x23a: {  	_ =	swait.ge [sflag:s1], $0x800  }
0x23b: {  	[sflag:s1] =	ssyncset.done $0x0  }
0x23c: {  	[sflag:s1] =	ssyncadd.s32 $0xFFFFF800  }
0x23d: {  	[spmem:s2] =	stream.indirect.scatter.add.f32 [tilespmem:s8], [sflag:$0x2], $0x10, s20, s28, $0xb8;
	[tilespmem:$0x1EE00] =	vst v63  }
0x23e: {  	_ =	swait.ge [sflag:s25], $0x800  }
0x23f: {  	[sflag:s25] =	ssyncset.done $0x0  }
0x240: {  	[sflag:s25] =	ssyncadd.s32 $0xFFFFF800  }
0x241: {  	_ =	swait.ge [sflag:s1], $0x800  }
0x242: {  	[sflag:s1] =	ssyncset.done $0x0  }
0x243: {  	[sflag:s1] =	ssyncadd.s32 $0xFFFFF800  }
0x244: {  	[spmem:s2] =	stream.indirect.scatter.add.f32 [tilespmem:s9], [sflag:$0x2], $0x10, s21, s28, $0xb8;
	[tilespmem:$0x1EE00] =	vst v63  }
0x245: {  	_ =	swait.ge [sflag:s25], $0x800  }
0x246: {  	[sflag:s25] =	ssyncset.done $0x0  }
0x247: {  	[sflag:s25] =	ssyncadd.s32 $0xFFFFF800  }
0x248: {  	s24 =	stileid.u32;
	[bflag:$0x0] =	sbarrier.arrive $0xFFFF  }
0x249: {  	s6 =	sshll.u32 s24, $0x6;
	s24 =	rddreg [dreg:$0x17]  }
0x24a: {  	s6 =	sor.u32 $0x1C02, s6;
	s23 =	rddreg [dreg:$0x16];
	s22 =	sshrl.u32 s24, $0x3  }
0x24b: {  	[hbm:s23], [sflag:s6] =	dma.local [spmem:s22], $0x30E0  }
0x24c: {  	_ =	swait.ge [sflag:s25], $0x30E0  }
0x24d: {  	s6 =	sld [smem:$0x7F4];
	_ =	sdelay $0x2  }
0x24e: {  	s23 =	rddreg [dreg:$0x18];
	s22 =	sadd.s32 $0x1, s6  }
0x24f: {  	p0 =	sne.s32 s22, s23  }
.Ltmp2:
0x250: {  	_ = 	snop;
	(pc) =	sbr.rel @p0 .LBB2_1-.Ltmp2, $3  }
0x251: {  	_ =	sdelay $0x1  }
0x252: {  	[sflag:s25] =	ssyncset.done $0x0  }
0x253: {  	[sflag:s25] =	ssyncadd.s32 $0xFFFFCF20  }
0x254: {  	_ =	sfence.sel $0x180000  }
0x255: {  	[bflag:$0x0] =	sbarrier.arrive $0xFFFF  }
0x256: {  	_ =	strace $0x9000004D  }
0x257: {  	s0 =	stileid.u32;
	[bflag:$0x2] =	sbarrier.arrive $0xFFFF  }
0x258: {  	p0 =	sne.s32 s0, $0x0;
	s0 =	rddreg [dreg:$0x2]  }
0x259: {  	s0 =	sadd.s32 @!p0 $0x100000, s0  }
0x25a: {  	[sflag:s0] =	ssyncadd.tile.s32 @!p0 $0x1;
	_ =	shalt  }
.Lfunc_end2:
_tile_overlayer_lowered:
.L_overlay_start_2:
0x25b: {  	(tag) =	ssettag $0x2  }
0x25c: {  	s0 =	rddreg [dreg:$0x0];
	s2 =	stileid.u32  }
0x25d: {  	s1 =	rddreg [dreg:$0x1];
	p0 =	sne.s32 s2, $0x0  }
0x25e: {  	s3 =	rddreg [dreg:$0x2];
	[bflag:$0x3] =	sbarrier.arrive $0xFFFF;
	s2 =	simm.s32 @!p0 $0x1C02  }
0x25f: {  	[timem:s3], [sflag:s2] =	dma.local @!p0 [hbm:s0], s1  }
0x260: {  	s0 =	simm.s32 @!p0 $0x2  }
0x261: {  	_ =	swait.ge @!p0 [sflag:s0], s1  }
0x262: {  	s1 =	ssub.s32 @!p0 $0x0, s1;
	[sflag:s0] =	ssyncset.done @!p0 $0x0  }
0x263: {  	[sflag:s0] =	ssyncadd.s32 @!p0 s1  }
0x264: {  	[bflag:$0x3] =	sbarrier.arrive $0xFFFF  }
0x265: {  	_ =	shalt  }

// kernel: kernel.9.cloned.1.call-start
scs
__scs_entry_jumppad:
0x0: {  	(pc) =	sbr.rel $0x88, $3  }
0x1: {  	(tag) =	ssettag $0x0;
	lr =	simm.s32 $0x1  }
0x2: {  	[smem:$0x3F93] =	sst lr;
	_ =	strace $0xD0000000  }
0x3: {  	_ = 	snop  }
0x4: {  	_ = 	snop  }
0x5: {  	_ = 	snop  }
0x6: {  	_ = 	snop  }
0x7: {  	_ = 	snop  }
__scs_overlays_trampoline_lowered:
0x8: {  	[smem:$0x3FA2] =	sst s0  }
0x9: {  	[smem:$0x3FA3] =	sst s1  }
0xa: {  	[smem:$0x3FA4] =	sst s2  }
0xb: {  	[smem:$0x3FA5] =	sst s3  }
0xc: {  	[smem:$0x3FA6] =	sst s4  }
0xd: {  	[smem:$0x3FA7] =	sst s5  }
0xe: {  	[smem:$0x3FA8] =	sst s6  }
0xf: {  	[smem:$0x3FA9] =	sst s7  }
0x10: {  	[smem:$0x3FAA] =	sst s8  }
0x11: {  	[smem:$0x3FAB] =	sst s9;
	s0 =	simm.s32 @!p0 $0x0  }
0x12: {  	s1 =	sld [smem:$0x3F91];
	s0 =	simm.s32 @p0 $0x1  }
0x13: {  	[smem:$0x3FAC] =	sst s0;
	s0 =	simm.s32 @!p1 $0x0  }
0x14: {  	s2 =	sld [smem:$0x3F90];
	s0 =	simm.s32 @p1 $0x1  }
0x15: {  	[smem:$0x3FAD] =	sst s0;
	s0 =	simm.s32 @!p2 $0x0  }
0x16: {  	s3 =	sld [smem:$0x3FDB];
	s0 =	simm.s32 @p2 $0x1  }
0x17: {  	s4 =	simm.s32 $0x1BF5;
	[smem:$0x3FAF] =	sst s0  }
0x18: {  	s0 =	sld [smem:$0x3F92];
	_ =	swait.ge [sflag:s4], $0x0  }
0x19: {  	s7 =	sld [smem:$0x3F93]  }
0x1a: {  	s8 =	sadd.s32 $0xFFFFE003, lr  }
0x1b: {  	s9 =	sadd.s32 $0xFFFFFEF7, lr;
	s5 =	simm.s32 $0xFFFFFFFF;
	p2 =	slt.u32 s8, $0xFFFFF086  }
0x1c: {  	p1 =	slt.u32 s9, $0xF7A;
	s5 =	simm.s32 @!p2 $0x0  }
0x1d: {  	s5 =	simm.s32 @p1 $0x1;
	p0 =	seq.s32 s7, s2  }
0x1e: {  	s7 =	smul.u32 @!p0 $0xF7A, s2;
	p2 =	seq.s32 @!p0 s5, $0x0  }
0x1f: {  	s9 =	smul.u32 $0xF7A, s1;
	s8 =	simm.s32 @!p0 $0x1BF5;
	p2 =	por !p2, p0  }
0x20: {  	[sflag:s8] =	ssyncset.s32 @!p0 $0xFFFFF086;
	s6 =	sadd.s32 @!p0 s3, s7;
	s7 =	simm.s32 @!p0 $0x108  }
0x21: {  	s3 =	sadd.s32 s3, s9;
	s6 =	sadd.s32 @!p0 $0x88, s6;
	s7 =	simm.s32 @p2 $0x1082  }
0x22: {  	[simem:s7], [sflag:s8] =	dma.local @!p0 [hbm:s6], $0xF7A  }
0x23: {  	s9 =	sor.u32 $0xD0000000, s2;
	s6 =	simm.s32 $0x108;
	_ =	swait.ge @!p0 [sflag:s8], $0x0  }
0x24: {  	s3 =	sadd.s32 $0x88, s3;
	s6 =	simm.s32 @!p1 $0x1082;
	[sflag:s4] =	ssyncset.s32 $0xFFFFF086  }
0x25: {  	[simem:s6], [sflag:s4] =	dma.local [hbm:s3], $0xF7A  }
0x26: {  	[smem:$0x3F93] =	sst s1;
	(tag) =	ssettag s2;
	_ =	strace s9  }
0x27: {  	s1 =	sld [smem:$0x3FA3]  }
0x28: {  	s2 =	sld [smem:$0x3FA4]  }
0x29: {  	s4 =	sld [smem:$0x3FA6]  }
0x2a: {  	p0 =	seq.s32 s5, $0x0;
	s5 =	sld [smem:$0x3FA7]  }
0x2b: {  	s6 =	sld [smem:$0x3FA8]  }
0x2c: {  	s7 =	sld [smem:$0x3FA9]  }
0x2d: {  	s3 =	simm.s32 $0x108;
	s8 =	sld [smem:$0x3FAA]  }
0x2e: {  	s3 =	simm.s32 @!p0 $0x1082;
	s9 =	sld [smem:$0x3FAB]  }
0x2f: {  	lr =	sadd.s32 s0, s3;
	s0 =	sld [smem:$0x3FA2]  }
0x30: {  	s3 =	sld [smem:$0x3FA5]  }
0x31: {  	[smem:$0x3FAE] =	sst s10  }
0x32: {  	s10 =	sld [smem:$0x3FAC];
	_ =	sdelay $0x3  }
0x33: {  	p0 =	seq.s32 s10, $0x1;
	s10 =	sld [smem:$0x3FAE];
	_ =	sdelay $0x3  }
0x34: {  	[smem:$0x3FAE] =	sst s10  }
0x35: {  	s10 =	sld [smem:$0x3FAD];
	_ =	sdelay $0x3  }
0x36: {  	p1 =	seq.s32 s10, $0x1;
	s10 =	sld [smem:$0x3FAE];
	_ =	sdelay $0x3  }
0x37: {  	[smem:$0x3FAE] =	sst s10  }
0x38: {  	s10 =	sld [smem:$0x3FAF]  }
0x39: {  	_ = 	snop;
	(pc) =	sbr.ind lr, $3  }
0x3a: {  	_ = 	snop  }
0x3b: {  	_ = 	snop  }
0x3c: {  	p2 =	seq.s32 s10, $0x1;
	s10 =	sld [smem:$0x3FAE]  }
0x3d: {  	_ =	shalt  }
0x3e: {  	_ =	shalt  }
0x3f: {  	_ =	shalt  }
0x40: {  	_ =	shalt  }
0x41: {  	_ =	shalt  }
0x42: {  	_ =	shalt  }
0x43: {  	_ =	shalt  }
0x44: {  	_ =	shalt  }
0x45: {  	_ =	shalt  }
0x46: {  	_ =	shalt  }
0x47: {  	_ =	shalt  }
0x48: {  	_ =	shalt  }
0x49: {  	_ =	shalt  }
0x4a: {  	_ =	shalt  }
0x4b: {  	_ =	shalt  }
0x4c: {  	_ =	shalt  }
0x4d: {  	_ =	shalt  }
0x4e: {  	_ =	shalt  }
0x4f: {  	_ =	shalt  }
0x50: {  	_ =	shalt  }
0x51: {  	_ =	shalt  }
0x52: {  	_ =	shalt  }
0x53: {  	_ =	shalt  }
0x54: {  	_ =	shalt  }
0x55: {  	_ =	shalt  }
0x56: {  	_ =	shalt  }
0x57: {  	_ =	shalt  }
0x58: {  	_ =	shalt  }
0x59: {  	_ =	shalt  }
0x5a: {  	_ =	shalt  }
0x5b: {  	_ =	shalt  }
0x5c: {  	_ =	shalt  }
0x5d: {  	_ =	shalt  }
0x5e: {  	_ =	shalt  }
0x5f: {  	_ =	shalt  }
0x60: {  	_ =	shalt  }
0x61: {  	_ =	shalt  }
0x62: {  	_ =	shalt  }
0x63: {  	_ =	shalt  }
0x64: {  	_ =	shalt  }
0x65: {  	_ =	shalt  }
0x66: {  	_ =	shalt  }
0x67: {  	_ =	shalt  }
0x68: {  	_ =	shalt  }
0x69: {  	_ =	shalt  }
0x6a: {  	_ =	shalt  }
0x6b: {  	_ =	shalt  }
0x6c: {  	_ =	shalt  }
0x6d: {  	_ =	shalt  }
0x6e: {  	_ =	shalt  }
0x6f: {  	_ =	shalt  }
0x70: {  	_ =	shalt  }
0x71: {  	_ =	shalt  }
0x72: {  	_ =	shalt  }
0x73: {  	_ =	shalt  }
0x74: {  	_ =	shalt  }
0x75: {  	_ =	shalt  }
0x76: {  	_ =	shalt  }
0x77: {  	_ =	shalt  }
0x78: {  	_ =	shalt  }
0x79: {  	_ =	shalt  }
0x7a: {  	_ =	shalt  }
0x7b: {  	_ =	shalt  }
0x7c: {  	_ =	shalt  }
0x7d: {  	_ =	shalt  }
0x7e: {  	_ =	shalt  }
0x7f: {  	_ =	shalt  }
0x80: {  	_ =	shalt  }
0x81: {  	_ =	shalt  }
0x82: {  	_ =	shalt  }
0x83: {  	_ =	shalt  }
0x84: {  	_ =	shalt  }
0x85: {  	_ =	shalt  }
0x86: {  	_ =	shalt  }
0x87: {  	_ =	shalt  }
.Lfunc_end0:
.L_simem_size_0:
called_computation_lowered:
.L_overlay_start_0:
0x88: {  	s2 =	sld [smem:$0x3FD9]  }
0x89: {  	s3 =	sld [smem:$0x3FFE];
	_ =	sdelay $0x1  }
0x8a: {  	s1 =	srdreg.scid  }
0x8b: {  	s0 =	sand.u32 $0x1, s1  }
0x8c: {  	s16 =	sshll.u32 s0, $0xA;
	s2 =	sadd.s32 s3, s2  }
0x8d: {  	s2 =	sadd.s32 s2, s16  }
0x8e: {  	[smem:$0x3FBA] =	sst s2  }
0x8f: {  	_ = 	snop  }
0x90: {  	(tm) =	ssettm $0x1  }
0x91: {  	s17 =	sld [smem:$0x3FFB];
	_ =	sdelay $0x3  }
0x92: {  	_ =	strace s17  }
0x93: {  	s2 =	sld [smem:$0x3FFC];
	_ =	sdelay $0x3  }
0x94: {  	_ =	strace s2  }
0x95: {  	s2 =	sld [smem:$0x3FFD];
	_ =	sdelay $0x3  }
0x96: {  	_ =	strace s2  }
0x97: {  	_ =	strace $0x8FFFFFFF  }
0x98: {  	s18 =	sld [smem:$0x3FDB];
	_ =	sdelay $0x1  }
0x99: {  	s19 =	simm.s32 $_scs_section_size  }
0x9a: {  	s4 =	simm.s32 $_size__tile_overlayer_lowered;
	s5 =	simm.s32 $_tile_overlayer_lowered  }
0x9b: {  	s22 =	simm.s32 $0x1BFF;
	s21 =	sshll.u32 s5, $0x1;
	s2 =	sadd.s32 s19, s18  }
0x9c: {  	s6 =	simm.s32 $0x0;
	s20 =	sshll.u32 s4, $0x1;
	s4 =	sadd.s32 s21, s2  }
0x9d: {  	[timem:s6], [sflag:s22] =	dma.local [hbm:s4], s20  }
0x9e: {  	_ =	swait.ge [sflag:s22], s20  }
0x9f: {  	s3 =	ssub.s32 $0x0, s20;
	[sflag:s22] =	ssyncset.done $0x0  }
0xa0: {  	[sflag:s22] =	ssyncadd.s32 s3;
	_ =	sdelay $0x1  }
0xa1: {  	s23 =	simm.s32 $0x1B8B  }
0xa2: {  	_ =	swait.ge [sflag:s23], $0x1  }
0xa3: {  	[sflag:s23] =	ssyncset.done $0x0  }
0xa4: {  	s25 =	simm.s32 $0x1B8E;
	s24 =	sld [smem:$0x3FFE];
	[sflag:s23] =	ssyncadd.s32 $0xFFFFFFFF  }
0xa5: {  	s26 =	simm.s32 $execute0_lowered;
	[smem:$0x3FD2] =	sst s25  }
0xa6: {  	s4 =	sshll.u32 s26, $0x1;
	_ =	strace $0x80000046;
	[dreg:$0x1] =	wrdreg $0xFFFFFFFF  }
0xa7: {  	s28 =	simm.s32 $_size_execute0_lowered;
	s2 =	sadd.s32 s2, s4;
	[dreg:$0x0] =	wrdreg $0x0  }
0xa8: {  	s4 =	sshll.u32 s28, $0x1;
	[dreg:$0x2] =	wrdreg s2  }
0xa9: {  	[dreg:$0x3] =	wrdreg s4  }
0xaa: {  	[dreg:$0x4] =	wrdreg $0xC0  }
0xab: {  	_ =	task [dreg:s6], $0x5FFFF  }
0xac: {  	[dreg:$0x1] =	wrdreg $0xFFFFFFFF  }
0xad: {  	[dreg:$0x0] =	wrdreg $0x60  }
0xae: {  	[dreg:$0x2] =	wrdreg s24  }
0xaf: {  	[dreg:$0x3] =	wrdreg $0x23000  }
0xb0: {  	[dreg:$0x4] =	wrdreg $0x9  }
0xb1: {  	_ =	task.clear_ibuf [dreg:s6], $0x5FFFF;
	_ =	strace $0x90000046  }
0xb2: {  	s29 =	simm.s32 $0x9;
	_ =	strace $0x80000048  }
0xb3: {  	_ =	swait.ge [sflag:s29], $0x1  }
0xb4: {  	[sflag:s29] =	ssyncadd.s32 $0xFFFFFFFF  }
0xb5: {  	_ =	strace $0x90000048  }
0xb6: {  	_ =	sfence  }
0xb7: {  	s30 =	sld [smem:$0x0];
	_ =	sdelay $0x2  }
0xb8: {  	s31 =	sshll.u32 s1, $0xD;
	s1 =	sshrl.u32 s1, $0x2  }
0xb9: {  	s3 =	sand.u32 $0x4000, s31;
	s1 =	sadd.s32 s1, s30  }
0xba: {  	s0 =	sor.u32 s3, s0;
	s1 =	sshll.u32 s1, $0x11  }
0xbb: {  	s0 =	sor.u32 s1, s0  }
0xbc: {  	s0 =	sadd.s32 $0x8F2B, s0  }
0xbd: {  	[sflag:s0] =	ssyncadd.remote.s32 $0x1  }
0xbe: {  	_ =	sfence.sel $0xFFFF  }
0xbf: {  	[dreg:$0x0] =	wrdreg $0xFFFFFFFF;
	(pc) =	sbr.abs _section_cstart, $3  }
0xc0: {  	[dreg:$0x1] =	wrdreg $0xFFFFFFFF  }
0xc1: {  	_ =	task.clear_ibuf [dreg:s6], $0x2FFFF;
	_ =	strace $0x9FFFFFFF  }
0xc2: {  	(tm) =	ssettm $0x7FFFFFFF  }
0xc3: {  	_ =	shalt  }
tec
execute0_lowered:
.L_overlay_start_1:
0x0: {  	(tag) =	ssettag $0x1  }
0x1: {  	s0 =	srdreg.scid  }
0x2: {  	s1 =	rddreg [dreg:$0x0];
	s7 =	stileid.u32  }
0x3: {  	s2 =	rddreg [dreg:$0x1];
	s5 =	smul.u32 $0xC400, s7  }
0x4: {  	s3 =	simm.s32 $0x0;
	s28 =	simm.s32 $0x400;
	s19 =	smul.u32 $0x30E0, s7  }
0x5: {  	s29 =	simm.s32 $0x100;
	s0 =	sand.u32 $0x1, s0;
	s7 =	smul.u32 $0x61C00, s7  }
0x6: {  	s30 =	simm.s32 $0x180;
	s31 =	simm.s32 $0x200;
	s4 =	smul.u32 $0xC4000, s0  }
0x7: {  	[smem:$0x7FF] =	sst s3;
	s6 =	smul.u32 $0x30E00, s0;
	s0 =	ssub.s32 $0x2, s0  }
0x8: {  	_ =	strace $0x80000047;
	s21 =	sshrl.u32 s0, $0x1;
	s22 =	sshrl.u32 s7, $0x2  }
0x9: {  	s4 =	sadd.s32 s5, s4;
	s20 =	sadd.s32 s19, s6;
	s0 =	ssub.s32 s0, s21  }
0xa: {  	s5 =	simm.s32 $0x380;
	s6 =	simm.s32 $0x0;
	s4 =	sshrl.u32 s4, $0x3  }
0xb: {  	s0 =	smax.u32 s0, $0x1;
	s8 =	sadd.s32 s4, s1;
	s1 =	sadd.s32 s20, s1  }
0xc: {  	s4 =	sadd.s32 s22, s2;
	[dreg:$0x4] =	wrdreg s0;
	s0 =	simm.s32 $0x300  }
0xd: {  	s1 =	sadd.s32 $0x32E00, s1;
	s23 =	sadd.s32 $0x1700, s4;
	s24 =	sadd.s32 $0x2E00, s4  }
0xe: {  	s25 =	sadd.s32 $0x4500, s4;
	s26 =	sadd.s32 $0x5C00, s4;
	s11 =	sadd.s32 $0x7300, s4  }
0xf: {  	s12 =	sadd.s32 $0x8A00, s4;
	s13 =	sadd.s32 $0xA100, s4;
	s14 =	sadd.s32 $0xB800, s4  }
0x10: {  	s15 =	sadd.s32 $0xCF00, s4;
	s16 =	sadd.s32 $0xE600, s4;
	[dreg:$0x3] =	wrdreg s1  }
0x11: {  	s17 =	sadd.s32 $0xFD00, s4;
	s18 =	sadd.s32 $0x11400, s4;
	[dreg:$0x5] =	wrdreg s23  }
0x12: {  	s19 =	sadd.s32 $0x12B00, s4;
	s20 =	sadd.s32 $0x14200, s4;
	[dreg:$0x6] =	wrdreg s24  }
0x13: {  	s21 =	sadd.s32 $0x15900, s4;
	s22 =	sadd.s32 $0x17000, s4;
	[dreg:$0x7] =	wrdreg s25  }
0x14: {  	[dreg:$0x8] =	wrdreg s26;
	s23 =	sadd.s32 $0x1E00, s8;
	s24 =	simm.s32 $0xC00  }
0x15: {  	v0 =	vimm.f32 $1.000000000e+00;
	v1 =	vimm.f32 $0.0e+00;
	s25 =	simm.s32 $0x1;
	s26 =	simm.s32 $0x80;
	s1 =	simm.s32 $0x280  }
.LBB2_1:
0x16: {  	s7 =	simm.s32 $0x0  }
.LBB2_2:
0x17: {  	p0 =	sne.s32 s7, $0x1FC0  }
.Ltmp0:
0x18: {  	_ = 	snop;
	(pc) =	sbr.rel @p0 .LBB2_2-.Ltmp0, $3  }
0x19: {  	_ =	sdelay $0x1  }
0x1a: {  	s8 =	sshra.s32 s7, $0x2  }
0x1b: {  	s7 =	sadd.s32 $0x40, s7;
	[tilespmem:s8+$0x400] =	vst v0  }
0x1c: {  	s7 =	simm.s32 $0x40;
	s8 =	simm.s32 $0x0  }
.LBB2_4:
0x1d: {  	p0 =	sne.s32 s7, $0x5BC0;
	[tilespmem:s8+$0xC00] =	vst v1;
	s8 =	smov.u32 s7;
	s7 =	sadd.s32 $0x40, s7  }
.Ltmp1:
0x1e: {  	(pc) =	sbr.rel @p0 .LBB2_4-.Ltmp1, $2  }
0x1f: {  	_ =	sdelay $0x2  }
0x20: {  	s8 =	sshra.s32 s8, $0x2  }
0x21: {  	[tilespmem:s8+$0xC00] =	vst v1  }
0x22: {  	[spmem:s4] =	stream.linear.scatter [tilespmem:s24], [sflag:$0x1], $0x1700, $0x38;
	[tilespmem:$0x1AA00] =	vst v63  }
0x23: {  	_ =	swait.ge [sflag:s25], $0x1700  }
0x24: {  	[sflag:s25] =	ssyncset.done $0x0  }
0x25: {  	s7 =	rddreg [dreg:$0x5];
	[sflag:s25] =	ssyncadd.s32 $0xFFFFE900  }
0x26: {  	[spmem:s7] =	stream.linear.scatter [tilespmem:s24], [sflag:$0x1], $0x1700, $0x38;
	[tilespmem:$0x1AA00] =	vst v63  }
0x27: {  	_ =	swait.ge [sflag:s25], $0x1700  }
0x28: {  	[sflag:s25] =	ssyncset.done $0x0  }
0x29: {  	s10 =	rddreg [dreg:$0x6];
	[sflag:s25] =	ssyncadd.s32 $0xFFFFE900  }
0x2a: {  	[spmem:s10] =	stream.linear.scatter [tilespmem:s24], [sflag:$0x1], $0x1700, $0x38;
	[tilespmem:$0x1AA00] =	vst v63  }
0x2b: {  	_ =	swait.ge [sflag:s25], $0x1700  }
0x2c: {  	[sflag:s25] =	ssyncset.done $0x0  }
0x2d: {  	s8 =	rddreg [dreg:$0x7];
	[sflag:s25] =	ssyncadd.s32 $0xFFFFE900  }
0x2e: {  	[spmem:s8] =	stream.linear.scatter [tilespmem:s24], [sflag:$0x1], $0x1700, $0x38;
	[tilespmem:$0x1AA00] =	vst v63  }
0x2f: {  	_ =	swait.ge [sflag:s25], $0x1700  }
0x30: {  	[sflag:s25] =	ssyncset.done $0x0  }
0x31: {  	s9 =	rddreg [dreg:$0x8];
	[sflag:s25] =	ssyncadd.s32 $0xFFFFE900  }
0x32: {  	[spmem:s9] =	stream.linear.scatter [tilespmem:s24], [sflag:$0x1], $0x1700, $0x38;
	[tilespmem:$0x1AA00] =	vst v63  }
0x33: {  	_ =	swait.ge [sflag:s25], $0x1700  }
0x34: {  	[sflag:s25] =	ssyncset.done $0x0  }
0x35: {  	[sflag:s25] =	ssyncadd.s32 $0xFFFFE900  }
0x36: {  	[spmem:s11] =	stream.linear.scatter [tilespmem:s24], [sflag:$0x1], $0x1700, $0x38;
	[tilespmem:$0x1AA00] =	vst v63  }
0x37: {  	_ =	swait.ge [sflag:s25], $0x1700  }
0x38: {  	[sflag:s25] =	ssyncset.done $0x0  }
0x39: {  	[sflag:s25] =	ssyncadd.s32 $0xFFFFE900  }
0x3a: {  	[spmem:s12] =	stream.linear.scatter [tilespmem:s24], [sflag:$0x1], $0x1700, $0x38;
	[tilespmem:$0x1AA00] =	vst v63  }
0x3b: {  	_ =	swait.ge [sflag:s25], $0x1700  }
0x3c: {  	[sflag:s25] =	ssyncset.done $0x0  }
0x3d: {  	[sflag:s25] =	ssyncadd.s32 $0xFFFFE900  }
0x3e: {  	[spmem:s13] =	stream.linear.scatter [tilespmem:s24], [sflag:$0x1], $0x1700, $0x38;
	[tilespmem:$0x1AA00] =	vst v63  }
0x3f: {  	_ =	swait.ge [sflag:s25], $0x1700  }
0x40: {  	[sflag:s25] =	ssyncset.done $0x0  }
0x41: {  	[sflag:s25] =	ssyncadd.s32 $0xFFFFE900  }
0x42: {  	[spmem:s14] =	stream.linear.scatter [tilespmem:s24], [sflag:$0x1], $0x1700, $0x38;
	[tilespmem:$0x1AA00] =	vst v63  }
0x43: {  	_ =	swait.ge [sflag:s25], $0x1700  }
0x44: {  	[sflag:s25] =	ssyncset.done $0x0  }
0x45: {  	[sflag:s25] =	ssyncadd.s32 $0xFFFFE900  }
0x46: {  	[spmem:s15] =	stream.linear.scatter [tilespmem:s24], [sflag:$0x1], $0x1700, $0x38;
	[tilespmem:$0x1AA00] =	vst v63  }
0x47: {  	_ =	swait.ge [sflag:s25], $0x1700  }
0x48: {  	[sflag:s25] =	ssyncset.done $0x0  }
0x49: {  	[sflag:s25] =	ssyncadd.s32 $0xFFFFE900  }
0x4a: {  	[spmem:s16] =	stream.linear.scatter [tilespmem:s24], [sflag:$0x1], $0x1700, $0x38;
	[tilespmem:$0x1AA00] =	vst v63  }
0x4b: {  	_ =	swait.ge [sflag:s25], $0x1700  }
0x4c: {  	[sflag:s25] =	ssyncset.done $0x0  }
0x4d: {  	[sflag:s25] =	ssyncadd.s32 $0xFFFFE900  }
0x4e: {  	[spmem:s17] =	stream.linear.scatter [tilespmem:s24], [sflag:$0x1], $0x1700, $0x38;
	[tilespmem:$0x1AA00] =	vst v63  }
0x4f: {  	_ =	swait.ge [sflag:s25], $0x1700  }
0x50: {  	[sflag:s25] =	ssyncset.done $0x0  }
0x51: {  	[sflag:s25] =	ssyncadd.s32 $0xFFFFE900  }
0x52: {  	[spmem:s18] =	stream.linear.scatter [tilespmem:s24], [sflag:$0x1], $0x1700, $0x38;
	[tilespmem:$0x1AA00] =	vst v63  }
0x53: {  	_ =	swait.ge [sflag:s25], $0x1700  }
0x54: {  	[sflag:s25] =	ssyncset.done $0x0  }
0x55: {  	[sflag:s25] =	ssyncadd.s32 $0xFFFFE900  }
0x56: {  	[spmem:s19] =	stream.linear.scatter [tilespmem:s24], [sflag:$0x1], $0x1700, $0x38;
	[tilespmem:$0x1AA00] =	vst v63  }
0x57: {  	_ =	swait.ge [sflag:s25], $0x1700  }
0x58: {  	[sflag:s25] =	ssyncset.done $0x0  }
0x59: {  	[sflag:s25] =	ssyncadd.s32 $0xFFFFE900  }
0x5a: {  	[spmem:s20] =	stream.linear.scatter [tilespmem:s24], [sflag:$0x1], $0x1700, $0x38;
	[tilespmem:$0x1AA00] =	vst v63  }
0x5b: {  	_ =	swait.ge [sflag:s25], $0x1700  }
0x5c: {  	[sflag:s25] =	ssyncset.done $0x0  }
0x5d: {  	[sflag:s25] =	ssyncadd.s32 $0xFFFFE900  }
0x5e: {  	[spmem:s21] =	stream.linear.scatter [tilespmem:s24], [sflag:$0x1], $0x1700, $0x38;
	[tilespmem:$0x1AA00] =	vst v63  }
0x5f: {  	_ =	swait.ge [sflag:s25], $0x1700  }
0x60: {  	[sflag:s25] =	ssyncset.done $0x0  }
0x61: {  	[sflag:s25] =	ssyncadd.s32 $0xFFFFE900  }
0x62: {  	[spmem:s22] =	stream.linear.scatter [tilespmem:s24], [sflag:$0x1], $0x1700, $0x38;
	[tilespmem:$0x1AA00] =	vst v63  }
0x63: {  	_ =	swait.ge [sflag:s25], $0x1700  }
0x64: {  	[sflag:s25] =	ssyncset.done $0x0  }
0x65: {  	[sflag:s25] =	ssyncadd.s32 $0xFFFFE900  }
0x66: {  	s10 =	sadd.s32 $0x0, s23;
	[bflag:$0x0] =	sbarrier.arrive $0xFFFF  }
0x67: {  	[tilespmem:s3], [sflag:$0x1] =	stream.linear.gather [hbm4b:s10+s3], $0x400, $0x38;
	[tilespmem:$0x1AA00] =	vst v63  }
0x68: {  	_ =	swait.ge [sflag:s25], $0x400  }
0x69: {  	[sflag:s25] =	ssyncset.done $0x0  }
0x6a: {  	[sflag:s25] =	ssyncadd.s32 $0xFFFFFC00  }
0x6b: {  	[spmem:s2] =	stream.indirect.scatter.add.f32 [tilespmem:s28], [sflag:$0x1], $0x10, s3, s26, $0xb8;
	[tilespmem:$0x1AA00] =	vst v63  }
0x6c: {  	_ =	swait.ge [sflag:s25], $0x800  }
0x6d: {  	[sflag:s25] =	ssyncset.done $0x0  }
0x6e: {  	[sflag:s25] =	ssyncadd.s32 $0xFFFFF800  }
0x6f: {  	[spmem:s2] =	stream.indirect.scatter.add.f32 [tilespmem:s28], [sflag:$0x1], $0x10, s26, s26, $0xb8;
	[tilespmem:$0x1AA00] =	vst v63  }
0x70: {  	_ =	swait.ge [sflag:s25], $0x800  }
0x71: {  	[sflag:s25] =	ssyncset.done $0x0  }
0x72: {  	[sflag:s25] =	ssyncadd.s32 $0xFFFFF800  }
0x73: {  	[spmem:s2] =	stream.indirect.scatter.add.f32 [tilespmem:s28], [sflag:$0x1], $0x10, s29, s26, $0xb8;
	[tilespmem:$0x1AA00] =	vst v63  }
0x74: {  	_ =	swait.ge [sflag:s25], $0x800  }
0x75: {  	[sflag:s25] =	ssyncset.done $0x0  }
0x76: {  	[sflag:s25] =	ssyncadd.s32 $0xFFFFF800  }
0x77: {  	[spmem:s2] =	stream.indirect.scatter.add.f32 [tilespmem:s28], [sflag:$0x1], $0x10, s30, s26, $0xb8;
	[tilespmem:$0x1AA00] =	vst v63  }
0x78: {  	_ =	swait.ge [sflag:s25], $0x800  }
0x79: {  	[sflag:s25] =	ssyncset.done $0x0  }
0x7a: {  	[sflag:s25] =	ssyncadd.s32 $0xFFFFF800  }
0x7b: {  	[spmem:s2] =	stream.indirect.scatter.add.f32 [tilespmem:s28], [sflag:$0x1], $0x10, s31, s26, $0xb8;
	[tilespmem:$0x1AA00] =	vst v63  }
0x7c: {  	_ =	swait.ge [sflag:s25], $0x800  }
0x7d: {  	[sflag:s25] =	ssyncset.done $0x0  }
0x7e: {  	[sflag:s25] =	ssyncadd.s32 $0xFFFFF800  }
0x7f: {  	[spmem:s2] =	stream.indirect.scatter.add.f32 [tilespmem:s28], [sflag:$0x1], $0x10, s1, s26, $0xb8;
	[tilespmem:$0x1AA00] =	vst v63  }
0x80: {  	_ =	swait.ge [sflag:s25], $0x800  }
0x81: {  	[sflag:s25] =	ssyncset.done $0x0  }
0x82: {  	[sflag:s25] =	ssyncadd.s32 $0xFFFFF800  }
0x83: {  	[spmem:s2] =	stream.indirect.scatter.add.f32 [tilespmem:s28], [sflag:$0x1], $0x10, s0, s26, $0xb8;
	[tilespmem:$0x1AA00] =	vst v63  }
0x84: {  	_ =	swait.ge [sflag:s25], $0x800  }
0x85: {  	[sflag:s25] =	ssyncset.done $0x0  }
0x86: {  	[sflag:s25] =	ssyncadd.s32 $0xFFFFF800  }
0x87: {  	[spmem:s2] =	stream.indirect.scatter.add.f32 [tilespmem:s28], [sflag:$0x1], $0x10, s5, s26, $0xb8;
	[tilespmem:$0x1AA00] =	vst v63  }
0x88: {  	_ =	swait.ge [sflag:s25], $0x800  }
0x89: {  	s7 =	simm.s32 $0x80;
	s8 =	simm.s32 $0x100;
	[sflag:s25] =	ssyncset.done $0x0  }
.LBB2_6:
0x8a: {  	s10 =	sadd.s32 s7, s23  }
0x8b: {  	[sflag:s25] =	ssyncadd.s32 $0xFFFFF800;
	s7 =	smov.u32 s8;
	s9 =	sadd.s32 $0x80, s8  }
0x8c: {  	[tilespmem:s3], [sflag:$0x1] =	stream.linear.gather [hbm4b:s10+s3], $0x400, $0x38;
	[tilespmem:$0x1AA00] =	vst v63  }
0x8d: {  	p0 =	sne.s32 s8, $0x1800;
	_ =	swait.ge [sflag:s25], $0x400  }
0x8e: {  	[sflag:s25] =	ssyncset.done $0x0  }
0x8f: {  	[sflag:s25] =	ssyncadd.s32 $0xFFFFFC00  }
0x90: {  	[spmem:s2] =	stream.indirect.scatter.add.f32 [tilespmem:s28], [sflag:$0x1], $0x10, s3, s26, $0xb8;
	[tilespmem:$0x1AA00] =	vst v63  }
0x91: {  	_ =	swait.ge [sflag:s25], $0x800  }
0x92: {  	[sflag:s25] =	ssyncset.done $0x0  }
0x93: {  	[sflag:s25] =	ssyncadd.s32 $0xFFFFF800  }
0x94: {  	[spmem:s2] =	stream.indirect.scatter.add.f32 [tilespmem:s28], [sflag:$0x1], $0x10, s26, s26, $0xb8;
	[tilespmem:$0x1AA00] =	vst v63  }
0x95: {  	_ =	swait.ge [sflag:s25], $0x800  }
0x96: {  	[sflag:s25] =	ssyncset.done $0x0  }
0x97: {  	[sflag:s25] =	ssyncadd.s32 $0xFFFFF800  }
0x98: {  	[spmem:s2] =	stream.indirect.scatter.add.f32 [tilespmem:s28], [sflag:$0x1], $0x10, s29, s26, $0xb8;
	[tilespmem:$0x1AA00] =	vst v63  }
0x99: {  	_ =	swait.ge [sflag:s25], $0x800  }
0x9a: {  	[sflag:s25] =	ssyncset.done $0x0  }
0x9b: {  	[sflag:s25] =	ssyncadd.s32 $0xFFFFF800  }
0x9c: {  	[spmem:s2] =	stream.indirect.scatter.add.f32 [tilespmem:s28], [sflag:$0x1], $0x10, s30, s26, $0xb8;
	[tilespmem:$0x1AA00] =	vst v63  }
0x9d: {  	_ =	swait.ge [sflag:s25], $0x800  }
0x9e: {  	[sflag:s25] =	ssyncset.done $0x0  }
0x9f: {  	[sflag:s25] =	ssyncadd.s32 $0xFFFFF800  }
0xa0: {  	[spmem:s2] =	stream.indirect.scatter.add.f32 [tilespmem:s28], [sflag:$0x1], $0x10, s31, s26, $0xb8;
	[tilespmem:$0x1AA00] =	vst v63  }
0xa1: {  	_ =	swait.ge [sflag:s25], $0x800  }
0xa2: {  	[sflag:s25] =	ssyncset.done $0x0  }
0xa3: {  	[sflag:s25] =	ssyncadd.s32 $0xFFFFF800  }
0xa4: {  	[spmem:s2] =	stream.indirect.scatter.add.f32 [tilespmem:s28], [sflag:$0x1], $0x10, s1, s26, $0xb8;
	[tilespmem:$0x1AA00] =	vst v63  }
0xa5: {  	_ =	swait.ge [sflag:s25], $0x800  }
0xa6: {  	[sflag:s25] =	ssyncset.done $0x0  }
0xa7: {  	[sflag:s25] =	ssyncadd.s32 $0xFFFFF800  }
0xa8: {  	[spmem:s2] =	stream.indirect.scatter.add.f32 [tilespmem:s28], [sflag:$0x1], $0x10, s0, s26, $0xb8;
	[tilespmem:$0x1AA00] =	vst v63  }
0xa9: {  	_ =	swait.ge [sflag:s25], $0x800  }
.Ltmp2:
0xaa: {  	[sflag:s25] =	ssyncset.done $0x0;
	(pc) =	sbr.rel @p0 .LBB2_6-.Ltmp2, $4  }
0xab: {  	[sflag:s25] =	ssyncadd.s32 $0xFFFFF800  }
0xac: {  	[spmem:s2] =	stream.indirect.scatter.add.f32 [tilespmem:s28], [sflag:$0x1], $0x10, s5, s26, $0xb8;
	[tilespmem:$0x1AA00] =	vst v63  }
0xad: {  	_ =	swait.ge [sflag:s25], $0x800  }
0xae: {  	s8 =	smov.u32 s9;
	[sflag:s25] =	ssyncset.done $0x0  }
0xaf: {  	s7 =	sadd.s32 s7, s23;
	[sflag:s25] =	ssyncadd.s32 $0xFFFFF800  }
0xb0: {  	[tilespmem:s3], [sflag:$0x1] =	stream.linear.gather [hbm4b:s7+s3], $0x400, $0x38;
	[tilespmem:$0x1AA00] =	vst v63  }
0xb1: {  	_ =	swait.ge [sflag:s25], $0x400  }
0xb2: {  	[sflag:s25] =	ssyncset.done $0x0  }
0xb3: {  	[sflag:s25] =	ssyncadd.s32 $0xFFFFFC00  }
0xb4: {  	[spmem:s2] =	stream.indirect.scatter.add.f32 [tilespmem:s28], [sflag:$0x1], $0x10, s3, s26, $0xb8;
	[tilespmem:$0x1AA00] =	vst v63  }
0xb5: {  	_ =	swait.ge [sflag:s25], $0x800  }
0xb6: {  	[sflag:s25] =	ssyncset.done $0x0  }
0xb7: {  	[sflag:s25] =	ssyncadd.s32 $0xFFFFF800  }
0xb8: {  	[spmem:s2] =	stream.indirect.scatter.add.f32 [tilespmem:s28], [sflag:$0x1], $0x10, s26, s26, $0xb8;
	[tilespmem:$0x1AA00] =	vst v63  }
0xb9: {  	_ =	swait.ge [sflag:s25], $0x800  }
0xba: {  	[sflag:s25] =	ssyncset.done $0x0  }
0xbb: {  	[sflag:s25] =	ssyncadd.s32 $0xFFFFF800  }
0xbc: {  	[spmem:s2] =	stream.indirect.scatter.add.f32 [tilespmem:s28], [sflag:$0x1], $0x10, s29, s26, $0xb8;
	[tilespmem:$0x1AA00] =	vst v63  }
0xbd: {  	_ =	swait.ge [sflag:s25], $0x800  }
0xbe: {  	[sflag:s25] =	ssyncset.done $0x0  }
0xbf: {  	[sflag:s25] =	ssyncadd.s32 $0xFFFFF800  }
0xc0: {  	[spmem:s2] =	stream.indirect.scatter.add.f32 [tilespmem:s28], [sflag:$0x1], $0x10, s30, s26, $0xb8;
	[tilespmem:$0x1AA00] =	vst v63  }
0xc1: {  	_ =	swait.ge [sflag:s25], $0x800  }
0xc2: {  	[sflag:s25] =	ssyncset.done $0x0  }
0xc3: {  	[sflag:s25] =	ssyncadd.s32 $0xFFFFF800  }
0xc4: {  	[spmem:s2] =	stream.indirect.scatter.add.f32 [tilespmem:s28], [sflag:$0x1], $0x10, s31, s26, $0xb8;
	[tilespmem:$0x1AA00] =	vst v63  }
0xc5: {  	_ =	swait.ge [sflag:s25], $0x800  }
0xc6: {  	[sflag:s25] =	ssyncset.done $0x0  }
0xc7: {  	[sflag:s25] =	ssyncadd.s32 $0xFFFFF800  }
0xc8: {  	[spmem:s2] =	stream.indirect.scatter.add.f32 [tilespmem:s28], [sflag:$0x1], $0x10, s1, s26, $0xb8;
	[tilespmem:$0x1AA00] =	vst v63  }
0xc9: {  	_ =	swait.ge [sflag:s25], $0x800  }
0xca: {  	[sflag:s25] =	ssyncset.done $0x0  }
0xcb: {  	[sflag:s25] =	ssyncadd.s32 $0xFFFFF800  }
0xcc: {  	[spmem:s2] =	stream.indirect.scatter.add.f32 [tilespmem:s28], [sflag:$0x1], $0x10, s0, s26, $0xb8;
	[tilespmem:$0x1AA00] =	vst v63  }
0xcd: {  	_ =	swait.ge [sflag:s25], $0x800  }
0xce: {  	[sflag:s25] =	ssyncset.done $0x0  }
0xcf: {  	[sflag:s25] =	ssyncadd.s32 $0xFFFFF800  }
0xd0: {  	[spmem:s2] =	stream.indirect.scatter.add.f32 [tilespmem:s28], [sflag:$0x1], $0x10, s5, s26, $0xb8;
	[tilespmem:$0x1AA00] =	vst v63  }
0xd1: {  	_ =	swait.ge [sflag:s25], $0x800  }
0xd2: {  	[sflag:s25] =	ssyncset.done $0x0  }
0xd3: {  	s9 =	stileid.u32;
	[sflag:s25] =	ssyncadd.s32 $0xFFFFF800  }
0xd4: {  	s7 =	sshll.u32 s9, $0x6;
	[bflag:$0x0] =	sbarrier.arrive $0xFFFF  }
0xd5: {  	s8 =	sshrl.u32 s4, $0x3;
	s7 =	sor.u32 $0x1C01, s7;
	s9 =	rddreg [dreg:$0x3]  }
0xd6: {  	[hbm:s9], [sflag:s7] =	dma.local [spmem:s8], $0x30E0  }
0xd7: {  	_ =	swait.ge [sflag:s25], $0x30E0  }
0xd8: {  	s6 =	sadd.s32 $0x1, s6;
	s10 =	rddreg [dreg:$0x4]  }
0xd9: {  	p0 =	sne.s32 s6, s10  }
.Ltmp3:
0xda: {  	_ = 	snop;
	(pc) =	sbr.rel @p0 .LBB2_1-.Ltmp3, $3  }
0xdb: {  	_ =	sdelay $0x1  }
0xdc: {  	[sflag:s25] =	ssyncset.done $0x0  }
0xdd: {  	[sflag:s25] =	ssyncadd.s32 $0xFFFFCF20  }
0xde: {  	_ =	sfence.sel $0x180000  }
0xdf: {  	[bflag:$0x0] =	sbarrier.arrive $0xFFFF  }
0xe0: {  	_ =	strace $0x90000047  }
0xe1: {  	s0 =	stileid.u32;
	[bflag:$0x2] =	sbarrier.arrive $0xFFFF  }
0xe2: {  	p0 =	sne.s32 s0, $0x0;
	s0 =	rddreg [dreg:$0x2]  }
0xe3: {  	s0 =	sadd.s32 @!p0 $0x100000, s0  }
0xe4: {  	[sflag:s0] =	ssyncadd.tile.s32 @!p0 $0x1;
	_ =	shalt  }
.Lfunc_end2:
_tile_overlayer_lowered:
.L_overlay_start_2:
0xe5: {  	(tag) =	ssettag $0x2  }
0xe6: {  	s0 =	rddreg [dreg:$0x0];
	s2 =	stileid.u32  }
0xe7: {  	s1 =	rddreg [dreg:$0x1];
	p0 =	sne.s32 s2, $0x0  }
0xe8: {  	s3 =	rddreg [dreg:$0x2];
	[bflag:$0x3] =	sbarrier.arrive $0xFFFF;
	s2 =	simm.s32 @!p0 $0x1C01  }
0xe9: {  	[timem:s3], [sflag:s2] =	dma.local @!p0 [hbm:s0], s1  }
0xea: {  	s0 =	simm.s32 @!p0 $0x1  }
0xeb: {  	_ =	swait.ge @!p0 [sflag:s0], s1  }
0xec: {  	s1 =	ssub.s32 @!p0 $0x0, s1;
	[sflag:s0] =	ssyncset.done @!p0 $0x0  }
0xed: {  	[sflag:s0] =	ssyncadd.s32 @!p0 s1  }
0xee: {  	[bflag:$0x3] =	sbarrier.arrive $0xFFFF  }
0xef: {  	_ =	shalt  }

</sc_bundles>
